<compile_context>
chip_gen: v7x
topology: tpu7x:2x2x1
jax: 0.10.2.dev20260603
libtpu: 0.0.44.dev20260713+nightly
codegen_flags: <defaults>
</compile_context>

<pallas_src>
import functools

import jax
import jax.numpy as jnp
from jax import lax
from jax.experimental import pallas as pl
from jax.experimental.pallas import tpu as pltpu
from jax.experimental.pallas import tpu_sc as plsc

NC = 2
NS = 16
NW = NC * NS
LANES = 16
CHUNK = 80
RPT = 632

_MESH = plsc.VectorSubcoreMesh(
    core_axis_name="c", subcore_axis_name="s", num_cores=NC, num_subcores=NS
)


def _deg_partials(n_nodes, n_chunks):
  last_rows = n_nodes - (NS - 1) * RPT
  ring = 8

  @functools.partial(
      pl.kernel,
      out_type=jax.ShapeDtypeStruct((NC, n_nodes, LANES), jnp.float32),
      mesh=_MESH,
      scratch_types=[
          pltpu.VMEM_SHARED((n_nodes, LANES), jnp.float32),
          pltpu.VMEM((RPT, LANES), jnp.float32),
          pltpu.VMEM((CHUNK, LANES), jnp.float32),
          pltpu.VMEM((n_chunks, CHUNK), jnp.int32),
          pltpu.SemaphoreType.DMA,
      ],
  )
  def k(dst_hbm, degp_hbm, acc_sh, zeros_v, ones_v, dsts_v, ssem):
    cid = lax.axis_index("c")
    sid = lax.axis_index("s")
    wid = cid * NS + sid

    @pl.loop(0, RPT)
    def _(r):
      zeros_v[r, :] = jnp.zeros((LANES,), jnp.float32)

    @pl.loop(0, CHUNK)
    def _(r):
      ones_v[r, :] = jnp.full((LANES,), 1.0, jnp.float32)

    pltpu.sync_copy(dst_hbm.at[wid], dsts_v)

    @pl.when(sid < NS - 1)
    def _():
      pltpu.sync_copy(zeros_v, acc_sh.at[pl.ds(sid * RPT, RPT)])

    @pl.when(sid == NS - 1)
    def _():
      pltpu.sync_copy(zeros_v.at[pl.ds(0, last_rows)],
                      acc_sh.at[pl.ds((NS - 1) * RPT, last_rows)])

    plsc.subcore_barrier()

    def drain():
      pltpu.make_async_copy(ones_v, acc_sh.at[dsts_v.at[0]], ssem).wait()

    @pl.loop(0, n_chunks)
    def _(i):
      @pl.when(i >= ring)
      def _():
        drain()
      pltpu.async_copy(ones_v, acc_sh.at[dsts_v.at[i]], ssem, add=True)

    for _ in range(min(ring, n_chunks)):
      drain()

    plsc.subcore_barrier()

    @pl.when(sid < NS - 1)
    def _():
      pltpu.sync_copy(acc_sh.at[pl.ds(sid * RPT, RPT)],
                      degp_hbm.at[cid, pl.ds(sid * RPT, RPT)])

    @pl.when(sid == NS - 1)
    def _():
      pltpu.sync_copy(acc_sh.at[pl.ds((NS - 1) * RPT, last_rows)],
                      degp_hbm.at[cid, pl.ds((NS - 1) * RPT, last_rows)])

  return k


def _edge_scatter(n_nodes, n_chunks, d):
  last_rows = n_nodes - (NS - 1) * RPT
  assert n_chunks >= 13

  @functools.partial(
      pl.kernel,
      out_type=jax.ShapeDtypeStruct((NC, n_nodes, d), jnp.float32),
      mesh=_MESH,
      scratch_types=[
          pltpu.VMEM_SHARED((n_nodes, d), jnp.float32),
          [pltpu.VMEM((CHUNK, d), jnp.float32)] * 4,
          [pltpu.VMEM((CHUNK,), jnp.int32)] * 8,
          [pltpu.VMEM((CHUNK,), jnp.int32)] * 8,
          [pltpu.SemaphoreType.DMA] * 4,
          [pltpu.SemaphoreType.DMA] * 4,
          [pltpu.SemaphoreType.DMA] * 8,
          pltpu.SemaphoreType.DMA,
      ],
  )
  def k(h_hbm, src_hbm, dst_hbm, part_hbm,
        acc_sh, rows, sb, db, gsem, ssem, isem, psem):
    cid = lax.axis_index("c")
    sid = lax.axis_index("s")
    wid = cid * NS + sid
    base = wid * (n_chunks * CHUNK)

    @pl.when(sid < NS - 1)
    def _():
      pltpu.async_copy(h_hbm.at[pl.ds(sid * RPT, RPT)],
                       acc_sh.at[pl.ds(sid * RPT, RPT)], psem)

    @pl.when(sid == NS - 1)
    def _():
      pltpu.async_copy(h_hbm.at[pl.ds((NS - 1) * RPT, last_rows)],
                       acc_sh.at[pl.ds((NS - 1) * RPT, last_rows)], psem)

    def li(j, q):
      off = base + j * CHUNK
      pltpu.async_copy(src_hbm.at[pl.ds(off, CHUNK)], sb[q], isem[q])
      pltpu.async_copy(dst_hbm.at[pl.ds(off, CHUNK)], db[q], isem[q])

    def wi(q):
      pltpu.make_async_copy(src_hbm.at[pl.ds(0, CHUNK)], sb[q], isem[q]).wait()
      pltpu.make_async_copy(dst_hbm.at[pl.ds(0, CHUNK)], db[q], isem[q]).wait()

    def g(b, q):
      pltpu.async_copy(h_hbm.at[sb[q]], rows[b], gsem[b])

    def wg(b):
      pltpu.make_async_copy(h_hbm.at[sb[0]], rows[b], gsem[b]).wait()

    def s(b, q):
      pltpu.async_copy(rows[b], acc_sh.at[db[q]], ssem[b], add=True)

    def ws(b):
      pltpu.make_async_copy(rows[0], acc_sh.at[db[0]], ssem[b]).wait()

    for q in range(8):
      li(q, q)
    wi(0)
    g(0, 0)
    wi(1)
    g(1, 1)

    @pl.when(sid < NS - 1)
    def _():
      pltpu.make_async_copy(h_hbm.at[pl.ds(0, RPT)],
                            acc_sh.at[pl.ds(0, RPT)], psem).wait()

    @pl.when(sid == NS - 1)
    def _():
      pltpu.make_async_copy(h_hbm.at[pl.ds(0, last_rows)],
                            acc_sh.at[pl.ds(0, last_rows)], psem).wait()

    plsc.subcore_barrier()

    wg(0)
    s(0, 0)
    wi(2)
    g(2, 2)
    wg(1)
    s(1, 1)
    wi(3)
    g(3, 3)

    n_oct = (n_chunks - 8) // 8

    @pl.loop(0, n_oct)
    def _(i):
      j0 = 8 * i + 4
      for t in range(8):
        b, q = t % 4, (4 + t) % 8
        ws(b)
        li(j0 + t + 4, t)
        wi(q)
        g(b, q)
        wg((t + 2) % 4)
        s((t + 2) % 4, (2 + t) % 8)

    for j in range(8 * n_oct + 4, n_chunks):
      b, q = j % 4, j % 8
      ws(b)
      if j + 4 < n_chunks:
        li(j + 4, (j + 4) % 8)
      wi(q)
      g(b, q)
      wg((j - 2) % 4)
      s((j - 2) % 4, (j - 2) % 8)
    for j in (n_chunks - 2, n_chunks - 1):
      wg(j % 4)
      s(j % 4, j % 8)
    for b in range(4):
      ws(b)

    plsc.subcore_barrier()

    @pl.when(sid < NS - 1)
    def _():
      pltpu.sync_copy(acc_sh.at[pl.ds(sid * RPT, RPT)],
                      part_hbm.at[cid, pl.ds(sid * RPT, RPT)])

    @pl.when(sid == NS - 1)
    def _():
      pltpu.sync_copy(acc_sh.at[pl.ds((NS - 1) * RPT, last_rows)],
                      part_hbm.at[cid, pl.ds((NS - 1) * RPT, last_rows)])

  return k


_ROWS = 2000


def _dis_from(degp_ref):
  deg = degp_ref[0, :, 0:1] + degp_ref[1, :, 0:1] + 1.0
  return lax.rsqrt(deg)


def _tc_matmul1(x_ref, w_ref, degp_ref, o_ref):
  dis = _dis_from(degp_ref)
  h = jnp.dot(x_ref[...], w_ref[...], preferred_element_type=jnp.float32)
  o_ref[...] = h * dis


def _tc_mid(part_ref, h_ref, degp_ref, w_ref, b_ref, o_ref):
  dis = _dis_from(degp_ref)
  s = part_ref[0] + part_ref[1] - h_ref[...]
  z = jnp.maximum(dis * s + b_ref[...], 0.0)
  h2 = jnp.dot(z, w_ref[...], preferred_element_type=jnp.float32)
  o_ref[...] = h2 * dis


def _tc_final(part_ref, h_ref, degp_ref, b_ref, o_ref):
  dis = _dis_from(degp_ref)
  s = part_ref[0] + part_ref[1] - h_ref[...]
  o_ref[...] = dis * s + b_ref[...]


def kernel(node_embed, message_edge, W1, b1, W2, b2):
  n, d_in = node_embed.shape
  d_hid = W1.shape[1]
  d_out = W2.shape[1]
  e = message_edge.shape[1]
  ept = e // NW
  n_chunks = ept // CHUNK
  assert ept % CHUNK == 0 and e % NW == 0
  src = message_edge[0]
  dst = message_edge[1]
  dst3 = dst.reshape(NW, n_chunks, CHUNK)
  b1r = b1.reshape(1, d_hid)
  b2r = b2.reshape(1, d_out)

  degp = _deg_partials(n, n_chunks)(dst3)

  grid = (n // _ROWS,)
  blk_rows = lambda dd: pl.BlockSpec((_ROWS, dd), lambda i: (i, 0))
  blk_part = lambda dd: pl.BlockSpec((NC, _ROWS, dd), lambda i: (0, i, 0))
  blk_w = pl.BlockSpec((d_in, d_hid), lambda i: (0, 0))
  blk_b = lambda dd: pl.BlockSpec((1, dd), lambda i: (0, 0))

  h1p = pl.pallas_call(
      _tc_matmul1,
      grid=grid,
      in_specs=[blk_rows(d_in), blk_w, blk_part(LANES)],
      out_specs=blk_rows(d_hid),
      out_shape=jax.ShapeDtypeStruct((n, d_hid), jnp.float32),
  )(node_embed, W1, degp)

  scat = _edge_scatter(n, n_chunks, d_hid)
  part1 = scat(h1p, src, dst)

  h2p = pl.pallas_call(
      _tc_mid,
      grid=grid,
      in_specs=[blk_part(d_hid), blk_rows(d_hid), blk_part(LANES),
                pl.BlockSpec((d_hid, d_out), lambda i: (0, 0)), blk_b(d_hid)],
      out_specs=blk_rows(d_out),
      out_shape=jax.ShapeDtypeStruct((n, d_out), jnp.float32),
  )(part1, h1p, degp, W2, b1r)

  part2 = scat(h2p, src, dst)

  out = pl.pallas_call(
      _tc_final,
      grid=grid,
      in_specs=[blk_part(d_out), blk_rows(d_out), blk_part(LANES),
                blk_b(d_out)],
      out_specs=blk_rows(d_out),
      out_shape=jax.ShapeDtypeStruct((n, d_out), jnp.float32),
  )(part2, h2p, degp, b2r)

  return out

# --- scband reference (transcript-rebuilt; emitter-appended) ---
"""Pipeline reference for scband-gcn-80616536146118 (READ-ONLY COPY).

The authoritative reference and input builder live on the scoring server;
editing this copy changes nothing except your own understanding.
"""

import jax, jax.numpy as jnp
import numpy as np

N = 10000
D_IN = 128
D_HID = 128
D_OUT = 128
E = 320000


def setup_inputs(seed: int = 0) -> dict:
    key = jax.random.key(seed)
    k1, k2, k3, k4, k5, k6 = jax.random.split(key, 6)
    node_embed = jax.random.normal(k1, (N, D_IN), dtype=jnp.float32)
    message_edge = jax.random.randint(k2, (2, E), 0, N, dtype=jnp.int32)
    # GCNConv layer 1 params (glorot-ish init)
    W1 = jax.random.normal(k3, (D_IN, D_HID), dtype=jnp.float32) * (1.0 / np.sqrt(D_IN))
    b1 = jnp.zeros((D_HID,), dtype=jnp.float32)
    # GCNConv layer 2 params
    W2 = jax.random.normal(k4, (D_HID, D_OUT), dtype=jnp.float32) * (1.0 / np.sqrt(D_HID))
    b2 = jnp.zeros((D_OUT,), dtype=jnp.float32)
    return {"node_embed": node_embed, "message_edge": message_edge, "W1": W1, "b1": b1, "W2": W2, "b2": b2}


def _gcn_conv(x, src, dst, W, b, num_nodes):
    # x' = D^{-1/2} (A + I) D^{-1/2} (X W) + b   (PyG GCNConv defaults:
    # add_self_loops=True, normalize=True, bias=True)
    h = x @ W
    loop = jnp.arange(num_nodes, dtype=src.dtype)
    s = jnp.concatenate([src, loop])
    d = jnp.concatenate([dst, loop])
    ones = jnp.ones(s.shape[0], dtype=h.dtype)
    deg = jnp.zeros((num_nodes,), dtype=h.dtype).at[d].add(ones)
    deg_inv_sqrt = jnp.where(deg > 0, jax.lax.rsqrt(jnp.maximum(deg, 1e-12)), 0.0)
    norm = deg_inv_sqrt[s] * deg_inv_sqrt[d]
    msg = h[s] * norm[:, None]
    out = jnp.zeros((num_nodes, h.shape[1]), dtype=h.dtype).at[d].add(msg)
    return out + b


def reference(node_embed, message_edge, W1, b1, W2, b2):
    # torch_geometric.nn.GCN(num_layers=2, jk=None, dropout=0.0):
    # conv1 -> relu -> conv2 (no activation on last layer)
    src = message_edge[0]
    dst = message_edge[1]
    h = _gcn_conv(node_embed, src, dst, W1, b1, N)
    h = jax.nn.relu(h)
    out = _gcn_conv(h, src, dst, W2, b2, N)
    return out

if __name__ == "__main__":
    import jax
    _d = setup_inputs()
    print(jax.jit(kernel)(*tuple(_d.values())))

</pallas_src>

<mosaic_0001>
#map = affine_map<(d0, d1) -> (0, 0)>
#map1 = affine_map<(d0, d1) -> (0)>
#map2 = affine_map<(d0, d1) -> (0, 0, 0)>
module attributes {stable_mosaic.version = 14 : i64} {
  func.func @k(%arg0: i32, %arg1: i32, %arg2: memref<10000x128xf32, #tpu.memory_space<hbm>>, %arg3: memref<320000xi32, #tpu.memory_space<hbm>>, %arg4: memref<320000xi32, #tpu.memory_space<hbm>>, %arg5: memref<2x10000x128xf32, #tpu.memory_space<hbm>>, %arg6: memref<10000x128xf32, #tpu.memory_space<vmem_shared>>, %arg7: memref<80x128xf32, #tpu.memory_space<vmem>>, %arg8: memref<80x128xf32, #tpu.memory_space<vmem>>, %arg9: memref<80x128xf32, #tpu.memory_space<vmem>>, %arg10: memref<80x128xf32, #tpu.memory_space<vmem>>, %arg11: memref<80xi32, #tpu.memory_space<vmem>>, %arg12: memref<80xi32, #tpu.memory_space<vmem>>, %arg13: memref<80xi32, #tpu.memory_space<vmem>>, %arg14: memref<80xi32, #tpu.memory_space<vmem>>, %arg15: memref<80xi32, #tpu.memory_space<vmem>>, %arg16: memref<80xi32, #tpu.memory_space<vmem>>, %arg17: memref<80xi32, #tpu.memory_space<vmem>>, %arg18: memref<80xi32, #tpu.memory_space<vmem>>, %arg19: memref<80xi32, #tpu.memory_space<vmem>>, %arg20: memref<80xi32, #tpu.memory_space<vmem>>, %arg21: memref<80xi32, #tpu.memory_space<vmem>>, %arg22: memref<80xi32, #tpu.memory_space<vmem>>, %arg23: memref<80xi32, #tpu.memory_space<vmem>>, %arg24: memref<80xi32, #tpu.memory_space<vmem>>, %arg25: memref<80xi32, #tpu.memory_space<vmem>>, %arg26: memref<80xi32, #tpu.memory_space<vmem>>, %arg27: memref<!tpu.dma_semaphore, #tpu.memory_space<semaphore_mem>>, %arg28: memref<!tpu.dma_semaphore, #tpu.memory_space<semaphore_mem>>, %arg29: memref<!tpu.dma_semaphore, #tpu.memory_space<semaphore_mem>>, %arg30: memref<!tpu.dma_semaphore, #tpu.memory_space<semaphore_mem>>, %arg31: memref<!tpu.dma_semaphore, #tpu.memory_space<semaphore_mem>>, %arg32: memref<!tpu.dma_semaphore, #tpu.memory_space<semaphore_mem>>, %arg33: memref<!tpu.dma_semaphore, #tpu.memory_space<semaphore_mem>>, %arg34: memref<!tpu.dma_semaphore, #tpu.memory_space<semaphore_mem>>, %arg35: memref<!tpu.dma_semaphore, #tpu.memory_space<semaphore_mem>>, %arg36: memref<!tpu.dma_semaphore, #tpu.memory_space<semaphore_mem>>, %arg37: memref<!tpu.dma_semaphore, #tpu.memory_space<semaphore_mem>>, %arg38: memref<!tpu.dma_semaphore, #tpu.memory_space<semaphore_mem>>, %arg39: memref<!tpu.dma_semaphore, #tpu.memory_space<semaphore_mem>>, %arg40: memref<!tpu.dma_semaphore, #tpu.memory_space<semaphore_mem>>, %arg41: memref<!tpu.dma_semaphore, #tpu.memory_space<semaphore_mem>>, %arg42: memref<!tpu.dma_semaphore, #tpu.memory_space<semaphore_mem>>, %arg43: memref<!tpu.dma_semaphore, #tpu.memory_space<semaphore_mem>>) attributes {dimension_semantics = [#tpu.dimension_semantics<core_parallel>, #tpu.dimension_semantics<subcore_parallel>], iteration_bounds = array<i64: 2, 16>, scalar_prefetch = 0 : i64, scratch_operands = 38 : i64, tpu.core_type = #tpu.core_type<sc_vector_subcore>, window_params = [{transform_indices = #map}, {transform_indices = #map1}, {transform_indices = #map1}, {transform_indices = #map2}]} {
    %mul3A = arith.constant 16 : i32
    %mul3A_0 = arith.muli %arg0, %mul3A : i32
    %add3A = arith.addi %mul3A_0, %arg1 : i32
    %mul3A_1 = arith.constant 10000 : i32
    %mul3A_2 = arith.muli %add3A, %mul3A_1 : i32
    %lt3A = arith.constant 15 : i32
    %lt3A_3 = arith.cmpi slt, %arg1, %lt3A : i32
    %convert_element_type3A = arith.extui %lt3A_3 : i1 to i32
    %cond3A = arith.constant 0 : i32
    %cond3A_4 = arith.cmpi ne, %convert_element_type3A, %cond3A : i32
    scf.if %cond3A_4 {
      %mul3A_370 = arith.constant 632 : i32
      %mul3A_371 = arith.muli %arg1, %mul3A_370 : i32
      %mul3A_372 = arith.constant 632 : i32
      %mul3A_373 = arith.muli %arg1, %mul3A_372 : i32
      %dma_start3A_374 = arith.constant 0 : i32
      %dma_start3A_375 = tpu.memref_slice %arg6[%mul3A_373, %dma_start3A_374] : memref<10000x128xf32, #tpu.memory_space<vmem_shared>> -> memref<632x128xf32, #tpu.memory_space<vmem_shared>>
      %dma_start3A_376 = arith.constant 0 : i32
      %dma_start3A_377 = tpu.memref_slice %arg2[%mul3A_371, %dma_start3A_376] : memref<10000x128xf32, #tpu.memory_space<hbm>> -> memref<632x128xf32, #tpu.memory_space<hbm>>
      tpu.enqueue_dma source(%dma_start3A_377 : memref<632x128xf32, #tpu.memory_space<hbm>>) target(%dma_start3A_375 : memref<632x128xf32, #tpu.memory_space<vmem_shared>>) target_semaphore(%arg43 : memref<!tpu.dma_semaphore, #tpu.memory_space<semaphore_mem>>)
    } else {
    }
    %eq3A = arith.constant 15 : i32
    %eq3A_5 = arith.cmpi eq, %arg1, %eq3A : i32
    %convert_element_type3A_6 = arith.extui %eq3A_5 : i1 to i32
    %cond3A_7 = arith.constant 0 : i32
    %cond3A_8 = arith.cmpi ne, %convert_element_type3A_6, %cond3A_7 : i32
    scf.if %cond3A_8 {
      %dma_start3A_370 = arith.constant 9480 : i32
      %dma_start3A_371 = arith.constant 0 : i32
      %dma_start3A_372 = tpu.memref_slice %arg6[%dma_start3A_370, %dma_start3A_371] : memref<10000x128xf32, #tpu.memory_space<vmem_shared>> -> memref<520x128xf32, #tpu.memory_space<vmem_shared>>
      %dma_start3A_373 = arith.constant 9480 : i32
      %dma_start3A_374 = arith.constant 0 : i32
      %dma_start3A_375 = tpu.memref_slice %arg2[%dma_start3A_373, %dma_start3A_374] : memref<10000x128xf32, #tpu.memory_space<hbm>> -> memref<520x128xf32, #tpu.memory_space<hbm>>
      tpu.enqueue_dma source(%dma_start3A_375 : memref<520x128xf32, #tpu.memory_space<hbm>>) target(%dma_start3A_372 : memref<520x128xf32, #tpu.memory_space<vmem_shared>>) target_semaphore(%arg43 : memref<!tpu.dma_semaphore, #tpu.memory_space<semaphore_mem>>)
    } else {
    }
    %add3A_9 = arith.constant 0 : i32
    %add3A_10 = arith.addi %mul3A_2, %add3A_9 : i32
    %dma_start3A = tpu.memref_slice %arg3[%add3A_10] : memref<320000xi32, #tpu.memory_space<hbm>> -> memref<80xi32, #tpu.memory_space<hbm>>
    %dma_start3A_11 = tpu.memref_slice %arg3[%add3A_10] : memref<320000xi32, #tpu.memory_space<hbm>> -> memref<80xi32, #tpu.memory_space<hbm>>
    tpu.enqueue_dma source(%dma_start3A_11 : memref<80xi32, #tpu.memory_space<hbm>>) target(%arg11 : memref<80xi32, #tpu.memory_space<vmem>>) target_semaphore(%arg35 : memref<!tpu.dma_semaphore, #tpu.memory_space<semaphore_mem>>)
    %dma_start3A_12 = tpu.memref_slice %arg4[%add3A_10] : memref<320000xi32, #tpu.memory_space<hbm>> -> memref<80xi32, #tpu.memory_space<hbm>>
    %dma_start3A_13 = tpu.memref_slice %arg4[%add3A_10] : memref<320000xi32, #tpu.memory_space<hbm>> -> memref<80xi32, #tpu.memory_space<hbm>>
    tpu.enqueue_dma source(%dma_start3A_13 : memref<80xi32, #tpu.memory_space<hbm>>) target(%arg19 : memref<80xi32, #tpu.memory_space<vmem>>) target_semaphore(%arg35 : memref<!tpu.dma_semaphore, #tpu.memory_space<semaphore_mem>>)
    %add3A_14 = arith.constant 80 : i32
    %add3A_15 = arith.addi %mul3A_2, %add3A_14 : i32
    %dma_start3A_16 = tpu.memref_slice %arg3[%add3A_15] : memref<320000xi32, #tpu.memory_space<hbm>> -> memref<80xi32, #tpu.memory_space<hbm>>
    %dma_start3A_17 = tpu.memref_slice %arg3[%add3A_15] : memref<320000xi32, #tpu.memory_space<hbm>> -> memref<80xi32, #tpu.memory_space<hbm>>
    tpu.enqueue_dma source(%dma_start3A_17 : memref<80xi32, #tpu.memory_space<hbm>>) target(%arg12 : memref<80xi32, #tpu.memory_space<vmem>>) target_semaphore(%arg36 : memref<!tpu.dma_semaphore, #tpu.memory_space<semaphore_mem>>)
    %dma_start3A_18 = tpu.memref_slice %arg4[%add3A_15] : memref<320000xi32, #tpu.memory_space<hbm>> -> memref<80xi32, #tpu.memory_space<hbm>>
    %dma_start3A_19 = tpu.memref_slice %arg4[%add3A_15] : memref<320000xi32, #tpu.memory_space<hbm>> -> memref<80xi32, #tpu.memory_space<hbm>>
    tpu.enqueue_dma source(%dma_start3A_19 : memref<80xi32, #tpu.memory_space<hbm>>) target(%arg20 : memref<80xi32, #tpu.memory_space<vmem>>) target_semaphore(%arg36 : memref<!tpu.dma_semaphore, #tpu.memory_space<semaphore_mem>>)
    %add3A_20 = arith.constant 160 : i32
    %add3A_21 = arith.addi %mul3A_2, %add3A_20 : i32
    %dma_start3A_22 = tpu.memref_slice %arg3[%add3A_21] : memref<320000xi32, #tpu.memory_space<hbm>> -> memref<80xi32, #tpu.memory_space<hbm>>
    %dma_start3A_23 = tpu.memref_slice %arg3[%add3A_21] : memref<320000xi32, #tpu.memory_space<hbm>> -> memref<80xi32, #tpu.memory_space<hbm>>
    tpu.enqueue_dma source(%dma_start3A_23 : memref<80xi32, #tpu.memory_space<hbm>>) target(%arg13 : memref<80xi32, #tpu.memory_space<vmem>>) target_semaphore(%arg37 : memref<!tpu.dma_semaphore, #tpu.memory_space<semaphore_mem>>)
    %dma_start3A_24 = tpu.memref_slice %arg4[%add3A_21] : memref<320000xi32, #tpu.memory_space<hbm>> -> memref<80xi32, #tpu.memory_space<hbm>>
    %dma_start3A_25 = tpu.memref_slice %arg4[%add3A_21] : memref<320000xi32, #tpu.memory_space<hbm>> -> memref<80xi32, #tpu.memory_space<hbm>>
    tpu.enqueue_dma source(%dma_start3A_25 : memref<80xi32, #tpu.memory_space<hbm>>) target(%arg21 : memref<80xi32, #tpu.memory_space<vmem>>) target_semaphore(%arg37 : memref<!tpu.dma_semaphore, #tpu.memory_space<semaphore_mem>>)
    %add3A_26 = arith.constant 240 : i32
    %add3A_27 = arith.addi %mul3A_2, %add3A_26 : i32
    %dma_start3A_28 = tpu.memref_slice %arg3[%add3A_27] : memref<320000xi32, #tpu.memory_space<hbm>> -> memref<80xi32, #tpu.memory_space<hbm>>
    %dma_start3A_29 = tpu.memref_slice %arg3[%add3A_27] : memref<320000xi32, #tpu.memory_space<hbm>> -> memref<80xi32, #tpu.memory_space<hbm>>
    tpu.enqueue_dma source(%dma_start3A_29 : memref<80xi32, #tpu.memory_space<hbm>>) target(%arg14 : memref<80xi32, #tpu.memory_space<vmem>>) target_semaphore(%arg38 : memref<!tpu.dma_semaphore, #tpu.memory_space<semaphore_mem>>)
    %dma_start3A_30 = tpu.memref_slice %arg4[%add3A_27] : memref<320000xi32, #tpu.memory_space<hbm>> -> memref<80xi32, #tpu.memory_space<hbm>>
    %dma_start3A_31 = tpu.memref_slice %arg4[%add3A_27] : memref<320000xi32, #tpu.memory_space<hbm>> -> memref<80xi32, #tpu.memory_space<hbm>>
    tpu.enqueue_dma source(%dma_start3A_31 : memref<80xi32, #tpu.memory_space<hbm>>) target(%arg22 : memref<80xi32, #tpu.memory_space<vmem>>) target_semaphore(%arg38 : memref<!tpu.dma_semaphore, #tpu.memory_space<semaphore_mem>>)
    %add3A_32 = arith.constant 320 : i32
    %add3A_33 = arith.addi %mul3A_2, %add3A_32 : i32
    %dma_start3A_34 = tpu.memref_slice %arg3[%add3A_33] : memref<320000xi32, #tpu.memory_space<hbm>> -> memref<80xi32, #tpu.memory_space<hbm>>
    %dma_start3A_35 = tpu.memref_slice %arg3[%add3A_33] : memref<320000xi32, #tpu.memory_space<hbm>> -> memref<80xi32, #tpu.memory_space<hbm>>
    tpu.enqueue_dma source(%dma_start3A_35 : memref<80xi32, #tpu.memory_space<hbm>>) target(%arg15 : memref<80xi32, #tpu.memory_space<vmem>>) target_semaphore(%arg39 : memref<!tpu.dma_semaphore, #tpu.memory_space<semaphore_mem>>)
    %dma_start3A_36 = tpu.memref_slice %arg4[%add3A_33] : memref<320000xi32, #tpu.memory_space<hbm>> -> memref<80xi32, #tpu.memory_space<hbm>>
    %dma_start3A_37 = tpu.memref_slice %arg4[%add3A_33] : memref<320000xi32, #tpu.memory_space<hbm>> -> memref<80xi32, #tpu.memory_space<hbm>>
    tpu.enqueue_dma source(%dma_start3A_37 : memref<80xi32, #tpu.memory_space<hbm>>) target(%arg23 : memref<80xi32, #tpu.memory_space<vmem>>) target_semaphore(%arg39 : memref<!tpu.dma_semaphore, #tpu.memory_space<semaphore_mem>>)
    %add3A_38 = arith.constant 400 : i32
    %add3A_39 = arith.addi %mul3A_2, %add3A_38 : i32
    %dma_start3A_40 = tpu.memref_slice %arg3[%add3A_39] : memref<320000xi32, #tpu.memory_space<hbm>> -> memref<80xi32, #tpu.memory_space<hbm>>
    %dma_start3A_41 = tpu.memref_slice %arg3[%add3A_39] : memref<320000xi32, #tpu.memory_space<hbm>> -> memref<80xi32, #tpu.memory_space<hbm>>
    tpu.enqueue_dma source(%dma_start3A_41 : memref<80xi32, #tpu.memory_space<hbm>>) target(%arg16 : memref<80xi32, #tpu.memory_space<vmem>>) target_semaphore(%arg40 : memref<!tpu.dma_semaphore, #tpu.memory_space<semaphore_mem>>)
    %dma_start3A_42 = tpu.memref_slice %arg4[%add3A_39] : memref<320000xi32, #tpu.memory_space<hbm>> -> memref<80xi32, #tpu.memory_space<hbm>>
    %dma_start3A_43 = tpu.memref_slice %arg4[%add3A_39] : memref<320000xi32, #tpu.memory_space<hbm>> -> memref<80xi32, #tpu.memory_space<hbm>>
    tpu.enqueue_dma source(%dma_start3A_43 : memref<80xi32, #tpu.memory_space<hbm>>) target(%arg24 : memref<80xi32, #tpu.memory_space<vmem>>) target_semaphore(%arg40 : memref<!tpu.dma_semaphore, #tpu.memory_space<semaphore_mem>>)
    %add3A_44 = arith.constant 480 : i32
    %add3A_45 = arith.addi %mul3A_2, %add3A_44 : i32
    %dma_start3A_46 = tpu.memref_slice %arg3[%add3A_45] : memref<320000xi32, #tpu.memory_space<hbm>> -> memref<80xi32, #tpu.memory_space<hbm>>
    %dma_start3A_47 = tpu.memref_slice %arg3[%add3A_45] : memref<320000xi32, #tpu.memory_space<hbm>> -> memref<80xi32, #tpu.memory_space<hbm>>
    tpu.enqueue_dma source(%dma_start3A_47 : memref<80xi32, #tpu.memory_space<hbm>>) target(%arg17 : memref<80xi32, #tpu.memory_space<vmem>>) target_semaphore(%arg41 : memref<!tpu.dma_semaphore, #tpu.memory_space<semaphore_mem>>)
    %dma_start3A_48 = tpu.memref_slice %arg4[%add3A_45] : memref<320000xi32, #tpu.memory_space<hbm>> -> memref<80xi32, #tpu.memory_space<hbm>>
    %dma_start3A_49 = tpu.memref_slice %arg4[%add3A_45] : memref<320000xi32, #tpu.memory_space<hbm>> -> memref<80xi32, #tpu.memory_space<hbm>>
    tpu.enqueue_dma source(%dma_start3A_49 : memref<80xi32, #tpu.memory_space<hbm>>) target(%arg25 : memref<80xi32, #tpu.memory_space<vmem>>) target_semaphore(%arg41 : memref<!tpu.dma_semaphore, #tpu.memory_space<semaphore_mem>>)
    %add3A_50 = arith.constant 560 : i32
    %add3A_51 = arith.addi %mul3A_2, %add3A_50 : i32
    %dma_start3A_52 = tpu.memref_slice %arg3[%add3A_51] : memref<320000xi32, #tpu.memory_space<hbm>> -> memref<80xi32, #tpu.memory_space<hbm>>
    %dma_start3A_53 = tpu.memref_slice %arg3[%add3A_51] : memref<320000xi32, #tpu.memory_space<hbm>> -> memref<80xi32, #tpu.memory_space<hbm>>
    tpu.enqueue_dma source(%dma_start3A_53 : memref<80xi32, #tpu.memory_space<hbm>>) target(%arg18 : memref<80xi32, #tpu.memory_space<vmem>>) target_semaphore(%arg42 : memref<!tpu.dma_semaphore, #tpu.memory_space<semaphore_mem>>)
    %dma_start3A_54 = tpu.memref_slice %arg4[%add3A_51] : memref<320000xi32, #tpu.memory_space<hbm>> -> memref<80xi32, #tpu.memory_space<hbm>>
    %dma_start3A_55 = tpu.memref_slice %arg4[%add3A_51] : memref<320000xi32, #tpu.memory_space<hbm>> -> memref<80xi32, #tpu.memory_space<hbm>>
    tpu.enqueue_dma source(%dma_start3A_55 : memref<80xi32, #tpu.memory_space<hbm>>) target(%arg26 : memref<80xi32, #tpu.memory_space<vmem>>) target_semaphore(%arg42 : memref<!tpu.dma_semaphore, #tpu.memory_space<semaphore_mem>>)
    %dma_wait3A = arith.constant 0 : i32
    %dma_wait3A_56 = tpu.memref_slice %arg3[%dma_wait3A] : memref<320000xi32, #tpu.memory_space<hbm>> -> memref<80xi32, #tpu.memory_space<hbm>>
    %dma_wait3A_57 = arith.constant 0 : i32
    %dma_wait3A_58 = tpu.memref_slice %arg3[%dma_wait3A_57] : memref<320000xi32, #tpu.memory_space<hbm>> -> memref<80xi32, #tpu.memory_space<hbm>>
    tpu.wait_dma2 semaphore(%arg35 : memref<!tpu.dma_semaphore, #tpu.memory_space<semaphore_mem>>) src(%dma_wait3A_58 : memref<80xi32, #tpu.memory_space<hbm>>) dst(%arg11 : memref<80xi32, #tpu.memory_space<vmem>>)
    %dma_wait3A_59 = arith.constant 0 : i32
    %dma_wait3A_60 = tpu.memref_slice %arg4[%dma_wait3A_59] : memref<320000xi32, #tpu.memory_space<hbm>> -> memref<80xi32, #tpu.memory_space<hbm>>
    %dma_wait3A_61 = arith.constant 0 : i32
    %dma_wait3A_62 = tpu.memref_slice %arg4[%dma_wait3A_61] : memref<320000xi32, #tpu.memory_space<hbm>> -> memref<80xi32, #tpu.memory_space<hbm>>
    tpu.wait_dma2 semaphore(%arg35 : memref<!tpu.dma_semaphore, #tpu.memory_space<semaphore_mem>>) src(%dma_wait3A_62 : memref<80xi32, #tpu.memory_space<hbm>>) dst(%arg19 : memref<80xi32, #tpu.memory_space<vmem>>)
    %dma_start3A_63 = arith.constant 0 : i32
    %dma_start3A_64 = arith.constant 0 : i32
    %dma_start3A_65 = tpu.memref_slice %arg2[%dma_start3A_63, %dma_start3A_64] : memref<10000x128xf32, #tpu.memory_space<hbm>> -> memref<10000x128xf32, #tpu.memory_space<hbm>>
    tpu.enqueue_indirect_dma source(%dma_start3A_65 : memref<10000x128xf32, #tpu.memory_space<hbm>>) target(%arg7 : memref<80x128xf32, #tpu.memory_space<vmem>>) offsets(%arg11 : memref<80xi32, #tpu.memory_space<vmem>>) semaphore(%arg27 : memref<!tpu.dma_semaphore, #tpu.memory_space<semaphore_mem>>)
    %dma_wait3A_66 = arith.constant 0 : i32
    %dma_wait3A_67 = tpu.memref_slice %arg3[%dma_wait3A_66] : memref<320000xi32, #tpu.memory_space<hbm>> -> memref<80xi32, #tpu.memory_space<hbm>>
    %dma_wait3A_68 = arith.constant 0 : i32
    %dma_wait3A_69 = tpu.memref_slice %arg3[%dma_wait3A_68] : memref<320000xi32, #tpu.memory_space<hbm>> -> memref<80xi32, #tpu.memory_space<hbm>>
    tpu.wait_dma2 semaphore(%arg36 : memref<!tpu.dma_semaphore, #tpu.memory_space<semaphore_mem>>) src(%dma_wait3A_69 : memref<80xi32, #tpu.memory_space<hbm>>) dst(%arg12 : memref<80xi32, #tpu.memory_space<vmem>>)
    %dma_wait3A_70 = arith.constant 0 : i32
    %dma_wait3A_71 = tpu.memref_slice %arg4[%dma_wait3A_70] : memref<320000xi32, #tpu.memory_space<hbm>> -> memref<80xi32, #tpu.memory_space<hbm>>
    %dma_wait3A_72 = arith.constant 0 : i32
    %dma_wait3A_73 = tpu.memref_slice %arg4[%dma_wait3A_72] : memref<320000xi32, #tpu.memory_space<hbm>> -> memref<80xi32, #tpu.memory_space<hbm>>
    tpu.wait_dma2 semaphore(%arg36 : memref<!tpu.dma_semaphore, #tpu.memory_space<semaphore_mem>>) src(%dma_wait3A_73 : memref<80xi32, #tpu.memory_space<hbm>>) dst(%arg20 : memref<80xi32, #tpu.memory_space<vmem>>)
    %dma_start3A_74 = arith.constant 0 : i32
    %dma_start3A_75 = arith.constant 0 : i32
    %dma_start3A_76 = tpu.memref_slice %arg2[%dma_start3A_74, %dma_start3A_75] : memref<10000x128xf32, #tpu.memory_space<hbm>> -> memref<10000x128xf32, #tpu.memory_space<hbm>>
    tpu.enqueue_indirect_dma source(%dma_start3A_76 : memref<10000x128xf32, #tpu.memory_space<hbm>>) target(%arg8 : memref<80x128xf32, #tpu.memory_space<vmem>>) offsets(%arg12 : memref<80xi32, #tpu.memory_space<vmem>>) semaphore(%arg28 : memref<!tpu.dma_semaphore, #tpu.memory_space<semaphore_mem>>)
    %lt3A_77 = arith.constant 15 : i32
    %lt3A_78 = arith.cmpi slt, %arg1, %lt3A_77 : i32
    %convert_element_type3A_79 = arith.extui %lt3A_78 : i1 to i32
    %cond3A_80 = arith.constant 0 : i32
    %cond3A_81 = arith.cmpi ne, %convert_element_type3A_79, %cond3A_80 : i32
    scf.if %cond3A_81 {
      %dma_wait3A_370 = arith.constant 0 : i32
      %dma_wait3A_371 = arith.constant 0 : i32
      %dma_wait3A_372 = tpu.memref_slice %arg6[%dma_wait3A_370, %dma_wait3A_371] : memref<10000x128xf32, #tpu.memory_space<vmem_shared>> -> memref<632x128xf32, #tpu.memory_space<vmem_shared>>
      %dma_wait3A_373 = arith.constant 0 : i32
      %dma_wait3A_374 = arith.constant 0 : i32
      %dma_wait3A_375 = tpu.memref_slice %arg2[%dma_wait3A_373, %dma_wait3A_374] : memref<10000x128xf32, #tpu.memory_space<hbm>> -> memref<632x128xf32, #tpu.memory_space<hbm>>
      tpu.wait_dma2 semaphore(%arg43 : memref<!tpu.dma_semaphore, #tpu.memory_space<semaphore_mem>>) src(%dma_wait3A_375 : memref<632x128xf32, #tpu.memory_space<hbm>>) dst(%dma_wait3A_372 : memref<632x128xf32, #tpu.memory_space<vmem_shared>>)
    } else {
    }
    %eq3A_82 = arith.constant 15 : i32
    %eq3A_83 = arith.cmpi eq, %arg1, %eq3A_82 : i32
    %convert_element_type3A_84 = arith.extui %eq3A_83 : i1 to i32
    %cond3A_85 = arith.constant 0 : i32
    %cond3A_86 = arith.cmpi ne, %convert_element_type3A_84, %cond3A_85 : i32
    scf.if %cond3A_86 {
      %dma_wait3A_370 = arith.constant 0 : i32
      %dma_wait3A_371 = arith.constant 0 : i32
      %dma_wait3A_372 = tpu.memref_slice %arg6[%dma_wait3A_370, %dma_wait3A_371] : memref<10000x128xf32, #tpu.memory_space<vmem_shared>> -> memref<520x128xf32, #tpu.memory_space<vmem_shared>>
      %dma_wait3A_373 = arith.constant 0 : i32
      %dma_wait3A_374 = arith.constant 0 : i32
      %dma_wait3A_375 = tpu.memref_slice %arg2[%dma_wait3A_373, %dma_wait3A_374] : memref<10000x128xf32, #tpu.memory_space<hbm>> -> memref<520x128xf32, #tpu.memory_space<hbm>>
      tpu.wait_dma2 semaphore(%arg43 : memref<!tpu.dma_semaphore, #tpu.memory_space<semaphore_mem>>) src(%dma_wait3A_375 : memref<520x128xf32, #tpu.memory_space<hbm>>) dst(%dma_wait3A_372 : memref<520x128xf32, #tpu.memory_space<vmem_shared>>)
    } else {
    }
    %barrier3A = arith.constant 0 : index
    tpu.barrier barrier_id(%barrier3A)
    %dma_wait3A_87 = arith.constant 0 : i32
    %dma_wait3A_88 = arith.constant 0 : i32
    %dma_wait3A_89 = tpu.memref_slice %arg2[%dma_wait3A_87, %dma_wait3A_88] : memref<10000x128xf32, #tpu.memory_space<hbm>> -> memref<10000x128xf32, #tpu.memory_space<hbm>>
    tpu.wait_indirect_dma semaphore(%arg27 : memref<!tpu.dma_semaphore, #tpu.memory_space<semaphore_mem>>) src(%dma_wait3A_89 : memref<10000x128xf32, #tpu.memory_space<hbm>>) dst(%arg7 : memref<80x128xf32, #tpu.memory_space<vmem>>)
    %dma_start3A_90 = arith.constant 0 : i32
    %dma_start3A_91 = arith.constant 0 : i32
    %dma_start3A_92 = tpu.memref_slice %arg6[%dma_start3A_90, %dma_start3A_91] : memref<10000x128xf32, #tpu.memory_space<vmem_shared>> -> memref<10000x128xf32, #tpu.memory_space<vmem_shared>>
    tpu.enqueue_indirect_dma source(%arg7 : memref<80x128xf32, #tpu.memory_space<vmem>>) target(%dma_start3A_92 : memref<10000x128xf32, #tpu.memory_space<vmem_shared>>) offsets(%arg19 : memref<80xi32, #tpu.memory_space<vmem>>) semaphore(%arg31 : memref<!tpu.dma_semaphore, #tpu.memory_space<semaphore_mem>>) {add = true}
    %dma_wait3A_93 = arith.constant 0 : i32
    %dma_wait3A_94 = tpu.memref_slice %arg3[%dma_wait3A_93] : memref<320000xi32, #tpu.memory_space<hbm>> -> memref<80xi32, #tpu.memory_space<hbm>>
    %dma_wait3A_95 = arith.constant 0 : i32
    %dma_wait3A_96 = tpu.memref_slice %arg3[%dma_wait3A_95] : memref<320000xi32, #tpu.memory_space<hbm>> -> memref<80xi32, #tpu.memory_space<hbm>>
    tpu.wait_dma2 semaphore(%arg37 : memref<!tpu.dma_semaphore, #tpu.memory_space<semaphore_mem>>) src(%dma_wait3A_96 : memref<80xi32, #tpu.memory_space<hbm>>) dst(%arg13 : memref<80xi32, #tpu.memory_space<vmem>>)
    %dma_wait3A_97 = arith.constant 0 : i32
    %dma_wait3A_98 = tpu.memref_slice %arg4[%dma_wait3A_97] : memref<320000xi32, #tpu.memory_space<hbm>> -> memref<80xi32, #tpu.memory_space<hbm>>
    %dma_wait3A_99 = arith.constant 0 : i32
    %dma_wait3A_100 = tpu.memref_slice %arg4[%dma_wait3A_99] : memref<320000xi32, #tpu.memory_space<hbm>> -> memref<80xi32, #tpu.memory_space<hbm>>
    tpu.wait_dma2 semaphore(%arg37 : memref<!tpu.dma_semaphore, #tpu.memory_space<semaphore_mem>>) src(%dma_wait3A_100 : memref<80xi32, #tpu.memory_space<hbm>>) dst(%arg21 : memref<80xi32, #tpu.memory_space<vmem>>)
    %dma_start3A_101 = arith.constant 0 : i32
    %dma_start3A_102 = arith.constant 0 : i32
    %dma_start3A_103 = tpu.memref_slice %arg2[%dma_start3A_101, %dma_start3A_102] : memref<10000x128xf32, #tpu.memory_space<hbm>> -> memref<10000x128xf32, #tpu.memory_space<hbm>>
    tpu.enqueue_indirect_dma source(%dma_start3A_103 : memref<10000x128xf32, #tpu.memory_space<hbm>>) target(%arg9 : memref<80x128xf32, #tpu.memory_space<vmem>>) offsets(%arg13 : memref<80xi32, #tpu.memory_space<vmem>>) semaphore(%arg29 : memref<!tpu.dma_semaphore, #tpu.memory_space<semaphore_mem>>)
    %dma_wait3A_104 = arith.constant 0 : i32
    %dma_wait3A_105 = arith.constant 0 : i32
    %dma_wait3A_106 = tpu.memref_slice %arg2[%dma_wait3A_104, %dma_wait3A_105] : memref<10000x128xf32, #tpu.memory_space<hbm>> -> memref<10000x128xf32, #tpu.memory_space<hbm>>
    tpu.wait_indirect_dma semaphore(%arg28 : memref<!tpu.dma_semaphore, #tpu.memory_space<semaphore_mem>>) src(%dma_wait3A_106 : memref<10000x128xf32, #tpu.memory_space<hbm>>) dst(%arg8 : memref<80x128xf32, #tpu.memory_space<vmem>>)
    %dma_start3A_107 = arith.constant 0 : i32
    %dma_start3A_108 = arith.constant 0 : i32
    %dma_start3A_109 = tpu.memref_slice %arg6[%dma_start3A_107, %dma_start3A_108] : memref<10000x128xf32, #tpu.memory_space<vmem_shared>> -> memref<10000x128xf32, #tpu.memory_space<vmem_shared>>
    tpu.enqueue_indirect_dma source(%arg8 : memref<80x128xf32, #tpu.memory_space<vmem>>) target(%dma_start3A_109 : memref<10000x128xf32, #tpu.memory_space<vmem_shared>>) offsets(%arg20 : memref<80xi32, #tpu.memory_space<vmem>>) semaphore(%arg32 : memref<!tpu.dma_semaphore, #tpu.memory_space<semaphore_mem>>) {add = true}
    %dma_wait3A_110 = arith.constant 0 : i32
    %dma_wait3A_111 = tpu.memref_slice %arg3[%dma_wait3A_110] : memref<320000xi32, #tpu.memory_space<hbm>> -> memref<80xi32, #tpu.memory_space<hbm>>
    %dma_wait3A_112 = arith.constant 0 : i32
    %dma_wait3A_113 = tpu.memref_slice %arg3[%dma_wait3A_112] : memref<320000xi32, #tpu.memory_space<hbm>> -> memref<80xi32, #tpu.memory_space<hbm>>
    tpu.wait_dma2 semaphore(%arg38 : memref<!tpu.dma_semaphore, #tpu.memory_space<semaphore_mem>>) src(%dma_wait3A_113 : memref<80xi32, #tpu.memory_space<hbm>>) dst(%arg14 : memref<80xi32, #tpu.memory_space<vmem>>)
    %dma_wait3A_114 = arith.constant 0 : i32
    %dma_wait3A_115 = tpu.memref_slice %arg4[%dma_wait3A_114] : memref<320000xi32, #tpu.memory_space<hbm>> -> memref<80xi32, #tpu.memory_space<hbm>>
    %dma_wait3A_116 = arith.constant 0 : i32
    %dma_wait3A_117 = tpu.memref_slice %arg4[%dma_wait3A_116] : memref<320000xi32, #tpu.memory_space<hbm>> -> memref<80xi32, #tpu.memory_space<hbm>>
    tpu.wait_dma2 semaphore(%arg38 : memref<!tpu.dma_semaphore, #tpu.memory_space<semaphore_mem>>) src(%dma_wait3A_117 : memref<80xi32, #tpu.memory_space<hbm>>) dst(%arg22 : memref<80xi32, #tpu.memory_space<vmem>>)
    %dma_start3A_118 = arith.constant 0 : i32
    %dma_start3A_119 = arith.constant 0 : i32
    %dma_start3A_120 = tpu.memref_slice %arg2[%dma_start3A_118, %dma_start3A_119] : memref<10000x128xf32, #tpu.memory_space<hbm>> -> memref<10000x128xf32, #tpu.memory_space<hbm>>
    tpu.enqueue_indirect_dma source(%dma_start3A_120 : memref<10000x128xf32, #tpu.memory_space<hbm>>) target(%arg10 : memref<80x128xf32, #tpu.memory_space<vmem>>) offsets(%arg14 : memref<80xi32, #tpu.memory_space<vmem>>) semaphore(%arg30 : memref<!tpu.dma_semaphore, #tpu.memory_space<semaphore_mem>>)
    %scan3A = arith.constant 0 : i32
    %scan3A_121 = arith.constant 14 : i32
    %scan3A_122 = arith.addi %scan3A, %scan3A_121 : i32
    %scan3A_123 = arith.constant 1 : i32
    scf.for %scan3A_370 = %scan3A to %scan3A_122 step %scan3A_123  : i32 {
      %mul3A_371 = arith.constant 1 : i32
      %mul3A_372 = arith.muli %scan3A_370, %mul3A_371 : i32
      %add3A_373 = arith.constant 0 : i32
      %add3A_374 = arith.addi %add3A_373, %mul3A_372 : i32
      %mul3A_375 = arith.constant 8 : i32
      %mul3A_376 = arith.muli %mul3A_375, %add3A_374 : i32
      %add3A_377 = arith.constant 4 : i32
      %add3A_378 = arith.addi %mul3A_376, %add3A_377 : i32
      %dma_wait3A_379 = arith.constant 0 : i32
      %dma_wait3A_380 = arith.constant 0 : i32
      %dma_wait3A_381 = tpu.memref_slice %arg6[%dma_wait3A_379, %dma_wait3A_380] : memref<10000x128xf32, #tpu.memory_space<vmem_shared>> -> memref<10000x128xf32, #tpu.memory_space<vmem_shared>>
      tpu.wait_indirect_dma semaphore(%arg31 : memref<!tpu.dma_semaphore, #tpu.memory_space<semaphore_mem>>) src(%arg7 : memref<80x128xf32, #tpu.memory_space<vmem>>) dst(%dma_wait3A_381 : memref<10000x128xf32, #tpu.memory_space<vmem_shared>>)
      %add3A_382 = arith.constant 0 : i32
      %add3A_383 = arith.addi %add3A_378, %add3A_382 : i32
      %add3A_384 = arith.constant 4 : i32
      %add3A_385 = arith.addi %add3A_383, %add3A_384 : i32
      %mul3A_386 = arith.constant 80 : i32
      %mul3A_387 = arith.muli %add3A_385, %mul3A_386 : i32
      %add3A_388 = arith.addi %mul3A_2, %mul3A_387 : i32
      %dma_start3A_389 = tpu.memref_slice %arg3[%add3A_388] : memref<320000xi32, #tpu.memory_space<hbm>> -> memref<80xi32, #tpu.memory_space<hbm>>
      %dma_start3A_390 = tpu.memref_slice %arg3[%add3A_388] : memref<320000xi32, #tpu.memory_space<hbm>> -> memref<80xi32, #tpu.memory_space<hbm>>
      tpu.enqueue_dma source(%dma_start3A_390 : memref<80xi32, #tpu.memory_space<hbm>>) target(%arg11 : memref<80xi32, #tpu.memory_space<vmem>>) target_semaphore(%arg35 : memref<!tpu.dma_semaphore, #tpu.memory_space<semaphore_mem>>)
      %dma_start3A_391 = tpu.memref_slice %arg4[%add3A_388] : memref<320000xi32, #tpu.memory_space<hbm>> -> memref<80xi32, #tpu.memory_space<hbm>>
      %dma_start3A_392 = tpu.memref_slice %arg4[%add3A_388] : memref<320000xi32, #tpu.memory_space<hbm>> -> memref<80xi32, #tpu.memory_space<hbm>>
      tpu.enqueue_dma source(%dma_start3A_392 : memref<80xi32, #tpu.memory_space<hbm>>) target(%arg19 : memref<80xi32, #tpu.memory_space<vmem>>) target_semaphore(%arg35 : memref<!tpu.dma_semaphore, #tpu.memory_space<semaphore_mem>>)
      %dma_wait3A_393 = arith.constant 0 : i32
      %dma_wait3A_394 = tpu.memref_slice %arg3[%dma_wait3A_393] : memref<320000xi32, #tpu.memory_space<hbm>> -> memref<80xi32, #tpu.memory_space<hbm>>
      %dma_wait3A_395 = arith.constant 0 : i32
      %dma_wait3A_396 = tpu.memref_slice %arg3[%dma_wait3A_395] : memref<320000xi32, #tpu.memory_space<hbm>> -> memref<80xi32, #tpu.memory_space<hbm>>
      tpu.wait_dma2 semaphore(%arg39 : memref<!tpu.dma_semaphore, #tpu.memory_space<semaphore_mem>>) src(%dma_wait3A_396 : memref<80xi32, #tpu.memory_space<hbm>>) dst(%arg15 : memref<80xi32, #tpu.memory_space<vmem>>)
      %dma_wait3A_397 = arith.constant 0 : i32
      %dma_wait3A_398 = tpu.memref_slice %arg4[%dma_wait3A_397] : memref<320000xi32, #tpu.memory_space<hbm>> -> memref<80xi32, #tpu.memory_space<hbm>>
      %dma_wait3A_399 = arith.constant 0 : i32
      %dma_wait3A_400 = tpu.memref_slice %arg4[%dma_wait3A_399] : memref<320000xi32, #tpu.memory_space<hbm>> -> memref<80xi32, #tpu.memory_space<hbm>>
      tpu.wait_dma2 semaphore(%arg39 : memref<!tpu.dma_semaphore, #tpu.memory_space<semaphore_mem>>) src(%dma_wait3A_400 : memref<80xi32, #tpu.memory_space<hbm>>) dst(%arg23 : memref<80xi32, #tpu.memory_space<vmem>>)
      %dma_start3A_401 = arith.constant 0 : i32
      %dma_start3A_402 = arith.constant 0 : i32
      %dma_start3A_403 = tpu.memref_slice %arg2[%dma_start3A_401, %dma_start3A_402] : memref<10000x128xf32, #tpu.memory_space<hbm>> -> memref<10000x128xf32, #tpu.memory_space<hbm>>
      tpu.enqueue_indirect_dma source(%dma_start3A_403 : memref<10000x128xf32, #tpu.memory_space<hbm>>) target(%arg7 : memref<80x128xf32, #tpu.memory_space<vmem>>) offsets(%arg15 : memref<80xi32, #tpu.memory_space<vmem>>) semaphore(%arg27 : memref<!tpu.dma_semaphore, #tpu.memory_space<semaphore_mem>>)
      %dma_wait3A_404 = arith.constant 0 : i32
      %dma_wait3A_405 = arith.constant 0 : i32
      %dma_wait3A_406 = tpu.memref_slice %arg2[%dma_wait3A_404, %dma_wait3A_405] : memref<10000x128xf32, #tpu.memory_space<hbm>> -> memref<10000x128xf32, #tpu.memory_space<hbm>>
      tpu.wait_indirect_dma semaphore(%arg29 : memref<!tpu.dma_semaphore, #tpu.memory_space<semaphore_mem>>) src(%dma_wait3A_406 : memref<10000x128xf32, #tpu.memory_space<hbm>>) dst(%arg9 : memref<80x128xf32, #tpu.memory_space<vmem>>)
      %dma_start3A_407 = arith.constant 0 : i32
      %dma_start3A_408 = arith.constant 0 : i32
      %dma_start3A_409 = tpu.memref_slice %arg6[%dma_start3A_407, %dma_start3A_408] : memref<10000x128xf32, #tpu.memory_space<vmem_shared>> -> memref<10000x128xf32, #tpu.memory_space<vmem_shared>>
      tpu.enqueue_indirect_dma source(%arg9 : memref<80x128xf32, #tpu.memory_space<vmem>>) target(%dma_start3A_409 : memref<10000x128xf32, #tpu.memory_space<vmem_shared>>) offsets(%arg21 : memref<80xi32, #tpu.memory_space<vmem>>) semaphore(%arg33 : memref<!tpu.dma_semaphore, #tpu.memory_space<semaphore_mem>>) {add = true}
      %dma_wait3A_410 = arith.constant 0 : i32
      %dma_wait3A_411 = arith.constant 0 : i32
      %dma_wait3A_412 = tpu.memref_slice %arg6[%dma_wait3A_410, %dma_wait3A_411] : memref<10000x128xf32, #tpu.memory_space<vmem_shared>> -> memref<10000x128xf32, #tpu.memory_space<vmem_shared>>
      tpu.wait_indirect_dma semaphore(%arg32 : memref<!tpu.dma_semaphore, #tpu.memory_space<semaphore_mem>>) src(%arg7 : memref<80x128xf32, #tpu.memory_space<vmem>>) dst(%dma_wait3A_412 : memref<10000x128xf32, #tpu.memory_space<vmem_shared>>)
      %add3A_413 = arith.constant 1 : i32
      %add3A_414 = arith.addi %add3A_378, %add3A_413 : i32
      %add3A_415 = arith.constant 4 : i32
      %add3A_416 = arith.addi %add3A_414, %add3A_415 : i32
      %mul3A_417 = arith.constant 80 : i32
      %mul3A_418 = arith.muli %add3A_416, %mul3A_417 : i32
      %add3A_419 = arith.addi %mul3A_2, %mul3A_418 : i32
      %dma_start3A_420 = tpu.memref_slice %arg3[%add3A_419] : memref<320000xi32, #tpu.memory_space<hbm>> -> memref<80xi32, #tpu.memory_space<hbm>>
      %dma_start3A_421 = tpu.memref_slice %arg3[%add3A_419] : memref<320000xi32, #tpu.memory_space<hbm>> -> memref<80xi32, #tpu.memory_space<hbm>>
      tpu.enqueue_dma source(%dma_start3A_421 : memref<80xi32, #tpu.memory_space<hbm>>) target(%arg12 : memref<80xi32, #tpu.memory_space<vmem>>) target_semaphore(%arg36 : memref<!tpu.dma_semaphore, #tpu.memory_space<semaphore_mem>>)
      %dma_start3A_422 = tpu.memref_slice %arg4[%add3A_419] : memref<320000xi32, #tpu.memory_space<hbm>> -> memref<80xi32, #tpu.memory_space<hbm>>
      %dma_start3A_423 = tpu.memref_slice %arg4[%add3A_419] : memref<320000xi32, #tpu.memory_space<hbm>> -> memref<80xi32, #tpu.memory_space<hbm>>
      tpu.enqueue_dma source(%dma_start3A_423 : memref<80xi32, #tpu.memory_space<hbm>>) target(%arg20 : memref<80xi32, #tpu.memory_space<vmem>>) target_semaphore(%arg36 : memref<!tpu.dma_semaphore, #tpu.memory_space<semaphore_mem>>)
      %dma_wait3A_424 = arith.constant 0 : i32
      %dma_wait3A_425 = tpu.memref_slice %arg3[%dma_wait3A_424] : memref<320000xi32, #tpu.memory_space<hbm>> -> memref<80xi32, #tpu.memory_space<hbm>>
      %dma_wait3A_426 = arith.constant 0 : i32
      %dma_wait3A_427 = tpu.memref_slice %arg3[%dma_wait3A_426] : memref<320000xi32, #tpu.memory_space<hbm>> -> memref<80xi32, #tpu.memory_space<hbm>>
      tpu.wait_dma2 semaphore(%arg40 : memref<!tpu.dma_semaphore, #tpu.memory_space<semaphore_mem>>) src(%dma_wait3A_427 : memref<80xi32, #tpu.memory_space<hbm>>) dst(%arg16 : memref<80xi32, #tpu.memory_space<vmem>>)
      %dma_wait3A_428 = arith.constant 0 : i32
      %dma_wait3A_429 = tpu.memref_slice %arg4[%dma_wait3A_428] : memref<320000xi32, #tpu.memory_space<hbm>> -> memref<80xi32, #tpu.memory_space<hbm>>
      %dma_wait3A_430 = arith.constant 0 : i32
      %dma_wait3A_431 = tpu.memref_slice %arg4[%dma_wait3A_430] : memref<320000xi32, #tpu.memory_space<hbm>> -> memref<80xi32, #tpu.memory_space<hbm>>
      tpu.wait_dma2 semaphore(%arg40 : memref<!tpu.dma_semaphore, #tpu.memory_space<semaphore_mem>>) src(%dma_wait3A_431 : memref<80xi32, #tpu.memory_space<hbm>>) dst(%arg24 : memref<80xi32, #tpu.memory_space<vmem>>)
      %dma_start3A_432 = arith.constant 0 : i32
      %dma_start3A_433 = arith.constant 0 : i32
      %dma_start3A_434 = tpu.memref_slice %arg2[%dma_start3A_432, %dma_start3A_433] : memref<10000x128xf32, #tpu.memory_space<hbm>> -> memref<10000x128xf32, #tpu.memory_space<hbm>>
      tpu.enqueue_indirect_dma source(%dma_start3A_434 : memref<10000x128xf32, #tpu.memory_space<hbm>>) target(%arg8 : memref<80x128xf32, #tpu.memory_space<vmem>>) offsets(%arg16 : memref<80xi32, #tpu.memory_space<vmem>>) semaphore(%arg28 : memref<!tpu.dma_semaphore, #tpu.memory_space<semaphore_mem>>)
      %dma_wait3A_435 = arith.constant 0 : i32
      %dma_wait3A_436 = arith.constant 0 : i32
      %dma_wait3A_437 = tpu.memref_slice %arg2[%dma_wait3A_435, %dma_wait3A_436] : memref<10000x128xf32, #tpu.memory_space<hbm>> -> memref<10000x128xf32, #tpu.memory_space<hbm>>
      tpu.wait_indirect_dma semaphore(%arg30 : memref<!tpu.dma_semaphore, #tpu.memory_space<semaphore_mem>>) src(%dma_wait3A_437 : memref<10000x128xf32, #tpu.memory_space<hbm>>) dst(%arg10 : memref<80x128xf32, #tpu.memory_space<vmem>>)
      %dma_start3A_438 = arith.constant 0 : i32
      %dma_start3A_439 = arith.constant 0 : i32
      %dma_start3A_440 = tpu.memref_slice %arg6[%dma_start3A_438, %dma_start3A_439] : memref<10000x128xf32, #tpu.memory_space<vmem_shared>> -> memref<10000x128xf32, #tpu.memory_space<vmem_shared>>
      tpu.enqueue_indirect_dma source(%arg10 : memref<80x128xf32, #tpu.memory_space<vmem>>) target(%dma_start3A_440 : memref<10000x128xf32, #tpu.memory_space<vmem_shared>>) offsets(%arg22 : memref<80xi32, #tpu.memory_space<vmem>>) semaphore(%arg34 : memref<!tpu.dma_semaphore, #tpu.memory_space<semaphore_mem>>) {add = true}
      %dma_wait3A_441 = arith.constant 0 : i32
      %dma_wait3A_442 = arith.constant 0 : i32
      %dma_wait3A_443 = tpu.memref_slice %arg6[%dma_wait3A_441, %dma_wait3A_442] : memref<10000x128xf32, #tpu.memory_space<vmem_shared>> -> memref<10000x128xf32, #tpu.memory_space<vmem_shared>>
      tpu.wait_indirect_dma semaphore(%arg33 : memref<!tpu.dma_semaphore, #tpu.memory_space<semaphore_mem>>) src(%arg7 : memref<80x128xf32, #tpu.memory_space<vmem>>) dst(%dma_wait3A_443 : memref<10000x128xf32, #tpu.memory_space<vmem_shared>>)
      %add3A_444 = arith.constant 2 : i32
      %add3A_445 = arith.addi %add3A_378, %add3A_444 : i32
      %add3A_446 = arith.constant 4 : i32
      %add3A_447 = arith.addi %add3A_445, %add3A_446 : i32
      %mul3A_448 = arith.constant 80 : i32
      %mul3A_449 = arith.muli %add3A_447, %mul3A_448 : i32
      %add3A_450 = arith.addi %mul3A_2, %mul3A_449 : i32
      %dma_start3A_451 = tpu.memref_slice %arg3[%add3A_450] : memref<320000xi32, #tpu.memory_space<hbm>> -> memref<80xi32, #tpu.memory_space<hbm>>
      %dma_start3A_452 = tpu.memref_slice %arg3[%add3A_450] : memref<320000xi32, #tpu.memory_space<hbm>> -> memref<80xi32, #tpu.memory_space<hbm>>
      tpu.enqueue_dma source(%dma_start3A_452 : memref<80xi32, #tpu.memory_space<hbm>>) target(%arg13 : memref<80xi32, #tpu.memory_space<vmem>>) target_semaphore(%arg37 : memref<!tpu.dma_semaphore, #tpu.memory_space<semaphore_mem>>)
      %dma_start3A_453 = tpu.memref_slice %arg4[%add3A_450] : memref<320000xi32, #tpu.memory_space<hbm>> -> memref<80xi32, #tpu.memory_space<hbm>>
      %dma_start3A_454 = tpu.memref_slice %arg4[%add3A_450] : memref<320000xi32, #tpu.memory_space<hbm>> -> memref<80xi32, #tpu.memory_space<hbm>>
      tpu.enqueue_dma source(%dma_start3A_454 : memref<80xi32, #tpu.memory_space<hbm>>) target(%arg21 : memref<80xi32, #tpu.memory_space<vmem>>) target_semaphore(%arg37 : memref<!tpu.dma_semaphore, #tpu.memory_space<semaphore_mem>>)
      %dma_wait3A_455 = arith.constant 0 : i32
      %dma_wait3A_456 = tpu.memref_slice %arg3[%dma_wait3A_455] : memref<320000xi32, #tpu.memory_space<hbm>> -> memref<80xi32, #tpu.memory_space<hbm>>
      %dma_wait3A_457 = arith.constant 0 : i32
      %dma_wait3A_458 = tpu.memref_slice %arg3[%dma_wait3A_457] : memref<320000xi32, #tpu.memory_space<hbm>> -> memref<80xi32, #tpu.memory_space<hbm>>
      tpu.wait_dma2 semaphore(%arg41 : memref<!tpu.dma_semaphore, #tpu.memory_space<semaphore_mem>>) src(%dma_wait3A_458 : memref<80xi32, #tpu.memory_space<hbm>>) dst(%arg17 : memref<80xi32, #tpu.memory_space<vmem>>)
      %dma_wait3A_459 = arith.constant 0 : i32
      %dma_wait3A_460 = tpu.memref_slice %arg4[%dma_wait3A_459] : memref<320000xi32, #tpu.memory_space<hbm>> -> memref<80xi32, #tpu.memory_space<hbm>>
      %dma_wait3A_461 = arith.constant 0 : i32
      %dma_wait3A_462 = tpu.memref_slice %arg4[%dma_wait3A_461] : memref<320000xi32, #tpu.memory_space<hbm>> -> memref<80xi32, #tpu.memory_space<hbm>>
      tpu.wait_dma2 semaphore(%arg41 : memref<!tpu.dma_semaphore, #tpu.memory_space<semaphore_mem>>) src(%dma_wait3A_462 : memref<80xi32, #tpu.memory_space<hbm>>) dst(%arg25 : memref<80xi32, #tpu.memory_space<vmem>>)
      %dma_start3A_463 = arith.constant 0 : i32
      %dma_start3A_464 = arith.constant 0 : i32
      %dma_start3A_465 = tpu.memref_slice %arg2[%dma_start3A_463, %dma_start3A_464] : memref<10000x128xf32, #tpu.memory_space<hbm>> -> memref<10000x128xf32, #tpu.memory_space<hbm>>
      tpu.enqueue_indirect_dma source(%dma_start3A_465 : memref<10000x128xf32, #tpu.memory_space<hbm>>) target(%arg9 : memref<80x128xf32, #tpu.memory_space<vmem>>) offsets(%arg17 : memref<80xi32, #tpu.memory_space<vmem>>) semaphore(%arg29 : memref<!tpu.dma_semaphore, #tpu.memory_space<semaphore_mem>>)
      %dma_wait3A_466 = arith.constant 0 : i32
      %dma_wait3A_467 = arith.constant 0 : i32
      %dma_wait3A_468 = tpu.memref_slice %arg2[%dma_wait3A_466, %dma_wait3A_467] : memref<10000x128xf32, #tpu.memory_space<hbm>> -> memref<10000x128xf32, #tpu.memory_space<hbm>>
      tpu.wait_indirect_dma semaphore(%arg27 : memref<!tpu.dma_semaphore, #tpu.memory_space<semaphore_mem>>) src(%dma_wait3A_468 : memref<10000x128xf32, #tpu.memory_space<hbm>>) dst(%arg7 : memref<80x128xf32, #tpu.memory_space<vmem>>)
      %dma_start3A_469 = arith.constant 0 : i32
      %dma_start3A_470 = arith.constant 0 : i32
      %dma_start3A_471 = tpu.memref_slice %arg6[%dma_start3A_469, %dma_start3A_470] : memref<10000x128xf32, #tpu.memory_space<vmem_shared>> -> memref<10000x128xf32, #tpu.memory_space<vmem_shared>>
      tpu.enqueue_indirect_dma source(%arg7 : memref<80x128xf32, #tpu.memory_space<vmem>>) target(%dma_start3A_471 : memref<10000x128xf32, #tpu.memory_space<vmem_shared>>) offsets(%arg23 : memref<80xi32, #tpu.memory_space<vmem>>) semaphore(%arg31 : memref<!tpu.dma_semaphore, #tpu.memory_space<semaphore_mem>>) {add = true}
      %dma_wait3A_472 = arith.constant 0 : i32
      %dma_wait3A_473 = arith.constant 0 : i32
      %dma_wait3A_474 = tpu.memref_slice %arg6[%dma_wait3A_472, %dma_wait3A_473] : memref<10000x128xf32, #tpu.memory_space<vmem_shared>> -> memref<10000x128xf32, #tpu.memory_space<vmem_shared>>
      tpu.wait_indirect_dma semaphore(%arg34 : memref<!tpu.dma_semaphore, #tpu.memory_space<semaphore_mem>>) src(%arg7 : memref<80x128xf32, #tpu.memory_space<vmem>>) dst(%dma_wait3A_474 : memref<10000x128xf32, #tpu.memory_space<vmem_shared>>)
      %add3A_475 = arith.constant 3 : i32
      %add3A_476 = arith.addi %add3A_378, %add3A_475 : i32
      %add3A_477 = arith.constant 4 : i32
      %add3A_478 = arith.addi %add3A_476, %add3A_477 : i32
      %mul3A_479 = arith.constant 80 : i32
      %mul3A_480 = arith.muli %add3A_478, %mul3A_479 : i32
      %add3A_481 = arith.addi %mul3A_2, %mul3A_480 : i32
      %dma_start3A_482 = tpu.memref_slice %arg3[%add3A_481] : memref<320000xi32, #tpu.memory_space<hbm>> -> memref<80xi32, #tpu.memory_space<hbm>>
      %dma_start3A_483 = tpu.memref_slice %arg3[%add3A_481] : memref<320000xi32, #tpu.memory_space<hbm>> -> memref<80xi32, #tpu.memory_space<hbm>>
      tpu.enqueue_dma source(%dma_start3A_483 : memref<80xi32, #tpu.memory_space<hbm>>) target(%arg14 : memref<80xi32, #tpu.memory_space<vmem>>) target_semaphore(%arg38 : memref<!tpu.dma_semaphore, #tpu.memory_space<semaphore_mem>>)
      %dma_start3A_484 = tpu.memref_slice %arg4[%add3A_481] : memref<320000xi32, #tpu.memory_space<hbm>> -> memref<80xi32, #tpu.memory_space<hbm>>
      %dma_start3A_485 = tpu.memref_slice %arg4[%add3A_481] : memref<320000xi32, #tpu.memory_space<hbm>> -> memref<80xi32, #tpu.memory_space<hbm>>
      tpu.enqueue_dma source(%dma_start3A_485 : memref<80xi32, #tpu.memory_space<hbm>>) target(%arg22 : memref<80xi32, #tpu.memory_space<vmem>>) target_semaphore(%arg38 : memref<!tpu.dma_semaphore, #tpu.memory_space<semaphore_mem>>)
      %dma_wait3A_486 = arith.constant 0 : i32
      %dma_wait3A_487 = tpu.memref_slice %arg3[%dma_wait3A_486] : memref<320000xi32, #tpu.memory_space<hbm>> -> memref<80xi32, #tpu.memory_space<hbm>>
      %dma_wait3A_488 = arith.constant 0 : i32
      %dma_wait3A_489 = tpu.memref_slice %arg3[%dma_wait3A_488] : memref<320000xi32, #tpu.memory_space<hbm>> -> memref<80xi32, #tpu.memory_space<hbm>>
      tpu.wait_dma2 semaphore(%arg42 : memref<!tpu.dma_semaphore, #tpu.memory_space<semaphore_mem>>) src(%dma_wait3A_489 : memref<80xi32, #tpu.memory_space<hbm>>) dst(%arg18 : memref<80xi32, #tpu.memory_space<vmem>>)
      %dma_wait3A_490 = arith.constant 0 : i32
      %dma_wait3A_491 = tpu.memref_slice %arg4[%dma_wait3A_490] : memref<320000xi32, #tpu.memory_space<hbm>> -> memref<80xi32, #tpu.memory_space<hbm>>
      %dma_wait3A_492 = arith.constant 0 : i32
      %dma_wait3A_493 = tpu.memref_slice %arg4[%dma_wait3A_492] : memref<320000xi32, #tpu.memory_space<hbm>> -> memref<80xi32, #tpu.memory_space<hbm>>
      tpu.wait_dma2 semaphore(%arg42 : memref<!tpu.dma_semaphore, #tpu.memory_space<semaphore_mem>>) src(%dma_wait3A_493 : memref<80xi32, #tpu.memory_space<hbm>>) dst(%arg26 : memref<80xi32, #tpu.memory_space<vmem>>)
      %dma_start3A_494 = arith.constant 0 : i32
      %dma_start3A_495 = arith.constant 0 : i32
      %dma_start3A_496 = tpu.memref_slice %arg2[%dma_start3A_494, %dma_start3A_495] : memref<10000x128xf32, #tpu.memory_space<hbm>> -> memref<10000x128xf32, #tpu.memory_space<hbm>>
      tpu.enqueue_indirect_dma source(%dma_start3A_496 : memref<10000x128xf32, #tpu.memory_space<hbm>>) target(%arg10 : memref<80x128xf32, #tpu.memory_space<vmem>>) offsets(%arg18 : memref<80xi32, #tpu.memory_space<vmem>>) semaphore(%arg30 : memref<!tpu.dma_semaphore, #tpu.memory_space<semaphore_mem>>)
      %dma_wait3A_497 = arith.constant 0 : i32
      %dma_wait3A_498 = arith.constant 0 : i32
      %dma_wait3A_499 = tpu.memref_slice %arg2[%dma_wait3A_497, %dma_wait3A_498] : memref<10000x128xf32, #tpu.memory_space<hbm>> -> memref<10000x128xf32, #tpu.memory_space<hbm>>
      tpu.wait_indirect_dma semaphore(%arg28 : memref<!tpu.dma_semaphore, #tpu.memory_space<semaphore_mem>>) src(%dma_wait3A_499 : memref<10000x128xf32, #tpu.memory_space<hbm>>) dst(%arg8 : memref<80x128xf32, #tpu.memory_space<vmem>>)
      %dma_start3A_500 = arith.constant 0 : i32
      %dma_start3A_501 = arith.constant 0 : i32
      %dma_start3A_502 = tpu.memref_slice %arg6[%dma_start3A_500, %dma_start3A_501] : memref<10000x128xf32, #tpu.memory_space<vmem_shared>> -> memref<10000x128xf32, #tpu.memory_space<vmem_shared>>
      tpu.enqueue_indirect_dma source(%arg8 : memref<80x128xf32, #tpu.memory_space<vmem>>) target(%dma_start3A_502 : memref<10000x128xf32, #tpu.memory_space<vmem_shared>>) offsets(%arg24 : memref<80xi32, #tpu.memory_space<vmem>>) semaphore(%arg32 : memref<!tpu.dma_semaphore, #tpu.memory_space<semaphore_mem>>) {add = true}
      %dma_wait3A_503 = arith.constant 0 : i32
      %dma_wait3A_504 = arith.constant 0 : i32
      %dma_wait3A_505 = tpu.memref_slice %arg6[%dma_wait3A_503, %dma_wait3A_504] : memref<10000x128xf32, #tpu.memory_space<vmem_shared>> -> memref<10000x128xf32, #tpu.memory_space<vmem_shared>>
      tpu.wait_indirect_dma semaphore(%arg31 : memref<!tpu.dma_semaphore, #tpu.memory_space<semaphore_mem>>) src(%arg7 : memref<80x128xf32, #tpu.memory_space<vmem>>) dst(%dma_wait3A_505 : memref<10000x128xf32, #tpu.memory_space<vmem_shared>>)
      %add3A_506 = arith.constant 4 : i32
      %add3A_507 = arith.addi %add3A_378, %add3A_506 : i32
      %add3A_508 = arith.constant 4 : i32
      %add3A_509 = arith.addi %add3A_507, %add3A_508 : i32
      %mul3A_510 = arith.constant 80 : i32
      %mul3A_511 = arith.muli %add3A_509, %mul3A_510 : i32
      %add3A_512 = arith.addi %mul3A_2, %mul3A_511 : i32
      %dma_start3A_513 = tpu.memref_slice %arg3[%add3A_512] : memref<320000xi32, #tpu.memory_space<hbm>> -> memref<80xi32, #tpu.memory_space<hbm>>
      %dma_start3A_514 = tpu.memref_slice %arg3[%add3A_512] : memref<320000xi32, #tpu.memory_space<hbm>> -> memref<80xi32, #tpu.memory_space<hbm>>
      tpu.enqueue_dma source(%dma_start3A_514 : memref<80xi32, #tpu.memory_space<hbm>>) target(%arg15 : memref<80xi32, #tpu.memory_space<vmem>>) target_semaphore(%arg39 : memref<!tpu.dma_semaphore, #tpu.memory_space<semaphore_mem>>)
      %dma_start3A_515 = tpu.memref_slice %arg4[%add3A_512] : memref<320000xi32, #tpu.memory_space<hbm>> -> memref<80xi32, #tpu.memory_space<hbm>>
      %dma_start3A_516 = tpu.memref_slice %arg4[%add3A_512] : memref<320000xi32, #tpu.memory_space<hbm>> -> memref<80xi32, #tpu.memory_space<hbm>>
      tpu.enqueue_dma source(%dma_start3A_516 : memref<80xi32, #tpu.memory_space<hbm>>) target(%arg23 : memref<80xi32, #tpu.memory_space<vmem>>) target_semaphore(%arg39 : memref<!tpu.dma_semaphore, #tpu.memory_space<semaphore_mem>>)
      %dma_wait3A_517 = arith.constant 0 : i32
      %dma_wait3A_518 = tpu.memref_slice %arg3[%dma_wait3A_517] : memref<320000xi32, #tpu.memory_space<hbm>> -> memref<80xi32, #tpu.memory_space<hbm>>
      %dma_wait3A_519 = arith.constant 0 : i32
      %dma_wait3A_520 = tpu.memref_slice %arg3[%dma_wait3A_519] : memref<320000xi32, #tpu.memory_space<hbm>> -> memref<80xi32, #tpu.memory_space<hbm>>
      tpu.wait_dma2 semaphore(%arg35 : memref<!tpu.dma_semaphore, #tpu.memory_space<semaphore_mem>>) src(%dma_wait3A_520 : memref<80xi32, #tpu.memory_space<hbm>>) dst(%arg11 : memref<80xi32, #tpu.memory_space<vmem>>)
      %dma_wait3A_521 = arith.constant 0 : i32
      %dma_wait3A_522 = tpu.memref_slice %arg4[%dma_wait3A_521] : memref<320000xi32, #tpu.memory_space<hbm>> -> memref<80xi32, #tpu.memory_space<hbm>>
      %dma_wait3A_523 = arith.constant 0 : i32
      %dma_wait3A_524 = tpu.memref_slice %arg4[%dma_wait3A_523] : memref<320000xi32, #tpu.memory_space<hbm>> -> memref<80xi32, #tpu.memory_space<hbm>>
      tpu.wait_dma2 semaphore(%arg35 : memref<!tpu.dma_semaphore, #tpu.memory_space<semaphore_mem>>) src(%dma_wait3A_524 : memref<80xi32, #tpu.memory_space<hbm>>) dst(%arg19 : memref<80xi32, #tpu.memory_space<vmem>>)
      %dma_start3A_525 = arith.constant 0 : i32
      %dma_start3A_526 = arith.constant 0 : i32
      %dma_start3A_527 = tpu.memref_slice %arg2[%dma_start3A_525, %dma_start3A_526] : memref<10000x128xf32, #tpu.memory_space<hbm>> -> memref<10000x128xf32, #tpu.memory_space<hbm>>
      tpu.enqueue_indirect_dma source(%dma_start3A_527 : memref<10000x128xf32, #tpu.memory_space<hbm>>) target(%arg7 : memref<80x128xf32, #tpu.memory_space<vmem>>) offsets(%arg11 : memref<80xi32, #tpu.memory_space<vmem>>) semaphore(%arg27 : memref<!tpu.dma_semaphore, #tpu.memory_space<semaphore_mem>>)
      %dma_wait3A_528 = arith.constant 0 : i32
      %dma_wait3A_529 = arith.constant 0 : i32
      %dma_wait3A_530 = tpu.memref_slice %arg2[%dma_wait3A_528, %dma_wait3A_529] : memref<10000x128xf32, #tpu.memory_space<hbm>> -> memref<10000x128xf32, #tpu.memory_space<hbm>>
      tpu.wait_indirect_dma semaphore(%arg29 : memref<!tpu.dma_semaphore, #tpu.memory_space<semaphore_mem>>) src(%dma_wait3A_530 : memref<10000x128xf32, #tpu.memory_space<hbm>>) dst(%arg9 : memref<80x128xf32, #tpu.memory_space<vmem>>)
      %dma_start3A_531 = arith.constant 0 : i32
      %dma_start3A_532 = arith.constant 0 : i32
      %dma_start3A_533 = tpu.memref_slice %arg6[%dma_start3A_531, %dma_start3A_532] : memref<10000x128xf32, #tpu.memory_space<vmem_shared>> -> memref<10000x128xf32, #tpu.memory_space<vmem_shared>>
      tpu.enqueue_indirect_dma source(%arg9 : memref<80x128xf32, #tpu.memory_space<vmem>>) target(%dma_start3A_533 : memref<10000x128xf32, #tpu.memory_space<vmem_shared>>) offsets(%arg25 : memref<80xi32, #tpu.memory_space<vmem>>) semaphore(%arg33 : memref<!tpu.dma_semaphore, #tpu.memory_space<semaphore_mem>>) {add = true}
      %dma_wait3A_534 = arith.constant 0 : i32
      %dma_wait3A_535 = arith.constant 0 : i32
      %dma_wait3A_536 = tpu.memref_slice %arg6[%dma_wait3A_534, %dma_wait3A_535] : memref<10000x128xf32, #tpu.memory_space<vmem_shared>> -> memref<10000x128xf32, #tpu.memory_space<vmem_shared>>
      tpu.wait_indirect_dma semaphore(%arg32 : memref<!tpu.dma_semaphore, #tpu.memory_space<semaphore_mem>>) src(%arg7 : memref<80x128xf32, #tpu.memory_space<vmem>>) dst(%dma_wait3A_536 : memref<10000x128xf32, #tpu.memory_space<vmem_shared>>)
      %add3A_537 = arith.constant 5 : i32
      %add3A_538 = arith.addi %add3A_378, %add3A_537 : i32
      %add3A_539 = arith.constant 4 : i32
      %add3A_540 = arith.addi %add3A_538, %add3A_539 : i32
      %mul3A_541 = arith.constant 80 : i32
      %mul3A_542 = arith.muli %add3A_540, %mul3A_541 : i32
      %add3A_543 = arith.addi %mul3A_2, %mul3A_542 : i32
      %dma_start3A_544 = tpu.memref_slice %arg3[%add3A_543] : memref<320000xi32, #tpu.memory_space<hbm>> -> memref<80xi32, #tpu.memory_space<hbm>>
      %dma_start3A_545 = tpu.memref_slice %arg3[%add3A_543] : memref<320000xi32, #tpu.memory_space<hbm>> -> memref<80xi32, #tpu.memory_space<hbm>>
      tpu.enqueue_dma source(%dma_start3A_545 : memref<80xi32, #tpu.memory_space<hbm>>) target(%arg16 : memref<80xi32, #tpu.memory_space<vmem>>) target_semaphore(%arg40 : memref<!tpu.dma_semaphore, #tpu.memory_space<semaphore_mem>>)
      %dma_start3A_546 = tpu.memref_slice %arg4[%add3A_543] : memref<320000xi32, #tpu.memory_space<hbm>> -> memref<80xi32, #tpu.memory_space<hbm>>
      %dma_start3A_547 = tpu.memref_slice %arg4[%add3A_543] : memref<320000xi32, #tpu.memory_space<hbm>> -> memref<80xi32, #tpu.memory_space<hbm>>
      tpu.enqueue_dma source(%dma_start3A_547 : memref<80xi32, #tpu.memory_space<hbm>>) target(%arg24 : memref<80xi32, #tpu.memory_space<vmem>>) target_semaphore(%arg40 : memref<!tpu.dma_semaphore, #tpu.memory_space<semaphore_mem>>)
      %dma_wait3A_548 = arith.constant 0 : i32
      %dma_wait3A_549 = tpu.memref_slice %arg3[%dma_wait3A_548] : memref<320000xi32, #tpu.memory_space<hbm>> -> memref<80xi32, #tpu.memory_space<hbm>>
      %dma_wait3A_550 = arith.constant 0 : i32
      %dma_wait3A_551 = tpu.memref_slice %arg3[%dma_wait3A_550] : memref<320000xi32, #tpu.memory_space<hbm>> -> memref<80xi32, #tpu.memory_space<hbm>>
      tpu.wait_dma2 semaphore(%arg36 : memref<!tpu.dma_semaphore, #tpu.memory_space<semaphore_mem>>) src(%dma_wait3A_551 : memref<80xi32, #tpu.memory_space<hbm>>) dst(%arg12 : memref<80xi32, #tpu.memory_space<vmem>>)
      %dma_wait3A_552 = arith.constant 0 : i32
      %dma_wait3A_553 = tpu.memref_slice %arg4[%dma_wait3A_552] : memref<320000xi32, #tpu.memory_space<hbm>> -> memref<80xi32, #tpu.memory_space<hbm>>
      %dma_wait3A_554 = arith.constant 0 : i32
      %dma_wait3A_555 = tpu.memref_slice %arg4[%dma_wait3A_554] : memref<320000xi32, #tpu.memory_space<hbm>> -> memref<80xi32, #tpu.memory_space<hbm>>
      tpu.wait_dma2 semaphore(%arg36 : memref<!tpu.dma_semaphore, #tpu.memory_space<semaphore_mem>>) src(%dma_wait3A_555 : memref<80xi32, #tpu.memory_space<hbm>>) dst(%arg20 : memref<80xi32, #tpu.memory_space<vmem>>)
      %dma_start3A_556 = arith.constant 0 : i32
      %dma_start3A_557 = arith.constant 0 : i32
      %dma_start3A_558 = tpu.memref_slice %arg2[%dma_start3A_556, %dma_start3A_557] : memref<10000x128xf32, #tpu.memory_space<hbm>> -> memref<10000x128xf32, #tpu.memory_space<hbm>>
      tpu.enqueue_indirect_dma source(%dma_start3A_558 : memref<10000x128xf32, #tpu.memory_space<hbm>>) target(%arg8 : memref<80x128xf32, #tpu.memory_space<vmem>>) offsets(%arg12 : memref<80xi32, #tpu.memory_space<vmem>>) semaphore(%arg28 : memref<!tpu.dma_semaphore, #tpu.memory_space<semaphore_mem>>)
      %dma_wait3A_559 = arith.constant 0 : i32
      %dma_wait3A_560 = arith.constant 0 : i32
      %dma_wait3A_561 = tpu.memref_slice %arg2[%dma_wait3A_559, %dma_wait3A_560] : memref<10000x128xf32, #tpu.memory_space<hbm>> -> memref<10000x128xf32, #tpu.memory_space<hbm>>
      tpu.wait_indirect_dma semaphore(%arg30 : memref<!tpu.dma_semaphore, #tpu.memory_space<semaphore_mem>>) src(%dma_wait3A_561 : memref<10000x128xf32, #tpu.memory_space<hbm>>) dst(%arg10 : memref<80x128xf32, #tpu.memory_space<vmem>>)
      %dma_start3A_562 = arith.constant 0 : i32
      %dma_start3A_563 = arith.constant 0 : i32
      %dma_start3A_564 = tpu.memref_slice %arg6[%dma_start3A_562, %dma_start3A_563] : memref<10000x128xf32, #tpu.memory_space<vmem_shared>> -> memref<10000x128xf32, #tpu.memory_space<vmem_shared>>
      tpu.enqueue_indirect_dma source(%arg10 : memref<80x128xf32, #tpu.memory_space<vmem>>) target(%dma_start3A_564 : memref<10000x128xf32, #tpu.memory_space<vmem_shared>>) offsets(%arg26 : memref<80xi32, #tpu.memory_space<vmem>>) semaphore(%arg34 : memref<!tpu.dma_semaphore, #tpu.memory_space<semaphore_mem>>) {add = true}
      %dma_wait3A_565 = arith.constant 0 : i32
      %dma_wait3A_566 = arith.constant 0 : i32
      %dma_wait3A_567 = tpu.memref_slice %arg6[%dma_wait3A_565, %dma_wait3A_566] : memref<10000x128xf32, #tpu.memory_space<vmem_shared>> -> memref<10000x128xf32, #tpu.memory_space<vmem_shared>>
      tpu.wait_indirect_dma semaphore(%arg33 : memref<!tpu.dma_semaphore, #tpu.memory_space<semaphore_mem>>) src(%arg7 : memref<80x128xf32, #tpu.memory_space<vmem>>) dst(%dma_wait3A_567 : memref<10000x128xf32, #tpu.memory_space<vmem_shared>>)
      %add3A_568 = arith.constant 6 : i32
      %add3A_569 = arith.addi %add3A_378, %add3A_568 : i32
      %add3A_570 = arith.constant 4 : i32
      %add3A_571 = arith.addi %add3A_569, %add3A_570 : i32
      %mul3A_572 = arith.constant 80 : i32
      %mul3A_573 = arith.muli %add3A_571, %mul3A_572 : i32
      %add3A_574 = arith.addi %mul3A_2, %mul3A_573 : i32
      %dma_start3A_575 = tpu.memref_slice %arg3[%add3A_574] : memref<320000xi32, #tpu.memory_space<hbm>> -> memref<80xi32, #tpu.memory_space<hbm>>
      %dma_start3A_576 = tpu.memref_slice %arg3[%add3A_574] : memref<320000xi32, #tpu.memory_space<hbm>> -> memref<80xi32, #tpu.memory_space<hbm>>
      tpu.enqueue_dma source(%dma_start3A_576 : memref<80xi32, #tpu.memory_space<hbm>>) target(%arg17 : memref<80xi32, #tpu.memory_space<vmem>>) target_semaphore(%arg41 : memref<!tpu.dma_semaphore, #tpu.memory_space<semaphore_mem>>)
      %dma_start3A_577 = tpu.memref_slice %arg4[%add3A_574] : memref<320000xi32, #tpu.memory_space<hbm>> -> memref<80xi32, #tpu.memory_space<hbm>>
      %dma_start3A_578 = tpu.memref_slice %arg4[%add3A_574] : memref<320000xi32, #tpu.memory_space<hbm>> -> memref<80xi32, #tpu.memory_space<hbm>>
      tpu.enqueue_dma source(%dma_start3A_578 : memref<80xi32, #tpu.memory_space<hbm>>) target(%arg25 : memref<80xi32, #tpu.memory_space<vmem>>) target_semaphore(%arg41 : memref<!tpu.dma_semaphore, #tpu.memory_space<semaphore_mem>>)
      %dma_wait3A_579 = arith.constant 0 : i32
      %dma_wait3A_580 = tpu.memref_slice %arg3[%dma_wait3A_579] : memref<320000xi32, #tpu.memory_space<hbm>> -> memref<80xi32, #tpu.memory_space<hbm>>
      %dma_wait3A_581 = arith.constant 0 : i32
      %dma_wait3A_582 = tpu.memref_slice %arg3[%dma_wait3A_581] : memref<320000xi32, #tpu.memory_space<hbm>> -> memref<80xi32, #tpu.memory_space<hbm>>
      tpu.wait_dma2 semaphore(%arg37 : memref<!tpu.dma_semaphore, #tpu.memory_space<semaphore_mem>>) src(%dma_wait3A_582 : memref<80xi32, #tpu.memory_space<hbm>>) dst(%arg13 : memref<80xi32, #tpu.memory_space<vmem>>)
      %dma_wait3A_583 = arith.constant 0 : i32
      %dma_wait3A_584 = tpu.memref_slice %arg4[%dma_wait3A_583] : memref<320000xi32, #tpu.memory_space<hbm>> -> memref<80xi32, #tpu.memory_space<hbm>>
      %dma_wait3A_585 = arith.constant 0 : i32
      %dma_wait3A_586 = tpu.memref_slice %arg4[%dma_wait3A_585] : memref<320000xi32, #tpu.memory_space<hbm>> -> memref<80xi32, #tpu.memory_space<hbm>>
      tpu.wait_dma2 semaphore(%arg37 : memref<!tpu.dma_semaphore, #tpu.memory_space<semaphore_mem>>) src(%dma_wait3A_586 : memref<80xi32, #tpu.memory_space<hbm>>) dst(%arg21 : memref<80xi32, #tpu.memory_space<vmem>>)
      %dma_start3A_587 = arith.constant 0 : i32
      %dma_start3A_588 = arith.constant 0 : i32
      %dma_start3A_589 = tpu.memref_slice %arg2[%dma_start3A_587, %dma_start3A_588] : memref<10000x128xf32, #tpu.memory_space<hbm>> -> memref<10000x128xf32, #tpu.memory_space<hbm>>
      tpu.enqueue_indirect_dma source(%dma_start3A_589 : memref<10000x128xf32, #tpu.memory_space<hbm>>) target(%arg9 : memref<80x128xf32, #tpu.memory_space<vmem>>) offsets(%arg13 : memref<80xi32, #tpu.memory_space<vmem>>) semaphore(%arg29 : memref<!tpu.dma_semaphore, #tpu.memory_space<semaphore_mem>>)
      %dma_wait3A_590 = arith.constant 0 : i32
      %dma_wait3A_591 = arith.constant 0 : i32
      %dma_wait3A_592 = tpu.memref_slice %arg2[%dma_wait3A_590, %dma_wait3A_591] : memref<10000x128xf32, #tpu.memory_space<hbm>> -> memref<10000x128xf32, #tpu.memory_space<hbm>>
      tpu.wait_indirect_dma semaphore(%arg27 : memref<!tpu.dma_semaphore, #tpu.memory_space<semaphore_mem>>) src(%dma_wait3A_592 : memref<10000x128xf32, #tpu.memory_space<hbm>>) dst(%arg7 : memref<80x128xf32, #tpu.memory_space<vmem>>)
      %dma_start3A_593 = arith.constant 0 : i32
      %dma_start3A_594 = arith.constant 0 : i32
      %dma_start3A_595 = tpu.memref_slice %arg6[%dma_start3A_593, %dma_start3A_594] : memref<10000x128xf32, #tpu.memory_space<vmem_shared>> -> memref<10000x128xf32, #tpu.memory_space<vmem_shared>>
      tpu.enqueue_indirect_dma source(%arg7 : memref<80x128xf32, #tpu.memory_space<vmem>>) target(%dma_start3A_595 : memref<10000x128xf32, #tpu.memory_space<vmem_shared>>) offsets(%arg19 : memref<80xi32, #tpu.memory_space<vmem>>) semaphore(%arg31 : memref<!tpu.dma_semaphore, #tpu.memory_space<semaphore_mem>>) {add = true}
      %dma_wait3A_596 = arith.constant 0 : i32
      %dma_wait3A_597 = arith.constant 0 : i32
      %dma_wait3A_598 = tpu.memref_slice %arg6[%dma_wait3A_596, %dma_wait3A_597] : memref<10000x128xf32, #tpu.memory_space<vmem_shared>> -> memref<10000x128xf32, #tpu.memory_space<vmem_shared>>
      tpu.wait_indirect_dma semaphore(%arg34 : memref<!tpu.dma_semaphore, #tpu.memory_space<semaphore_mem>>) src(%arg7 : memref<80x128xf32, #tpu.memory_space<vmem>>) dst(%dma_wait3A_598 : memref<10000x128xf32, #tpu.memory_space<vmem_shared>>)
      %add3A_599 = arith.constant 7 : i32
      %add3A_600 = arith.addi %add3A_378, %add3A_599 : i32
      %add3A_601 = arith.constant 4 : i32
      %add3A_602 = arith.addi %add3A_600, %add3A_601 : i32
      %mul3A_603 = arith.constant 80 : i32
      %mul3A_604 = arith.muli %add3A_602, %mul3A_603 : i32
      %add3A_605 = arith.addi %mul3A_2, %mul3A_604 : i32
      %dma_start3A_606 = tpu.memref_slice %arg3[%add3A_605] : memref<320000xi32, #tpu.memory_space<hbm>> -> memref<80xi32, #tpu.memory_space<hbm>>
      %dma_start3A_607 = tpu.memref_slice %arg3[%add3A_605] : memref<320000xi32, #tpu.memory_space<hbm>> -> memref<80xi32, #tpu.memory_space<hbm>>
      tpu.enqueue_dma source(%dma_start3A_607 : memref<80xi32, #tpu.memory_space<hbm>>) target(%arg18 : memref<80xi32, #tpu.memory_space<vmem>>) target_semaphore(%arg42 : memref<!tpu.dma_semaphore, #tpu.memory_space<semaphore_mem>>)
      %dma_start3A_608 = tpu.memref_slice %arg4[%add3A_605] : memref<320000xi32, #tpu.memory_space<hbm>> -> memref<80xi32, #tpu.memory_space<hbm>>
      %dma_start3A_609 = tpu.memref_slice %arg4[%add3A_605] : memref<320000xi32, #tpu.memory_space<hbm>> -> memref<80xi32, #tpu.memory_space<hbm>>
      tpu.enqueue_dma source(%dma_start3A_609 : memref<80xi32, #tpu.memory_space<hbm>>) target(%arg26 : memref<80xi32, #tpu.memory_space<vmem>>) target_semaphore(%arg42 : memref<!tpu.dma_semaphore, #tpu.memory_space<semaphore_mem>>)
      %dma_wait3A_610 = arith.constant 0 : i32
      %dma_wait3A_611 = tpu.memref_slice %arg3[%dma_wait3A_610] : memref<320000xi32, #tpu.memory_space<hbm>> -> memref<80xi32, #tpu.memory_space<hbm>>
      %dma_wait3A_612 = arith.constant 0 : i32
      %dma_wait3A_613 = tpu.memref_slice %arg3[%dma_wait3A_612] : memref<320000xi32, #tpu.memory_space<hbm>> -> memref<80xi32, #tpu.memory_space<hbm>>
      tpu.wait_dma2 semaphore(%arg38 : memref<!tpu.dma_semaphore, #tpu.memory_space<semaphore_mem>>) src(%dma_wait3A_613 : memref<80xi32, #tpu.memory_space<hbm>>) dst(%arg14 : memref<80xi32, #tpu.memory_space<vmem>>)
      %dma_wait3A_614 = arith.constant 0 : i32
      %dma_wait3A_615 = tpu.memref_slice %arg4[%dma_wait3A_614] : memref<320000xi32, #tpu.memory_space<hbm>> -> memref<80xi32, #tpu.memory_space<hbm>>
      %dma_wait3A_616 = arith.constant 0 : i32
      %dma_wait3A_617 = tpu.memref_slice %arg4[%dma_wait3A_616] : memref<320000xi32, #tpu.memory_space<hbm>> -> memref<80xi32, #tpu.memory_space<hbm>>
      tpu.wait_dma2 semaphore(%arg38 : memref<!tpu.dma_semaphore, #tpu.memory_space<semaphore_mem>>) src(%dma_wait3A_617 : memref<80xi32, #tpu.memory_space<hbm>>) dst(%arg22 : memref<80xi32, #tpu.memory_space<vmem>>)
      %dma_start3A_618 = arith.constant 0 : i32
      %dma_start3A_619 = arith.constant 0 : i32
      %dma_start3A_620 = tpu.memref_slice %arg2[%dma_start3A_618, %dma_start3A_619] : memref<10000x128xf32, #tpu.memory_space<hbm>> -> memref<10000x128xf32, #tpu.memory_space<hbm>>
      tpu.enqueue_indirect_dma source(%dma_start3A_620 : memref<10000x128xf32, #tpu.memory_space<hbm>>) target(%arg10 : memref<80x128xf32, #tpu.memory_space<vmem>>) offsets(%arg14 : memref<80xi32, #tpu.memory_space<vmem>>) semaphore(%arg30 : memref<!tpu.dma_semaphore, #tpu.memory_space<semaphore_mem>>)
      %dma_wait3A_621 = arith.constant 0 : i32
      %dma_wait3A_622 = arith.constant 0 : i32
      %dma_wait3A_623 = tpu.memref_slice %arg2[%dma_wait3A_621, %dma_wait3A_622] : memref<10000x128xf32, #tpu.memory_space<hbm>> -> memref<10000x128xf32, #tpu.memory_space<hbm>>
      tpu.wait_indirect_dma semaphore(%arg28 : memref<!tpu.dma_semaphore, #tpu.memory_space<semaphore_mem>>) src(%dma_wait3A_623 : memref<10000x128xf32, #tpu.memory_space<hbm>>) dst(%arg8 : memref<80x128xf32, #tpu.memory_space<vmem>>)
      %dma_start3A_624 = arith.constant 0 : i32
      %dma_start3A_625 = arith.constant 0 : i32
      %dma_start3A_626 = tpu.memref_slice %arg6[%dma_start3A_624, %dma_start3A_625] : memref<10000x128xf32, #tpu.memory_space<vmem_shared>> -> memref<10000x128xf32, #tpu.memory_space<vmem_shared>>
      tpu.enqueue_indirect_dma source(%arg8 : memref<80x128xf32, #tpu.memory_space<vmem>>) target(%dma_start3A_626 : memref<10000x128xf32, #tpu.memory_space<vmem_shared>>) offsets(%arg20 : memref<80xi32, #tpu.memory_space<vmem>>) semaphore(%arg32 : memref<!tpu.dma_semaphore, #tpu.memory_space<semaphore_mem>>) {add = true}
    }
    %scan3A_124 = arith.constant 14 : i32
    %dma_wait3A_125 = arith.constant 0 : i32
    %dma_wait3A_126 = arith.constant 0 : i32
    %dma_wait3A_127 = tpu.memref_slice %arg6[%dma_wait3A_125, %dma_wait3A_126] : memref<10000x128xf32, #tpu.memory_space<vmem_shared>> -> memref<10000x128xf32, #tpu.memory_space<vmem_shared>>
    tpu.wait_indirect_dma semaphore(%arg31 : memref<!tpu.dma_semaphore, #tpu.memory_space<semaphore_mem>>) src(%arg7 : memref<80x128xf32, #tpu.memory_space<vmem>>) dst(%dma_wait3A_127 : memref<10000x128xf32, #tpu.memory_space<vmem_shared>>)
    %add3A_128 = arith.constant 9600 : i32
    %add3A_129 = arith.addi %mul3A_2, %add3A_128 : i32
    %dma_start3A_130 = tpu.memref_slice %arg3[%add3A_129] : memref<320000xi32, #tpu.memory_space<hbm>> -> memref<80xi32, #tpu.memory_space<hbm>>
    %dma_start3A_131 = tpu.memref_slice %arg3[%add3A_129] : memref<320000xi32, #tpu.memory_space<hbm>> -> memref<80xi32, #tpu.memory_space<hbm>>
    tpu.enqueue_dma source(%dma_start3A_131 : memref<80xi32, #tpu.memory_space<hbm>>) target(%arg11 : memref<80xi32, #tpu.memory_space<vmem>>) target_semaphore(%arg35 : memref<!tpu.dma_semaphore, #tpu.memory_space<semaphore_mem>>)
    %dma_start3A_132 = tpu.memref_slice %arg4[%add3A_129] : memref<320000xi32, #tpu.memory_space<hbm>> -> memref<80xi32, #tpu.memory_space<hbm>>
    %dma_start3A_133 = tpu.memref_slice %arg4[%add3A_129] : memref<320000xi32, #tpu.memory_space<hbm>> -> memref<80xi32, #tpu.memory_space<hbm>>
    tpu.enqueue_dma source(%dma_start3A_133 : memref<80xi32, #tpu.memory_space<hbm>>) target(%arg19 : memref<80xi32, #tpu.memory_space<vmem>>) target_semaphore(%arg35 : memref<!tpu.dma_semaphore, #tpu.memory_space<semaphore_mem>>)
    %dma_wait3A_134 = arith.constant 0 : i32
    %dma_wait3A_135 = tpu.memref_slice %arg3[%dma_wait3A_134] : memref<320000xi32, #tpu.memory_space<hbm>> -> memref<80xi32, #tpu.memory_space<hbm>>
    %dma_wait3A_136 = arith.constant 0 : i32
    %dma_wait3A_137 = tpu.memref_slice %arg3[%dma_wait3A_136] : memref<320000xi32, #tpu.memory_space<hbm>> -> memref<80xi32, #tpu.memory_space<hbm>>
    tpu.wait_dma2 semaphore(%arg39 : memref<!tpu.dma_semaphore, #tpu.memory_space<semaphore_mem>>) src(%dma_wait3A_137 : memref<80xi32, #tpu.memory_space<hbm>>) dst(%arg15 : memref<80xi32, #tpu.memory_space<vmem>>)
    %dma_wait3A_138 = arith.constant 0 : i32
    %dma_wait3A_139 = tpu.memref_slice %arg4[%dma_wait3A_138] : memref<320000xi32, #tpu.memory_space<hbm>> -> memref<80xi32, #tpu.memory_space<hbm>>
    %dma_wait3A_140 = arith.constant 0 : i32
    %dma_wait3A_141 = tpu.memref_slice %arg4[%dma_wait3A_140] : memref<320000xi32, #tpu.memory_space<hbm>> -> memref<80xi32, #tpu.memory_space<hbm>>
    tpu.wait_dma2 semaphore(%arg39 : memref<!tpu.dma_semaphore, #tpu.memory_space<semaphore_mem>>) src(%dma_wait3A_141 : memref<80xi32, #tpu.memory_space<hbm>>) dst(%arg23 : memref<80xi32, #tpu.memory_space<vmem>>)
    %dma_start3A_142 = arith.constant 0 : i32
    %dma_start3A_143 = arith.constant 0 : i32
    %dma_start3A_144 = tpu.memref_slice %arg2[%dma_start3A_142, %dma_start3A_143] : memref<10000x128xf32, #tpu.memory_space<hbm>> -> memref<10000x128xf32, #tpu.memory_space<hbm>>
    tpu.enqueue_indirect_dma source(%dma_start3A_144 : memref<10000x128xf32, #tpu.memory_space<hbm>>) target(%arg7 : memref<80x128xf32, #tpu.memory_space<vmem>>) offsets(%arg15 : memref<80xi32, #tpu.memory_space<vmem>>) semaphore(%arg27 : memref<!tpu.dma_semaphore, #tpu.memory_space<semaphore_mem>>)
    %dma_wait3A_145 = arith.constant 0 : i32
    %dma_wait3A_146 = arith.constant 0 : i32
    %dma_wait3A_147 = tpu.memref_slice %arg2[%dma_wait3A_145, %dma_wait3A_146] : memref<10000x128xf32, #tpu.memory_space<hbm>> -> memref<10000x128xf32, #tpu.memory_space<hbm>>
    tpu.wait_indirect_dma semaphore(%arg29 : memref<!tpu.dma_semaphore, #tpu.memory_space<semaphore_mem>>) src(%dma_wait3A_147 : memref<10000x128xf32, #tpu.memory_space<hbm>>) dst(%arg9 : memref<80x128xf32, #tpu.memory_space<vmem>>)
    %dma_start3A_148 = arith.constant 0 : i32
    %dma_start3A_149 = arith.constant 0 : i32
    %dma_start3A_150 = tpu.memref_slice %arg6[%dma_start3A_148, %dma_start3A_149] : memref<10000x128xf32, #tpu.memory_space<vmem_shared>> -> memref<10000x128xf32, #tpu.memory_space<vmem_shared>>
    tpu.enqueue_indirect_dma source(%arg9 : memref<80x128xf32, #tpu.memory_space<vmem>>) target(%dma_start3A_150 : memref<10000x128xf32, #tpu.memory_space<vmem_shared>>) offsets(%arg21 : memref<80xi32, #tpu.memory_space<vmem>>) semaphore(%arg33 : memref<!tpu.dma_semaphore, #tpu.memory_space<semaphore_mem>>) {add = true}
    %dma_wait3A_151 = arith.constant 0 : i32
    %dma_wait3A_152 = arith.constant 0 : i32
    %dma_wait3A_153 = tpu.memref_slice %arg6[%dma_wait3A_151, %dma_wait3A_152] : memref<10000x128xf32, #tpu.memory_space<vmem_shared>> -> memref<10000x128xf32, #tpu.memory_space<vmem_shared>>
    tpu.wait_indirect_dma semaphore(%arg32 : memref<!tpu.dma_semaphore, #tpu.memory_space<semaphore_mem>>) src(%arg7 : memref<80x128xf32, #tpu.memory_space<vmem>>) dst(%dma_wait3A_153 : memref<10000x128xf32, #tpu.memory_space<vmem_shared>>)
    %add3A_154 = arith.constant 9680 : i32
    %add3A_155 = arith.addi %mul3A_2, %add3A_154 : i32
    %dma_start3A_156 = tpu.memref_slice %arg3[%add3A_155] : memref<320000xi32, #tpu.memory_space<hbm>> -> memref<80xi32, #tpu.memory_space<hbm>>
    %dma_start3A_157 = tpu.memref_slice %arg3[%add3A_155] : memref<320000xi32, #tpu.memory_space<hbm>> -> memref<80xi32, #tpu.memory_space<hbm>>
    tpu.enqueue_dma source(%dma_start3A_157 : memref<80xi32, #tpu.memory_space<hbm>>) target(%arg12 : memref<80xi32, #tpu.memory_space<vmem>>) target_semaphore(%arg36 : memref<!tpu.dma_semaphore, #tpu.memory_space<semaphore_mem>>)
    %dma_start3A_158 = tpu.memref_slice %arg4[%add3A_155] : memref<320000xi32, #tpu.memory_space<hbm>> -> memref<80xi32, #tpu.memory_space<hbm>>
    %dma_start3A_159 = tpu.memref_slice %arg4[%add3A_155] : memref<320000xi32, #tpu.memory_space<hbm>> -> memref<80xi32, #tpu.memory_space<hbm>>
    tpu.enqueue_dma source(%dma_start3A_159 : memref<80xi32, #tpu.memory_space<hbm>>) target(%arg20 : memref<80xi32, #tpu.memory_space<vmem>>) target_semaphore(%arg36 : memref<!tpu.dma_semaphore, #tpu.memory_space<semaphore_mem>>)
    %dma_wait3A_160 = arith.constant 0 : i32
    %dma_wait3A_161 = tpu.memref_slice %arg3[%dma_wait3A_160] : memref<320000xi32, #tpu.memory_space<hbm>> -> memref<80xi32, #tpu.memory_space<hbm>>
    %dma_wait3A_162 = arith.constant 0 : i32
    %dma_wait3A_163 = tpu.memref_slice %arg3[%dma_wait3A_162] : memref<320000xi32, #tpu.memory_space<hbm>> -> memref<80xi32, #tpu.memory_space<hbm>>
    tpu.wait_dma2 semaphore(%arg40 : memref<!tpu.dma_semaphore, #tpu.memory_space<semaphore_mem>>) src(%dma_wait3A_163 : memref<80xi32, #tpu.memory_space<hbm>>) dst(%arg16 : memref<80xi32, #tpu.memory_space<vmem>>)
    %dma_wait3A_164 = arith.constant 0 : i32
    %dma_wait3A_165 = tpu.memref_slice %arg4[%dma_wait3A_164] : memref<320000xi32, #tpu.memory_space<hbm>> -> memref<80xi32, #tpu.memory_space<hbm>>
    %dma_wait3A_166 = arith.constant 0 : i32
    %dma_wait3A_167 = tpu.memref_slice %arg4[%dma_wait3A_166] : memref<320000xi32, #tpu.memory_space<hbm>> -> memref<80xi32, #tpu.memory_space<hbm>>
    tpu.wait_dma2 semaphore(%arg40 : memref<!tpu.dma_semaphore, #tpu.memory_space<semaphore_mem>>) src(%dma_wait3A_167 : memref<80xi32, #tpu.memory_space<hbm>>) dst(%arg24 : memref<80xi32, #tpu.memory_space<vmem>>)
    %dma_start3A_168 = arith.constant 0 : i32
    %dma_start3A_169 = arith.constant 0 : i32
    %dma_start3A_170 = tpu.memref_slice %arg2[%dma_start3A_168, %dma_start3A_169] : memref<10000x128xf32, #tpu.memory_space<hbm>> -> memref<10000x128xf32, #tpu.memory_space<hbm>>
    tpu.enqueue_indirect_dma source(%dma_start3A_170 : memref<10000x128xf32, #tpu.memory_space<hbm>>) target(%arg8 : memref<80x128xf32, #tpu.memory_space<vmem>>) offsets(%arg16 : memref<80xi32, #tpu.memory_space<vmem>>) semaphore(%arg28 : memref<!tpu.dma_semaphore, #tpu.memory_space<semaphore_mem>>)
    %dma_wait3A_171 = arith.constant 0 : i32
    %dma_wait3A_172 = arith.constant 0 : i32
    %dma_wait3A_173 = tpu.memref_slice %arg2[%dma_wait3A_171, %dma_wait3A_172] : memref<10000x128xf32, #tpu.memory_space<hbm>> -> memref<10000x128xf32, #tpu.memory_space<hbm>>
    tpu.wait_indirect_dma semaphore(%arg30 : memref<!tpu.dma_semaphore, #tpu.memory_space<semaphore_mem>>) src(%dma_wait3A_173 : memref<10000x128xf32, #tpu.memory_space<hbm>>) dst(%arg10 : memref<80x128xf32, #tpu.memory_space<vmem>>)
    %dma_start3A_174 = arith.constant 0 : i32
    %dma_start3A_175 = arith.constant 0 : i32
    %dma_start3A_176 = tpu.memref_slice %arg6[%dma_start3A_174, %dma_start3A_175] : memref<10000x128xf32, #tpu.memory_space<vmem_shared>> -> memref<10000x128xf32, #tpu.memory_space<vmem_shared>>
    tpu.enqueue_indirect_dma source(%arg10 : memref<80x128xf32, #tpu.memory_space<vmem>>) target(%dma_start3A_176 : memref<10000x128xf32, #tpu.memory_space<vmem_shared>>) offsets(%arg22 : memref<80xi32, #tpu.memory_space<vmem>>) semaphore(%arg34 : memref<!tpu.dma_semaphore, #tpu.memory_space<semaphore_mem>>) {add = true}
    %dma_wait3A_177 = arith.constant 0 : i32
    %dma_wait3A_178 = arith.constant 0 : i32
    %dma_wait3A_179 = tpu.memref_slice %arg6[%dma_wait3A_177, %dma_wait3A_178] : memref<10000x128xf32, #tpu.memory_space<vmem_shared>> -> memref<10000x128xf32, #tpu.memory_space<vmem_shared>>
    tpu.wait_indirect_dma semaphore(%arg33 : memref<!tpu.dma_semaphore, #tpu.memory_space<semaphore_mem>>) src(%arg7 : memref<80x128xf32, #tpu.memory_space<vmem>>) dst(%dma_wait3A_179 : memref<10000x128xf32, #tpu.memory_space<vmem_shared>>)
    %add3A_180 = arith.constant 9760 : i32
    %add3A_181 = arith.addi %mul3A_2, %add3A_180 : i32
    %dma_start3A_182 = tpu.memref_slice %arg3[%add3A_181] : memref<320000xi32, #tpu.memory_space<hbm>> -> memref<80xi32, #tpu.memory_space<hbm>>
    %dma_start3A_183 = tpu.memref_slice %arg3[%add3A_181] : memref<320000xi32, #tpu.memory_space<hbm>> -> memref<80xi32, #tpu.memory_space<hbm>>
    tpu.enqueue_dma source(%dma_start3A_183 : memref<80xi32, #tpu.memory_space<hbm>>) target(%arg13 : memref<80xi32, #tpu.memory_space<vmem>>) target_semaphore(%arg37 : memref<!tpu.dma_semaphore, #tpu.memory_space<semaphore_mem>>)
    %dma_start3A_184 = tpu.memref_slice %arg4[%add3A_181] : memref<320000xi32, #tpu.memory_space<hbm>> -> memref<80xi32, #tpu.memory_space<hbm>>
    %dma_start3A_185 = tpu.memref_slice %arg4[%add3A_181] : memref<320000xi32, #tpu.memory_space<hbm>> -> memref<80xi32, #tpu.memory_space<hbm>>
    tpu.enqueue_dma source(%dma_start3A_185 : memref<80xi32, #tpu.memory_space<hbm>>) target(%arg21 : memref<80xi32, #tpu.memory_space<vmem>>) target_semaphore(%arg37 : memref<!tpu.dma_semaphore, #tpu.memory_space<semaphore_mem>>)
    %dma_wait3A_186 = arith.constant 0 : i32
    %dma_wait3A_187 = tpu.memref_slice %arg3[%dma_wait3A_186] : memref<320000xi32, #tpu.memory_space<hbm>> -> memref<80xi32, #tpu.memory_space<hbm>>
    %dma_wait3A_188 = arith.constant 0 : i32
    %dma_wait3A_189 = tpu.memref_slice %arg3[%dma_wait3A_188] : memref<320000xi32, #tpu.memory_space<hbm>> -> memref<80xi32, #tpu.memory_space<hbm>>
    tpu.wait_dma2 semaphore(%arg41 : memref<!tpu.dma_semaphore, #tpu.memory_space<semaphore_mem>>) src(%dma_wait3A_189 : memref<80xi32, #tpu.memory_space<hbm>>) dst(%arg17 : memref<80xi32, #tpu.memory_space<vmem>>)
    %dma_wait3A_190 = arith.constant 0 : i32
    %dma_wait3A_191 = tpu.memref_slice %arg4[%dma_wait3A_190] : memref<320000xi32, #tpu.memory_space<hbm>> -> memref<80xi32, #tpu.memory_space<hbm>>
    %dma_wait3A_192 = arith.constant 0 : i32
    %dma_wait3A_193 = tpu.memref_slice %arg4[%dma_wait3A_192] : memref<320000xi32, #tpu.memory_space<hbm>> -> memref<80xi32, #tpu.memory_space<hbm>>
    tpu.wait_dma2 semaphore(%arg41 : memref<!tpu.dma_semaphore, #tpu.memory_space<semaphore_mem>>) src(%dma_wait3A_193 : memref<80xi32, #tpu.memory_space<hbm>>) dst(%arg25 : memref<80xi32, #tpu.memory_space<vmem>>)
    %dma_start3A_194 = arith.constant 0 : i32
    %dma_start3A_195 = arith.constant 0 : i32
    %dma_start3A_196 = tpu.memref_slice %arg2[%dma_start3A_194, %dma_start3A_195] : memref<10000x128xf32, #tpu.memory_space<hbm>> -> memref<10000x128xf32, #tpu.memory_space<hbm>>
    tpu.enqueue_indirect_dma source(%dma_start3A_196 : memref<10000x128xf32, #tpu.memory_space<hbm>>) target(%arg9 : memref<80x128xf32, #tpu.memory_space<vmem>>) offsets(%arg17 : memref<80xi32, #tpu.memory_space<vmem>>) semaphore(%arg29 : memref<!tpu.dma_semaphore, #tpu.memory_space<semaphore_mem>>)
    %dma_wait3A_197 = arith.constant 0 : i32
    %dma_wait3A_198 = arith.constant 0 : i32
    %dma_wait3A_199 = tpu.memref_slice %arg2[%dma_wait3A_197, %dma_wait3A_198] : memref<10000x128xf32, #tpu.memory_space<hbm>> -> memref<10000x128xf32, #tpu.memory_space<hbm>>
    tpu.wait_indirect_dma semaphore(%arg27 : memref<!tpu.dma_semaphore, #tpu.memory_space<semaphore_mem>>) src(%dma_wait3A_199 : memref<10000x128xf32, #tpu.memory_space<hbm>>) dst(%arg7 : memref<80x128xf32, #tpu.memory_space<vmem>>)
    %dma_start3A_200 = arith.constant 0 : i32
    %dma_start3A_201 = arith.constant 0 : i32
    %dma_start3A_202 = tpu.memref_slice %arg6[%dma_start3A_200, %dma_start3A_201] : memref<10000x128xf32, #tpu.memory_space<vmem_shared>> -> memref<10000x128xf32, #tpu.memory_space<vmem_shared>>
    tpu.enqueue_indirect_dma source(%arg7 : memref<80x128xf32, #tpu.memory_space<vmem>>) target(%dma_start3A_202 : memref<10000x128xf32, #tpu.memory_space<vmem_shared>>) offsets(%arg23 : memref<80xi32, #tpu.memory_space<vmem>>) semaphore(%arg31 : memref<!tpu.dma_semaphore, #tpu.memory_space<semaphore_mem>>) {add = true}
    %dma_wait3A_203 = arith.constant 0 : i32
    %dma_wait3A_204 = arith.constant 0 : i32
    %dma_wait3A_205 = tpu.memref_slice %arg6[%dma_wait3A_203, %dma_wait3A_204] : memref<10000x128xf32, #tpu.memory_space<vmem_shared>> -> memref<10000x128xf32, #tpu.memory_space<vmem_shared>>
    tpu.wait_indirect_dma semaphore(%arg34 : memref<!tpu.dma_semaphore, #tpu.memory_space<semaphore_mem>>) src(%arg7 : memref<80x128xf32, #tpu.memory_space<vmem>>) dst(%dma_wait3A_205 : memref<10000x128xf32, #tpu.memory_space<vmem_shared>>)
    %add3A_206 = arith.constant 9840 : i32
    %add3A_207 = arith.addi %mul3A_2, %add3A_206 : i32
    %dma_start3A_208 = tpu.memref_slice %arg3[%add3A_207] : memref<320000xi32, #tpu.memory_space<hbm>> -> memref<80xi32, #tpu.memory_space<hbm>>
    %dma_start3A_209 = tpu.memref_slice %arg3[%add3A_207] : memref<320000xi32, #tpu.memory_space<hbm>> -> memref<80xi32, #tpu.memory_space<hbm>>
    tpu.enqueue_dma source(%dma_start3A_209 : memref<80xi32, #tpu.memory_space<hbm>>) target(%arg14 : memref<80xi32, #tpu.memory_space<vmem>>) target_semaphore(%arg38 : memref<!tpu.dma_semaphore, #tpu.memory_space<semaphore_mem>>)
    %dma_start3A_210 = tpu.memref_slice %arg4[%add3A_207] : memref<320000xi32, #tpu.memory_space<hbm>> -> memref<80xi32, #tpu.memory_space<hbm>>
    %dma_start3A_211 = tpu.memref_slice %arg4[%add3A_207] : memref<320000xi32, #tpu.memory_space<hbm>> -> memref<80xi32, #tpu.memory_space<hbm>>
    tpu.enqueue_dma source(%dma_start3A_211 : memref<80xi32, #tpu.memory_space<hbm>>) target(%arg22 : memref<80xi32, #tpu.memory_space<vmem>>) target_semaphore(%arg38 : memref<!tpu.dma_semaphore, #tpu.memory_space<semaphore_mem>>)
    %dma_wait3A_212 = arith.constant 0 : i32
    %dma_wait3A_213 = tpu.memref_slice %arg3[%dma_wait3A_212] : memref<320000xi32, #tpu.memory_space<hbm>> -> memref<80xi32, #tpu.memory_space<hbm>>
    %dma_wait3A_214 = arith.constant 0 : i32
    %dma_wait3A_215 = tpu.memref_slice %arg3[%dma_wait3A_214] : memref<320000xi32, #tpu.memory_space<hbm>> -> memref<80xi32, #tpu.memory_space<hbm>>
    tpu.wait_dma2 semaphore(%arg42 : memref<!tpu.dma_semaphore, #tpu.memory_space<semaphore_mem>>) src(%dma_wait3A_215 : memref<80xi32, #tpu.memory_space<hbm>>) dst(%arg18 : memref<80xi32, #tpu.memory_space<vmem>>)
    %dma_wait3A_216 = arith.constant 0 : i32
    %dma_wait3A_217 = tpu.memref_slice %arg4[%dma_wait3A_216] : memref<320000xi32, #tpu.memory_space<hbm>> -> memref<80xi32, #tpu.memory_space<hbm>>
    %dma_wait3A_218 = arith.constant 0 : i32
    %dma_wait3A_219 = tpu.memref_slice %arg4[%dma_wait3A_218] : memref<320000xi32, #tpu.memory_space<hbm>> -> memref<80xi32, #tpu.memory_space<hbm>>
    tpu.wait_dma2 semaphore(%arg42 : memref<!tpu.dma_semaphore, #tpu.memory_space<semaphore_mem>>) src(%dma_wait3A_219 : memref<80xi32, #tpu.memory_space<hbm>>) dst(%arg26 : memref<80xi32, #tpu.memory_space<vmem>>)
    %dma_start3A_220 = arith.constant 0 : i32
    %dma_start3A_221 = arith.constant 0 : i32
    %dma_start3A_222 = tpu.memref_slice %arg2[%dma_start3A_220, %dma_start3A_221] : memref<10000x128xf32, #tpu.memory_space<hbm>> -> memref<10000x128xf32, #tpu.memory_space<hbm>>
    tpu.enqueue_indirect_dma source(%dma_start3A_222 : memref<10000x128xf32, #tpu.memory_space<hbm>>) target(%arg10 : memref<80x128xf32, #tpu.memory_space<vmem>>) offsets(%arg18 : memref<80xi32, #tpu.memory_space<vmem>>) semaphore(%arg30 : memref<!tpu.dma_semaphore, #tpu.memory_space<semaphore_mem>>)
    %dma_wait3A_223 = arith.constant 0 : i32
    %dma_wait3A_224 = arith.constant 0 : i32
    %dma_wait3A_225 = tpu.memref_slice %arg2[%dma_wait3A_223, %dma_wait3A_224] : memref<10000x128xf32, #tpu.memory_space<hbm>> -> memref<10000x128xf32, #tpu.memory_space<hbm>>
    tpu.wait_indirect_dma semaphore(%arg28 : memref<!tpu.dma_semaphore, #tpu.memory_space<semaphore_mem>>) src(%dma_wait3A_225 : memref<10000x128xf32, #tpu.memory_space<hbm>>) dst(%arg8 : memref<80x128xf32, #tpu.memory_space<vmem>>)
    %dma_start3A_226 = arith.constant 0 : i32
    %dma_start3A_227 = arith.constant 0 : i32
    %dma_start3A_228 = tpu.memref_slice %arg6[%dma_start3A_226, %dma_start3A_227] : memref<10000x128xf32, #tpu.memory_space<vmem_shared>> -> memref<10000x128xf32, #tpu.memory_space<vmem_shared>>
    tpu.enqueue_indirect_dma source(%arg8 : memref<80x128xf32, #tpu.memory_space<vmem>>) target(%dma_start3A_228 : memref<10000x128xf32, #tpu.memory_space<vmem_shared>>) offsets(%arg24 : memref<80xi32, #tpu.memory_space<vmem>>) semaphore(%arg32 : memref<!tpu.dma_semaphore, #tpu.memory_space<semaphore_mem>>) {add = true}
    %dma_wait3A_229 = arith.constant 0 : i32
    %dma_wait3A_230 = arith.constant 0 : i32
    %dma_wait3A_231 = tpu.memref_slice %arg6[%dma_wait3A_229, %dma_wait3A_230] : memref<10000x128xf32, #tpu.memory_space<vmem_shared>> -> memref<10000x128xf32, #tpu.memory_space<vmem_shared>>
    tpu.wait_indirect_dma semaphore(%arg31 : memref<!tpu.dma_semaphore, #tpu.memory_space<semaphore_mem>>) src(%arg7 : memref<80x128xf32, #tpu.memory_space<vmem>>) dst(%dma_wait3A_231 : memref<10000x128xf32, #tpu.memory_space<vmem_shared>>)
    %add3A_232 = arith.constant 9920 : i32
    %add3A_233 = arith.addi %mul3A_2, %add3A_232 : i32
    %dma_start3A_234 = tpu.memref_slice %arg3[%add3A_233] : memref<320000xi32, #tpu.memory_space<hbm>> -> memref<80xi32, #tpu.memory_space<hbm>>
    %dma_start3A_235 = tpu.memref_slice %arg3[%add3A_233] : memref<320000xi32, #tpu.memory_space<hbm>> -> memref<80xi32, #tpu.memory_space<hbm>>
    tpu.enqueue_dma source(%dma_start3A_235 : memref<80xi32, #tpu.memory_space<hbm>>) target(%arg15 : memref<80xi32, #tpu.memory_space<vmem>>) target_semaphore(%arg39 : memref<!tpu.dma_semaphore, #tpu.memory_space<semaphore_mem>>)
    %dma_start3A_236 = tpu.memref_slice %arg4[%add3A_233] : memref<320000xi32, #tpu.memory_space<hbm>> -> memref<80xi32, #tpu.memory_space<hbm>>
    %dma_start3A_237 = tpu.memref_slice %arg4[%add3A_233] : memref<320000xi32, #tpu.memory_space<hbm>> -> memref<80xi32, #tpu.memory_space<hbm>>
    tpu.enqueue_dma source(%dma_start3A_237 : memref<80xi32, #tpu.memory_space<hbm>>) target(%arg23 : memref<80xi32, #tpu.memory_space<vmem>>) target_semaphore(%arg39 : memref<!tpu.dma_semaphore, #tpu.memory_space<semaphore_mem>>)
    %dma_wait3A_238 = arith.constant 0 : i32
    %dma_wait3A_239 = tpu.memref_slice %arg3[%dma_wait3A_238] : memref<320000xi32, #tpu.memory_space<hbm>> -> memref<80xi32, #tpu.memory_space<hbm>>
    %dma_wait3A_240 = arith.constant 0 : i32
    %dma_wait3A_241 = tpu.memref_slice %arg3[%dma_wait3A_240] : memref<320000xi32, #tpu.memory_space<hbm>> -> memref<80xi32, #tpu.memory_space<hbm>>
    tpu.wait_dma2 semaphore(%arg35 : memref<!tpu.dma_semaphore, #tpu.memory_space<semaphore_mem>>) src(%dma_wait3A_241 : memref<80xi32, #tpu.memory_space<hbm>>) dst(%arg11 : memref<80xi32, #tpu.memory_space<vmem>>)
    %dma_wait3A_242 = arith.constant 0 : i32
    %dma_wait3A_243 = tpu.memref_slice %arg4[%dma_wait3A_242] : memref<320000xi32, #tpu.memory_space<hbm>> -> memref<80xi32, #tpu.memory_space<hbm>>
    %dma_wait3A_244 = arith.constant 0 : i32
    %dma_wait3A_245 = tpu.memref_slice %arg4[%dma_wait3A_244] : memref<320000xi32, #tpu.memory_space<hbm>> -> memref<80xi32, #tpu.memory_space<hbm>>
    tpu.wait_dma2 semaphore(%arg35 : memref<!tpu.dma_semaphore, #tpu.memory_space<semaphore_mem>>) src(%dma_wait3A_245 : memref<80xi32, #tpu.memory_space<hbm>>) dst(%arg19 : memref<80xi32, #tpu.memory_space<vmem>>)
    %dma_start3A_246 = arith.constant 0 : i32
    %dma_start3A_247 = arith.constant 0 : i32
    %dma_start3A_248 = tpu.memref_slice %arg2[%dma_start3A_246, %dma_start3A_247] : memref<10000x128xf32, #tpu.memory_space<hbm>> -> memref<10000x128xf32, #tpu.memory_space<hbm>>
    tpu.enqueue_indirect_dma source(%dma_start3A_248 : memref<10000x128xf32, #tpu.memory_space<hbm>>) target(%arg7 : memref<80x128xf32, #tpu.memory_space<vmem>>) offsets(%arg11 : memref<80xi32, #tpu.memory_space<vmem>>) semaphore(%arg27 : memref<!tpu.dma_semaphore, #tpu.memory_space<semaphore_mem>>)
    %dma_wait3A_249 = arith.constant 0 : i32
    %dma_wait3A_250 = arith.constant 0 : i32
    %dma_wait3A_251 = tpu.memref_slice %arg2[%dma_wait3A_249, %dma_wait3A_250] : memref<10000x128xf32, #tpu.memory_space<hbm>> -> memref<10000x128xf32, #tpu.memory_space<hbm>>
    tpu.wait_indirect_dma semaphore(%arg29 : memref<!tpu.dma_semaphore, #tpu.memory_space<semaphore_mem>>) src(%dma_wait3A_251 : memref<10000x128xf32, #tpu.memory_space<hbm>>) dst(%arg9 : memref<80x128xf32, #tpu.memory_space<vmem>>)
    %dma_start3A_252 = arith.constant 0 : i32
    %dma_start3A_253 = arith.constant 0 : i32
    %dma_start3A_254 = tpu.memref_slice %arg6[%dma_start3A_252, %dma_start3A_253] : memref<10000x128xf32, #tpu.memory_space<vmem_shared>> -> memref<10000x128xf32, #tpu.memory_space<vmem_shared>>
    tpu.enqueue_indirect_dma source(%arg9 : memref<80x128xf32, #tpu.memory_space<vmem>>) target(%dma_start3A_254 : memref<10000x128xf32, #tpu.memory_space<vmem_shared>>) offsets(%arg25 : memref<80xi32, #tpu.memory_space<vmem>>) semaphore(%arg33 : memref<!tpu.dma_semaphore, #tpu.memory_space<semaphore_mem>>) {add = true}
    %dma_wait3A_255 = arith.constant 0 : i32
    %dma_wait3A_256 = arith.constant 0 : i32
    %dma_wait3A_257 = tpu.memref_slice %arg6[%dma_wait3A_255, %dma_wait3A_256] : memref<10000x128xf32, #tpu.memory_space<vmem_shared>> -> memref<10000x128xf32, #tpu.memory_space<vmem_shared>>
    tpu.wait_indirect_dma semaphore(%arg32 : memref<!tpu.dma_semaphore, #tpu.memory_space<semaphore_mem>>) src(%arg7 : memref<80x128xf32, #tpu.memory_space<vmem>>) dst(%dma_wait3A_257 : memref<10000x128xf32, #tpu.memory_space<vmem_shared>>)
    %dma_wait3A_258 = arith.constant 0 : i32
    %dma_wait3A_259 = tpu.memref_slice %arg3[%dma_wait3A_258] : memref<320000xi32, #tpu.memory_space<hbm>> -> memref<80xi32, #tpu.memory_space<hbm>>
    %dma_wait3A_260 = arith.constant 0 : i32
    %dma_wait3A_261 = tpu.memref_slice %arg3[%dma_wait3A_260] : memref<320000xi32, #tpu.memory_space<hbm>> -> memref<80xi32, #tpu.memory_space<hbm>>
    tpu.wait_dma2 semaphore(%arg36 : memref<!tpu.dma_semaphore, #tpu.memory_space<semaphore_mem>>) src(%dma_wait3A_261 : memref<80xi32, #tpu.memory_space<hbm>>) dst(%arg12 : memref<80xi32, #tpu.memory_space<vmem>>)
    %dma_wait3A_262 = arith.constant 0 : i32
    %dma_wait3A_263 = tpu.memref_slice %arg4[%dma_wait3A_262] : memref<320000xi32, #tpu.memory_space<hbm>> -> memref<80xi32, #tpu.memory_space<hbm>>
    %dma_wait3A_264 = arith.constant 0 : i32
    %dma_wait3A_265 = tpu.memref_slice %arg4[%dma_wait3A_264] : memref<320000xi32, #tpu.memory_space<hbm>> -> memref<80xi32, #tpu.memory_space<hbm>>
    tpu.wait_dma2 semaphore(%arg36 : memref<!tpu.dma_semaphore, #tpu.memory_space<semaphore_mem>>) src(%dma_wait3A_265 : memref<80xi32, #tpu.memory_space<hbm>>) dst(%arg20 : memref<80xi32, #tpu.memory_space<vmem>>)
    %dma_start3A_266 = arith.constant 0 : i32
    %dma_start3A_267 = arith.constant 0 : i32
    %dma_start3A_268 = tpu.memref_slice %arg2[%dma_start3A_266, %dma_start3A_267] : memref<10000x128xf32, #tpu.memory_space<hbm>> -> memref<10000x128xf32, #tpu.memory_space<hbm>>
    tpu.enqueue_indirect_dma source(%dma_start3A_268 : memref<10000x128xf32, #tpu.memory_space<hbm>>) target(%arg8 : memref<80x128xf32, #tpu.memory_space<vmem>>) offsets(%arg12 : memref<80xi32, #tpu.memory_space<vmem>>) semaphore(%arg28 : memref<!tpu.dma_semaphore, #tpu.memory_space<semaphore_mem>>)
    %dma_wait3A_269 = arith.constant 0 : i32
    %dma_wait3A_270 = arith.constant 0 : i32
    %dma_wait3A_271 = tpu.memref_slice %arg2[%dma_wait3A_269, %dma_wait3A_270] : memref<10000x128xf32, #tpu.memory_space<hbm>> -> memref<10000x128xf32, #tpu.memory_space<hbm>>
    tpu.wait_indirect_dma semaphore(%arg30 : memref<!tpu.dma_semaphore, #tpu.memory_space<semaphore_mem>>) src(%dma_wait3A_271 : memref<10000x128xf32, #tpu.memory_space<hbm>>) dst(%arg10 : memref<80x128xf32, #tpu.memory_space<vmem>>)
    %dma_start3A_272 = arith.constant 0 : i32
    %dma_start3A_273 = arith.constant 0 : i32
    %dma_start3A_274 = tpu.memref_slice %arg6[%dma_start3A_272, %dma_start3A_273] : memref<10000x128xf32, #tpu.memory_space<vmem_shared>> -> memref<10000x128xf32, #tpu.memory_space<vmem_shared>>
    tpu.enqueue_indirect_dma source(%arg10 : memref<80x128xf32, #tpu.memory_space<vmem>>) target(%dma_start3A_274 : memref<10000x128xf32, #tpu.memory_space<vmem_shared>>) offsets(%arg26 : memref<80xi32, #tpu.memory_space<vmem>>) semaphore(%arg34 : memref<!tpu.dma_semaphore, #tpu.memory_space<semaphore_mem>>) {add = true}
    %dma_wait3A_275 = arith.constant 0 : i32
    %dma_wait3A_276 = arith.constant 0 : i32
    %dma_wait3A_277 = tpu.memref_slice %arg6[%dma_wait3A_275, %dma_wait3A_276] : memref<10000x128xf32, #tpu.memory_space<vmem_shared>> -> memref<10000x128xf32, #tpu.memory_space<vmem_shared>>
    tpu.wait_indirect_dma semaphore(%arg33 : memref<!tpu.dma_semaphore, #tpu.memory_space<semaphore_mem>>) src(%arg7 : memref<80x128xf32, #tpu.memory_space<vmem>>) dst(%dma_wait3A_277 : memref<10000x128xf32, #tpu.memory_space<vmem_shared>>)
    %dma_wait3A_278 = arith.constant 0 : i32
    %dma_wait3A_279 = tpu.memref_slice %arg3[%dma_wait3A_278] : memref<320000xi32, #tpu.memory_space<hbm>> -> memref<80xi32, #tpu.memory_space<hbm>>
    %dma_wait3A_280 = arith.constant 0 : i32
    %dma_wait3A_281 = tpu.memref_slice %arg3[%dma_wait3A_280] : memref<320000xi32, #tpu.memory_space<hbm>> -> memref<80xi32, #tpu.memory_space<hbm>>
    tpu.wait_dma2 semaphore(%arg37 : memref<!tpu.dma_semaphore, #tpu.memory_space<semaphore_mem>>) src(%dma_wait3A_281 : memref<80xi32, #tpu.memory_space<hbm>>) dst(%arg13 : memref<80xi32, #tpu.memory_space<vmem>>)
    %dma_wait3A_282 = arith.constant 0 : i32
    %dma_wait3A_283 = tpu.memref_slice %arg4[%dma_wait3A_282] : memref<320000xi32, #tpu.memory_space<hbm>> -> memref<80xi32, #tpu.memory_space<hbm>>
    %dma_wait3A_284 = arith.constant 0 : i32
    %dma_wait3A_285 = tpu.memref_slice %arg4[%dma_wait3A_284] : memref<320000xi32, #tpu.memory_space<hbm>> -> memref<80xi32, #tpu.memory_space<hbm>>
    tpu.wait_dma2 semaphore(%arg37 : memref<!tpu.dma_semaphore, #tpu.memory_space<semaphore_mem>>) src(%dma_wait3A_285 : memref<80xi32, #tpu.memory_space<hbm>>) dst(%arg21 : memref<80xi32, #tpu.memory_space<vmem>>)
    %dma_start3A_286 = arith.constant 0 : i32
    %dma_start3A_287 = arith.constant 0 : i32
    %dma_start3A_288 = tpu.memref_slice %arg2[%dma_start3A_286, %dma_start3A_287] : memref<10000x128xf32, #tpu.memory_space<hbm>> -> memref<10000x128xf32, #tpu.memory_space<hbm>>
    tpu.enqueue_indirect_dma source(%dma_start3A_288 : memref<10000x128xf32, #tpu.memory_space<hbm>>) target(%arg9 : memref<80x128xf32, #tpu.memory_space<vmem>>) offsets(%arg13 : memref<80xi32, #tpu.memory_space<vmem>>) semaphore(%arg29 : memref<!tpu.dma_semaphore, #tpu.memory_space<semaphore_mem>>)
    %dma_wait3A_289 = arith.constant 0 : i32
    %dma_wait3A_290 = arith.constant 0 : i32
    %dma_wait3A_291 = tpu.memref_slice %arg2[%dma_wait3A_289, %dma_wait3A_290] : memref<10000x128xf32, #tpu.memory_space<hbm>> -> memref<10000x128xf32, #tpu.memory_space<hbm>>
    tpu.wait_indirect_dma semaphore(%arg27 : memref<!tpu.dma_semaphore, #tpu.memory_space<semaphore_mem>>) src(%dma_wait3A_291 : memref<10000x128xf32, #tpu.memory_space<hbm>>) dst(%arg7 : memref<80x128xf32, #tpu.memory_space<vmem>>)
    %dma_start3A_292 = arith.constant 0 : i32
    %dma_start3A_293 = arith.constant 0 : i32
    %dma_start3A_294 = tpu.memref_slice %arg6[%dma_start3A_292, %dma_start3A_293] : memref<10000x128xf32, #tpu.memory_space<vmem_shared>> -> memref<10000x128xf32, #tpu.memory_space<vmem_shared>>
    tpu.enqueue_indirect_dma source(%arg7 : memref<80x128xf32, #tpu.memory_space<vmem>>) target(%dma_start3A_294 : memref<10000x128xf32, #tpu.memory_space<vmem_shared>>) offsets(%arg19 : memref<80xi32, #tpu.memory_space<vmem>>) semaphore(%arg31 : memref<!tpu.dma_semaphore, #tpu.memory_space<semaphore_mem>>) {add = true}
    %dma_wait3A_295 = arith.constant 0 : i32
    %dma_wait3A_296 = arith.constant 0 : i32
    %dma_wait3A_297 = tpu.memref_slice %arg6[%dma_wait3A_295, %dma_wait3A_296] : memref<10000x128xf32, #tpu.memory_space<vmem_shared>> -> memref<10000x128xf32, #tpu.memory_space<vmem_shared>>
    tpu.wait_indirect_dma semaphore(%arg34 : memref<!tpu.dma_semaphore, #tpu.memory_space<semaphore_mem>>) src(%arg7 : memref<80x128xf32, #tpu.memory_space<vmem>>) dst(%dma_wait3A_297 : memref<10000x128xf32, #tpu.memory_space<vmem_shared>>)
    %dma_wait3A_298 = arith.constant 0 : i32
    %dma_wait3A_299 = tpu.memref_slice %arg3[%dma_wait3A_298] : memref<320000xi32, #tpu.memory_space<hbm>> -> memref<80xi32, #tpu.memory_space<hbm>>
    %dma_wait3A_300 = arith.constant 0 : i32
    %dma_wait3A_301 = tpu.memref_slice %arg3[%dma_wait3A_300] : memref<320000xi32, #tpu.memory_space<hbm>> -> memref<80xi32, #tpu.memory_space<hbm>>
    tpu.wait_dma2 semaphore(%arg38 : memref<!tpu.dma_semaphore, #tpu.memory_space<semaphore_mem>>) src(%dma_wait3A_301 : memref<80xi32, #tpu.memory_space<hbm>>) dst(%arg14 : memref<80xi32, #tpu.memory_space<vmem>>)
    %dma_wait3A_302 = arith.constant 0 : i32
    %dma_wait3A_303 = tpu.memref_slice %arg4[%dma_wait3A_302] : memref<320000xi32, #tpu.memory_space<hbm>> -> memref<80xi32, #tpu.memory_space<hbm>>
    %dma_wait3A_304 = arith.constant 0 : i32
    %dma_wait3A_305 = tpu.memref_slice %arg4[%dma_wait3A_304] : memref<320000xi32, #tpu.memory_space<hbm>> -> memref<80xi32, #tpu.memory_space<hbm>>
    tpu.wait_dma2 semaphore(%arg38 : memref<!tpu.dma_semaphore, #tpu.memory_space<semaphore_mem>>) src(%dma_wait3A_305 : memref<80xi32, #tpu.memory_space<hbm>>) dst(%arg22 : memref<80xi32, #tpu.memory_space<vmem>>)
    %dma_start3A_306 = arith.constant 0 : i32
    %dma_start3A_307 = arith.constant 0 : i32
    %dma_start3A_308 = tpu.memref_slice %arg2[%dma_start3A_306, %dma_start3A_307] : memref<10000x128xf32, #tpu.memory_space<hbm>> -> memref<10000x128xf32, #tpu.memory_space<hbm>>
    tpu.enqueue_indirect_dma source(%dma_start3A_308 : memref<10000x128xf32, #tpu.memory_space<hbm>>) target(%arg10 : memref<80x128xf32, #tpu.memory_space<vmem>>) offsets(%arg14 : memref<80xi32, #tpu.memory_space<vmem>>) semaphore(%arg30 : memref<!tpu.dma_semaphore, #tpu.memory_space<semaphore_mem>>)
    %dma_wait3A_309 = arith.constant 0 : i32
    %dma_wait3A_310 = arith.constant 0 : i32
    %dma_wait3A_311 = tpu.memref_slice %arg2[%dma_wait3A_309, %dma_wait3A_310] : memref<10000x128xf32, #tpu.memory_space<hbm>> -> memref<10000x128xf32, #tpu.memory_space<hbm>>
    tpu.wait_indirect_dma semaphore(%arg28 : memref<!tpu.dma_semaphore, #tpu.memory_space<semaphore_mem>>) src(%dma_wait3A_311 : memref<10000x128xf32, #tpu.memory_space<hbm>>) dst(%arg8 : memref<80x128xf32, #tpu.memory_space<vmem>>)
    %dma_start3A_312 = arith.constant 0 : i32
    %dma_start3A_313 = arith.constant 0 : i32
    %dma_start3A_314 = tpu.memref_slice %arg6[%dma_start3A_312, %dma_start3A_313] : memref<10000x128xf32, #tpu.memory_space<vmem_shared>> -> memref<10000x128xf32, #tpu.memory_space<vmem_shared>>
    tpu.enqueue_indirect_dma source(%arg8 : memref<80x128xf32, #tpu.memory_space<vmem>>) target(%dma_start3A_314 : memref<10000x128xf32, #tpu.memory_space<vmem_shared>>) offsets(%arg20 : memref<80xi32, #tpu.memory_space<vmem>>) semaphore(%arg32 : memref<!tpu.dma_semaphore, #tpu.memory_space<semaphore_mem>>) {add = true}
    %dma_wait3A_315 = arith.constant 0 : i32
    %dma_wait3A_316 = arith.constant 0 : i32
    %dma_wait3A_317 = tpu.memref_slice %arg6[%dma_wait3A_315, %dma_wait3A_316] : memref<10000x128xf32, #tpu.memory_space<vmem_shared>> -> memref<10000x128xf32, #tpu.memory_space<vmem_shared>>
    tpu.wait_indirect_dma semaphore(%arg31 : memref<!tpu.dma_semaphore, #tpu.memory_space<semaphore_mem>>) src(%arg7 : memref<80x128xf32, #tpu.memory_space<vmem>>) dst(%dma_wait3A_317 : memref<10000x128xf32, #tpu.memory_space<vmem_shared>>)
    %dma_wait3A_318 = arith.constant 0 : i32
    %dma_wait3A_319 = tpu.memref_slice %arg3[%dma_wait3A_318] : memref<320000xi32, #tpu.memory_space<hbm>> -> memref<80xi32, #tpu.memory_space<hbm>>
    %dma_wait3A_320 = arith.constant 0 : i32
    %dma_wait3A_321 = tpu.memref_slice %arg3[%dma_wait3A_320] : memref<320000xi32, #tpu.memory_space<hbm>> -> memref<80xi32, #tpu.memory_space<hbm>>
    tpu.wait_dma2 semaphore(%arg39 : memref<!tpu.dma_semaphore, #tpu.memory_space<semaphore_mem>>) src(%dma_wait3A_321 : memref<80xi32, #tpu.memory_space<hbm>>) dst(%arg15 : memref<80xi32, #tpu.memory_space<vmem>>)
    %dma_wait3A_322 = arith.constant 0 : i32
    %dma_wait3A_323 = tpu.memref_slice %arg4[%dma_wait3A_322] : memref<320000xi32, #tpu.memory_space<hbm>> -> memref<80xi32, #tpu.memory_space<hbm>>
    %dma_wait3A_324 = arith.constant 0 : i32
    %dma_wait3A_325 = tpu.memref_slice %arg4[%dma_wait3A_324] : memref<320000xi32, #tpu.memory_space<hbm>> -> memref<80xi32, #tpu.memory_space<hbm>>
    tpu.wait_dma2 semaphore(%arg39 : memref<!tpu.dma_semaphore, #tpu.memory_space<semaphore_mem>>) src(%dma_wait3A_325 : memref<80xi32, #tpu.memory_space<hbm>>) dst(%arg23 : memref<80xi32, #tpu.memory_space<vmem>>)
    %dma_start3A_326 = arith.constant 0 : i32
    %dma_start3A_327 = arith.constant 0 : i32
    %dma_start3A_328 = tpu.memref_slice %arg2[%dma_start3A_326, %dma_start3A_327] : memref<10000x128xf32, #tpu.memory_space<hbm>> -> memref<10000x128xf32, #tpu.memory_space<hbm>>
    tpu.enqueue_indirect_dma source(%dma_start3A_328 : memref<10000x128xf32, #tpu.memory_space<hbm>>) target(%arg7 : memref<80x128xf32, #tpu.memory_space<vmem>>) offsets(%arg15 : memref<80xi32, #tpu.memory_space<vmem>>) semaphore(%arg27 : memref<!tpu.dma_semaphore, #tpu.memory_space<semaphore_mem>>)
    %dma_wait3A_329 = arith.constant 0 : i32
    %dma_wait3A_330 = arith.constant 0 : i32
    %dma_wait3A_331 = tpu.memref_slice %arg2[%dma_wait3A_329, %dma_wait3A_330] : memref<10000x128xf32, #tpu.memory_space<hbm>> -> memref<10000x128xf32, #tpu.memory_space<hbm>>
    tpu.wait_indirect_dma semaphore(%arg29 : memref<!tpu.dma_semaphore, #tpu.memory_space<semaphore_mem>>) src(%dma_wait3A_331 : memref<10000x128xf32, #tpu.memory_space<hbm>>) dst(%arg9 : memref<80x128xf32, #tpu.memory_space<vmem>>)
    %dma_start3A_332 = arith.constant 0 : i32
    %dma_start3A_333 = arith.constant 0 : i32
    %dma_start3A_334 = tpu.memref_slice %arg6[%dma_start3A_332, %dma_start3A_333] : memref<10000x128xf32, #tpu.memory_space<vmem_shared>> -> memref<10000x128xf32, #tpu.memory_space<vmem_shared>>
    tpu.enqueue_indirect_dma source(%arg9 : memref<80x128xf32, #tpu.memory_space<vmem>>) target(%dma_start3A_334 : memref<10000x128xf32, #tpu.memory_space<vmem_shared>>) offsets(%arg21 : memref<80xi32, #tpu.memory_space<vmem>>) semaphore(%arg33 : memref<!tpu.dma_semaphore, #tpu.memory_space<semaphore_mem>>) {add = true}
    %dma_wait3A_335 = arith.constant 0 : i32
    %dma_wait3A_336 = arith.constant 0 : i32
    %dma_wait3A_337 = tpu.memref_slice %arg2[%dma_wait3A_335, %dma_wait3A_336] : memref<10000x128xf32, #tpu.memory_space<hbm>> -> memref<10000x128xf32, #tpu.memory_space<hbm>>
    tpu.wait_indirect_dma semaphore(%arg30 : memref<!tpu.dma_semaphore, #tpu.memory_space<semaphore_mem>>) src(%dma_wait3A_337 : memref<10000x128xf32, #tpu.memory_space<hbm>>) dst(%arg10 : memref<80x128xf32, #tpu.memory_space<vmem>>)
    %dma_start3A_338 = arith.constant 0 : i32
    %dma_start3A_339 = arith.constant 0 : i32
    %dma_start3A_340 = tpu.memref_slice %arg6[%dma_start3A_338, %dma_start3A_339] : memref<10000x128xf32, #tpu.memory_space<vmem_shared>> -> memref<10000x128xf32, #tpu.memory_space<vmem_shared>>
    tpu.enqueue_indirect_dma source(%arg10 : memref<80x128xf32, #tpu.memory_space<vmem>>) target(%dma_start3A_340 : memref<10000x128xf32, #tpu.memory_space<vmem_shared>>) offsets(%arg22 : memref<80xi32, #tpu.memory_space<vmem>>) semaphore(%arg34 : memref<!tpu.dma_semaphore, #tpu.memory_space<semaphore_mem>>) {add = true}
    %dma_wait3A_341 = arith.constant 0 : i32
    %dma_wait3A_342 = arith.constant 0 : i32
    %dma_wait3A_343 = tpu.memref_slice %arg2[%dma_wait3A_341, %dma_wait3A_342] : memref<10000x128xf32, #tpu.memory_space<hbm>> -> memref<10000x128xf32, #tpu.memory_space<hbm>>
    tpu.wait_indirect_dma semaphore(%arg27 : memref<!tpu.dma_semaphore, #tpu.memory_space<semaphore_mem>>) src(%dma_wait3A_343 : memref<10000x128xf32, #tpu.memory_space<hbm>>) dst(%arg7 : memref<80x128xf32, #tpu.memory_space<vmem>>)
    %dma_start3A_344 = arith.constant 0 : i32
    %dma_start3A_345 = arith.constant 0 : i32
    %dma_start3A_346 = tpu.memref_slice %arg6[%dma_start3A_344, %dma_start3A_345] : memref<10000x128xf32, #tpu.memory_space<vmem_shared>> -> memref<10000x128xf32, #tpu.memory_space<vmem_shared>>
    tpu.enqueue_indirect_dma source(%arg7 : memref<80x128xf32, #tpu.memory_space<vmem>>) target(%dma_start3A_346 : memref<10000x128xf32, #tpu.memory_space<vmem_shared>>) offsets(%arg23 : memref<80xi32, #tpu.memory_space<vmem>>) semaphore(%arg31 : memref<!tpu.dma_semaphore, #tpu.memory_space<semaphore_mem>>) {add = true}
    %dma_wait3A_347 = arith.constant 0 : i32
    %dma_wait3A_348 = arith.constant 0 : i32
    %dma_wait3A_349 = tpu.memref_slice %arg6[%dma_wait3A_347, %dma_wait3A_348] : memref<10000x128xf32, #tpu.memory_space<vmem_shared>> -> memref<10000x128xf32, #tpu.memory_space<vmem_shared>>
    tpu.wait_indirect_dma semaphore(%arg31 : memref<!tpu.dma_semaphore, #tpu.memory_space<semaphore_mem>>) src(%arg7 : memref<80x128xf32, #tpu.memory_space<vmem>>) dst(%dma_wait3A_349 : memref<10000x128xf32, #tpu.memory_space<vmem_shared>>)
    %dma_wait3A_350 = arith.constant 0 : i32
    %dma_wait3A_351 = arith.constant 0 : i32
    %dma_wait3A_352 = tpu.memref_slice %arg6[%dma_wait3A_350, %dma_wait3A_351] : memref<10000x128xf32, #tpu.memory_space<vmem_shared>> -> memref<10000x128xf32, #tpu.memory_space<vmem_shared>>
    tpu.wait_indirect_dma semaphore(%arg32 : memref<!tpu.dma_semaphore, #tpu.memory_space<semaphore_mem>>) src(%arg7 : memref<80x128xf32, #tpu.memory_space<vmem>>) dst(%dma_wait3A_352 : memref<10000x128xf32, #tpu.memory_space<vmem_shared>>)
    %dma_wait3A_353 = arith.constant 0 : i32
    %dma_wait3A_354 = arith.constant 0 : i32
    %dma_wait3A_355 = tpu.memref_slice %arg6[%dma_wait3A_353, %dma_wait3A_354] : memref<10000x128xf32, #tpu.memory_space<vmem_shared>> -> memref<10000x128xf32, #tpu.memory_space<vmem_shared>>
    tpu.wait_indirect_dma semaphore(%arg33 : memref<!tpu.dma_semaphore, #tpu.memory_space<semaphore_mem>>) src(%arg7 : memref<80x128xf32, #tpu.memory_space<vmem>>) dst(%dma_wait3A_355 : memref<10000x128xf32, #tpu.memory_space<vmem_shared>>)
    %dma_wait3A_356 = arith.constant 0 : i32
    %dma_wait3A_357 = arith.constant 0 : i32
    %dma_wait3A_358 = tpu.memref_slice %arg6[%dma_wait3A_356, %dma_wait3A_357] : memref<10000x128xf32, #tpu.memory_space<vmem_shared>> -> memref<10000x128xf32, #tpu.memory_space<vmem_shared>>
    tpu.wait_indirect_dma semaphore(%arg34 : memref<!tpu.dma_semaphore, #tpu.memory_space<semaphore_mem>>) src(%arg7 : memref<80x128xf32, #tpu.memory_space<vmem>>) dst(%dma_wait3A_358 : memref<10000x128xf32, #tpu.memory_space<vmem_shared>>)
    %barrier3A_359 = arith.constant 0 : index
    tpu.barrier barrier_id(%barrier3A_359)
    %lt3A_360 = arith.constant 15 : i32
    %lt3A_361 = arith.cmpi slt, %arg1, %lt3A_360 : i32
    %convert_element_type3A_362 = arith.extui %lt3A_361 : i1 to i32
    %cond3A_363 = arith.constant 0 : i32
    %cond3A_364 = arith.cmpi ne, %convert_element_type3A_362, %cond3A_363 : i32
    scf.if %cond3A_364 {
      %mul3A_370 = arith.constant 632 : i32
      %mul3A_371 = arith.muli %arg1, %mul3A_370 : i32
      %mul3A_372 = arith.constant 632 : i32
      %mul3A_373 = arith.muli %arg1, %mul3A_372 : i32
      "tpu.region"() ({
        %run_scoped3A = tpu.sem_alloc : memref<!tpu.dma_semaphore, #tpu.memory_space<semaphore_mem>>
        %dma_start3A_374 = arith.constant 0 : i32
        %dma_start3A_375 = tpu.memref_slice %arg5[%arg0, %mul3A_373, %dma_start3A_374] : memref<2x10000x128xf32, #tpu.memory_space<hbm>> -> memref<1x632x128xf32, #tpu.memory_space<hbm>>
        %dma_start3A_376 = tpu.memref_squeeze %dma_start3A_375 : memref<1x632x128xf32, #tpu.memory_space<hbm>> -> memref<632x128xf32, #tpu.memory_space<hbm>>
        %dma_start3A_377 = arith.constant 0 : i32
        %dma_start3A_378 = tpu.memref_slice %arg6[%mul3A_371, %dma_start3A_377] : memref<10000x128xf32, #tpu.memory_space<vmem_shared>> -> memref<632x128xf32, #tpu.memory_space<vmem_shared>>
        tpu.enqueue_dma source(%dma_start3A_378 : memref<632x128xf32, #tpu.memory_space<vmem_shared>>) target(%dma_start3A_376 : memref<632x128xf32, #tpu.memory_space<hbm>>) target_semaphore(%run_scoped3A : memref<!tpu.dma_semaphore, #tpu.memory_space<semaphore_mem>>)
        %dma_wait3A_379 = arith.constant 0 : i32
        %dma_wait3A_380 = tpu.memref_slice %arg5[%arg0, %mul3A_373, %dma_wait3A_379] : memref<2x10000x128xf32, #tpu.memory_space<hbm>> -> memref<1x632x128xf32, #tpu.memory_space<hbm>>
        %dma_wait3A_381 = tpu.memref_squeeze %dma_wait3A_380 : memref<1x632x128xf32, #tpu.memory_space<hbm>> -> memref<632x128xf32, #tpu.memory_space<hbm>>
        %dma_wait3A_382 = arith.constant 0 : i32
        %dma_wait3A_383 = tpu.memref_slice %arg6[%mul3A_371, %dma_wait3A_382] : memref<10000x128xf32, #tpu.memory_space<vmem_shared>> -> memref<632x128xf32, #tpu.memory_space<vmem_shared>>
        tpu.wait_dma2 semaphore(%run_scoped3A : memref<!tpu.dma_semaphore, #tpu.memory_space<semaphore_mem>>) src(%dma_wait3A_383 : memref<632x128xf32, #tpu.memory_space<vmem_shared>>) dst(%dma_wait3A_381 : memref<632x128xf32, #tpu.memory_space<hbm>>)
        tpu.yield
      }) : () -> ()
    } else {
    }
    %eq3A_365 = arith.constant 15 : i32
    %eq3A_366 = arith.cmpi eq, %arg1, %eq3A_365 : i32
    %convert_element_type3A_367 = arith.extui %eq3A_366 : i1 to i32
    %cond3A_368 = arith.constant 0 : i32
    %cond3A_369 = arith.cmpi ne, %convert_element_type3A_367, %cond3A_368 : i32
    scf.if %cond3A_369 {
      "tpu.region"() ({
        %run_scoped3A = tpu.sem_alloc : memref<!tpu.dma_semaphore, #tpu.memory_space<semaphore_mem>>
        %dma_start3A_370 = arith.constant 9480 : i32
        %dma_start3A_371 = arith.constant 0 : i32
        %dma_start3A_372 = tpu.memref_slice %arg5[%arg0, %dma_start3A_370, %dma_start3A_371] : memref<2x10000x128xf32, #tpu.memory_space<hbm>> -> memref<1x520x128xf32, #tpu.memory_space<hbm>>
        %dma_start3A_373 = tpu.memref_squeeze %dma_start3A_372 : memref<1x520x128xf32, #tpu.memory_space<hbm>> -> memref<520x128xf32, #tpu.memory_space<hbm>>
        %dma_start3A_374 = arith.constant 9480 : i32
        %dma_start3A_375 = arith.constant 0 : i32
        %dma_start3A_376 = tpu.memref_slice %arg6[%dma_start3A_374, %dma_start3A_375] : memref<10000x128xf32, #tpu.memory_space<vmem_shared>> -> memref<520x128xf32, #tpu.memory_space<vmem_shared>>
        tpu.enqueue_dma source(%dma_start3A_376 : memref<520x128xf32, #tpu.memory_space<vmem_shared>>) target(%dma_start3A_373 : memref<520x128xf32, #tpu.memory_space<hbm>>) target_semaphore(%run_scoped3A : memref<!tpu.dma_semaphore, #tpu.memory_space<semaphore_mem>>)
        %dma_wait3A_377 = arith.constant 9480 : i32
        %dma_wait3A_378 = arith.constant 0 : i32
        %dma_wait3A_379 = tpu.memref_slice %arg5[%arg0, %dma_wait3A_377, %dma_wait3A_378] : memref<2x10000x128xf32, #tpu.memory_space<hbm>> -> memref<1x520x128xf32, #tpu.memory_space<hbm>>
        %dma_wait3A_380 = tpu.memref_squeeze %dma_wait3A_379 : memref<1x520x128xf32, #tpu.memory_space<hbm>> -> memref<520x128xf32, #tpu.memory_space<hbm>>
        %dma_wait3A_381 = arith.constant 9480 : i32
        %dma_wait3A_382 = arith.constant 0 : i32
        %dma_wait3A_383 = tpu.memref_slice %arg6[%dma_wait3A_381, %dma_wait3A_382] : memref<10000x128xf32, #tpu.memory_space<vmem_shared>> -> memref<520x128xf32, #tpu.memory_space<vmem_shared>>
        tpu.wait_dma2 semaphore(%run_scoped3A : memref<!tpu.dma_semaphore, #tpu.memory_space<semaphore_mem>>) src(%dma_wait3A_383 : memref<520x128xf32, #tpu.memory_space<vmem_shared>>) dst(%dma_wait3A_380 : memref<520x128xf32, #tpu.memory_space<hbm>>)
        tpu.yield
      }) : () -> ()
    } else {
    }
    return
  }
}

#map = affine_map<(d0, d1) -> (0, 0, 0)>
module attributes {stable_mosaic.version = 14 : i64} {
  func.func @k(%arg0: i32, %arg1: i32, %arg2: memref<32x125x80xi32, #tpu.memory_space<hbm>>, %arg3: memref<2x10000x16xf32, #tpu.memory_space<hbm>>, %arg4: memref<10000x16xf32, #tpu.memory_space<vmem_shared>>, %arg5: memref<632x16xf32, #tpu.memory_space<vmem>>, %arg6: memref<80x16xf32, #tpu.memory_space<vmem>>, %arg7: memref<125x80xi32, #tpu.memory_space<vmem>>, %arg8: memref<!tpu.dma_semaphore, #tpu.memory_space<semaphore_mem>>) attributes {dimension_semantics = [#tpu.dimension_semantics<core_parallel>, #tpu.dimension_semantics<subcore_parallel>], iteration_bounds = array<i64: 2, 16>, scalar_prefetch = 0 : i64, scratch_operands = 5 : i64, tpu.core_type = #tpu.core_type<sc_vector_subcore>, window_params = [{transform_indices = #map}, {transform_indices = #map}]} {
    %mul3A = arith.constant 16 : i32
    %mul3A_0 = arith.muli %arg0, %mul3A : i32
    %add3A = arith.addi %mul3A_0, %arg1 : i32
    %scan3A = arith.constant 0 : i32
    %scan3A_1 = arith.constant 632 : i32
    %scan3A_2 = arith.addi %scan3A, %scan3A_1 : i32
    %scan3A_3 = arith.constant 1 : i32
    scf.for %scan3A_87 = %scan3A to %scan3A_2 step %scan3A_3  : i32 {
      %mul3A_88 = arith.constant 1 : i32
      %mul3A_89 = arith.muli %scan3A_87, %mul3A_88 : i32
      %add3A_90 = arith.constant 0 : i32
      %add3A_91 = arith.addi %add3A_90, %mul3A_89 : i32
      %broadcast_in_dim3A = arith.constant 0.000000e+00 : f32
      %broadcast_in_dim3A_92 = vector.broadcast %broadcast_in_dim3A : f32 to vector<16xf32>
      %swap3A = arith.index_cast %add3A_91 : i32 to index
      %swap3A_93 = arith.constant 0 : index
      %swap3A_94 = tpu.vector_load %arg5[%swap3A, %swap3A_93] {strides = array<i32>} : memref<632x16xf32, #tpu.memory_space<vmem>>, vector<1x16xf32>,
      %swap3A_95 = vector.shape_cast %swap3A_94 : vector<1x16xf32> to vector<16xf32>
      %swap3A_96 = vector.shape_cast %broadcast_in_dim3A_92 : vector<16xf32> to vector<1x16xf32>
      tpu.vector_store %arg5[%swap3A, %swap3A_93], %swap3A_96 {strides = array<i32>} : memref<632x16xf32, #tpu.memory_space<vmem>>, vector<1x16xf32>,
    }
    %scan3A_4 = arith.constant 632 : i32
    %scan3A_5 = arith.constant 0 : i32
    %scan3A_6 = arith.constant 80 : i32
    %scan3A_7 = arith.addi %scan3A_5, %scan3A_6 : i32
    %scan3A_8 = arith.constant 1 : i32
    scf.for %scan3A_87 = %scan3A_5 to %scan3A_7 step %scan3A_8  : i32 {
      %mul3A_88 = arith.constant 1 : i32
      %mul3A_89 = arith.muli %scan3A_87, %mul3A_88 : i32
      %add3A_90 = arith.constant 0 : i32
      %add3A_91 = arith.addi %add3A_90, %mul3A_89 : i32
      %broadcast_in_dim3A = arith.constant 1.000000e+00 : f32
      %broadcast_in_dim3A_92 = vector.broadcast %broadcast_in_dim3A : f32 to vector<16xf32>
      %swap3A = arith.index_cast %add3A_91 : i32 to index
      %swap3A_93 = arith.constant 0 : index
      %swap3A_94 = tpu.vector_load %arg6[%swap3A, %swap3A_93] {strides = array<i32>} : memref<80x16xf32, #tpu.memory_space<vmem>>, vector<1x16xf32>,
      %swap3A_95 = vector.shape_cast %swap3A_94 : vector<1x16xf32> to vector<16xf32>
      %swap3A_96 = vector.shape_cast %broadcast_in_dim3A_92 : vector<16xf32> to vector<1x16xf32>
      tpu.vector_store %arg6[%swap3A, %swap3A_93], %swap3A_96 {strides = array<i32>} : memref<80x16xf32, #tpu.memory_space<vmem>>, vector<1x16xf32>,
    }
    %scan3A_9 = arith.constant 80 : i32
    "tpu.region"() ({
      %run_scoped3A = tpu.sem_alloc : memref<!tpu.dma_semaphore, #tpu.memory_space<semaphore_mem>>
      %dma_start3A = arith.constant 0 : i32
      %dma_start3A_87 = arith.constant 0 : i32
      %dma_start3A_88 = tpu.memref_slice %arg2[%add3A, %dma_start3A, %dma_start3A_87] : memref<32x125x80xi32, #tpu.memory_space<hbm>> -> memref<1x125x80xi32, #tpu.memory_space<hbm>>
      %dma_start3A_89 = tpu.memref_squeeze %dma_start3A_88 : memref<1x125x80xi32, #tpu.memory_space<hbm>> -> memref<125x80xi32, #tpu.memory_space<hbm>>
      %dma_start3A_90 = arith.constant 0 : i32
      %dma_start3A_91 = arith.constant 0 : i32
      %dma_start3A_92 = tpu.memref_slice %arg2[%add3A, %dma_start3A_90, %dma_start3A_91] : memref<32x125x80xi32, #tpu.memory_space<hbm>> -> memref<1x125x80xi32, #tpu.memory_space<hbm>>
      %dma_start3A_93 = tpu.memref_squeeze %dma_start3A_92 : memref<1x125x80xi32, #tpu.memory_space<hbm>> -> memref<125x80xi32, #tpu.memory_space<hbm>>
      tpu.enqueue_dma source(%dma_start3A_93 : memref<125x80xi32, #tpu.memory_space<hbm>>) target(%arg7 : memref<125x80xi32, #tpu.memory_space<vmem>>) target_semaphore(%run_scoped3A : memref<!tpu.dma_semaphore, #tpu.memory_space<semaphore_mem>>)
      %dma_wait3A_94 = arith.constant 0 : i32
      %dma_wait3A_95 = arith.constant 0 : i32
      %dma_wait3A_96 = tpu.memref_slice %arg2[%add3A, %dma_wait3A_94, %dma_wait3A_95] : memref<32x125x80xi32, #tpu.memory_space<hbm>> -> memref<1x125x80xi32, #tpu.memory_space<hbm>>
      %dma_wait3A_97 = tpu.memref_squeeze %dma_wait3A_96 : memref<1x125x80xi32, #tpu.memory_space<hbm>> -> memref<125x80xi32, #tpu.memory_space<hbm>>
      %dma_wait3A_98 = arith.constant 0 : i32
      %dma_wait3A_99 = arith.constant 0 : i32
      %dma_wait3A_100 = tpu.memref_slice %arg2[%add3A, %dma_wait3A_98, %dma_wait3A_99] : memref<32x125x80xi32, #tpu.memory_space<hbm>> -> memref<1x125x80xi32, #tpu.memory_space<hbm>>
      %dma_wait3A_101 = tpu.memref_squeeze %dma_wait3A_100 : memref<1x125x80xi32, #tpu.memory_space<hbm>> -> memref<125x80xi32, #tpu.memory_space<hbm>>
      tpu.wait_dma2 semaphore(%run_scoped3A : memref<!tpu.dma_semaphore, #tpu.memory_space<semaphore_mem>>) src(%dma_wait3A_101 : memref<125x80xi32, #tpu.memory_space<hbm>>) dst(%arg7 : memref<125x80xi32, #tpu.memory_space<vmem>>)
      tpu.yield
    }) : () -> ()
    %lt3A = arith.constant 15 : i32
    %lt3A_10 = arith.cmpi slt, %arg1, %lt3A : i32
    %convert_element_type3A = arith.extui %lt3A_10 : i1 to i32
    %cond3A = arith.constant 0 : i32
    %cond3A_11 = arith.cmpi ne, %convert_element_type3A, %cond3A : i32
    scf.if %cond3A_11 {
      %mul3A_87 = arith.constant 632 : i32
      %mul3A_88 = arith.muli %arg1, %mul3A_87 : i32
      "tpu.region"() ({
        %run_scoped3A = tpu.sem_alloc : memref<!tpu.dma_semaphore, #tpu.memory_space<semaphore_mem>>
        %dma_start3A = arith.constant 0 : i32
        %dma_start3A_89 = tpu.memref_slice %arg4[%mul3A_88, %dma_start3A] : memref<10000x16xf32, #tpu.memory_space<vmem_shared>> -> memref<632x16xf32, #tpu.memory_space<vmem_shared>>
        %dma_start3A_90 = arith.constant 0 : i32
        %dma_start3A_91 = tpu.memref_slice %arg4[%mul3A_88, %dma_start3A_90] : memref<10000x16xf32, #tpu.memory_space<vmem_shared>> -> memref<632x16xf32, #tpu.memory_space<vmem_shared>>
        tpu.enqueue_dma source(%arg5 : memref<632x16xf32, #tpu.memory_space<vmem>>) target(%dma_start3A_91 : memref<632x16xf32, #tpu.memory_space<vmem_shared>>) target_semaphore(%run_scoped3A : memref<!tpu.dma_semaphore, #tpu.memory_space<semaphore_mem>>)
        %dma_wait3A_92 = arith.constant 0 : i32
        %dma_wait3A_93 = tpu.memref_slice %arg4[%mul3A_88, %dma_wait3A_92] : memref<10000x16xf32, #tpu.memory_space<vmem_shared>> -> memref<632x16xf32, #tpu.memory_space<vmem_shared>>
        %dma_wait3A_94 = arith.constant 0 : i32
        %dma_wait3A_95 = tpu.memref_slice %arg4[%mul3A_88, %dma_wait3A_94] : memref<10000x16xf32, #tpu.memory_space<vmem_shared>> -> memref<632x16xf32, #tpu.memory_space<vmem_shared>>
        tpu.wait_dma2 semaphore(%run_scoped3A : memref<!tpu.dma_semaphore, #tpu.memory_space<semaphore_mem>>) src(%arg5 : memref<632x16xf32, #tpu.memory_space<vmem>>) dst(%dma_wait3A_95 : memref<632x16xf32, #tpu.memory_space<vmem_shared>>)
        tpu.yield
      }) : () -> ()
    } else {
    }
    %eq3A = arith.constant 15 : i32
    %eq3A_12 = arith.cmpi eq, %arg1, %eq3A : i32
    %convert_element_type3A_13 = arith.extui %eq3A_12 : i1 to i32
    %cond3A_14 = arith.constant 0 : i32
    %cond3A_15 = arith.cmpi ne, %convert_element_type3A_13, %cond3A_14 : i32
    scf.if %cond3A_15 {
      "tpu.region"() ({
        %run_scoped3A = tpu.sem_alloc : memref<!tpu.dma_semaphore, #tpu.memory_space<semaphore_mem>>
        %dma_start3A = arith.constant 0 : i32
        %dma_start3A_87 = arith.constant 0 : i32
        %dma_start3A_88 = tpu.memref_slice %arg5[%dma_start3A, %dma_start3A_87] : memref<632x16xf32, #tpu.memory_space<vmem>> -> memref<520x16xf32, #tpu.memory_space<vmem>>
        %dma_start3A_89 = arith.constant 9480 : i32
        %dma_start3A_90 = arith.constant 0 : i32
        %dma_start3A_91 = tpu.memref_slice %arg4[%dma_start3A_89, %dma_start3A_90] : memref<10000x16xf32, #tpu.memory_space<vmem_shared>> -> memref<520x16xf32, #tpu.memory_space<vmem_shared>>
        %dma_start3A_92 = arith.constant 9480 : i32
        %dma_start3A_93 = arith.constant 0 : i32
        %dma_start3A_94 = tpu.memref_slice %arg4[%dma_start3A_92, %dma_start3A_93] : memref<10000x16xf32, #tpu.memory_space<vmem_shared>> -> memref<520x16xf32, #tpu.memory_space<vmem_shared>>
        %dma_start3A_95 = arith.constant 0 : i32
        %dma_start3A_96 = arith.constant 0 : i32
        %dma_start3A_97 = tpu.memref_slice %arg5[%dma_start3A_95, %dma_start3A_96] : memref<632x16xf32, #tpu.memory_space<vmem>> -> memref<520x16xf32, #tpu.memory_space<vmem>>
        tpu.enqueue_dma source(%dma_start3A_97 : memref<520x16xf32, #tpu.memory_space<vmem>>) target(%dma_start3A_94 : memref<520x16xf32, #tpu.memory_space<vmem_shared>>) target_semaphore(%run_scoped3A : memref<!tpu.dma_semaphore, #tpu.memory_space<semaphore_mem>>)
        %dma_wait3A_98 = arith.constant 0 : i32
        %dma_wait3A_99 = arith.constant 0 : i32
        %dma_wait3A_100 = tpu.memref_slice %arg5[%dma_wait3A_98, %dma_wait3A_99] : memref<632x16xf32, #tpu.memory_space<vmem>> -> memref<520x16xf32, #tpu.memory_space<vmem>>
        %dma_wait3A_101 = arith.constant 9480 : i32
        %dma_wait3A_102 = arith.constant 0 : i32
        %dma_wait3A_103 = tpu.memref_slice %arg4[%dma_wait3A_101, %dma_wait3A_102] : memref<10000x16xf32, #tpu.memory_space<vmem_shared>> -> memref<520x16xf32, #tpu.memory_space<vmem_shared>>
        %dma_wait3A_104 = arith.constant 9480 : i32
        %dma_wait3A_105 = arith.constant 0 : i32
        %dma_wait3A_106 = tpu.memref_slice %arg4[%dma_wait3A_104, %dma_wait3A_105] : memref<10000x16xf32, #tpu.memory_space<vmem_shared>> -> memref<520x16xf32, #tpu.memory_space<vmem_shared>>
        %dma_wait3A_107 = arith.constant 0 : i32
        %dma_wait3A_108 = arith.constant 0 : i32
        %dma_wait3A_109 = tpu.memref_slice %arg5[%dma_wait3A_107, %dma_wait3A_108] : memref<632x16xf32, #tpu.memory_space<vmem>> -> memref<520x16xf32, #tpu.memory_space<vmem>>
        tpu.wait_dma2 semaphore(%run_scoped3A : memref<!tpu.dma_semaphore, #tpu.memory_space<semaphore_mem>>) src(%dma_wait3A_109 : memref<520x16xf32, #tpu.memory_space<vmem>>) dst(%dma_wait3A_106 : memref<520x16xf32, #tpu.memory_space<vmem_shared>>)
        tpu.yield
      }) : () -> ()
    } else {
    }
    %barrier3A = arith.constant 0 : index
    tpu.barrier barrier_id(%barrier3A)
    %scan3A_16 = arith.constant 0 : i32
    %scan3A_17 = arith.constant 125 : i32
    %scan3A_18 = arith.addi %scan3A_16, %scan3A_17 : i32
    %scan3A_19 = arith.constant 1 : i32
    scf.for %scan3A_87 = %scan3A_16 to %scan3A_18 step %scan3A_19  : i32 {
      %mul3A_88 = arith.constant 1 : i32
      %mul3A_89 = arith.muli %scan3A_87, %mul3A_88 : i32
      %add3A_90 = arith.constant 0 : i32
      %add3A_91 = arith.addi %add3A_90, %mul3A_89 : i32
      %ge3A = arith.constant 8 : i32
      %ge3A_92 = arith.cmpi sge, %add3A_91, %ge3A : i32
      %convert_element_type3A_93 = arith.extui %ge3A_92 : i1 to i32
      %cond3A_94 = arith.constant 0 : i32
      %cond3A_95 = arith.cmpi ne, %convert_element_type3A_93, %cond3A_94 : i32
      scf.if %cond3A_95 {
        %dma_wait3A_101 = arith.constant 0 : i32
        %dma_wait3A_102 = arith.constant 0 : i32
        %dma_wait3A_103 = tpu.memref_slice %arg7[%dma_wait3A_101, %dma_wait3A_102] : memref<125x80xi32, #tpu.memory_space<vmem>> -> memref<1x80xi32, #tpu.memory_space<vmem>>
        %dma_wait3A_104 = tpu.memref_squeeze %dma_wait3A_103 : memref<1x80xi32, #tpu.memory_space<vmem>> -> memref<80xi32, #tpu.memory_space<vmem>>
        %dma_wait3A_105 = arith.constant 0 : i32
        %dma_wait3A_106 = arith.constant 0 : i32
        %dma_wait3A_107 = tpu.memref_slice %arg4[%dma_wait3A_105, %dma_wait3A_106] : memref<10000x16xf32, #tpu.memory_space<vmem_shared>> -> memref<10000x16xf32, #tpu.memory_space<vmem_shared>>
        tpu.wait_indirect_dma semaphore(%arg8 : memref<!tpu.dma_semaphore, #tpu.memory_space<semaphore_mem>>) src(%arg6 : memref<80x16xf32, #tpu.memory_space<vmem>>) dst(%dma_wait3A_107 : memref<10000x16xf32, #tpu.memory_space<vmem_shared>>)
      } else {
      }
      %dma_start3A = arith.constant 0 : i32
      %dma_start3A_96 = tpu.memref_slice %arg7[%add3A_91, %dma_start3A] : memref<125x80xi32, #tpu.memory_space<vmem>> -> memref<1x80xi32, #tpu.memory_space<vmem>>
      %dma_start3A_97 = tpu.memref_squeeze %dma_start3A_96 : memref<1x80xi32, #tpu.memory_space<vmem>> -> memref<80xi32, #tpu.memory_space<vmem>>
      %dma_start3A_98 = arith.constant 0 : i32
      %dma_start3A_99 = arith.constant 0 : i32
      %dma_start3A_100 = tpu.memref_slice %arg4[%dma_start3A_98, %dma_start3A_99] : memref<10000x16xf32, #tpu.memory_space<vmem_shared>> -> memref<10000x16xf32, #tpu.memory_space<vmem_shared>>
      tpu.enqueue_indirect_dma source(%arg6 : memref<80x16xf32, #tpu.memory_space<vmem>>) target(%dma_start3A_100 : memref<10000x16xf32, #tpu.memory_space<vmem_shared>>) offsets(%dma_start3A_97 : memref<80xi32, #tpu.memory_space<vmem>>) semaphore(%arg8 : memref<!tpu.dma_semaphore, #tpu.memory_space<semaphore_mem>>) {add = true}
    }
    %scan3A_20 = arith.constant 125 : i32
    %dma_wait3A = arith.constant 0 : i32
    %dma_wait3A_21 = arith.constant 0 : i32
    %dma_wait3A_22 = tpu.memref_slice %arg7[%dma_wait3A, %dma_wait3A_21] : memref<125x80xi32, #tpu.memory_space<vmem>> -> memref<1x80xi32, #tpu.memory_space<vmem>>
    %dma_wait3A_23 = tpu.memref_squeeze %dma_wait3A_22 : memref<1x80xi32, #tpu.memory_space<vmem>> -> memref<80xi32, #tpu.memory_space<vmem>>
    %dma_wait3A_24 = arith.constant 0 : i32
    %dma_wait3A_25 = arith.constant 0 : i32
    %dma_wait3A_26 = tpu.memref_slice %arg4[%dma_wait3A_24, %dma_wait3A_25] : memref<10000x16xf32, #tpu.memory_space<vmem_shared>> -> memref<10000x16xf32, #tpu.memory_space<vmem_shared>>
    tpu.wait_indirect_dma semaphore(%arg8 : memref<!tpu.dma_semaphore, #tpu.memory_space<semaphore_mem>>) src(%arg6 : memref<80x16xf32, #tpu.memory_space<vmem>>) dst(%dma_wait3A_26 : memref<10000x16xf32, #tpu.memory_space<vmem_shared>>)
    %dma_wait3A_27 = arith.constant 0 : i32
    %dma_wait3A_28 = arith.constant 0 : i32
    %dma_wait3A_29 = tpu.memref_slice %arg7[%dma_wait3A_27, %dma_wait3A_28] : memref<125x80xi32, #tpu.memory_space<vmem>> -> memref<1x80xi32, #tpu.memory_space<vmem>>
    %dma_wait3A_30 = tpu.memref_squeeze %dma_wait3A_29 : memref<1x80xi32, #tpu.memory_space<vmem>> -> memref<80xi32, #tpu.memory_space<vmem>>
    %dma_wait3A_31 = arith.constant 0 : i32
    %dma_wait3A_32 = arith.constant 0 : i32
    %dma_wait3A_33 = tpu.memref_slice %arg4[%dma_wait3A_31, %dma_wait3A_32] : memref<10000x16xf32, #tpu.memory_space<vmem_shared>> -> memref<10000x16xf32, #tpu.memory_space<vmem_shared>>
    tpu.wait_indirect_dma semaphore(%arg8 : memref<!tpu.dma_semaphore, #tpu.memory_space<semaphore_mem>>) src(%arg6 : memref<80x16xf32, #tpu.memory_space<vmem>>) dst(%dma_wait3A_33 : memref<10000x16xf32, #tpu.memory_space<vmem_shared>>)
    %dma_wait3A_34 = arith.constant 0 : i32
    %dma_wait3A_35 = arith.constant 0 : i32
    %dma_wait3A_36 = tpu.memref_slice %arg7[%dma_wait3A_34, %dma_wait3A_35] : memref<125x80xi32, #tpu.memory_space<vmem>> -> memref<1x80xi32, #tpu.memory_space<vmem>>
    %dma_wait3A_37 = tpu.memref_squeeze %dma_wait3A_36 : memref<1x80xi32, #tpu.memory_space<vmem>> -> memref<80xi32, #tpu.memory_space<vmem>>
    %dma_wait3A_38 = arith.constant 0 : i32
    %dma_wait3A_39 = arith.constant 0 : i32
    %dma_wait3A_40 = tpu.memref_slice %arg4[%dma_wait3A_38, %dma_wait3A_39] : memref<10000x16xf32, #tpu.memory_space<vmem_shared>> -> memref<10000x16xf32, #tpu.memory_space<vmem_shared>>
    tpu.wait_indirect_dma semaphore(%arg8 : memref<!tpu.dma_semaphore, #tpu.memory_space<semaphore_mem>>) src(%arg6 : memref<80x16xf32, #tpu.memory_space<vmem>>) dst(%dma_wait3A_40 : memref<10000x16xf32, #tpu.memory_space<vmem_shared>>)
    %dma_wait3A_41 = arith.constant 0 : i32
    %dma_wait3A_42 = arith.constant 0 : i32
    %dma_wait3A_43 = tpu.memref_slice %arg7[%dma_wait3A_41, %dma_wait3A_42] : memref<125x80xi32, #tpu.memory_space<vmem>> -> memref<1x80xi32, #tpu.memory_space<vmem>>
    %dma_wait3A_44 = tpu.memref_squeeze %dma_wait3A_43 : memref<1x80xi32, #tpu.memory_space<vmem>> -> memref<80xi32, #tpu.memory_space<vmem>>
    %dma_wait3A_45 = arith.constant 0 : i32
    %dma_wait3A_46 = arith.constant 0 : i32
    %dma_wait3A_47 = tpu.memref_slice %arg4[%dma_wait3A_45, %dma_wait3A_46] : memref<10000x16xf32, #tpu.memory_space<vmem_shared>> -> memref<10000x16xf32, #tpu.memory_space<vmem_shared>>
    tpu.wait_indirect_dma semaphore(%arg8 : memref<!tpu.dma_semaphore, #tpu.memory_space<semaphore_mem>>) src(%arg6 : memref<80x16xf32, #tpu.memory_space<vmem>>) dst(%dma_wait3A_47 : memref<10000x16xf32, #tpu.memory_space<vmem_shared>>)
    %dma_wait3A_48 = arith.constant 0 : i32
    %dma_wait3A_49 = arith.constant 0 : i32
    %dma_wait3A_50 = tpu.memref_slice %arg7[%dma_wait3A_48, %dma_wait3A_49] : memref<125x80xi32, #tpu.memory_space<vmem>> -> memref<1x80xi32, #tpu.memory_space<vmem>>
    %dma_wait3A_51 = tpu.memref_squeeze %dma_wait3A_50 : memref<1x80xi32, #tpu.memory_space<vmem>> -> memref<80xi32, #tpu.memory_space<vmem>>
    %dma_wait3A_52 = arith.constant 0 : i32
    %dma_wait3A_53 = arith.constant 0 : i32
    %dma_wait3A_54 = tpu.memref_slice %arg4[%dma_wait3A_52, %dma_wait3A_53] : memref<10000x16xf32, #tpu.memory_space<vmem_shared>> -> memref<10000x16xf32, #tpu.memory_space<vmem_shared>>
    tpu.wait_indirect_dma semaphore(%arg8 : memref<!tpu.dma_semaphore, #tpu.memory_space<semaphore_mem>>) src(%arg6 : memref<80x16xf32, #tpu.memory_space<vmem>>) dst(%dma_wait3A_54 : memref<10000x16xf32, #tpu.memory_space<vmem_shared>>)
    %dma_wait3A_55 = arith.constant 0 : i32
    %dma_wait3A_56 = arith.constant 0 : i32
    %dma_wait3A_57 = tpu.memref_slice %arg7[%dma_wait3A_55, %dma_wait3A_56] : memref<125x80xi32, #tpu.memory_space<vmem>> -> memref<1x80xi32, #tpu.memory_space<vmem>>
    %dma_wait3A_58 = tpu.memref_squeeze %dma_wait3A_57 : memref<1x80xi32, #tpu.memory_space<vmem>> -> memref<80xi32, #tpu.memory_space<vmem>>
    %dma_wait3A_59 = arith.constant 0 : i32
    %dma_wait3A_60 = arith.constant 0 : i32
    %dma_wait3A_61 = tpu.memref_slice %arg4[%dma_wait3A_59, %dma_wait3A_60] : memref<10000x16xf32, #tpu.memory_space<vmem_shared>> -> memref<10000x16xf32, #tpu.memory_space<vmem_shared>>
    tpu.wait_indirect_dma semaphore(%arg8 : memref<!tpu.dma_semaphore, #tpu.memory_space<semaphore_mem>>) src(%arg6 : memref<80x16xf32, #tpu.memory_space<vmem>>) dst(%dma_wait3A_61 : memref<10000x16xf32, #tpu.memory_space<vmem_shared>>)
    %dma_wait3A_62 = arith.constant 0 : i32
    %dma_wait3A_63 = arith.constant 0 : i32
    %dma_wait3A_64 = tpu.memref_slice %arg7[%dma_wait3A_62, %dma_wait3A_63] : memref<125x80xi32, #tpu.memory_space<vmem>> -> memref<1x80xi32, #tpu.memory_space<vmem>>
    %dma_wait3A_65 = tpu.memref_squeeze %dma_wait3A_64 : memref<1x80xi32, #tpu.memory_space<vmem>> -> memref<80xi32, #tpu.memory_space<vmem>>
    %dma_wait3A_66 = arith.constant 0 : i32
    %dma_wait3A_67 = arith.constant 0 : i32
    %dma_wait3A_68 = tpu.memref_slice %arg4[%dma_wait3A_66, %dma_wait3A_67] : memref<10000x16xf32, #tpu.memory_space<vmem_shared>> -> memref<10000x16xf32, #tpu.memory_space<vmem_shared>>
    tpu.wait_indirect_dma semaphore(%arg8 : memref<!tpu.dma_semaphore, #tpu.memory_space<semaphore_mem>>) src(%arg6 : memref<80x16xf32, #tpu.memory_space<vmem>>) dst(%dma_wait3A_68 : memref<10000x16xf32, #tpu.memory_space<vmem_shared>>)
    %dma_wait3A_69 = arith.constant 0 : i32
    %dma_wait3A_70 = arith.constant 0 : i32
    %dma_wait3A_71 = tpu.memref_slice %arg7[%dma_wait3A_69, %dma_wait3A_70] : memref<125x80xi32, #tpu.memory_space<vmem>> -> memref<1x80xi32, #tpu.memory_space<vmem>>
    %dma_wait3A_72 = tpu.memref_squeeze %dma_wait3A_71 : memref<1x80xi32, #tpu.memory_space<vmem>> -> memref<80xi32, #tpu.memory_space<vmem>>
    %dma_wait3A_73 = arith.constant 0 : i32
    %dma_wait3A_74 = arith.constant 0 : i32
    %dma_wait3A_75 = tpu.memref_slice %arg4[%dma_wait3A_73, %dma_wait3A_74] : memref<10000x16xf32, #tpu.memory_space<vmem_shared>> -> memref<10000x16xf32, #tpu.memory_space<vmem_shared>>
    tpu.wait_indirect_dma semaphore(%arg8 : memref<!tpu.dma_semaphore, #tpu.memory_space<semaphore_mem>>) src(%arg6 : memref<80x16xf32, #tpu.memory_space<vmem>>) dst(%dma_wait3A_75 : memref<10000x16xf32, #tpu.memory_space<vmem_shared>>)
    %barrier3A_76 = arith.constant 0 : index
    tpu.barrier barrier_id(%barrier3A_76)
    %lt3A_77 = arith.constant 15 : i32
    %lt3A_78 = arith.cmpi slt, %arg1, %lt3A_77 : i32
    %convert_element_type3A_79 = arith.extui %lt3A_78 : i1 to i32
    %cond3A_80 = arith.constant 0 : i32
    %cond3A_81 = arith.cmpi ne, %convert_element_type3A_79, %cond3A_80 : i32
    scf.if %cond3A_81 {
      %mul3A_87 = arith.constant 632 : i32
      %mul3A_88 = arith.muli %arg1, %mul3A_87 : i32
      %mul3A_89 = arith.constant 632 : i32
      %mul3A_90 = arith.muli %arg1, %mul3A_89 : i32
      "tpu.region"() ({
        %run_scoped3A = tpu.sem_alloc : memref<!tpu.dma_semaphore, #tpu.memory_space<semaphore_mem>>
        %dma_start3A = arith.constant 0 : i32
        %dma_start3A_91 = tpu.memref_slice %arg3[%arg0, %mul3A_90, %dma_start3A] : memref<2x10000x16xf32, #tpu.memory_space<hbm>> -> memref<1x632x16xf32, #tpu.memory_space<hbm>>
        %dma_start3A_92 = tpu.memref_squeeze %dma_start3A_91 : memref<1x632x16xf32, #tpu.memory_space<hbm>> -> memref<632x16xf32, #tpu.memory_space<hbm>>
        %dma_start3A_93 = arith.constant 0 : i32
        %dma_start3A_94 = tpu.memref_slice %arg4[%mul3A_88, %dma_start3A_93] : memref<10000x16xf32, #tpu.memory_space<vmem_shared>> -> memref<632x16xf32, #tpu.memory_space<vmem_shared>>
        tpu.enqueue_dma source(%dma_start3A_94 : memref<632x16xf32, #tpu.memory_space<vmem_shared>>) target(%dma_start3A_92 : memref<632x16xf32, #tpu.memory_space<hbm>>) target_semaphore(%run_scoped3A : memref<!tpu.dma_semaphore, #tpu.memory_space<semaphore_mem>>)
        %dma_wait3A_95 = arith.constant 0 : i32
        %dma_wait3A_96 = tpu.memref_slice %arg3[%arg0, %mul3A_90, %dma_wait3A_95] : memref<2x10000x16xf32, #tpu.memory_space<hbm>> -> memref<1x632x16xf32, #tpu.memory_space<hbm>>
        %dma_wait3A_97 = tpu.memref_squeeze %dma_wait3A_96 : memref<1x632x16xf32, #tpu.memory_space<hbm>> -> memref<632x16xf32, #tpu.memory_space<hbm>>
        %dma_wait3A_98 = arith.constant 0 : i32
        %dma_wait3A_99 = tpu.memref_slice %arg4[%mul3A_88, %dma_wait3A_98] : memref<10000x16xf32, #tpu.memory_space<vmem_shared>> -> memref<632x16xf32, #tpu.memory_space<vmem_shared>>
        tpu.wait_dma2 semaphore(%run_scoped3A : memref<!tpu.dma_semaphore, #tpu.memory_space<semaphore_mem>>) src(%dma_wait3A_99 : memref<632x16xf32, #tpu.memory_space<vmem_shared>>) dst(%dma_wait3A_97 : memref<632x16xf32, #tpu.memory_space<hbm>>)
        tpu.yield
      }) : () -> ()
    } else {
    }
    %eq3A_82 = arith.constant 15 : i32
    %eq3A_83 = arith.cmpi eq, %arg1, %eq3A_82 : i32
    %convert_element_type3A_84 = arith.extui %eq3A_83 : i1 to i32
    %cond3A_85 = arith.constant 0 : i32
    %cond3A_86 = arith.cmpi ne, %convert_element_type3A_84, %cond3A_85 : i32
    scf.if %cond3A_86 {
      "tpu.region"() ({
        %run_scoped3A = tpu.sem_alloc : memref<!tpu.dma_semaphore, #tpu.memory_space<semaphore_mem>>
        %dma_start3A = arith.constant 9480 : i32
        %dma_start3A_87 = arith.constant 0 : i32
        %dma_start3A_88 = tpu.memref_slice %arg3[%arg0, %dma_start3A, %dma_start3A_87] : memref<2x10000x16xf32, #tpu.memory_space<hbm>> -> memref<1x520x16xf32, #tpu.memory_space<hbm>>
        %dma_start3A_89 = tpu.memref_squeeze %dma_start3A_88 : memref<1x520x16xf32, #tpu.memory_space<hbm>> -> memref<520x16xf32, #tpu.memory_space<hbm>>
        %dma_start3A_90 = arith.constant 9480 : i32
        %dma_start3A_91 = arith.constant 0 : i32
        %dma_start3A_92 = tpu.memref_slice %arg4[%dma_start3A_90, %dma_start3A_91] : memref<10000x16xf32, #tpu.memory_space<vmem_shared>> -> memref<520x16xf32, #tpu.memory_space<vmem_shared>>
        tpu.enqueue_dma source(%dma_start3A_92 : memref<520x16xf32, #tpu.memory_space<vmem_shared>>) target(%dma_start3A_89 : memref<520x16xf32, #tpu.memory_space<hbm>>) target_semaphore(%run_scoped3A : memref<!tpu.dma_semaphore, #tpu.memory_space<semaphore_mem>>)
        %dma_wait3A_93 = arith.constant 9480 : i32
        %dma_wait3A_94 = arith.constant 0 : i32
        %dma_wait3A_95 = tpu.memref_slice %arg3[%arg0, %dma_wait3A_93, %dma_wait3A_94] : memref<2x10000x16xf32, #tpu.memory_space<hbm>> -> memref<1x520x16xf32, #tpu.memory_space<hbm>>
        %dma_wait3A_96 = tpu.memref_squeeze %dma_wait3A_95 : memref<1x520x16xf32, #tpu.memory_space<hbm>> -> memref<520x16xf32, #tpu.memory_space<hbm>>
        %dma_wait3A_97 = arith.constant 9480 : i32
        %dma_wait3A_98 = arith.constant 0 : i32
        %dma_wait3A_99 = tpu.memref_slice %arg4[%dma_wait3A_97, %dma_wait3A_98] : memref<10000x16xf32, #tpu.memory_space<vmem_shared>> -> memref<520x16xf32, #tpu.memory_space<vmem_shared>>
        tpu.wait_dma2 semaphore(%run_scoped3A : memref<!tpu.dma_semaphore, #tpu.memory_space<semaphore_mem>>) src(%dma_wait3A_99 : memref<520x16xf32, #tpu.memory_space<vmem_shared>>) dst(%dma_wait3A_96 : memref<520x16xf32, #tpu.memory_space<hbm>>)
        tpu.yield
      }) : () -> ()
    } else {
    }
    return
  }
}

#map = affine_map<(d0, d1) -> (0, 0)>
#map1 = affine_map<(d0, d1) -> (0)>
#map2 = affine_map<(d0, d1) -> (0, 0, 0)>
module attributes {stable_mosaic.version = 14 : i64} {
  func.func @k(%arg0: i32, %arg1: i32, %arg2: memref<10000x128xf32, #tpu.memory_space<hbm>>, %arg3: memref<320000xi32, #tpu.memory_space<hbm>>, %arg4: memref<320000xi32, #tpu.memory_space<hbm>>, %arg5: memref<2x10000x128xf32, #tpu.memory_space<hbm>>, %arg6: memref<10000x128xf32, #tpu.memory_space<vmem_shared>>, %arg7: memref<80x128xf32, #tpu.memory_space<vmem>>, %arg8: memref<80x128xf32, #tpu.memory_space<vmem>>, %arg9: memref<80x128xf32, #tpu.memory_space<vmem>>, %arg10: memref<80x128xf32, #tpu.memory_space<vmem>>, %arg11: memref<80xi32, #tpu.memory_space<vmem>>, %arg12: memref<80xi32, #tpu.memory_space<vmem>>, %arg13: memref<80xi32, #tpu.memory_space<vmem>>, %arg14: memref<80xi32, #tpu.memory_space<vmem>>, %arg15: memref<80xi32, #tpu.memory_space<vmem>>, %arg16: memref<80xi32, #tpu.memory_space<vmem>>, %arg17: memref<80xi32, #tpu.memory_space<vmem>>, %arg18: memref<80xi32, #tpu.memory_space<vmem>>, %arg19: memref<80xi32, #tpu.memory_space<vmem>>, %arg20: memref<80xi32, #tpu.memory_space<vmem>>, %arg21: memref<80xi32, #tpu.memory_space<vmem>>, %arg22: memref<80xi32, #tpu.memory_space<vmem>>, %arg23: memref<80xi32, #tpu.memory_space<vmem>>, %arg24: memref<80xi32, #tpu.memory_space<vmem>>, %arg25: memref<80xi32, #tpu.memory_space<vmem>>, %arg26: memref<80xi32, #tpu.memory_space<vmem>>, %arg27: memref<!tpu.dma_semaphore, #tpu.memory_space<semaphore_mem>>, %arg28: memref<!tpu.dma_semaphore, #tpu.memory_space<semaphore_mem>>, %arg29: memref<!tpu.dma_semaphore, #tpu.memory_space<semaphore_mem>>, %arg30: memref<!tpu.dma_semaphore, #tpu.memory_space<semaphore_mem>>, %arg31: memref<!tpu.dma_semaphore, #tpu.memory_space<semaphore_mem>>, %arg32: memref<!tpu.dma_semaphore, #tpu.memory_space<semaphore_mem>>, %arg33: memref<!tpu.dma_semaphore, #tpu.memory_space<semaphore_mem>>, %arg34: memref<!tpu.dma_semaphore, #tpu.memory_space<semaphore_mem>>, %arg35: memref<!tpu.dma_semaphore, #tpu.memory_space<semaphore_mem>>, %arg36: memref<!tpu.dma_semaphore, #tpu.memory_space<semaphore_mem>>, %arg37: memref<!tpu.dma_semaphore, #tpu.memory_space<semaphore_mem>>, %arg38: memref<!tpu.dma_semaphore, #tpu.memory_space<semaphore_mem>>, %arg39: memref<!tpu.dma_semaphore, #tpu.memory_space<semaphore_mem>>, %arg40: memref<!tpu.dma_semaphore, #tpu.memory_space<semaphore_mem>>, %arg41: memref<!tpu.dma_semaphore, #tpu.memory_space<semaphore_mem>>, %arg42: memref<!tpu.dma_semaphore, #tpu.memory_space<semaphore_mem>>, %arg43: memref<!tpu.dma_semaphore, #tpu.memory_space<semaphore_mem>>) attributes {dimension_semantics = [#tpu.dimension_semantics<core_parallel>, #tpu.dimension_semantics<subcore_parallel>], iteration_bounds = array<i64: 2, 16>, scalar_prefetch = 0 : i64, scratch_operands = 38 : i64, tpu.core_type = #tpu.core_type<sc_vector_subcore>, window_params = [{transform_indices = #map}, {transform_indices = #map1}, {transform_indices = #map1}, {transform_indices = #map2}]} {
    %mul3A = arith.constant 16 : i32
    %mul3A_0 = arith.muli %arg0, %mul3A : i32
    %add3A = arith.addi %mul3A_0, %arg1 : i32
    %mul3A_1 = arith.constant 10000 : i32
    %mul3A_2 = arith.muli %add3A, %mul3A_1 : i32
    %lt3A = arith.constant 15 : i32
    %lt3A_3 = arith.cmpi slt, %arg1, %lt3A : i32
    %convert_element_type3A = arith.extui %lt3A_3 : i1 to i32
    %cond3A = arith.constant 0 : i32
    %cond3A_4 = arith.cmpi ne, %convert_element_type3A, %cond3A : i32
    scf.if %cond3A_4 {
      %mul3A_370 = arith.constant 632 : i32
      %mul3A_371 = arith.muli %arg1, %mul3A_370 : i32
      %mul3A_372 = arith.constant 632 : i32
      %mul3A_373 = arith.muli %arg1, %mul3A_372 : i32
      %dma_start3A_374 = arith.constant 0 : i32
      %dma_start3A_375 = tpu.memref_slice %arg6[%mul3A_373, %dma_start3A_374] : memref<10000x128xf32, #tpu.memory_space<vmem_shared>> -> memref<632x128xf32, #tpu.memory_space<vmem_shared>>
      %dma_start3A_376 = arith.constant 0 : i32
      %dma_start3A_377 = tpu.memref_slice %arg2[%mul3A_371, %dma_start3A_376] : memref<10000x128xf32, #tpu.memory_space<hbm>> -> memref<632x128xf32, #tpu.memory_space<hbm>>
      tpu.enqueue_dma source(%dma_start3A_377 : memref<632x128xf32, #tpu.memory_space<hbm>>) target(%dma_start3A_375 : memref<632x128xf32, #tpu.memory_space<vmem_shared>>) target_semaphore(%arg43 : memref<!tpu.dma_semaphore, #tpu.memory_space<semaphore_mem>>)
    } else {
    }
    %eq3A = arith.constant 15 : i32
    %eq3A_5 = arith.cmpi eq, %arg1, %eq3A : i32
    %convert_element_type3A_6 = arith.extui %eq3A_5 : i1 to i32
    %cond3A_7 = arith.constant 0 : i32
    %cond3A_8 = arith.cmpi ne, %convert_element_type3A_6, %cond3A_7 : i32
    scf.if %cond3A_8 {
      %dma_start3A_370 = arith.constant 9480 : i32
      %dma_start3A_371 = arith.constant 0 : i32
      %dma_start3A_372 = tpu.memref_slice %arg6[%dma_start3A_370, %dma_start3A_371] : memref<10000x128xf32, #tpu.memory_space<vmem_shared>> -> memref<520x128xf32, #tpu.memory_space<vmem_shared>>
      %dma_start3A_373 = arith.constant 9480 : i32
      %dma_start3A_374 = arith.constant 0 : i32
      %dma_start3A_375 = tpu.memref_slice %arg2[%dma_start3A_373, %dma_start3A_374] : memref<10000x128xf32, #tpu.memory_space<hbm>> -> memref<520x128xf32, #tpu.memory_space<hbm>>
      tpu.enqueue_dma source(%dma_start3A_375 : memref<520x128xf32, #tpu.memory_space<hbm>>) target(%dma_start3A_372 : memref<520x128xf32, #tpu.memory_space<vmem_shared>>) target_semaphore(%arg43 : memref<!tpu.dma_semaphore, #tpu.memory_space<semaphore_mem>>)
    } else {
    }
    %add3A_9 = arith.constant 0 : i32
    %add3A_10 = arith.addi %mul3A_2, %add3A_9 : i32
    %dma_start3A = tpu.memref_slice %arg3[%add3A_10] : memref<320000xi32, #tpu.memory_space<hbm>> -> memref<80xi32, #tpu.memory_space<hbm>>
    %dma_start3A_11 = tpu.memref_slice %arg3[%add3A_10] : memref<320000xi32, #tpu.memory_space<hbm>> -> memref<80xi32, #tpu.memory_space<hbm>>
    tpu.enqueue_dma source(%dma_start3A_11 : memref<80xi32, #tpu.memory_space<hbm>>) target(%arg11 : memref<80xi32, #tpu.memory_space<vmem>>) target_semaphore(%arg35 : memref<!tpu.dma_semaphore, #tpu.memory_space<semaphore_mem>>)
    %dma_start3A_12 = tpu.memref_slice %arg4[%add3A_10] : memref<320000xi32, #tpu.memory_space<hbm>> -> memref<80xi32, #tpu.memory_space<hbm>>
    %dma_start3A_13 = tpu.memref_slice %arg4[%add3A_10] : memref<320000xi32, #tpu.memory_space<hbm>> -> memref<80xi32, #tpu.memory_space<hbm>>
    tpu.enqueue_dma source(%dma_start3A_13 : memref<80xi32, #tpu.memory_space<hbm>>) target(%arg19 : memref<80xi32, #tpu.memory_space<vmem>>) target_semaphore(%arg35 : memref<!tpu.dma_semaphore, #tpu.memory_space<semaphore_mem>>)
    %add3A_14 = arith.constant 80 : i32
    %add3A_15 = arith.addi %mul3A_2, %add3A_14 : i32
    %dma_start3A_16 = tpu.memref_slice %arg3[%add3A_15] : memref<320000xi32, #tpu.memory_space<hbm>> -> memref<80xi32, #tpu.memory_space<hbm>>
    %dma_start3A_17 = tpu.memref_slice %arg3[%add3A_15] : memref<320000xi32, #tpu.memory_space<hbm>> -> memref<80xi32, #tpu.memory_space<hbm>>
    tpu.enqueue_dma source(%dma_start3A_17 : memref<80xi32, #tpu.memory_space<hbm>>) target(%arg12 : memref<80xi32, #tpu.memory_space<vmem>>) target_semaphore(%arg36 : memref<!tpu.dma_semaphore, #tpu.memory_space<semaphore_mem>>)
    %dma_start3A_18 = tpu.memref_slice %arg4[%add3A_15] : memref<320000xi32, #tpu.memory_space<hbm>> -> memref<80xi32, #tpu.memory_space<hbm>>
    %dma_start3A_19 = tpu.memref_slice %arg4[%add3A_15] : memref<320000xi32, #tpu.memory_space<hbm>> -> memref<80xi32, #tpu.memory_space<hbm>>
    tpu.enqueue_dma source(%dma_start3A_19 : memref<80xi32, #tpu.memory_space<hbm>>) target(%arg20 : memref<80xi32, #tpu.memory_space<vmem>>) target_semaphore(%arg36 : memref<!tpu.dma_semaphore, #tpu.memory_space<semaphore_mem>>)
    %add3A_20 = arith.constant 160 : i32
    %add3A_21 = arith.addi %mul3A_2, %add3A_20 : i32
    %dma_start3A_22 = tpu.memref_slice %arg3[%add3A_21] : memref<320000xi32, #tpu.memory_space<hbm>> -> memref<80xi32, #tpu.memory_space<hbm>>
    %dma_start3A_23 = tpu.memref_slice %arg3[%add3A_21] : memref<320000xi32, #tpu.memory_space<hbm>> -> memref<80xi32, #tpu.memory_space<hbm>>
    tpu.enqueue_dma source(%dma_start3A_23 : memref<80xi32, #tpu.memory_space<hbm>>) target(%arg13 : memref<80xi32, #tpu.memory_space<vmem>>) target_semaphore(%arg37 : memref<!tpu.dma_semaphore, #tpu.memory_space<semaphore_mem>>)
    %dma_start3A_24 = tpu.memref_slice %arg4[%add3A_21] : memref<320000xi32, #tpu.memory_space<hbm>> -> memref<80xi32, #tpu.memory_space<hbm>>
    %dma_start3A_25 = tpu.memref_slice %arg4[%add3A_21] : memref<320000xi32, #tpu.memory_space<hbm>> -> memref<80xi32, #tpu.memory_space<hbm>>
    tpu.enqueue_dma source(%dma_start3A_25 : memref<80xi32, #tpu.memory_space<hbm>>) target(%arg21 : memref<80xi32, #tpu.memory_space<vmem>>) target_semaphore(%arg37 : memref<!tpu.dma_semaphore, #tpu.memory_space<semaphore_mem>>)
    %add3A_26 = arith.constant 240 : i32
    %add3A_27 = arith.addi %mul3A_2, %add3A_26 : i32
    %dma_start3A_28 = tpu.memref_slice %arg3[%add3A_27] : memref<320000xi32, #tpu.memory_space<hbm>> -> memref<80xi32, #tpu.memory_space<hbm>>
    %dma_start3A_29 = tpu.memref_slice %arg3[%add3A_27] : memref<320000xi32, #tpu.memory_space<hbm>> -> memref<80xi32, #tpu.memory_space<hbm>>
    tpu.enqueue_dma source(%dma_start3A_29 : memref<80xi32, #tpu.memory_space<hbm>>) target(%arg14 : memref<80xi32, #tpu.memory_space<vmem>>) target_semaphore(%arg38 : memref<!tpu.dma_semaphore, #tpu.memory_space<semaphore_mem>>)
    %dma_start3A_30 = tpu.memref_slice %arg4[%add3A_27] : memref<320000xi32, #tpu.memory_space<hbm>> -> memref<80xi32, #tpu.memory_space<hbm>>
    %dma_start3A_31 = tpu.memref_slice %arg4[%add3A_27] : memref<320000xi32, #tpu.memory_space<hbm>> -> memref<80xi32, #tpu.memory_space<hbm>>
    tpu.enqueue_dma source(%dma_start3A_31 : memref<80xi32, #tpu.memory_space<hbm>>) target(%arg22 : memref<80xi32, #tpu.memory_space<vmem>>) target_semaphore(%arg38 : memref<!tpu.dma_semaphore, #tpu.memory_space<semaphore_mem>>)
    %add3A_32 = arith.constant 320 : i32
    %add3A_33 = arith.addi %mul3A_2, %add3A_32 : i32
    %dma_start3A_34 = tpu.memref_slice %arg3[%add3A_33] : memref<320000xi32, #tpu.memory_space<hbm>> -> memref<80xi32, #tpu.memory_space<hbm>>
    %dma_start3A_35 = tpu.memref_slice %arg3[%add3A_33] : memref<320000xi32, #tpu.memory_space<hbm>> -> memref<80xi32, #tpu.memory_space<hbm>>
    tpu.enqueue_dma source(%dma_start3A_35 : memref<80xi32, #tpu.memory_space<hbm>>) target(%arg15 : memref<80xi32, #tpu.memory_space<vmem>>) target_semaphore(%arg39 : memref<!tpu.dma_semaphore, #tpu.memory_space<semaphore_mem>>)
    %dma_start3A_36 = tpu.memref_slice %arg4[%add3A_33] : memref<320000xi32, #tpu.memory_space<hbm>> -> memref<80xi32, #tpu.memory_space<hbm>>
    %dma_start3A_37 = tpu.memref_slice %arg4[%add3A_33] : memref<320000xi32, #tpu.memory_space<hbm>> -> memref<80xi32, #tpu.memory_space<hbm>>
    tpu.enqueue_dma source(%dma_start3A_37 : memref<80xi32, #tpu.memory_space<hbm>>) target(%arg23 : memref<80xi32, #tpu.memory_space<vmem>>) target_semaphore(%arg39 : memref<!tpu.dma_semaphore, #tpu.memory_space<semaphore_mem>>)
    %add3A_38 = arith.constant 400 : i32
    %add3A_39 = arith.addi %mul3A_2, %add3A_38 : i32
    %dma_start3A_40 = tpu.memref_slice %arg3[%add3A_39] : memref<320000xi32, #tpu.memory_space<hbm>> -> memref<80xi32, #tpu.memory_space<hbm>>
    %dma_start3A_41 = tpu.memref_slice %arg3[%add3A_39] : memref<320000xi32, #tpu.memory_space<hbm>> -> memref<80xi32, #tpu.memory_space<hbm>>
    tpu.enqueue_dma source(%dma_start3A_41 : memref<80xi32, #tpu.memory_space<hbm>>) target(%arg16 : memref<80xi32, #tpu.memory_space<vmem>>) target_semaphore(%arg40 : memref<!tpu.dma_semaphore, #tpu.memory_space<semaphore_mem>>)
    %dma_start3A_42 = tpu.memref_slice %arg4[%add3A_39] : memref<320000xi32, #tpu.memory_space<hbm>> -> memref<80xi32, #tpu.memory_space<hbm>>
    %dma_start3A_43 = tpu.memref_slice %arg4[%add3A_39] : memref<320000xi32, #tpu.memory_space<hbm>> -> memref<80xi32, #tpu.memory_space<hbm>>
    tpu.enqueue_dma source(%dma_start3A_43 : memref<80xi32, #tpu.memory_space<hbm>>) target(%arg24 : memref<80xi32, #tpu.memory_space<vmem>>) target_semaphore(%arg40 : memref<!tpu.dma_semaphore, #tpu.memory_space<semaphore_mem>>)
    %add3A_44 = arith.constant 480 : i32
    %add3A_45 = arith.addi %mul3A_2, %add3A_44 : i32
    %dma_start3A_46 = tpu.memref_slice %arg3[%add3A_45] : memref<320000xi32, #tpu.memory_space<hbm>> -> memref<80xi32, #tpu.memory_space<hbm>>
    %dma_start3A_47 = tpu.memref_slice %arg3[%add3A_45] : memref<320000xi32, #tpu.memory_space<hbm>> -> memref<80xi32, #tpu.memory_space<hbm>>
    tpu.enqueue_dma source(%dma_start3A_47 : memref<80xi32, #tpu.memory_space<hbm>>) target(%arg17 : memref<80xi32, #tpu.memory_space<vmem>>) target_semaphore(%arg41 : memref<!tpu.dma_semaphore, #tpu.memory_space<semaphore_mem>>)
    %dma_start3A_48 = tpu.memref_slice %arg4[%add3A_45] : memref<320000xi32, #tpu.memory_space<hbm>> -> memref<80xi32, #tpu.memory_space<hbm>>
    %dma_start3A_49 = tpu.memref_slice %arg4[%add3A_45] : memref<320000xi32, #tpu.memory_space<hbm>> -> memref<80xi32, #tpu.memory_space<hbm>>
    tpu.enqueue_dma source(%dma_start3A_49 : memref<80xi32, #tpu.memory_space<hbm>>) target(%arg25 : memref<80xi32, #tpu.memory_space<vmem>>) target_semaphore(%arg41 : memref<!tpu.dma_semaphore, #tpu.memory_space<semaphore_mem>>)
    %add3A_50 = arith.constant 560 : i32
    %add3A_51 = arith.addi %mul3A_2, %add3A_50 : i32
    %dma_start3A_52 = tpu.memref_slice %arg3[%add3A_51] : memref<320000xi32, #tpu.memory_space<hbm>> -> memref<80xi32, #tpu.memory_space<hbm>>
    %dma_start3A_53 = tpu.memref_slice %arg3[%add3A_51] : memref<320000xi32, #tpu.memory_space<hbm>> -> memref<80xi32, #tpu.memory_space<hbm>>
    tpu.enqueue_dma source(%dma_start3A_53 : memref<80xi32, #tpu.memory_space<hbm>>) target(%arg18 : memref<80xi32, #tpu.memory_space<vmem>>) target_semaphore(%arg42 : memref<!tpu.dma_semaphore, #tpu.memory_space<semaphore_mem>>)
    %dma_start3A_54 = tpu.memref_slice %arg4[%add3A_51] : memref<320000xi32, #tpu.memory_space<hbm>> -> memref<80xi32, #tpu.memory_space<hbm>>
    %dma_start3A_55 = tpu.memref_slice %arg4[%add3A_51] : memref<320000xi32, #tpu.memory_space<hbm>> -> memref<80xi32, #tpu.memory_space<hbm>>
    tpu.enqueue_dma source(%dma_start3A_55 : memref<80xi32, #tpu.memory_space<hbm>>) target(%arg26 : memref<80xi32, #tpu.memory_space<vmem>>) target_semaphore(%arg42 : memref<!tpu.dma_semaphore, #tpu.memory_space<semaphore_mem>>)
    %dma_wait3A = arith.constant 0 : i32
    %dma_wait3A_56 = tpu.memref_slice %arg3[%dma_wait3A] : memref<320000xi32, #tpu.memory_space<hbm>> -> memref<80xi32, #tpu.memory_space<hbm>>
    %dma_wait3A_57 = arith.constant 0 : i32
    %dma_wait3A_58 = tpu.memref_slice %arg3[%dma_wait3A_57] : memref<320000xi32, #tpu.memory_space<hbm>> -> memref<80xi32, #tpu.memory_space<hbm>>
    tpu.wait_dma2 semaphore(%arg35 : memref<!tpu.dma_semaphore, #tpu.memory_space<semaphore_mem>>) src(%dma_wait3A_58 : memref<80xi32, #tpu.memory_space<hbm>>) dst(%arg11 : memref<80xi32, #tpu.memory_space<vmem>>)
    %dma_wait3A_59 = arith.constant 0 : i32
    %dma_wait3A_60 = tpu.memref_slice %arg4[%dma_wait3A_59] : memref<320000xi32, #tpu.memory_space<hbm>> -> memref<80xi32, #tpu.memory_space<hbm>>
    %dma_wait3A_61 = arith.constant 0 : i32
    %dma_wait3A_62 = tpu.memref_slice %arg4[%dma_wait3A_61] : memref<320000xi32, #tpu.memory_space<hbm>> -> memref<80xi32, #tpu.memory_space<hbm>>
    tpu.wait_dma2 semaphore(%arg35 : memref<!tpu.dma_semaphore, #tpu.memory_space<semaphore_mem>>) src(%dma_wait3A_62 : memref<80xi32, #tpu.memory_space<hbm>>) dst(%arg19 : memref<80xi32, #tpu.memory_space<vmem>>)
    %dma_start3A_63 = arith.constant 0 : i32
    %dma_start3A_64 = arith.constant 0 : i32
    %dma_start3A_65 = tpu.memref_slice %arg2[%dma_start3A_63, %dma_start3A_64] : memref<10000x128xf32, #tpu.memory_space<hbm>> -> memref<10000x128xf32, #tpu.memory_space<hbm>>
    tpu.enqueue_indirect_dma source(%dma_start3A_65 : memref<10000x128xf32, #tpu.memory_space<hbm>>) target(%arg7 : memref<80x128xf32, #tpu.memory_space<vmem>>) offsets(%arg11 : memref<80xi32, #tpu.memory_space<vmem>>) semaphore(%arg27 : memref<!tpu.dma_semaphore, #tpu.memory_space<semaphore_mem>>)
    %dma_wait3A_66 = arith.constant 0 : i32
    %dma_wait3A_67 = tpu.memref_slice %arg3[%dma_wait3A_66] : memref<320000xi32, #tpu.memory_space<hbm>> -> memref<80xi32, #tpu.memory_space<hbm>>
    %dma_wait3A_68 = arith.constant 0 : i32
    %dma_wait3A_69 = tpu.memref_slice %arg3[%dma_wait3A_68] : memref<320000xi32, #tpu.memory_space<hbm>> -> memref<80xi32, #tpu.memory_space<hbm>>
    tpu.wait_dma2 semaphore(%arg36 : memref<!tpu.dma_semaphore, #tpu.memory_space<semaphore_mem>>) src(%dma_wait3A_69 : memref<80xi32, #tpu.memory_space<hbm>>) dst(%arg12 : memref<80xi32, #tpu.memory_space<vmem>>)
    %dma_wait3A_70 = arith.constant 0 : i32
    %dma_wait3A_71 = tpu.memref_slice %arg4[%dma_wait3A_70] : memref<320000xi32, #tpu.memory_space<hbm>> -> memref<80xi32, #tpu.memory_space<hbm>>
    %dma_wait3A_72 = arith.constant 0 : i32
    %dma_wait3A_73 = tpu.memref_slice %arg4[%dma_wait3A_72] : memref<320000xi32, #tpu.memory_space<hbm>> -> memref<80xi32, #tpu.memory_space<hbm>>
    tpu.wait_dma2 semaphore(%arg36 : memref<!tpu.dma_semaphore, #tpu.memory_space<semaphore_mem>>) src(%dma_wait3A_73 : memref<80xi32, #tpu.memory_space<hbm>>) dst(%arg20 : memref<80xi32, #tpu.memory_space<vmem>>)
    %dma_start3A_74 = arith.constant 0 : i32
    %dma_start3A_75 = arith.constant 0 : i32
    %dma_start3A_76 = tpu.memref_slice %arg2[%dma_start3A_74, %dma_start3A_75] : memref<10000x128xf32, #tpu.memory_space<hbm>> -> memref<10000x128xf32, #tpu.memory_space<hbm>>
    tpu.enqueue_indirect_dma source(%dma_start3A_76 : memref<10000x128xf32, #tpu.memory_space<hbm>>) target(%arg8 : memref<80x128xf32, #tpu.memory_space<vmem>>) offsets(%arg12 : memref<80xi32, #tpu.memory_space<vmem>>) semaphore(%arg28 : memref<!tpu.dma_semaphore, #tpu.memory_space<semaphore_mem>>)
    %lt3A_77 = arith.constant 15 : i32
    %lt3A_78 = arith.cmpi slt, %arg1, %lt3A_77 : i32
    %convert_element_type3A_79 = arith.extui %lt3A_78 : i1 to i32
    %cond3A_80 = arith.constant 0 : i32
    %cond3A_81 = arith.cmpi ne, %convert_element_type3A_79, %cond3A_80 : i32
    scf.if %cond3A_81 {
      %dma_wait3A_370 = arith.constant 0 : i32
      %dma_wait3A_371 = arith.constant 0 : i32
      %dma_wait3A_372 = tpu.memref_slice %arg6[%dma_wait3A_370, %dma_wait3A_371] : memref<10000x128xf32, #tpu.memory_space<vmem_shared>> -> memref<632x128xf32, #tpu.memory_space<vmem_shared>>
      %dma_wait3A_373 = arith.constant 0 : i32
      %dma_wait3A_374 = arith.constant 0 : i32
      %dma_wait3A_375 = tpu.memref_slice %arg2[%dma_wait3A_373, %dma_wait3A_374] : memref<10000x128xf32, #tpu.memory_space<hbm>> -> memref<632x128xf32, #tpu.memory_space<hbm>>
      tpu.wait_dma2 semaphore(%arg43 : memref<!tpu.dma_semaphore, #tpu.memory_space<semaphore_mem>>) src(%dma_wait3A_375 : memref<632x128xf32, #tpu.memory_space<hbm>>) dst(%dma_wait3A_372 : memref<632x128xf32, #tpu.memory_space<vmem_shared>>)
    } else {
    }
    %eq3A_82 = arith.constant 15 : i32
    %eq3A_83 = arith.cmpi eq, %arg1, %eq3A_82 : i32
    %convert_element_type3A_84 = arith.extui %eq3A_83 : i1 to i32
    %cond3A_85 = arith.constant 0 : i32
    %cond3A_86 = arith.cmpi ne, %convert_element_type3A_84, %cond3A_85 : i32
    scf.if %cond3A_86 {
      %dma_wait3A_370 = arith.constant 0 : i32
      %dma_wait3A_371 = arith.constant 0 : i32
      %dma_wait3A_372 = tpu.memref_slice %arg6[%dma_wait3A_370, %dma_wait3A_371] : memref<10000x128xf32, #tpu.memory_space<vmem_shared>> -> memref<520x128xf32, #tpu.memory_space<vmem_shared>>
      %dma_wait3A_373 = arith.constant 0 : i32
      %dma_wait3A_374 = arith.constant 0 : i32
      %dma_wait3A_375 = tpu.memref_slice %arg2[%dma_wait3A_373, %dma_wait3A_374] : memref<10000x128xf32, #tpu.memory_space<hbm>> -> memref<520x128xf32, #tpu.memory_space<hbm>>
      tpu.wait_dma2 semaphore(%arg43 : memref<!tpu.dma_semaphore, #tpu.memory_space<semaphore_mem>>) src(%dma_wait3A_375 : memref<520x128xf32, #tpu.memory_space<hbm>>) dst(%dma_wait3A_372 : memref<520x128xf32, #tpu.memory_space<vmem_shared>>)
    } else {
    }
    %barrier3A = arith.constant 0 : index
    tpu.barrier barrier_id(%barrier3A)
    %dma_wait3A_87 = arith.constant 0 : i32
    %dma_wait3A_88 = arith.constant 0 : i32
    %dma_wait3A_89 = tpu.memref_slice %arg2[%dma_wait3A_87, %dma_wait3A_88] : memref<10000x128xf32, #tpu.memory_space<hbm>> -> memref<10000x128xf32, #tpu.memory_space<hbm>>
    tpu.wait_indirect_dma semaphore(%arg27 : memref<!tpu.dma_semaphore, #tpu.memory_space<semaphore_mem>>) src(%dma_wait3A_89 : memref<10000x128xf32, #tpu.memory_space<hbm>>) dst(%arg7 : memref<80x128xf32, #tpu.memory_space<vmem>>)
    %dma_start3A_90 = arith.constant 0 : i32
    %dma_start3A_91 = arith.constant 0 : i32
    %dma_start3A_92 = tpu.memref_slice %arg6[%dma_start3A_90, %dma_start3A_91] : memref<10000x128xf32, #tpu.memory_space<vmem_shared>> -> memref<10000x128xf32, #tpu.memory_space<vmem_shared>>
    tpu.enqueue_indirect_dma source(%arg7 : memref<80x128xf32, #tpu.memory_space<vmem>>) target(%dma_start3A_92 : memref<10000x128xf32, #tpu.memory_space<vmem_shared>>) offsets(%arg19 : memref<80xi32, #tpu.memory_space<vmem>>) semaphore(%arg31 : memref<!tpu.dma_semaphore, #tpu.memory_space<semaphore_mem>>) {add = true}
    %dma_wait3A_93 = arith.constant 0 : i32
    %dma_wait3A_94 = tpu.memref_slice %arg3[%dma_wait3A_93] : memref<320000xi32, #tpu.memory_space<hbm>> -> memref<80xi32, #tpu.memory_space<hbm>>
    %dma_wait3A_95 = arith.constant 0 : i32
    %dma_wait3A_96 = tpu.memref_slice %arg3[%dma_wait3A_95] : memref<320000xi32, #tpu.memory_space<hbm>> -> memref<80xi32, #tpu.memory_space<hbm>>
    tpu.wait_dma2 semaphore(%arg37 : memref<!tpu.dma_semaphore, #tpu.memory_space<semaphore_mem>>) src(%dma_wait3A_96 : memref<80xi32, #tpu.memory_space<hbm>>) dst(%arg13 : memref<80xi32, #tpu.memory_space<vmem>>)
    %dma_wait3A_97 = arith.constant 0 : i32
    %dma_wait3A_98 = tpu.memref_slice %arg4[%dma_wait3A_97] : memref<320000xi32, #tpu.memory_space<hbm>> -> memref<80xi32, #tpu.memory_space<hbm>>
    %dma_wait3A_99 = arith.constant 0 : i32
    %dma_wait3A_100 = tpu.memref_slice %arg4[%dma_wait3A_99] : memref<320000xi32, #tpu.memory_space<hbm>> -> memref<80xi32, #tpu.memory_space<hbm>>
    tpu.wait_dma2 semaphore(%arg37 : memref<!tpu.dma_semaphore, #tpu.memory_space<semaphore_mem>>) src(%dma_wait3A_100 : memref<80xi32, #tpu.memory_space<hbm>>) dst(%arg21 : memref<80xi32, #tpu.memory_space<vmem>>)
    %dma_start3A_101 = arith.constant 0 : i32
    %dma_start3A_102 = arith.constant 0 : i32
    %dma_start3A_103 = tpu.memref_slice %arg2[%dma_start3A_101, %dma_start3A_102] : memref<10000x128xf32, #tpu.memory_space<hbm>> -> memref<10000x128xf32, #tpu.memory_space<hbm>>
    tpu.enqueue_indirect_dma source(%dma_start3A_103 : memref<10000x128xf32, #tpu.memory_space<hbm>>) target(%arg9 : memref<80x128xf32, #tpu.memory_space<vmem>>) offsets(%arg13 : memref<80xi32, #tpu.memory_space<vmem>>) semaphore(%arg29 : memref<!tpu.dma_semaphore, #tpu.memory_space<semaphore_mem>>)
    %dma_wait3A_104 = arith.constant 0 : i32
    %dma_wait3A_105 = arith.constant 0 : i32
    %dma_wait3A_106 = tpu.memref_slice %arg2[%dma_wait3A_104, %dma_wait3A_105] : memref<10000x128xf32, #tpu.memory_space<hbm>> -> memref<10000x128xf32, #tpu.memory_space<hbm>>
    tpu.wait_indirect_dma semaphore(%arg28 : memref<!tpu.dma_semaphore, #tpu.memory_space<semaphore_mem>>) src(%dma_wait3A_106 : memref<10000x128xf32, #tpu.memory_space<hbm>>) dst(%arg8 : memref<80x128xf32, #tpu.memory_space<vmem>>)
    %dma_start3A_107 = arith.constant 0 : i32
    %dma_start3A_108 = arith.constant 0 : i32
    %dma_start3A_109 = tpu.memref_slice %arg6[%dma_start3A_107, %dma_start3A_108] : memref<10000x128xf32, #tpu.memory_space<vmem_shared>> -> memref<10000x128xf32, #tpu.memory_space<vmem_shared>>
    tpu.enqueue_indirect_dma source(%arg8 : memref<80x128xf32, #tpu.memory_space<vmem>>) target(%dma_start3A_109 : memref<10000x128xf32, #tpu.memory_space<vmem_shared>>) offsets(%arg20 : memref<80xi32, #tpu.memory_space<vmem>>) semaphore(%arg32 : memref<!tpu.dma_semaphore, #tpu.memory_space<semaphore_mem>>) {add = true}
    %dma_wait3A_110 = arith.constant 0 : i32
    %dma_wait3A_111 = tpu.memref_slice %arg3[%dma_wait3A_110] : memref<320000xi32, #tpu.memory_space<hbm>> -> memref<80xi32, #tpu.memory_space<hbm>>
    %dma_wait3A_112 = arith.constant 0 : i32
    %dma_wait3A_113 = tpu.memref_slice %arg3[%dma_wait3A_112] : memref<320000xi32, #tpu.memory_space<hbm>> -> memref<80xi32, #tpu.memory_space<hbm>>
    tpu.wait_dma2 semaphore(%arg38 : memref<!tpu.dma_semaphore, #tpu.memory_space<semaphore_mem>>) src(%dma_wait3A_113 : memref<80xi32, #tpu.memory_space<hbm>>) dst(%arg14 : memref<80xi32, #tpu.memory_space<vmem>>)
    %dma_wait3A_114 = arith.constant 0 : i32
    %dma_wait3A_115 = tpu.memref_slice %arg4[%dma_wait3A_114] : memref<320000xi32, #tpu.memory_space<hbm>> -> memref<80xi32, #tpu.memory_space<hbm>>
    %dma_wait3A_116 = arith.constant 0 : i32
    %dma_wait3A_117 = tpu.memref_slice %arg4[%dma_wait3A_116] : memref<320000xi32, #tpu.memory_space<hbm>> -> memref<80xi32, #tpu.memory_space<hbm>>
    tpu.wait_dma2 semaphore(%arg38 : memref<!tpu.dma_semaphore, #tpu.memory_space<semaphore_mem>>) src(%dma_wait3A_117 : memref<80xi32, #tpu.memory_space<hbm>>) dst(%arg22 : memref<80xi32, #tpu.memory_space<vmem>>)
    %dma_start3A_118 = arith.constant 0 : i32
    %dma_start3A_119 = arith.constant 0 : i32
    %dma_start3A_120 = tpu.memref_slice %arg2[%dma_start3A_118, %dma_start3A_119] : memref<10000x128xf32, #tpu.memory_space<hbm>> -> memref<10000x128xf32, #tpu.memory_space<hbm>>
    tpu.enqueue_indirect_dma source(%dma_start3A_120 : memref<10000x128xf32, #tpu.memory_space<hbm>>) target(%arg10 : memref<80x128xf32, #tpu.memory_space<vmem>>) offsets(%arg14 : memref<80xi32, #tpu.memory_space<vmem>>) semaphore(%arg30 : memref<!tpu.dma_semaphore, #tpu.memory_space<semaphore_mem>>)
    %scan3A = arith.constant 0 : i32
    %scan3A_121 = arith.constant 14 : i32
    %scan3A_122 = arith.addi %scan3A, %scan3A_121 : i32
    %scan3A_123 = arith.constant 1 : i32
    scf.for %scan3A_370 = %scan3A to %scan3A_122 step %scan3A_123  : i32 {
      %mul3A_371 = arith.constant 1 : i32
      %mul3A_372 = arith.muli %scan3A_370, %mul3A_371 : i32
      %add3A_373 = arith.constant 0 : i32
      %add3A_374 = arith.addi %add3A_373, %mul3A_372 : i32
      %mul3A_375 = arith.constant 8 : i32
      %mul3A_376 = arith.muli %mul3A_375, %add3A_374 : i32
      %add3A_377 = arith.constant 4 : i32
      %add3A_378 = arith.addi %mul3A_376, %add3A_377 : i32
      %dma_wait3A_379 = arith.constant 0 : i32
      %dma_wait3A_380 = arith.constant 0 : i32
      %dma_wait3A_381 = tpu.memref_slice %arg6[%dma_wait3A_379, %dma_wait3A_380] : memref<10000x128xf32, #tpu.memory_space<vmem_shared>> -> memref<10000x128xf32, #tpu.memory_space<vmem_shared>>
      tpu.wait_indirect_dma semaphore(%arg31 : memref<!tpu.dma_semaphore, #tpu.memory_space<semaphore_mem>>) src(%arg7 : memref<80x128xf32, #tpu.memory_space<vmem>>) dst(%dma_wait3A_381 : memref<10000x128xf32, #tpu.memory_space<vmem_shared>>)
      %add3A_382 = arith.constant 0 : i32
      %add3A_383 = arith.addi %add3A_378, %add3A_382 : i32
      %add3A_384 = arith.constant 4 : i32
      %add3A_385 = arith.addi %add3A_383, %add3A_384 : i32
      %mul3A_386 = arith.constant 80 : i32
      %mul3A_387 = arith.muli %add3A_385, %mul3A_386 : i32
      %add3A_388 = arith.addi %mul3A_2, %mul3A_387 : i32
      %dma_start3A_389 = tpu.memref_slice %arg3[%add3A_388] : memref<320000xi32, #tpu.memory_space<hbm>> -> memref<80xi32, #tpu.memory_space<hbm>>
      %dma_start3A_390 = tpu.memref_slice %arg3[%add3A_388] : memref<320000xi32, #tpu.memory_space<hbm>> -> memref<80xi32, #tpu.memory_space<hbm>>
      tpu.enqueue_dma source(%dma_start3A_390 : memref<80xi32, #tpu.memory_space<hbm>>) target(%arg11 : memref<80xi32, #tpu.memory_space<vmem>>) target_semaphore(%arg35 : memref<!tpu.dma_semaphore, #tpu.memory_space<semaphore_mem>>)
      %dma_start3A_391 = tpu.memref_slice %arg4[%add3A_388] : memref<320000xi32, #tpu.memory_space<hbm>> -> memref<80xi32, #tpu.memory_space<hbm>>
      %dma_start3A_392 = tpu.memref_slice %arg4[%add3A_388] : memref<320000xi32, #tpu.memory_space<hbm>> -> memref<80xi32, #tpu.memory_space<hbm>>
      tpu.enqueue_dma source(%dma_start3A_392 : memref<80xi32, #tpu.memory_space<hbm>>) target(%arg19 : memref<80xi32, #tpu.memory_space<vmem>>) target_semaphore(%arg35 : memref<!tpu.dma_semaphore, #tpu.memory_space<semaphore_mem>>)
      %dma_wait3A_393 = arith.constant 0 : i32
      %dma_wait3A_394 = tpu.memref_slice %arg3[%dma_wait3A_393] : memref<320000xi32, #tpu.memory_space<hbm>> -> memref<80xi32, #tpu.memory_space<hbm>>
      %dma_wait3A_395 = arith.constant 0 : i32
      %dma_wait3A_396 = tpu.memref_slice %arg3[%dma_wait3A_395] : memref<320000xi32, #tpu.memory_space<hbm>> -> memref<80xi32, #tpu.memory_space<hbm>>
      tpu.wait_dma2 semaphore(%arg39 : memref<!tpu.dma_semaphore, #tpu.memory_space<semaphore_mem>>) src(%dma_wait3A_396 : memref<80xi32, #tpu.memory_space<hbm>>) dst(%arg15 : memref<80xi32, #tpu.memory_space<vmem>>)
      %dma_wait3A_397 = arith.constant 0 : i32
      %dma_wait3A_398 = tpu.memref_slice %arg4[%dma_wait3A_397] : memref<320000xi32, #tpu.memory_space<hbm>> -> memref<80xi32, #tpu.memory_space<hbm>>
      %dma_wait3A_399 = arith.constant 0 : i32
      %dma_wait3A_400 = tpu.memref_slice %arg4[%dma_wait3A_399] : memref<320000xi32, #tpu.memory_space<hbm>> -> memref<80xi32, #tpu.memory_space<hbm>>
      tpu.wait_dma2 semaphore(%arg39 : memref<!tpu.dma_semaphore, #tpu.memory_space<semaphore_mem>>) src(%dma_wait3A_400 : memref<80xi32, #tpu.memory_space<hbm>>) dst(%arg23 : memref<80xi32, #tpu.memory_space<vmem>>)
      %dma_start3A_401 = arith.constant 0 : i32
      %dma_start3A_402 = arith.constant 0 : i32
      %dma_start3A_403 = tpu.memref_slice %arg2[%dma_start3A_401, %dma_start3A_402] : memref<10000x128xf32, #tpu.memory_space<hbm>> -> memref<10000x128xf32, #tpu.memory_space<hbm>>
      tpu.enqueue_indirect_dma source(%dma_start3A_403 : memref<10000x128xf32, #tpu.memory_space<hbm>>) target(%arg7 : memref<80x128xf32, #tpu.memory_space<vmem>>) offsets(%arg15 : memref<80xi32, #tpu.memory_space<vmem>>) semaphore(%arg27 : memref<!tpu.dma_semaphore, #tpu.memory_space<semaphore_mem>>)
      %dma_wait3A_404 = arith.constant 0 : i32
      %dma_wait3A_405 = arith.constant 0 : i32
      %dma_wait3A_406 = tpu.memref_slice %arg2[%dma_wait3A_404, %dma_wait3A_405] : memref<10000x128xf32, #tpu.memory_space<hbm>> -> memref<10000x128xf32, #tpu.memory_space<hbm>>
      tpu.wait_indirect_dma semaphore(%arg29 : memref<!tpu.dma_semaphore, #tpu.memory_space<semaphore_mem>>) src(%dma_wait3A_406 : memref<10000x128xf32, #tpu.memory_space<hbm>>) dst(%arg9 : memref<80x128xf32, #tpu.memory_space<vmem>>)
      %dma_start3A_407 = arith.constant 0 : i32
      %dma_start3A_408 = arith.constant 0 : i32
      %dma_start3A_409 = tpu.memref_slice %arg6[%dma_start3A_407, %dma_start3A_408] : memref<10000x128xf32, #tpu.memory_space<vmem_shared>> -> memref<10000x128xf32, #tpu.memory_space<vmem_shared>>
      tpu.enqueue_indirect_dma source(%arg9 : memref<80x128xf32, #tpu.memory_space<vmem>>) target(%dma_start3A_409 : memref<10000x128xf32, #tpu.memory_space<vmem_shared>>) offsets(%arg21 : memref<80xi32, #tpu.memory_space<vmem>>) semaphore(%arg33 : memref<!tpu.dma_semaphore, #tpu.memory_space<semaphore_mem>>) {add = true}
      %dma_wait3A_410 = arith.constant 0 : i32
      %dma_wait3A_411 = arith.constant 0 : i32
      %dma_wait3A_412 = tpu.memref_slice %arg6[%dma_wait3A_410, %dma_wait3A_411] : memref<10000x128xf32, #tpu.memory_space<vmem_shared>> -> memref<10000x128xf32, #tpu.memory_space<vmem_shared>>
      tpu.wait_indirect_dma semaphore(%arg32 : memref<!tpu.dma_semaphore, #tpu.memory_space<semaphore_mem>>) src(%arg7 : memref<80x128xf32, #tpu.memory_space<vmem>>) dst(%dma_wait3A_412 : memref<10000x128xf32, #tpu.memory_space<vmem_shared>>)
      %add3A_413 = arith.constant 1 : i32
      %add3A_414 = arith.addi %add3A_378, %add3A_413 : i32
      %add3A_415 = arith.constant 4 : i32
      %add3A_416 = arith.addi %add3A_414, %add3A_415 : i32
      %mul3A_417 = arith.constant 80 : i32
      %mul3A_418 = arith.muli %add3A_416, %mul3A_417 : i32
      %add3A_419 = arith.addi %mul3A_2, %mul3A_418 : i32
      %dma_start3A_420 = tpu.memref_slice %arg3[%add3A_419] : memref<320000xi32, #tpu.memory_space<hbm>> -> memref<80xi32, #tpu.memory_space<hbm>>
      %dma_start3A_421 = tpu.memref_slice %arg3[%add3A_419] : memref<320000xi32, #tpu.memory_space<hbm>> -> memref<80xi32, #tpu.memory_space<hbm>>
      tpu.enqueue_dma source(%dma_start3A_421 : memref<80xi32, #tpu.memory_space<hbm>>) target(%arg12 : memref<80xi32, #tpu.memory_space<vmem>>) target_semaphore(%arg36 : memref<!tpu.dma_semaphore, #tpu.memory_space<semaphore_mem>>)
      %dma_start3A_422 = tpu.memref_slice %arg4[%add3A_419] : memref<320000xi32, #tpu.memory_space<hbm>> -> memref<80xi32, #tpu.memory_space<hbm>>
      %dma_start3A_423 = tpu.memref_slice %arg4[%add3A_419] : memref<320000xi32, #tpu.memory_space<hbm>> -> memref<80xi32, #tpu.memory_space<hbm>>
      tpu.enqueue_dma source(%dma_start3A_423 : memref<80xi32, #tpu.memory_space<hbm>>) target(%arg20 : memref<80xi32, #tpu.memory_space<vmem>>) target_semaphore(%arg36 : memref<!tpu.dma_semaphore, #tpu.memory_space<semaphore_mem>>)
      %dma_wait3A_424 = arith.constant 0 : i32
      %dma_wait3A_425 = tpu.memref_slice %arg3[%dma_wait3A_424] : memref<320000xi32, #tpu.memory_space<hbm>> -> memref<80xi32, #tpu.memory_space<hbm>>
      %dma_wait3A_426 = arith.constant 0 : i32
      %dma_wait3A_427 = tpu.memref_slice %arg3[%dma_wait3A_426] : memref<320000xi32, #tpu.memory_space<hbm>> -> memref<80xi32, #tpu.memory_space<hbm>>
      tpu.wait_dma2 semaphore(%arg40 : memref<!tpu.dma_semaphore, #tpu.memory_space<semaphore_mem>>) src(%dma_wait3A_427 : memref<80xi32, #tpu.memory_space<hbm>>) dst(%arg16 : memref<80xi32, #tpu.memory_space<vmem>>)
      %dma_wait3A_428 = arith.constant 0 : i32
      %dma_wait3A_429 = tpu.memref_slice %arg4[%dma_wait3A_428] : memref<320000xi32, #tpu.memory_space<hbm>> -> memref<80xi32, #tpu.memory_space<hbm>>
      %dma_wait3A_430 = arith.constant 0 : i32
      %dma_wait3A_431 = tpu.memref_slice %arg4[%dma_wait3A_430] : memref<320000xi32, #tpu.memory_space<hbm>> -> memref<80xi32, #tpu.memory_space<hbm>>
      tpu.wait_dma2 semaphore(%arg40 : memref<!tpu.dma_semaphore, #tpu.memory_space<semaphore_mem>>) src(%dma_wait3A_431 : memref<80xi32, #tpu.memory_space<hbm>>) dst(%arg24 : memref<80xi32, #tpu.memory_space<vmem>>)
      %dma_start3A_432 = arith.constant 0 : i32
      %dma_start3A_433 = arith.constant 0 : i32
      %dma_start3A_434 = tpu.memref_slice %arg2[%dma_start3A_432, %dma_start3A_433] : memref<10000x128xf32, #tpu.memory_space<hbm>> -> memref<10000x128xf32, #tpu.memory_space<hbm>>
      tpu.enqueue_indirect_dma source(%dma_start3A_434 : memref<10000x128xf32, #tpu.memory_space<hbm>>) target(%arg8 : memref<80x128xf32, #tpu.memory_space<vmem>>) offsets(%arg16 : memref<80xi32, #tpu.memory_space<vmem>>) semaphore(%arg28 : memref<!tpu.dma_semaphore, #tpu.memory_space<semaphore_mem>>)
      %dma_wait3A_435 = arith.constant 0 : i32
      %dma_wait3A_436 = arith.constant 0 : i32
      %dma_wait3A_437 = tpu.memref_slice %arg2[%dma_wait3A_435, %dma_wait3A_436] : memref<10000x128xf32, #tpu.memory_space<hbm>> -> memref<10000x128xf32, #tpu.memory_space<hbm>>
      tpu.wait_indirect_dma semaphore(%arg30 : memref<!tpu.dma_semaphore, #tpu.memory_space<semaphore_mem>>) src(%dma_wait3A_437 : memref<10000x128xf32, #tpu.memory_space<hbm>>) dst(%arg10 : memref<80x128xf32, #tpu.memory_space<vmem>>)
      %dma_start3A_438 = arith.constant 0 : i32
      %dma_start3A_439 = arith.constant 0 : i32
      %dma_start3A_440 = tpu.memref_slice %arg6[%dma_start3A_438, %dma_start3A_439] : memref<10000x128xf32, #tpu.memory_space<vmem_shared>> -> memref<10000x128xf32, #tpu.memory_space<vmem_shared>>
      tpu.enqueue_indirect_dma source(%arg10 : memref<80x128xf32, #tpu.memory_space<vmem>>) target(%dma_start3A_440 : memref<10000x128xf32, #tpu.memory_space<vmem_shared>>) offsets(%arg22 : memref<80xi32, #tpu.memory_space<vmem>>) semaphore(%arg34 : memref<!tpu.dma_semaphore, #tpu.memory_space<semaphore_mem>>) {add = true}
      %dma_wait3A_441 = arith.constant 0 : i32
      %dma_wait3A_442 = arith.constant 0 : i32
      %dma_wait3A_443 = tpu.memref_slice %arg6[%dma_wait3A_441, %dma_wait3A_442] : memref<10000x128xf32, #tpu.memory_space<vmem_shared>> -> memref<10000x128xf32, #tpu.memory_space<vmem_shared>>
      tpu.wait_indirect_dma semaphore(%arg33 : memref<!tpu.dma_semaphore, #tpu.memory_space<semaphore_mem>>) src(%arg7 : memref<80x128xf32, #tpu.memory_space<vmem>>) dst(%dma_wait3A_443 : memref<10000x128xf32, #tpu.memory_space<vmem_shared>>)
      %add3A_444 = arith.constant 2 : i32
      %add3A_445 = arith.addi %add3A_378, %add3A_444 : i32
      %add3A_446 = arith.constant 4 : i32
      %add3A_447 = arith.addi %add3A_445, %add3A_446 : i32
      %mul3A_448 = arith.constant 80 : i32
      %mul3A_449 = arith.muli %add3A_447, %mul3A_448 : i32
      %add3A_450 = arith.addi %mul3A_2, %mul3A_449 : i32
      %dma_start3A_451 = tpu.memref_slice %arg3[%add3A_450] : memref<320000xi32, #tpu.memory_space<hbm>> -> memref<80xi32, #tpu.memory_space<hbm>>
      %dma_start3A_452 = tpu.memref_slice %arg3[%add3A_450] : memref<320000xi32, #tpu.memory_space<hbm>> -> memref<80xi32, #tpu.memory_space<hbm>>
      tpu.enqueue_dma source(%dma_start3A_452 : memref<80xi32, #tpu.memory_space<hbm>>) target(%arg13 : memref<80xi32, #tpu.memory_space<vmem>>) target_semaphore(%arg37 : memref<!tpu.dma_semaphore, #tpu.memory_space<semaphore_mem>>)
      %dma_start3A_453 = tpu.memref_slice %arg4[%add3A_450] : memref<320000xi32, #tpu.memory_space<hbm>> -> memref<80xi32, #tpu.memory_space<hbm>>
      %dma_start3A_454 = tpu.memref_slice %arg4[%add3A_450] : memref<320000xi32, #tpu.memory_space<hbm>> -> memref<80xi32, #tpu.memory_space<hbm>>
      tpu.enqueue_dma source(%dma_start3A_454 : memref<80xi32, #tpu.memory_space<hbm>>) target(%arg21 : memref<80xi32, #tpu.memory_space<vmem>>) target_semaphore(%arg37 : memref<!tpu.dma_semaphore, #tpu.memory_space<semaphore_mem>>)
      %dma_wait3A_455 = arith.constant 0 : i32
      %dma_wait3A_456 = tpu.memref_slice %arg3[%dma_wait3A_455] : memref<320000xi32, #tpu.memory_space<hbm>> -> memref<80xi32, #tpu.memory_space<hbm>>
      %dma_wait3A_457 = arith.constant 0 : i32
      %dma_wait3A_458 = tpu.memref_slice %arg3[%dma_wait3A_457] : memref<320000xi32, #tpu.memory_space<hbm>> -> memref<80xi32, #tpu.memory_space<hbm>>
      tpu.wait_dma2 semaphore(%arg41 : memref<!tpu.dma_semaphore, #tpu.memory_space<semaphore_mem>>) src(%dma_wait3A_458 : memref<80xi32, #tpu.memory_space<hbm>>) dst(%arg17 : memref<80xi32, #tpu.memory_space<vmem>>)
      %dma_wait3A_459 = arith.constant 0 : i32
      %dma_wait3A_460 = tpu.memref_slice %arg4[%dma_wait3A_459] : memref<320000xi32, #tpu.memory_space<hbm>> -> memref<80xi32, #tpu.memory_space<hbm>>
      %dma_wait3A_461 = arith.constant 0 : i32
      %dma_wait3A_462 = tpu.memref_slice %arg4[%dma_wait3A_461] : memref<320000xi32, #tpu.memory_space<hbm>> -> memref<80xi32, #tpu.memory_space<hbm>>
      tpu.wait_dma2 semaphore(%arg41 : memref<!tpu.dma_semaphore, #tpu.memory_space<semaphore_mem>>) src(%dma_wait3A_462 : memref<80xi32, #tpu.memory_space<hbm>>) dst(%arg25 : memref<80xi32, #tpu.memory_space<vmem>>)
      %dma_start3A_463 = arith.constant 0 : i32
      %dma_start3A_464 = arith.constant 0 : i32
      %dma_start3A_465 = tpu.memref_slice %arg2[%dma_start3A_463, %dma_start3A_464] : memref<10000x128xf32, #tpu.memory_space<hbm>> -> memref<10000x128xf32, #tpu.memory_space<hbm>>
      tpu.enqueue_indirect_dma source(%dma_start3A_465 : memref<10000x128xf32, #tpu.memory_space<hbm>>) target(%arg9 : memref<80x128xf32, #tpu.memory_space<vmem>>) offsets(%arg17 : memref<80xi32, #tpu.memory_space<vmem>>) semaphore(%arg29 : memref<!tpu.dma_semaphore, #tpu.memory_space<semaphore_mem>>)
      %dma_wait3A_466 = arith.constant 0 : i32
      %dma_wait3A_467 = arith.constant 0 : i32
      %dma_wait3A_468 = tpu.memref_slice %arg2[%dma_wait3A_466, %dma_wait3A_467] : memref<10000x128xf32, #tpu.memory_space<hbm>> -> memref<10000x128xf32, #tpu.memory_space<hbm>>
      tpu.wait_indirect_dma semaphore(%arg27 : memref<!tpu.dma_semaphore, #tpu.memory_space<semaphore_mem>>) src(%dma_wait3A_468 : memref<10000x128xf32, #tpu.memory_space<hbm>>) dst(%arg7 : memref<80x128xf32, #tpu.memory_space<vmem>>)
      %dma_start3A_469 = arith.constant 0 : i32
      %dma_start3A_470 = arith.constant 0 : i32
      %dma_start3A_471 = tpu.memref_slice %arg6[%dma_start3A_469, %dma_start3A_470] : memref<10000x128xf32, #tpu.memory_space<vmem_shared>> -> memref<10000x128xf32, #tpu.memory_space<vmem_shared>>
      tpu.enqueue_indirect_dma source(%arg7 : memref<80x128xf32, #tpu.memory_space<vmem>>) target(%dma_start3A_471 : memref<10000x128xf32, #tpu.memory_space<vmem_shared>>) offsets(%arg23 : memref<80xi32, #tpu.memory_space<vmem>>) semaphore(%arg31 : memref<!tpu.dma_semaphore, #tpu.memory_space<semaphore_mem>>) {add = true}
      %dma_wait3A_472 = arith.constant 0 : i32
      %dma_wait3A_473 = arith.constant 0 : i32
      %dma_wait3A_474 = tpu.memref_slice %arg6[%dma_wait3A_472, %dma_wait3A_473] : memref<10000x128xf32, #tpu.memory_space<vmem_shared>> -> memref<10000x128xf32, #tpu.memory_space<vmem_shared>>
      tpu.wait_indirect_dma semaphore(%arg34 : memref<!tpu.dma_semaphore, #tpu.memory_space<semaphore_mem>>) src(%arg7 : memref<80x128xf32, #tpu.memory_space<vmem>>) dst(%dma_wait3A_474 : memref<10000x128xf32, #tpu.memory_space<vmem_shared>>)
      %add3A_475 = arith.constant 3 : i32
      %add3A_476 = arith.addi %add3A_378, %add3A_475 : i32
      %add3A_477 = arith.constant 4 : i32
      %add3A_478 = arith.addi %add3A_476, %add3A_477 : i32
      %mul3A_479 = arith.constant 80 : i32
      %mul3A_480 = arith.muli %add3A_478, %mul3A_479 : i32
      %add3A_481 = arith.addi %mul3A_2, %mul3A_480 : i32
      %dma_start3A_482 = tpu.memref_slice %arg3[%add3A_481] : memref<320000xi32, #tpu.memory_space<hbm>> -> memref<80xi32, #tpu.memory_space<hbm>>
      %dma_start3A_483 = tpu.memref_slice %arg3[%add3A_481] : memref<320000xi32, #tpu.memory_space<hbm>> -> memref<80xi32, #tpu.memory_space<hbm>>
      tpu.enqueue_dma source(%dma_start3A_483 : memref<80xi32, #tpu.memory_space<hbm>>) target(%arg14 : memref<80xi32, #tpu.memory_space<vmem>>) target_semaphore(%arg38 : memref<!tpu.dma_semaphore, #tpu.memory_space<semaphore_mem>>)
      %dma_start3A_484 = tpu.memref_slice %arg4[%add3A_481] : memref<320000xi32, #tpu.memory_space<hbm>> -> memref<80xi32, #tpu.memory_space<hbm>>
      %dma_start3A_485 = tpu.memref_slice %arg4[%add3A_481] : memref<320000xi32, #tpu.memory_space<hbm>> -> memref<80xi32, #tpu.memory_space<hbm>>
      tpu.enqueue_dma source(%dma_start3A_485 : memref<80xi32, #tpu.memory_space<hbm>>) target(%arg22 : memref<80xi32, #tpu.memory_space<vmem>>) target_semaphore(%arg38 : memref<!tpu.dma_semaphore, #tpu.memory_space<semaphore_mem>>)
      %dma_wait3A_486 = arith.constant 0 : i32
      %dma_wait3A_487 = tpu.memref_slice %arg3[%dma_wait3A_486] : memref<320000xi32, #tpu.memory_space<hbm>> -> memref<80xi32, #tpu.memory_space<hbm>>
      %dma_wait3A_488 = arith.constant 0 : i32
      %dma_wait3A_489 = tpu.memref_slice %arg3[%dma_wait3A_488] : memref<320000xi32, #tpu.memory_space<hbm>> -> memref<80xi32, #tpu.memory_space<hbm>>
      tpu.wait_dma2 semaphore(%arg42 : memref<!tpu.dma_semaphore, #tpu.memory_space<semaphore_mem>>) src(%dma_wait3A_489 : memref<80xi32, #tpu.memory_space<hbm>>) dst(%arg18 : memref<80xi32, #tpu.memory_space<vmem>>)
      %dma_wait3A_490 = arith.constant 0 : i32
      %dma_wait3A_491 = tpu.memref_slice %arg4[%dma_wait3A_490] : memref<320000xi32, #tpu.memory_space<hbm>> -> memref<80xi32, #tpu.memory_space<hbm>>
      %dma_wait3A_492 = arith.constant 0 : i32
      %dma_wait3A_493 = tpu.memref_slice %arg4[%dma_wait3A_492] : memref<320000xi32, #tpu.memory_space<hbm>> -> memref<80xi32, #tpu.memory_space<hbm>>
      tpu.wait_dma2 semaphore(%arg42 : memref<!tpu.dma_semaphore, #tpu.memory_space<semaphore_mem>>) src(%dma_wait3A_493 : memref<80xi32, #tpu.memory_space<hbm>>) dst(%arg26 : memref<80xi32, #tpu.memory_space<vmem>>)
      %dma_start3A_494 = arith.constant 0 : i32
      %dma_start3A_495 = arith.constant 0 : i32
      %dma_start3A_496 = tpu.memref_slice %arg2[%dma_start3A_494, %dma_start3A_495] : memref<10000x128xf32, #tpu.memory_space<hbm>> -> memref<10000x128xf32, #tpu.memory_space<hbm>>
      tpu.enqueue_indirect_dma source(%dma_start3A_496 : memref<10000x128xf32, #tpu.memory_space<hbm>>) target(%arg10 : memref<80x128xf32, #tpu.memory_space<vmem>>) offsets(%arg18 : memref<80xi32, #tpu.memory_space<vmem>>) semaphore(%arg30 : memref<!tpu.dma_semaphore, #tpu.memory_space<semaphore_mem>>)
      %dma_wait3A_497 = arith.constant 0 : i32
      %dma_wait3A_498 = arith.constant 0 : i32
      %dma_wait3A_499 = tpu.memref_slice %arg2[%dma_wait3A_497, %dma_wait3A_498] : memref<10000x128xf32, #tpu.memory_space<hbm>> -> memref<10000x128xf32, #tpu.memory_space<hbm>>
      tpu.wait_indirect_dma semaphore(%arg28 : memref<!tpu.dma_semaphore, #tpu.memory_space<semaphore_mem>>) src(%dma_wait3A_499 : memref<10000x128xf32, #tpu.memory_space<hbm>>) dst(%arg8 : memref<80x128xf32, #tpu.memory_space<vmem>>)
      %dma_start3A_500 = arith.constant 0 : i32
      %dma_start3A_501 = arith.constant 0 : i32
      %dma_start3A_502 = tpu.memref_slice %arg6[%dma_start3A_500, %dma_start3A_501] : memref<10000x128xf32, #tpu.memory_space<vmem_shared>> -> memref<10000x128xf32, #tpu.memory_space<vmem_shared>>
      tpu.enqueue_indirect_dma source(%arg8 : memref<80x128xf32, #tpu.memory_space<vmem>>) target(%dma_start3A_502 : memref<10000x128xf32, #tpu.memory_space<vmem_shared>>) offsets(%arg24 : memref<80xi32, #tpu.memory_space<vmem>>) semaphore(%arg32 : memref<!tpu.dma_semaphore, #tpu.memory_space<semaphore_mem>>) {add = true}
      %dma_wait3A_503 = arith.constant 0 : i32
      %dma_wait3A_504 = arith.constant 0 : i32
      %dma_wait3A_505 = tpu.memref_slice %arg6[%dma_wait3A_503, %dma_wait3A_504] : memref<10000x128xf32, #tpu.memory_space<vmem_shared>> -> memref<10000x128xf32, #tpu.memory_space<vmem_shared>>
      tpu.wait_indirect_dma semaphore(%arg31 : memref<!tpu.dma_semaphore, #tpu.memory_space<semaphore_mem>>) src(%arg7 : memref<80x128xf32, #tpu.memory_space<vmem>>) dst(%dma_wait3A_505 : memref<10000x128xf32, #tpu.memory_space<vmem_shared>>)
      %add3A_506 = arith.constant 4 : i32
      %add3A_507 = arith.addi %add3A_378, %add3A_506 : i32
      %add3A_508 = arith.constant 4 : i32
      %add3A_509 = arith.addi %add3A_507, %add3A_508 : i32
      %mul3A_510 = arith.constant 80 : i32
      %mul3A_511 = arith.muli %add3A_509, %mul3A_510 : i32
      %add3A_512 = arith.addi %mul3A_2, %mul3A_511 : i32
      %dma_start3A_513 = tpu.memref_slice %arg3[%add3A_512] : memref<320000xi32, #tpu.memory_space<hbm>> -> memref<80xi32, #tpu.memory_space<hbm>>
      %dma_start3A_514 = tpu.memref_slice %arg3[%add3A_512] : memref<320000xi32, #tpu.memory_space<hbm>> -> memref<80xi32, #tpu.memory_space<hbm>>
      tpu.enqueue_dma source(%dma_start3A_514 : memref<80xi32, #tpu.memory_space<hbm>>) target(%arg15 : memref<80xi32, #tpu.memory_space<vmem>>) target_semaphore(%arg39 : memref<!tpu.dma_semaphore, #tpu.memory_space<semaphore_mem>>)
      %dma_start3A_515 = tpu.memref_slice %arg4[%add3A_512] : memref<320000xi32, #tpu.memory_space<hbm>> -> memref<80xi32, #tpu.memory_space<hbm>>
      %dma_start3A_516 = tpu.memref_slice %arg4[%add3A_512] : memref<320000xi32, #tpu.memory_space<hbm>> -> memref<80xi32, #tpu.memory_space<hbm>>
      tpu.enqueue_dma source(%dma_start3A_516 : memref<80xi32, #tpu.memory_space<hbm>>) target(%arg23 : memref<80xi32, #tpu.memory_space<vmem>>) target_semaphore(%arg39 : memref<!tpu.dma_semaphore, #tpu.memory_space<semaphore_mem>>)
      %dma_wait3A_517 = arith.constant 0 : i32
      %dma_wait3A_518 = tpu.memref_slice %arg3[%dma_wait3A_517] : memref<320000xi32, #tpu.memory_space<hbm>> -> memref<80xi32, #tpu.memory_space<hbm>>
      %dma_wait3A_519 = arith.constant 0 : i32
      %dma_wait3A_520 = tpu.memref_slice %arg3[%dma_wait3A_519] : memref<320000xi32, #tpu.memory_space<hbm>> -> memref<80xi32, #tpu.memory_space<hbm>>
      tpu.wait_dma2 semaphore(%arg35 : memref<!tpu.dma_semaphore, #tpu.memory_space<semaphore_mem>>) src(%dma_wait3A_520 : memref<80xi32, #tpu.memory_space<hbm>>) dst(%arg11 : memref<80xi32, #tpu.memory_space<vmem>>)
      %dma_wait3A_521 = arith.constant 0 : i32
      %dma_wait3A_522 = tpu.memref_slice %arg4[%dma_wait3A_521] : memref<320000xi32, #tpu.memory_space<hbm>> -> memref<80xi32, #tpu.memory_space<hbm>>
      %dma_wait3A_523 = arith.constant 0 : i32
      %dma_wait3A_524 = tpu.memref_slice %arg4[%dma_wait3A_523] : memref<320000xi32, #tpu.memory_space<hbm>> -> memref<80xi32, #tpu.memory_space<hbm>>
      tpu.wait_dma2 semaphore(%arg35 : memref<!tpu.dma_semaphore, #tpu.memory_space<semaphore_mem>>) src(%dma_wait3A_524 : memref<80xi32, #tpu.memory_space<hbm>>) dst(%arg19 : memref<80xi32, #tpu.memory_space<vmem>>)
      %dma_start3A_525 = arith.constant 0 : i32
      %dma_start3A_526 = arith.constant 0 : i32
      %dma_start3A_527 = tpu.memref_slice %arg2[%dma_start3A_525, %dma_start3A_526] : memref<10000x128xf32, #tpu.memory_space<hbm>> -> memref<10000x128xf32, #tpu.memory_space<hbm>>
      tpu.enqueue_indirect_dma source(%dma_start3A_527 : memref<10000x128xf32, #tpu.memory_space<hbm>>) target(%arg7 : memref<80x128xf32, #tpu.memory_space<vmem>>) offsets(%arg11 : memref<80xi32, #tpu.memory_space<vmem>>) semaphore(%arg27 : memref<!tpu.dma_semaphore, #tpu.memory_space<semaphore_mem>>)
      %dma_wait3A_528 = arith.constant 0 : i32
      %dma_wait3A_529 = arith.constant 0 : i32
      %dma_wait3A_530 = tpu.memref_slice %arg2[%dma_wait3A_528, %dma_wait3A_529] : memref<10000x128xf32, #tpu.memory_space<hbm>> -> memref<10000x128xf32, #tpu.memory_space<hbm>>
      tpu.wait_indirect_dma semaphore(%arg29 : memref<!tpu.dma_semaphore, #tpu.memory_space<semaphore_mem>>) src(%dma_wait3A_530 : memref<10000x128xf32, #tpu.memory_space<hbm>>) dst(%arg9 : memref<80x128xf32, #tpu.memory_space<vmem>>)
      %dma_start3A_531 = arith.constant 0 : i32
      %dma_start3A_532 = arith.constant 0 : i32
      %dma_start3A_533 = tpu.memref_slice %arg6[%dma_start3A_531, %dma_start3A_532] : memref<10000x128xf32, #tpu.memory_space<vmem_shared>> -> memref<10000x128xf32, #tpu.memory_space<vmem_shared>>
      tpu.enqueue_indirect_dma source(%arg9 : memref<80x128xf32, #tpu.memory_space<vmem>>) target(%dma_start3A_533 : memref<10000x128xf32, #tpu.memory_space<vmem_shared>>) offsets(%arg25 : memref<80xi32, #tpu.memory_space<vmem>>) semaphore(%arg33 : memref<!tpu.dma_semaphore, #tpu.memory_space<semaphore_mem>>) {add = true}
      %dma_wait3A_534 = arith.constant 0 : i32
      %dma_wait3A_535 = arith.constant 0 : i32
      %dma_wait3A_536 = tpu.memref_slice %arg6[%dma_wait3A_534, %dma_wait3A_535] : memref<10000x128xf32, #tpu.memory_space<vmem_shared>> -> memref<10000x128xf32, #tpu.memory_space<vmem_shared>>
      tpu.wait_indirect_dma semaphore(%arg32 : memref<!tpu.dma_semaphore, #tpu.memory_space<semaphore_mem>>) src(%arg7 : memref<80x128xf32, #tpu.memory_space<vmem>>) dst(%dma_wait3A_536 : memref<10000x128xf32, #tpu.memory_space<vmem_shared>>)
      %add3A_537 = arith.constant 5 : i32
      %add3A_538 = arith.addi %add3A_378, %add3A_537 : i32
      %add3A_539 = arith.constant 4 : i32
      %add3A_540 = arith.addi %add3A_538, %add3A_539 : i32
      %mul3A_541 = arith.constant 80 : i32
      %mul3A_542 = arith.muli %add3A_540, %mul3A_541 : i32
      %add3A_543 = arith.addi %mul3A_2, %mul3A_542 : i32
      %dma_start3A_544 = tpu.memref_slice %arg3[%add3A_543] : memref<320000xi32, #tpu.memory_space<hbm>> -> memref<80xi32, #tpu.memory_space<hbm>>
      %dma_start3A_545 = tpu.memref_slice %arg3[%add3A_543] : memref<320000xi32, #tpu.memory_space<hbm>> -> memref<80xi32, #tpu.memory_space<hbm>>
      tpu.enqueue_dma source(%dma_start3A_545 : memref<80xi32, #tpu.memory_space<hbm>>) target(%arg16 : memref<80xi32, #tpu.memory_space<vmem>>) target_semaphore(%arg40 : memref<!tpu.dma_semaphore, #tpu.memory_space<semaphore_mem>>)
      %dma_start3A_546 = tpu.memref_slice %arg4[%add3A_543] : memref<320000xi32, #tpu.memory_space<hbm>> -> memref<80xi32, #tpu.memory_space<hbm>>
      %dma_start3A_547 = tpu.memref_slice %arg4[%add3A_543] : memref<320000xi32, #tpu.memory_space<hbm>> -> memref<80xi32, #tpu.memory_space<hbm>>
      tpu.enqueue_dma source(%dma_start3A_547 : memref<80xi32, #tpu.memory_space<hbm>>) target(%arg24 : memref<80xi32, #tpu.memory_space<vmem>>) target_semaphore(%arg40 : memref<!tpu.dma_semaphore, #tpu.memory_space<semaphore_mem>>)
      %dma_wait3A_548 = arith.constant 0 : i32
      %dma_wait3A_549 = tpu.memref_slice %arg3[%dma_wait3A_548] : memref<320000xi32, #tpu.memory_space<hbm>> -> memref<80xi32, #tpu.memory_space<hbm>>
      %dma_wait3A_550 = arith.constant 0 : i32
      %dma_wait3A_551 = tpu.memref_slice %arg3[%dma_wait3A_550] : memref<320000xi32, #tpu.memory_space<hbm>> -> memref<80xi32, #tpu.memory_space<hbm>>
      tpu.wait_dma2 semaphore(%arg36 : memref<!tpu.dma_semaphore, #tpu.memory_space<semaphore_mem>>) src(%dma_wait3A_551 : memref<80xi32, #tpu.memory_space<hbm>>) dst(%arg12 : memref<80xi32, #tpu.memory_space<vmem>>)
      %dma_wait3A_552 = arith.constant 0 : i32
      %dma_wait3A_553 = tpu.memref_slice %arg4[%dma_wait3A_552] : memref<320000xi32, #tpu.memory_space<hbm>> -> memref<80xi32, #tpu.memory_space<hbm>>
      %dma_wait3A_554 = arith.constant 0 : i32
      %dma_wait3A_555 = tpu.memref_slice %arg4[%dma_wait3A_554] : memref<320000xi32, #tpu.memory_space<hbm>> -> memref<80xi32, #tpu.memory_space<hbm>>
      tpu.wait_dma2 semaphore(%arg36 : memref<!tpu.dma_semaphore, #tpu.memory_space<semaphore_mem>>) src(%dma_wait3A_555 : memref<80xi32, #tpu.memory_space<hbm>>) dst(%arg20 : memref<80xi32, #tpu.memory_space<vmem>>)
      %dma_start3A_556 = arith.constant 0 : i32
      %dma_start3A_557 = arith.constant 0 : i32
      %dma_start3A_558 = tpu.memref_slice %arg2[%dma_start3A_556, %dma_start3A_557] : memref<10000x128xf32, #tpu.memory_space<hbm>> -> memref<10000x128xf32, #tpu.memory_space<hbm>>
      tpu.enqueue_indirect_dma source(%dma_start3A_558 : memref<10000x128xf32, #tpu.memory_space<hbm>>) target(%arg8 : memref<80x128xf32, #tpu.memory_space<vmem>>) offsets(%arg12 : memref<80xi32, #tpu.memory_space<vmem>>) semaphore(%arg28 : memref<!tpu.dma_semaphore, #tpu.memory_space<semaphore_mem>>)
      %dma_wait3A_559 = arith.constant 0 : i32
      %dma_wait3A_560 = arith.constant 0 : i32
      %dma_wait3A_561 = tpu.memref_slice %arg2[%dma_wait3A_559, %dma_wait3A_560] : memref<10000x128xf32, #tpu.memory_space<hbm>> -> memref<10000x128xf32, #tpu.memory_space<hbm>>
      tpu.wait_indirect_dma semaphore(%arg30 : memref<!tpu.dma_semaphore, #tpu.memory_space<semaphore_mem>>) src(%dma_wait3A_561 : memref<10000x128xf32, #tpu.memory_space<hbm>>) dst(%arg10 : memref<80x128xf32, #tpu.memory_space<vmem>>)
      %dma_start3A_562 = arith.constant 0 : i32
      %dma_start3A_563 = arith.constant 0 : i32
      %dma_start3A_564 = tpu.memref_slice %arg6[%dma_start3A_562, %dma_start3A_563] : memref<10000x128xf32, #tpu.memory_space<vmem_shared>> -> memref<10000x128xf32, #tpu.memory_space<vmem_shared>>
      tpu.enqueue_indirect_dma source(%arg10 : memref<80x128xf32, #tpu.memory_space<vmem>>) target(%dma_start3A_564 : memref<10000x128xf32, #tpu.memory_space<vmem_shared>>) offsets(%arg26 : memref<80xi32, #tpu.memory_space<vmem>>) semaphore(%arg34 : memref<!tpu.dma_semaphore, #tpu.memory_space<semaphore_mem>>) {add = true}
      %dma_wait3A_565 = arith.constant 0 : i32
      %dma_wait3A_566 = arith.constant 0 : i32
      %dma_wait3A_567 = tpu.memref_slice %arg6[%dma_wait3A_565, %dma_wait3A_566] : memref<10000x128xf32, #tpu.memory_space<vmem_shared>> -> memref<10000x128xf32, #tpu.memory_space<vmem_shared>>
      tpu.wait_indirect_dma semaphore(%arg33 : memref<!tpu.dma_semaphore, #tpu.memory_space<semaphore_mem>>) src(%arg7 : memref<80x128xf32, #tpu.memory_space<vmem>>) dst(%dma_wait3A_567 : memref<10000x128xf32, #tpu.memory_space<vmem_shared>>)
      %add3A_568 = arith.constant 6 : i32
      %add3A_569 = arith.addi %add3A_378, %add3A_568 : i32
      %add3A_570 = arith.constant 4 : i32
      %add3A_571 = arith.addi %add3A_569, %add3A_570 : i32
      %mul3A_572 = arith.constant 80 : i32
      %mul3A_573 = arith.muli %add3A_571, %mul3A_572 : i32
      %add3A_574 = arith.addi %mul3A_2, %mul3A_573 : i32
      %dma_start3A_575 = tpu.memref_slice %arg3[%add3A_574] : memref<320000xi32, #tpu.memory_space<hbm>> -> memref<80xi32, #tpu.memory_space<hbm>>
      %dma_start3A_576 = tpu.memref_slice %arg3[%add3A_574] : memref<320000xi32, #tpu.memory_space<hbm>> -> memref<80xi32, #tpu.memory_space<hbm>>
      tpu.enqueue_dma source(%dma_start3A_576 : memref<80xi32, #tpu.memory_space<hbm>>) target(%arg17 : memref<80xi32, #tpu.memory_space<vmem>>) target_semaphore(%arg41 : memref<!tpu.dma_semaphore, #tpu.memory_space<semaphore_mem>>)
      %dma_start3A_577 = tpu.memref_slice %arg4[%add3A_574] : memref<320000xi32, #tpu.memory_space<hbm>> -> memref<80xi32, #tpu.memory_space<hbm>>
      %dma_start3A_578 = tpu.memref_slice %arg4[%add3A_574] : memref<320000xi32, #tpu.memory_space<hbm>> -> memref<80xi32, #tpu.memory_space<hbm>>
      tpu.enqueue_dma source(%dma_start3A_578 : memref<80xi32, #tpu.memory_space<hbm>>) target(%arg25 : memref<80xi32, #tpu.memory_space<vmem>>) target_semaphore(%arg41 : memref<!tpu.dma_semaphore, #tpu.memory_space<semaphore_mem>>)
      %dma_wait3A_579 = arith.constant 0 : i32
      %dma_wait3A_580 = tpu.memref_slice %arg3[%dma_wait3A_579] : memref<320000xi32, #tpu.memory_space<hbm>> -> memref<80xi32, #tpu.memory_space<hbm>>
      %dma_wait3A_581 = arith.constant 0 : i32
      %dma_wait3A_582 = tpu.memref_slice %arg3[%dma_wait3A_581] : memref<320000xi32, #tpu.memory_space<hbm>> -> memref<80xi32, #tpu.memory_space<hbm>>
      tpu.wait_dma2 semaphore(%arg37 : memref<!tpu.dma_semaphore, #tpu.memory_space<semaphore_mem>>) src(%dma_wait3A_582 : memref<80xi32, #tpu.memory_space<hbm>>) dst(%arg13 : memref<80xi32, #tpu.memory_space<vmem>>)
      %dma_wait3A_583 = arith.constant 0 : i32
      %dma_wait3A_584 = tpu.memref_slice %arg4[%dma_wait3A_583] : memref<320000xi32, #tpu.memory_space<hbm>> -> memref<80xi32, #tpu.memory_space<hbm>>
      %dma_wait3A_585 = arith.constant 0 : i32
      %dma_wait3A_586 = tpu.memref_slice %arg4[%dma_wait3A_585] : memref<320000xi32, #tpu.memory_space<hbm>> -> memref<80xi32, #tpu.memory_space<hbm>>
      tpu.wait_dma2 semaphore(%arg37 : memref<!tpu.dma_semaphore, #tpu.memory_space<semaphore_mem>>) src(%dma_wait3A_586 : memref<80xi32, #tpu.memory_space<hbm>>) dst(%arg21 : memref<80xi32, #tpu.memory_space<vmem>>)
      %dma_start3A_587 = arith.constant 0 : i32
      %dma_start3A_588 = arith.constant 0 : i32
      %dma_start3A_589 = tpu.memref_slice %arg2[%dma_start3A_587, %dma_start3A_588] : memref<10000x128xf32, #tpu.memory_space<hbm>> -> memref<10000x128xf32, #tpu.memory_space<hbm>>
      tpu.enqueue_indirect_dma source(%dma_start3A_589 : memref<10000x128xf32, #tpu.memory_space<hbm>>) target(%arg9 : memref<80x128xf32, #tpu.memory_space<vmem>>) offsets(%arg13 : memref<80xi32, #tpu.memory_space<vmem>>) semaphore(%arg29 : memref<!tpu.dma_semaphore, #tpu.memory_space<semaphore_mem>>)
      %dma_wait3A_590 = arith.constant 0 : i32
      %dma_wait3A_591 = arith.constant 0 : i32
      %dma_wait3A_592 = tpu.memref_slice %arg2[%dma_wait3A_590, %dma_wait3A_591] : memref<10000x128xf32, #tpu.memory_space<hbm>> -> memref<10000x128xf32, #tpu.memory_space<hbm>>
      tpu.wait_indirect_dma semaphore(%arg27 : memref<!tpu.dma_semaphore, #tpu.memory_space<semaphore_mem>>) src(%dma_wait3A_592 : memref<10000x128xf32, #tpu.memory_space<hbm>>) dst(%arg7 : memref<80x128xf32, #tpu.memory_space<vmem>>)
      %dma_start3A_593 = arith.constant 0 : i32
      %dma_start3A_594 = arith.constant 0 : i32
      %dma_start3A_595 = tpu.memref_slice %arg6[%dma_start3A_593, %dma_start3A_594] : memref<10000x128xf32, #tpu.memory_space<vmem_shared>> -> memref<10000x128xf32, #tpu.memory_space<vmem_shared>>
      tpu.enqueue_indirect_dma source(%arg7 : memref<80x128xf32, #tpu.memory_space<vmem>>) target(%dma_start3A_595 : memref<10000x128xf32, #tpu.memory_space<vmem_shared>>) offsets(%arg19 : memref<80xi32, #tpu.memory_space<vmem>>) semaphore(%arg31 : memref<!tpu.dma_semaphore, #tpu.memory_space<semaphore_mem>>) {add = true}
      %dma_wait3A_596 = arith.constant 0 : i32
      %dma_wait3A_597 = arith.constant 0 : i32
      %dma_wait3A_598 = tpu.memref_slice %arg6[%dma_wait3A_596, %dma_wait3A_597] : memref<10000x128xf32, #tpu.memory_space<vmem_shared>> -> memref<10000x128xf32, #tpu.memory_space<vmem_shared>>
      tpu.wait_indirect_dma semaphore(%arg34 : memref<!tpu.dma_semaphore, #tpu.memory_space<semaphore_mem>>) src(%arg7 : memref<80x128xf32, #tpu.memory_space<vmem>>) dst(%dma_wait3A_598 : memref<10000x128xf32, #tpu.memory_space<vmem_shared>>)
      %add3A_599 = arith.constant 7 : i32
      %add3A_600 = arith.addi %add3A_378, %add3A_599 : i32
      %add3A_601 = arith.constant 4 : i32
      %add3A_602 = arith.addi %add3A_600, %add3A_601 : i32
      %mul3A_603 = arith.constant 80 : i32
      %mul3A_604 = arith.muli %add3A_602, %mul3A_603 : i32
      %add3A_605 = arith.addi %mul3A_2, %mul3A_604 : i32
      %dma_start3A_606 = tpu.memref_slice %arg3[%add3A_605] : memref<320000xi32, #tpu.memory_space<hbm>> -> memref<80xi32, #tpu.memory_space<hbm>>
      %dma_start3A_607 = tpu.memref_slice %arg3[%add3A_605] : memref<320000xi32, #tpu.memory_space<hbm>> -> memref<80xi32, #tpu.memory_space<hbm>>
      tpu.enqueue_dma source(%dma_start3A_607 : memref<80xi32, #tpu.memory_space<hbm>>) target(%arg18 : memref<80xi32, #tpu.memory_space<vmem>>) target_semaphore(%arg42 : memref<!tpu.dma_semaphore, #tpu.memory_space<semaphore_mem>>)
      %dma_start3A_608 = tpu.memref_slice %arg4[%add3A_605] : memref<320000xi32, #tpu.memory_space<hbm>> -> memref<80xi32, #tpu.memory_space<hbm>>
      %dma_start3A_609 = tpu.memref_slice %arg4[%add3A_605] : memref<320000xi32, #tpu.memory_space<hbm>> -> memref<80xi32, #tpu.memory_space<hbm>>
      tpu.enqueue_dma source(%dma_start3A_609 : memref<80xi32, #tpu.memory_space<hbm>>) target(%arg26 : memref<80xi32, #tpu.memory_space<vmem>>) target_semaphore(%arg42 : memref<!tpu.dma_semaphore, #tpu.memory_space<semaphore_mem>>)
      %dma_wait3A_610 = arith.constant 0 : i32
      %dma_wait3A_611 = tpu.memref_slice %arg3[%dma_wait3A_610] : memref<320000xi32, #tpu.memory_space<hbm>> -> memref<80xi32, #tpu.memory_space<hbm>>
      %dma_wait3A_612 = arith.constant 0 : i32
      %dma_wait3A_613 = tpu.memref_slice %arg3[%dma_wait3A_612] : memref<320000xi32, #tpu.memory_space<hbm>> -> memref<80xi32, #tpu.memory_space<hbm>>
      tpu.wait_dma2 semaphore(%arg38 : memref<!tpu.dma_semaphore, #tpu.memory_space<semaphore_mem>>) src(%dma_wait3A_613 : memref<80xi32, #tpu.memory_space<hbm>>) dst(%arg14 : memref<80xi32, #tpu.memory_space<vmem>>)
      %dma_wait3A_614 = arith.constant 0 : i32
      %dma_wait3A_615 = tpu.memref_slice %arg4[%dma_wait3A_614] : memref<320000xi32, #tpu.memory_space<hbm>> -> memref<80xi32, #tpu.memory_space<hbm>>
      %dma_wait3A_616 = arith.constant 0 : i32
      %dma_wait3A_617 = tpu.memref_slice %arg4[%dma_wait3A_616] : memref<320000xi32, #tpu.memory_space<hbm>> -> memref<80xi32, #tpu.memory_space<hbm>>
      tpu.wait_dma2 semaphore(%arg38 : memref<!tpu.dma_semaphore, #tpu.memory_space<semaphore_mem>>) src(%dma_wait3A_617 : memref<80xi32, #tpu.memory_space<hbm>>) dst(%arg22 : memref<80xi32, #tpu.memory_space<vmem>>)
      %dma_start3A_618 = arith.constant 0 : i32
      %dma_start3A_619 = arith.constant 0 : i32
      %dma_start3A_620 = tpu.memref_slice %arg2[%dma_start3A_618, %dma_start3A_619] : memref<10000x128xf32, #tpu.memory_space<hbm>> -> memref<10000x128xf32, #tpu.memory_space<hbm>>
      tpu.enqueue_indirect_dma source(%dma_start3A_620 : memref<10000x128xf32, #tpu.memory_space<hbm>>) target(%arg10 : memref<80x128xf32, #tpu.memory_space<vmem>>) offsets(%arg14 : memref<80xi32, #tpu.memory_space<vmem>>) semaphore(%arg30 : memref<!tpu.dma_semaphore, #tpu.memory_space<semaphore_mem>>)
      %dma_wait3A_621 = arith.constant 0 : i32
      %dma_wait3A_622 = arith.constant 0 : i32
      %dma_wait3A_623 = tpu.memref_slice %arg2[%dma_wait3A_621, %dma_wait3A_622] : memref<10000x128xf32, #tpu.memory_space<hbm>> -> memref<10000x128xf32, #tpu.memory_space<hbm>>
      tpu.wait_indirect_dma semaphore(%arg28 : memref<!tpu.dma_semaphore, #tpu.memory_space<semaphore_mem>>) src(%dma_wait3A_623 : memref<10000x128xf32, #tpu.memory_space<hbm>>) dst(%arg8 : memref<80x128xf32, #tpu.memory_space<vmem>>)
      %dma_start3A_624 = arith.constant 0 : i32
      %dma_start3A_625 = arith.constant 0 : i32
      %dma_start3A_626 = tpu.memref_slice %arg6[%dma_start3A_624, %dma_start3A_625] : memref<10000x128xf32, #tpu.memory_space<vmem_shared>> -> memref<10000x128xf32, #tpu.memory_space<vmem_shared>>
      tpu.enqueue_indirect_dma source(%arg8 : memref<80x128xf32, #tpu.memory_space<vmem>>) target(%dma_start3A_626 : memref<10000x128xf32, #tpu.memory_space<vmem_shared>>) offsets(%arg20 : memref<80xi32, #tpu.memory_space<vmem>>) semaphore(%arg32 : memref<!tpu.dma_semaphore, #tpu.memory_space<semaphore_mem>>) {add = true}
    }
    %scan3A_124 = arith.constant 14 : i32
    %dma_wait3A_125 = arith.constant 0 : i32
    %dma_wait3A_126 = arith.constant 0 : i32
    %dma_wait3A_127 = tpu.memref_slice %arg6[%dma_wait3A_125, %dma_wait3A_126] : memref<10000x128xf32, #tpu.memory_space<vmem_shared>> -> memref<10000x128xf32, #tpu.memory_space<vmem_shared>>
    tpu.wait_indirect_dma semaphore(%arg31 : memref<!tpu.dma_semaphore, #tpu.memory_space<semaphore_mem>>) src(%arg7 : memref<80x128xf32, #tpu.memory_space<vmem>>) dst(%dma_wait3A_127 : memref<10000x128xf32, #tpu.memory_space<vmem_shared>>)
    %add3A_128 = arith.constant 9600 : i32
    %add3A_129 = arith.addi %mul3A_2, %add3A_128 : i32
    %dma_start3A_130 = tpu.memref_slice %arg3[%add3A_129] : memref<320000xi32, #tpu.memory_space<hbm>> -> memref<80xi32, #tpu.memory_space<hbm>>
    %dma_start3A_131 = tpu.memref_slice %arg3[%add3A_129] : memref<320000xi32, #tpu.memory_space<hbm>> -> memref<80xi32, #tpu.memory_space<hbm>>
    tpu.enqueue_dma source(%dma_start3A_131 : memref<80xi32, #tpu.memory_space<hbm>>) target(%arg11 : memref<80xi32, #tpu.memory_space<vmem>>) target_semaphore(%arg35 : memref<!tpu.dma_semaphore, #tpu.memory_space<semaphore_mem>>)
    %dma_start3A_132 = tpu.memref_slice %arg4[%add3A_129] : memref<320000xi32, #tpu.memory_space<hbm>> -> memref<80xi32, #tpu.memory_space<hbm>>
    %dma_start3A_133 = tpu.memref_slice %arg4[%add3A_129] : memref<320000xi32, #tpu.memory_space<hbm>> -> memref<80xi32, #tpu.memory_space<hbm>>
    tpu.enqueue_dma source(%dma_start3A_133 : memref<80xi32, #tpu.memory_space<hbm>>) target(%arg19 : memref<80xi32, #tpu.memory_space<vmem>>) target_semaphore(%arg35 : memref<!tpu.dma_semaphore, #tpu.memory_space<semaphore_mem>>)
    %dma_wait3A_134 = arith.constant 0 : i32
    %dma_wait3A_135 = tpu.memref_slice %arg3[%dma_wait3A_134] : memref<320000xi32, #tpu.memory_space<hbm>> -> memref<80xi32, #tpu.memory_space<hbm>>
    %dma_wait3A_136 = arith.constant 0 : i32
    %dma_wait3A_137 = tpu.memref_slice %arg3[%dma_wait3A_136] : memref<320000xi32, #tpu.memory_space<hbm>> -> memref<80xi32, #tpu.memory_space<hbm>>
    tpu.wait_dma2 semaphore(%arg39 : memref<!tpu.dma_semaphore, #tpu.memory_space<semaphore_mem>>) src(%dma_wait3A_137 : memref<80xi32, #tpu.memory_space<hbm>>) dst(%arg15 : memref<80xi32, #tpu.memory_space<vmem>>)
    %dma_wait3A_138 = arith.constant 0 : i32
    %dma_wait3A_139 = tpu.memref_slice %arg4[%dma_wait3A_138] : memref<320000xi32, #tpu.memory_space<hbm>> -> memref<80xi32, #tpu.memory_space<hbm>>
    %dma_wait3A_140 = arith.constant 0 : i32
    %dma_wait3A_141 = tpu.memref_slice %arg4[%dma_wait3A_140] : memref<320000xi32, #tpu.memory_space<hbm>> -> memref<80xi32, #tpu.memory_space<hbm>>
    tpu.wait_dma2 semaphore(%arg39 : memref<!tpu.dma_semaphore, #tpu.memory_space<semaphore_mem>>) src(%dma_wait3A_141 : memref<80xi32, #tpu.memory_space<hbm>>) dst(%arg23 : memref<80xi32, #tpu.memory_space<vmem>>)
    %dma_start3A_142 = arith.constant 0 : i32
    %dma_start3A_143 = arith.constant 0 : i32
    %dma_start3A_144 = tpu.memref_slice %arg2[%dma_start3A_142, %dma_start3A_143] : memref<10000x128xf32, #tpu.memory_space<hbm>> -> memref<10000x128xf32, #tpu.memory_space<hbm>>
    tpu.enqueue_indirect_dma source(%dma_start3A_144 : memref<10000x128xf32, #tpu.memory_space<hbm>>) target(%arg7 : memref<80x128xf32, #tpu.memory_space<vmem>>) offsets(%arg15 : memref<80xi32, #tpu.memory_space<vmem>>) semaphore(%arg27 : memref<!tpu.dma_semaphore, #tpu.memory_space<semaphore_mem>>)
    %dma_wait3A_145 = arith.constant 0 : i32
    %dma_wait3A_146 = arith.constant 0 : i32
    %dma_wait3A_147 = tpu.memref_slice %arg2[%dma_wait3A_145, %dma_wait3A_146] : memref<10000x128xf32, #tpu.memory_space<hbm>> -> memref<10000x128xf32, #tpu.memory_space<hbm>>
    tpu.wait_indirect_dma semaphore(%arg29 : memref<!tpu.dma_semaphore, #tpu.memory_space<semaphore_mem>>) src(%dma_wait3A_147 : memref<10000x128xf32, #tpu.memory_space<hbm>>) dst(%arg9 : memref<80x128xf32, #tpu.memory_space<vmem>>)
    %dma_start3A_148 = arith.constant 0 : i32
    %dma_start3A_149 = arith.constant 0 : i32
    %dma_start3A_150 = tpu.memref_slice %arg6[%dma_start3A_148, %dma_start3A_149] : memref<10000x128xf32, #tpu.memory_space<vmem_shared>> -> memref<10000x128xf32, #tpu.memory_space<vmem_shared>>
    tpu.enqueue_indirect_dma source(%arg9 : memref<80x128xf32, #tpu.memory_space<vmem>>) target(%dma_start3A_150 : memref<10000x128xf32, #tpu.memory_space<vmem_shared>>) offsets(%arg21 : memref<80xi32, #tpu.memory_space<vmem>>) semaphore(%arg33 : memref<!tpu.dma_semaphore, #tpu.memory_space<semaphore_mem>>) {add = true}
    %dma_wait3A_151 = arith.constant 0 : i32
    %dma_wait3A_152 = arith.constant 0 : i32
    %dma_wait3A_153 = tpu.memref_slice %arg6[%dma_wait3A_151, %dma_wait3A_152] : memref<10000x128xf32, #tpu.memory_space<vmem_shared>> -> memref<10000x128xf32, #tpu.memory_space<vmem_shared>>
    tpu.wait_indirect_dma semaphore(%arg32 : memref<!tpu.dma_semaphore, #tpu.memory_space<semaphore_mem>>) src(%arg7 : memref<80x128xf32, #tpu.memory_space<vmem>>) dst(%dma_wait3A_153 : memref<10000x128xf32, #tpu.memory_space<vmem_shared>>)
    %add3A_154 = arith.constant 9680 : i32
    %add3A_155 = arith.addi %mul3A_2, %add3A_154 : i32
    %dma_start3A_156 = tpu.memref_slice %arg3[%add3A_155] : memref<320000xi32, #tpu.memory_space<hbm>> -> memref<80xi32, #tpu.memory_space<hbm>>
    %dma_start3A_157 = tpu.memref_slice %arg3[%add3A_155] : memref<320000xi32, #tpu.memory_space<hbm>> -> memref<80xi32, #tpu.memory_space<hbm>>
    tpu.enqueue_dma source(%dma_start3A_157 : memref<80xi32, #tpu.memory_space<hbm>>) target(%arg12 : memref<80xi32, #tpu.memory_space<vmem>>) target_semaphore(%arg36 : memref<!tpu.dma_semaphore, #tpu.memory_space<semaphore_mem>>)
    %dma_start3A_158 = tpu.memref_slice %arg4[%add3A_155] : memref<320000xi32, #tpu.memory_space<hbm>> -> memref<80xi32, #tpu.memory_space<hbm>>
    %dma_start3A_159 = tpu.memref_slice %arg4[%add3A_155] : memref<320000xi32, #tpu.memory_space<hbm>> -> memref<80xi32, #tpu.memory_space<hbm>>
    tpu.enqueue_dma source(%dma_start3A_159 : memref<80xi32, #tpu.memory_space<hbm>>) target(%arg20 : memref<80xi32, #tpu.memory_space<vmem>>) target_semaphore(%arg36 : memref<!tpu.dma_semaphore, #tpu.memory_space<semaphore_mem>>)
    %dma_wait3A_160 = arith.constant 0 : i32
    %dma_wait3A_161 = tpu.memref_slice %arg3[%dma_wait3A_160] : memref<320000xi32, #tpu.memory_space<hbm>> -> memref<80xi32, #tpu.memory_space<hbm>>
    %dma_wait3A_162 = arith.constant 0 : i32
    %dma_wait3A_163 = tpu.memref_slice %arg3[%dma_wait3A_162] : memref<320000xi32, #tpu.memory_space<hbm>> -> memref<80xi32, #tpu.memory_space<hbm>>
    tpu.wait_dma2 semaphore(%arg40 : memref<!tpu.dma_semaphore, #tpu.memory_space<semaphore_mem>>) src(%dma_wait3A_163 : memref<80xi32, #tpu.memory_space<hbm>>) dst(%arg16 : memref<80xi32, #tpu.memory_space<vmem>>)
    %dma_wait3A_164 = arith.constant 0 : i32
    %dma_wait3A_165 = tpu.memref_slice %arg4[%dma_wait3A_164] : memref<320000xi32, #tpu.memory_space<hbm>> -> memref<80xi32, #tpu.memory_space<hbm>>
    %dma_wait3A_166 = arith.constant 0 : i32
    %dma_wait3A_167 = tpu.memref_slice %arg4[%dma_wait3A_166] : memref<320000xi32, #tpu.memory_space<hbm>> -> memref<80xi32, #tpu.memory_space<hbm>>
    tpu.wait_dma2 semaphore(%arg40 : memref<!tpu.dma_semaphore, #tpu.memory_space<semaphore_mem>>) src(%dma_wait3A_167 : memref<80xi32, #tpu.memory_space<hbm>>) dst(%arg24 : memref<80xi32, #tpu.memory_space<vmem>>)
    %dma_start3A_168 = arith.constant 0 : i32
    %dma_start3A_169 = arith.constant 0 : i32
    %dma_start3A_170 = tpu.memref_slice %arg2[%dma_start3A_168, %dma_start3A_169] : memref<10000x128xf32, #tpu.memory_space<hbm>> -> memref<10000x128xf32, #tpu.memory_space<hbm>>
    tpu.enqueue_indirect_dma source(%dma_start3A_170 : memref<10000x128xf32, #tpu.memory_space<hbm>>) target(%arg8 : memref<80x128xf32, #tpu.memory_space<vmem>>) offsets(%arg16 : memref<80xi32, #tpu.memory_space<vmem>>) semaphore(%arg28 : memref<!tpu.dma_semaphore, #tpu.memory_space<semaphore_mem>>)
    %dma_wait3A_171 = arith.constant 0 : i32
    %dma_wait3A_172 = arith.constant 0 : i32
    %dma_wait3A_173 = tpu.memref_slice %arg2[%dma_wait3A_171, %dma_wait3A_172] : memref<10000x128xf32, #tpu.memory_space<hbm>> -> memref<10000x128xf32, #tpu.memory_space<hbm>>
    tpu.wait_indirect_dma semaphore(%arg30 : memref<!tpu.dma_semaphore, #tpu.memory_space<semaphore_mem>>) src(%dma_wait3A_173 : memref<10000x128xf32, #tpu.memory_space<hbm>>) dst(%arg10 : memref<80x128xf32, #tpu.memory_space<vmem>>)
    %dma_start3A_174 = arith.constant 0 : i32
    %dma_start3A_175 = arith.constant 0 : i32
    %dma_start3A_176 = tpu.memref_slice %arg6[%dma_start3A_174, %dma_start3A_175] : memref<10000x128xf32, #tpu.memory_space<vmem_shared>> -> memref<10000x128xf32, #tpu.memory_space<vmem_shared>>
    tpu.enqueue_indirect_dma source(%arg10 : memref<80x128xf32, #tpu.memory_space<vmem>>) target(%dma_start3A_176 : memref<10000x128xf32, #tpu.memory_space<vmem_shared>>) offsets(%arg22 : memref<80xi32, #tpu.memory_space<vmem>>) semaphore(%arg34 : memref<!tpu.dma_semaphore, #tpu.memory_space<semaphore_mem>>) {add = true}
    %dma_wait3A_177 = arith.constant 0 : i32
    %dma_wait3A_178 = arith.constant 0 : i32
    %dma_wait3A_179 = tpu.memref_slice %arg6[%dma_wait3A_177, %dma_wait3A_178] : memref<10000x128xf32, #tpu.memory_space<vmem_shared>> -> memref<10000x128xf32, #tpu.memory_space<vmem_shared>>
    tpu.wait_indirect_dma semaphore(%arg33 : memref<!tpu.dma_semaphore, #tpu.memory_space<semaphore_mem>>) src(%arg7 : memref<80x128xf32, #tpu.memory_space<vmem>>) dst(%dma_wait3A_179 : memref<10000x128xf32, #tpu.memory_space<vmem_shared>>)
    %add3A_180 = arith.constant 9760 : i32
    %add3A_181 = arith.addi %mul3A_2, %add3A_180 : i32
    %dma_start3A_182 = tpu.memref_slice %arg3[%add3A_181] : memref<320000xi32, #tpu.memory_space<hbm>> -> memref<80xi32, #tpu.memory_space<hbm>>
    %dma_start3A_183 = tpu.memref_slice %arg3[%add3A_181] : memref<320000xi32, #tpu.memory_space<hbm>> -> memref<80xi32, #tpu.memory_space<hbm>>
    tpu.enqueue_dma source(%dma_start3A_183 : memref<80xi32, #tpu.memory_space<hbm>>) target(%arg13 : memref<80xi32, #tpu.memory_space<vmem>>) target_semaphore(%arg37 : memref<!tpu.dma_semaphore, #tpu.memory_space<semaphore_mem>>)
    %dma_start3A_184 = tpu.memref_slice %arg4[%add3A_181] : memref<320000xi32, #tpu.memory_space<hbm>> -> memref<80xi32, #tpu.memory_space<hbm>>
    %dma_start3A_185 = tpu.memref_slice %arg4[%add3A_181] : memref<320000xi32, #tpu.memory_space<hbm>> -> memref<80xi32, #tpu.memory_space<hbm>>
    tpu.enqueue_dma source(%dma_start3A_185 : memref<80xi32, #tpu.memory_space<hbm>>) target(%arg21 : memref<80xi32, #tpu.memory_space<vmem>>) target_semaphore(%arg37 : memref<!tpu.dma_semaphore, #tpu.memory_space<semaphore_mem>>)
    %dma_wait3A_186 = arith.constant 0 : i32
    %dma_wait3A_187 = tpu.memref_slice %arg3[%dma_wait3A_186] : memref<320000xi32, #tpu.memory_space<hbm>> -> memref<80xi32, #tpu.memory_space<hbm>>
    %dma_wait3A_188 = arith.constant 0 : i32
    %dma_wait3A_189 = tpu.memref_slice %arg3[%dma_wait3A_188] : memref<320000xi32, #tpu.memory_space<hbm>> -> memref<80xi32, #tpu.memory_space<hbm>>
    tpu.wait_dma2 semaphore(%arg41 : memref<!tpu.dma_semaphore, #tpu.memory_space<semaphore_mem>>) src(%dma_wait3A_189 : memref<80xi32, #tpu.memory_space<hbm>>) dst(%arg17 : memref<80xi32, #tpu.memory_space<vmem>>)
    %dma_wait3A_190 = arith.constant 0 : i32
    %dma_wait3A_191 = tpu.memref_slice %arg4[%dma_wait3A_190] : memref<320000xi32, #tpu.memory_space<hbm>> -> memref<80xi32, #tpu.memory_space<hbm>>
    %dma_wait3A_192 = arith.constant 0 : i32
    %dma_wait3A_193 = tpu.memref_slice %arg4[%dma_wait3A_192] : memref<320000xi32, #tpu.memory_space<hbm>> -> memref<80xi32, #tpu.memory_space<hbm>>
    tpu.wait_dma2 semaphore(%arg41 : memref<!tpu.dma_semaphore, #tpu.memory_space<semaphore_mem>>) src(%dma_wait3A_193 : memref<80xi32, #tpu.memory_space<hbm>>) dst(%arg25 : memref<80xi32, #tpu.memory_space<vmem>>)
    %dma_start3A_194 = arith.constant 0 : i32
    %dma_start3A_195 = arith.constant 0 : i32
    %dma_start3A_196 = tpu.memref_slice %arg2[%dma_start3A_194, %dma_start3A_195] : memref<10000x128xf32, #tpu.memory_space<hbm>> -> memref<10000x128xf32, #tpu.memory_space<hbm>>
    tpu.enqueue_indirect_dma source(%dma_start3A_196 : memref<10000x128xf32, #tpu.memory_space<hbm>>) target(%arg9 : memref<80x128xf32, #tpu.memory_space<vmem>>) offsets(%arg17 : memref<80xi32, #tpu.memory_space<vmem>>) semaphore(%arg29 : memref<!tpu.dma_semaphore, #tpu.memory_space<semaphore_mem>>)
    %dma_wait3A_197 = arith.constant 0 : i32
    %dma_wait3A_198 = arith.constant 0 : i32
    %dma_wait3A_199 = tpu.memref_slice %arg2[%dma_wait3A_197, %dma_wait3A_198] : memref<10000x128xf32, #tpu.memory_space<hbm>> -> memref<10000x128xf32, #tpu.memory_space<hbm>>
    tpu.wait_indirect_dma semaphore(%arg27 : memref<!tpu.dma_semaphore, #tpu.memory_space<semaphore_mem>>) src(%dma_wait3A_199 : memref<10000x128xf32, #tpu.memory_space<hbm>>) dst(%arg7 : memref<80x128xf32, #tpu.memory_space<vmem>>)
    %dma_start3A_200 = arith.constant 0 : i32
    %dma_start3A_201 = arith.constant 0 : i32
    %dma_start3A_202 = tpu.memref_slice %arg6[%dma_start3A_200, %dma_start3A_201] : memref<10000x128xf32, #tpu.memory_space<vmem_shared>> -> memref<10000x128xf32, #tpu.memory_space<vmem_shared>>
    tpu.enqueue_indirect_dma source(%arg7 : memref<80x128xf32, #tpu.memory_space<vmem>>) target(%dma_start3A_202 : memref<10000x128xf32, #tpu.memory_space<vmem_shared>>) offsets(%arg23 : memref<80xi32, #tpu.memory_space<vmem>>) semaphore(%arg31 : memref<!tpu.dma_semaphore, #tpu.memory_space<semaphore_mem>>) {add = true}
    %dma_wait3A_203 = arith.constant 0 : i32
    %dma_wait3A_204 = arith.constant 0 : i32
    %dma_wait3A_205 = tpu.memref_slice %arg6[%dma_wait3A_203, %dma_wait3A_204] : memref<10000x128xf32, #tpu.memory_space<vmem_shared>> -> memref<10000x128xf32, #tpu.memory_space<vmem_shared>>
    tpu.wait_indirect_dma semaphore(%arg34 : memref<!tpu.dma_semaphore, #tpu.memory_space<semaphore_mem>>) src(%arg7 : memref<80x128xf32, #tpu.memory_space<vmem>>) dst(%dma_wait3A_205 : memref<10000x128xf32, #tpu.memory_space<vmem_shared>>)
    %add3A_206 = arith.constant 9840 : i32
    %add3A_207 = arith.addi %mul3A_2, %add3A_206 : i32
    %dma_start3A_208 = tpu.memref_slice %arg3[%add3A_207] : memref<320000xi32, #tpu.memory_space<hbm>> -> memref<80xi32, #tpu.memory_space<hbm>>
    %dma_start3A_209 = tpu.memref_slice %arg3[%add3A_207] : memref<320000xi32, #tpu.memory_space<hbm>> -> memref<80xi32, #tpu.memory_space<hbm>>
    tpu.enqueue_dma source(%dma_start3A_209 : memref<80xi32, #tpu.memory_space<hbm>>) target(%arg14 : memref<80xi32, #tpu.memory_space<vmem>>) target_semaphore(%arg38 : memref<!tpu.dma_semaphore, #tpu.memory_space<semaphore_mem>>)
    %dma_start3A_210 = tpu.memref_slice %arg4[%add3A_207] : memref<320000xi32, #tpu.memory_space<hbm>> -> memref<80xi32, #tpu.memory_space<hbm>>
    %dma_start3A_211 = tpu.memref_slice %arg4[%add3A_207] : memref<320000xi32, #tpu.memory_space<hbm>> -> memref<80xi32, #tpu.memory_space<hbm>>
    tpu.enqueue_dma source(%dma_start3A_211 : memref<80xi32, #tpu.memory_space<hbm>>) target(%arg22 : memref<80xi32, #tpu.memory_space<vmem>>) target_semaphore(%arg38 : memref<!tpu.dma_semaphore, #tpu.memory_space<semaphore_mem>>)
    %dma_wait3A_212 = arith.constant 0 : i32
    %dma_wait3A_213 = tpu.memref_slice %arg3[%dma_wait3A_212] : memref<320000xi32, #tpu.memory_space<hbm>> -> memref<80xi32, #tpu.memory_space<hbm>>
    %dma_wait3A_214 = arith.constant 0 : i32
    %dma_wait3A_215 = tpu.memref_slice %arg3[%dma_wait3A_214] : memref<320000xi32, #tpu.memory_space<hbm>> -> memref<80xi32, #tpu.memory_space<hbm>>
    tpu.wait_dma2 semaphore(%arg42 : memref<!tpu.dma_semaphore, #tpu.memory_space<semaphore_mem>>) src(%dma_wait3A_215 : memref<80xi32, #tpu.memory_space<hbm>>) dst(%arg18 : memref<80xi32, #tpu.memory_space<vmem>>)
    %dma_wait3A_216 = arith.constant 0 : i32
    %dma_wait3A_217 = tpu.memref_slice %arg4[%dma_wait3A_216] : memref<320000xi32, #tpu.memory_space<hbm>> -> memref<80xi32, #tpu.memory_space<hbm>>
    %dma_wait3A_218 = arith.constant 0 : i32
    %dma_wait3A_219 = tpu.memref_slice %arg4[%dma_wait3A_218] : memref<320000xi32, #tpu.memory_space<hbm>> -> memref<80xi32, #tpu.memory_space<hbm>>
    tpu.wait_dma2 semaphore(%arg42 : memref<!tpu.dma_semaphore, #tpu.memory_space<semaphore_mem>>) src(%dma_wait3A_219 : memref<80xi32, #tpu.memory_space<hbm>>) dst(%arg26 : memref<80xi32, #tpu.memory_space<vmem>>)
    %dma_start3A_220 = arith.constant 0 : i32
    %dma_start3A_221 = arith.constant 0 : i32
    %dma_start3A_222 = tpu.memref_slice %arg2[%dma_start3A_220, %dma_start3A_221] : memref<10000x128xf32, #tpu.memory_space<hbm>> -> memref<10000x128xf32, #tpu.memory_space<hbm>>
    tpu.enqueue_indirect_dma source(%dma_start3A_222 : memref<10000x128xf32, #tpu.memory_space<hbm>>) target(%arg10 : memref<80x128xf32, #tpu.memory_space<vmem>>) offsets(%arg18 : memref<80xi32, #tpu.memory_space<vmem>>) semaphore(%arg30 : memref<!tpu.dma_semaphore, #tpu.memory_space<semaphore_mem>>)
    %dma_wait3A_223 = arith.constant 0 : i32
    %dma_wait3A_224 = arith.constant 0 : i32
    %dma_wait3A_225 = tpu.memref_slice %arg2[%dma_wait3A_223, %dma_wait3A_224] : memref<10000x128xf32, #tpu.memory_space<hbm>> -> memref<10000x128xf32, #tpu.memory_space<hbm>>
    tpu.wait_indirect_dma semaphore(%arg28 : memref<!tpu.dma_semaphore, #tpu.memory_space<semaphore_mem>>) src(%dma_wait3A_225 : memref<10000x128xf32, #tpu.memory_space<hbm>>) dst(%arg8 : memref<80x128xf32, #tpu.memory_space<vmem>>)
    %dma_start3A_226 = arith.constant 0 : i32
    %dma_start3A_227 = arith.constant 0 : i32
    %dma_start3A_228 = tpu.memref_slice %arg6[%dma_start3A_226, %dma_start3A_227] : memref<10000x128xf32, #tpu.memory_space<vmem_shared>> -> memref<10000x128xf32, #tpu.memory_space<vmem_shared>>
    tpu.enqueue_indirect_dma source(%arg8 : memref<80x128xf32, #tpu.memory_space<vmem>>) target(%dma_start3A_228 : memref<10000x128xf32, #tpu.memory_space<vmem_shared>>) offsets(%arg24 : memref<80xi32, #tpu.memory_space<vmem>>) semaphore(%arg32 : memref<!tpu.dma_semaphore, #tpu.memory_space<semaphore_mem>>) {add = true}
    %dma_wait3A_229 = arith.constant 0 : i32
    %dma_wait3A_230 = arith.constant 0 : i32
    %dma_wait3A_231 = tpu.memref_slice %arg6[%dma_wait3A_229, %dma_wait3A_230] : memref<10000x128xf32, #tpu.memory_space<vmem_shared>> -> memref<10000x128xf32, #tpu.memory_space<vmem_shared>>
    tpu.wait_indirect_dma semaphore(%arg31 : memref<!tpu.dma_semaphore, #tpu.memory_space<semaphore_mem>>) src(%arg7 : memref<80x128xf32, #tpu.memory_space<vmem>>) dst(%dma_wait3A_231 : memref<10000x128xf32, #tpu.memory_space<vmem_shared>>)
    %add3A_232 = arith.constant 9920 : i32
    %add3A_233 = arith.addi %mul3A_2, %add3A_232 : i32
    %dma_start3A_234 = tpu.memref_slice %arg3[%add3A_233] : memref<320000xi32, #tpu.memory_space<hbm>> -> memref<80xi32, #tpu.memory_space<hbm>>
    %dma_start3A_235 = tpu.memref_slice %arg3[%add3A_233] : memref<320000xi32, #tpu.memory_space<hbm>> -> memref<80xi32, #tpu.memory_space<hbm>>
    tpu.enqueue_dma source(%dma_start3A_235 : memref<80xi32, #tpu.memory_space<hbm>>) target(%arg15 : memref<80xi32, #tpu.memory_space<vmem>>) target_semaphore(%arg39 : memref<!tpu.dma_semaphore, #tpu.memory_space<semaphore_mem>>)
    %dma_start3A_236 = tpu.memref_slice %arg4[%add3A_233] : memref<320000xi32, #tpu.memory_space<hbm>> -> memref<80xi32, #tpu.memory_space<hbm>>
    %dma_start3A_237 = tpu.memref_slice %arg4[%add3A_233] : memref<320000xi32, #tpu.memory_space<hbm>> -> memref<80xi32, #tpu.memory_space<hbm>>
    tpu.enqueue_dma source(%dma_start3A_237 : memref<80xi32, #tpu.memory_space<hbm>>) target(%arg23 : memref<80xi32, #tpu.memory_space<vmem>>) target_semaphore(%arg39 : memref<!tpu.dma_semaphore, #tpu.memory_space<semaphore_mem>>)
    %dma_wait3A_238 = arith.constant 0 : i32
    %dma_wait3A_239 = tpu.memref_slice %arg3[%dma_wait3A_238] : memref<320000xi32, #tpu.memory_space<hbm>> -> memref<80xi32, #tpu.memory_space<hbm>>
    %dma_wait3A_240 = arith.constant 0 : i32
    %dma_wait3A_241 = tpu.memref_slice %arg3[%dma_wait3A_240] : memref<320000xi32, #tpu.memory_space<hbm>> -> memref<80xi32, #tpu.memory_space<hbm>>
    tpu.wait_dma2 semaphore(%arg35 : memref<!tpu.dma_semaphore, #tpu.memory_space<semaphore_mem>>) src(%dma_wait3A_241 : memref<80xi32, #tpu.memory_space<hbm>>) dst(%arg11 : memref<80xi32, #tpu.memory_space<vmem>>)
    %dma_wait3A_242 = arith.constant 0 : i32
    %dma_wait3A_243 = tpu.memref_slice %arg4[%dma_wait3A_242] : memref<320000xi32, #tpu.memory_space<hbm>> -> memref<80xi32, #tpu.memory_space<hbm>>
    %dma_wait3A_244 = arith.constant 0 : i32
    %dma_wait3A_245 = tpu.memref_slice %arg4[%dma_wait3A_244] : memref<320000xi32, #tpu.memory_space<hbm>> -> memref<80xi32, #tpu.memory_space<hbm>>
    tpu.wait_dma2 semaphore(%arg35 : memref<!tpu.dma_semaphore, #tpu.memory_space<semaphore_mem>>) src(%dma_wait3A_245 : memref<80xi32, #tpu.memory_space<hbm>>) dst(%arg19 : memref<80xi32, #tpu.memory_space<vmem>>)
    %dma_start3A_246 = arith.constant 0 : i32
    %dma_start3A_247 = arith.constant 0 : i32
    %dma_start3A_248 = tpu.memref_slice %arg2[%dma_start3A_246, %dma_start3A_247] : memref<10000x128xf32, #tpu.memory_space<hbm>> -> memref<10000x128xf32, #tpu.memory_space<hbm>>
    tpu.enqueue_indirect_dma source(%dma_start3A_248 : memref<10000x128xf32, #tpu.memory_space<hbm>>) target(%arg7 : memref<80x128xf32, #tpu.memory_space<vmem>>) offsets(%arg11 : memref<80xi32, #tpu.memory_space<vmem>>) semaphore(%arg27 : memref<!tpu.dma_semaphore, #tpu.memory_space<semaphore_mem>>)
    %dma_wait3A_249 = arith.constant 0 : i32
    %dma_wait3A_250 = arith.constant 0 : i32
    %dma_wait3A_251 = tpu.memref_slice %arg2[%dma_wait3A_249, %dma_wait3A_250] : memref<10000x128xf32, #tpu.memory_space<hbm>> -> memref<10000x128xf32, #tpu.memory_space<hbm>>
    tpu.wait_indirect_dma semaphore(%arg29 : memref<!tpu.dma_semaphore, #tpu.memory_space<semaphore_mem>>) src(%dma_wait3A_251 : memref<10000x128xf32, #tpu.memory_space<hbm>>) dst(%arg9 : memref<80x128xf32, #tpu.memory_space<vmem>>)
    %dma_start3A_252 = arith.constant 0 : i32
    %dma_start3A_253 = arith.constant 0 : i32
    %dma_start3A_254 = tpu.memref_slice %arg6[%dma_start3A_252, %dma_start3A_253] : memref<10000x128xf32, #tpu.memory_space<vmem_shared>> -> memref<10000x128xf32, #tpu.memory_space<vmem_shared>>
    tpu.enqueue_indirect_dma source(%arg9 : memref<80x128xf32, #tpu.memory_space<vmem>>) target(%dma_start3A_254 : memref<10000x128xf32, #tpu.memory_space<vmem_shared>>) offsets(%arg25 : memref<80xi32, #tpu.memory_space<vmem>>) semaphore(%arg33 : memref<!tpu.dma_semaphore, #tpu.memory_space<semaphore_mem>>) {add = true}
    %dma_wait3A_255 = arith.constant 0 : i32
    %dma_wait3A_256 = arith.constant 0 : i32
    %dma_wait3A_257 = tpu.memref_slice %arg6[%dma_wait3A_255, %dma_wait3A_256] : memref<10000x128xf32, #tpu.memory_space<vmem_shared>> -> memref<10000x128xf32, #tpu.memory_space<vmem_shared>>
    tpu.wait_indirect_dma semaphore(%arg32 : memref<!tpu.dma_semaphore, #tpu.memory_space<semaphore_mem>>) src(%arg7 : memref<80x128xf32, #tpu.memory_space<vmem>>) dst(%dma_wait3A_257 : memref<10000x128xf32, #tpu.memory_space<vmem_shared>>)
    %dma_wait3A_258 = arith.constant 0 : i32
    %dma_wait3A_259 = tpu.memref_slice %arg3[%dma_wait3A_258] : memref<320000xi32, #tpu.memory_space<hbm>> -> memref<80xi32, #tpu.memory_space<hbm>>
    %dma_wait3A_260 = arith.constant 0 : i32
    %dma_wait3A_261 = tpu.memref_slice %arg3[%dma_wait3A_260] : memref<320000xi32, #tpu.memory_space<hbm>> -> memref<80xi32, #tpu.memory_space<hbm>>
    tpu.wait_dma2 semaphore(%arg36 : memref<!tpu.dma_semaphore, #tpu.memory_space<semaphore_mem>>) src(%dma_wait3A_261 : memref<80xi32, #tpu.memory_space<hbm>>) dst(%arg12 : memref<80xi32, #tpu.memory_space<vmem>>)
    %dma_wait3A_262 = arith.constant 0 : i32
    %dma_wait3A_263 = tpu.memref_slice %arg4[%dma_wait3A_262] : memref<320000xi32, #tpu.memory_space<hbm>> -> memref<80xi32, #tpu.memory_space<hbm>>
    %dma_wait3A_264 = arith.constant 0 : i32
    %dma_wait3A_265 = tpu.memref_slice %arg4[%dma_wait3A_264] : memref<320000xi32, #tpu.memory_space<hbm>> -> memref<80xi32, #tpu.memory_space<hbm>>
    tpu.wait_dma2 semaphore(%arg36 : memref<!tpu.dma_semaphore, #tpu.memory_space<semaphore_mem>>) src(%dma_wait3A_265 : memref<80xi32, #tpu.memory_space<hbm>>) dst(%arg20 : memref<80xi32, #tpu.memory_space<vmem>>)
    %dma_start3A_266 = arith.constant 0 : i32
    %dma_start3A_267 = arith.constant 0 : i32
    %dma_start3A_268 = tpu.memref_slice %arg2[%dma_start3A_266, %dma_start3A_267] : memref<10000x128xf32, #tpu.memory_space<hbm>> -> memref<10000x128xf32, #tpu.memory_space<hbm>>
    tpu.enqueue_indirect_dma source(%dma_start3A_268 : memref<10000x128xf32, #tpu.memory_space<hbm>>) target(%arg8 : memref<80x128xf32, #tpu.memory_space<vmem>>) offsets(%arg12 : memref<80xi32, #tpu.memory_space<vmem>>) semaphore(%arg28 : memref<!tpu.dma_semaphore, #tpu.memory_space<semaphore_mem>>)
    %dma_wait3A_269 = arith.constant 0 : i32
    %dma_wait3A_270 = arith.constant 0 : i32
    %dma_wait3A_271 = tpu.memref_slice %arg2[%dma_wait3A_269, %dma_wait3A_270] : memref<10000x128xf32, #tpu.memory_space<hbm>> -> memref<10000x128xf32, #tpu.memory_space<hbm>>
    tpu.wait_indirect_dma semaphore(%arg30 : memref<!tpu.dma_semaphore, #tpu.memory_space<semaphore_mem>>) src(%dma_wait3A_271 : memref<10000x128xf32, #tpu.memory_space<hbm>>) dst(%arg10 : memref<80x128xf32, #tpu.memory_space<vmem>>)
    %dma_start3A_272 = arith.constant 0 : i32
    %dma_start3A_273 = arith.constant 0 : i32
    %dma_start3A_274 = tpu.memref_slice %arg6[%dma_start3A_272, %dma_start3A_273] : memref<10000x128xf32, #tpu.memory_space<vmem_shared>> -> memref<10000x128xf32, #tpu.memory_space<vmem_shared>>
    tpu.enqueue_indirect_dma source(%arg10 : memref<80x128xf32, #tpu.memory_space<vmem>>) target(%dma_start3A_274 : memref<10000x128xf32, #tpu.memory_space<vmem_shared>>) offsets(%arg26 : memref<80xi32, #tpu.memory_space<vmem>>) semaphore(%arg34 : memref<!tpu.dma_semaphore, #tpu.memory_space<semaphore_mem>>) {add = true}
    %dma_wait3A_275 = arith.constant 0 : i32
    %dma_wait3A_276 = arith.constant 0 : i32
    %dma_wait3A_277 = tpu.memref_slice %arg6[%dma_wait3A_275, %dma_wait3A_276] : memref<10000x128xf32, #tpu.memory_space<vmem_shared>> -> memref<10000x128xf32, #tpu.memory_space<vmem_shared>>
    tpu.wait_indirect_dma semaphore(%arg33 : memref<!tpu.dma_semaphore, #tpu.memory_space<semaphore_mem>>) src(%arg7 : memref<80x128xf32, #tpu.memory_space<vmem>>) dst(%dma_wait3A_277 : memref<10000x128xf32, #tpu.memory_space<vmem_shared>>)
    %dma_wait3A_278 = arith.constant 0 : i32
    %dma_wait3A_279 = tpu.memref_slice %arg3[%dma_wait3A_278] : memref<320000xi32, #tpu.memory_space<hbm>> -> memref<80xi32, #tpu.memory_space<hbm>>
    %dma_wait3A_280 = arith.constant 0 : i32
    %dma_wait3A_281 = tpu.memref_slice %arg3[%dma_wait3A_280] : memref<320000xi32, #tpu.memory_space<hbm>> -> memref<80xi32, #tpu.memory_space<hbm>>
    tpu.wait_dma2 semaphore(%arg37 : memref<!tpu.dma_semaphore, #tpu.memory_space<semaphore_mem>>) src(%dma_wait3A_281 : memref<80xi32, #tpu.memory_space<hbm>>) dst(%arg13 : memref<80xi32, #tpu.memory_space<vmem>>)
    %dma_wait3A_282 = arith.constant 0 : i32
    %dma_wait3A_283 = tpu.memref_slice %arg4[%dma_wait3A_282] : memref<320000xi32, #tpu.memory_space<hbm>> -> memref<80xi32, #tpu.memory_space<hbm>>
    %dma_wait3A_284 = arith.constant 0 : i32
    %dma_wait3A_285 = tpu.memref_slice %arg4[%dma_wait3A_284] : memref<320000xi32, #tpu.memory_space<hbm>> -> memref<80xi32, #tpu.memory_space<hbm>>
    tpu.wait_dma2 semaphore(%arg37 : memref<!tpu.dma_semaphore, #tpu.memory_space<semaphore_mem>>) src(%dma_wait3A_285 : memref<80xi32, #tpu.memory_space<hbm>>) dst(%arg21 : memref<80xi32, #tpu.memory_space<vmem>>)
    %dma_start3A_286 = arith.constant 0 : i32
    %dma_start3A_287 = arith.constant 0 : i32
    %dma_start3A_288 = tpu.memref_slice %arg2[%dma_start3A_286, %dma_start3A_287] : memref<10000x128xf32, #tpu.memory_space<hbm>> -> memref<10000x128xf32, #tpu.memory_space<hbm>>
    tpu.enqueue_indirect_dma source(%dma_start3A_288 : memref<10000x128xf32, #tpu.memory_space<hbm>>) target(%arg9 : memref<80x128xf32, #tpu.memory_space<vmem>>) offsets(%arg13 : memref<80xi32, #tpu.memory_space<vmem>>) semaphore(%arg29 : memref<!tpu.dma_semaphore, #tpu.memory_space<semaphore_mem>>)
    %dma_wait3A_289 = arith.constant 0 : i32
    %dma_wait3A_290 = arith.constant 0 : i32
    %dma_wait3A_291 = tpu.memref_slice %arg2[%dma_wait3A_289, %dma_wait3A_290] : memref<10000x128xf32, #tpu.memory_space<hbm>> -> memref<10000x128xf32, #tpu.memory_space<hbm>>
    tpu.wait_indirect_dma semaphore(%arg27 : memref<!tpu.dma_semaphore, #tpu.memory_space<semaphore_mem>>) src(%dma_wait3A_291 : memref<10000x128xf32, #tpu.memory_space<hbm>>) dst(%arg7 : memref<80x128xf32, #tpu.memory_space<vmem>>)
    %dma_start3A_292 = arith.constant 0 : i32
    %dma_start3A_293 = arith.constant 0 : i32
    %dma_start3A_294 = tpu.memref_slice %arg6[%dma_start3A_292, %dma_start3A_293] : memref<10000x128xf32, #tpu.memory_space<vmem_shared>> -> memref<10000x128xf32, #tpu.memory_space<vmem_shared>>
    tpu.enqueue_indirect_dma source(%arg7 : memref<80x128xf32, #tpu.memory_space<vmem>>) target(%dma_start3A_294 : memref<10000x128xf32, #tpu.memory_space<vmem_shared>>) offsets(%arg19 : memref<80xi32, #tpu.memory_space<vmem>>) semaphore(%arg31 : memref<!tpu.dma_semaphore, #tpu.memory_space<semaphore_mem>>) {add = true}
    %dma_wait3A_295 = arith.constant 0 : i32
    %dma_wait3A_296 = arith.constant 0 : i32
    %dma_wait3A_297 = tpu.memref_slice %arg6[%dma_wait3A_295, %dma_wait3A_296] : memref<10000x128xf32, #tpu.memory_space<vmem_shared>> -> memref<10000x128xf32, #tpu.memory_space<vmem_shared>>
    tpu.wait_indirect_dma semaphore(%arg34 : memref<!tpu.dma_semaphore, #tpu.memory_space<semaphore_mem>>) src(%arg7 : memref<80x128xf32, #tpu.memory_space<vmem>>) dst(%dma_wait3A_297 : memref<10000x128xf32, #tpu.memory_space<vmem_shared>>)
    %dma_wait3A_298 = arith.constant 0 : i32
    %dma_wait3A_299 = tpu.memref_slice %arg3[%dma_wait3A_298] : memref<320000xi32, #tpu.memory_space<hbm>> -> memref<80xi32, #tpu.memory_space<hbm>>
    %dma_wait3A_300 = arith.constant 0 : i32
    %dma_wait3A_301 = tpu.memref_slice %arg3[%dma_wait3A_300] : memref<320000xi32, #tpu.memory_space<hbm>> -> memref<80xi32, #tpu.memory_space<hbm>>
    tpu.wait_dma2 semaphore(%arg38 : memref<!tpu.dma_semaphore, #tpu.memory_space<semaphore_mem>>) src(%dma_wait3A_301 : memref<80xi32, #tpu.memory_space<hbm>>) dst(%arg14 : memref<80xi32, #tpu.memory_space<vmem>>)
    %dma_wait3A_302 = arith.constant 0 : i32
    %dma_wait3A_303 = tpu.memref_slice %arg4[%dma_wait3A_302] : memref<320000xi32, #tpu.memory_space<hbm>> -> memref<80xi32, #tpu.memory_space<hbm>>
    %dma_wait3A_304 = arith.constant 0 : i32
    %dma_wait3A_305 = tpu.memref_slice %arg4[%dma_wait3A_304] : memref<320000xi32, #tpu.memory_space<hbm>> -> memref<80xi32, #tpu.memory_space<hbm>>
    tpu.wait_dma2 semaphore(%arg38 : memref<!tpu.dma_semaphore, #tpu.memory_space<semaphore_mem>>) src(%dma_wait3A_305 : memref<80xi32, #tpu.memory_space<hbm>>) dst(%arg22 : memref<80xi32, #tpu.memory_space<vmem>>)
    %dma_start3A_306 = arith.constant 0 : i32
    %dma_start3A_307 = arith.constant 0 : i32
    %dma_start3A_308 = tpu.memref_slice %arg2[%dma_start3A_306, %dma_start3A_307] : memref<10000x128xf32, #tpu.memory_space<hbm>> -> memref<10000x128xf32, #tpu.memory_space<hbm>>
    tpu.enqueue_indirect_dma source(%dma_start3A_308 : memref<10000x128xf32, #tpu.memory_space<hbm>>) target(%arg10 : memref<80x128xf32, #tpu.memory_space<vmem>>) offsets(%arg14 : memref<80xi32, #tpu.memory_space<vmem>>) semaphore(%arg30 : memref<!tpu.dma_semaphore, #tpu.memory_space<semaphore_mem>>)
    %dma_wait3A_309 = arith.constant 0 : i32
    %dma_wait3A_310 = arith.constant 0 : i32
    %dma_wait3A_311 = tpu.memref_slice %arg2[%dma_wait3A_309, %dma_wait3A_310] : memref<10000x128xf32, #tpu.memory_space<hbm>> -> memref<10000x128xf32, #tpu.memory_space<hbm>>
    tpu.wait_indirect_dma semaphore(%arg28 : memref<!tpu.dma_semaphore, #tpu.memory_space<semaphore_mem>>) src(%dma_wait3A_311 : memref<10000x128xf32, #tpu.memory_space<hbm>>) dst(%arg8 : memref<80x128xf32, #tpu.memory_space<vmem>>)
    %dma_start3A_312 = arith.constant 0 : i32
    %dma_start3A_313 = arith.constant 0 : i32
    %dma_start3A_314 = tpu.memref_slice %arg6[%dma_start3A_312, %dma_start3A_313] : memref<10000x128xf32, #tpu.memory_space<vmem_shared>> -> memref<10000x128xf32, #tpu.memory_space<vmem_shared>>
    tpu.enqueue_indirect_dma source(%arg8 : memref<80x128xf32, #tpu.memory_space<vmem>>) target(%dma_start3A_314 : memref<10000x128xf32, #tpu.memory_space<vmem_shared>>) offsets(%arg20 : memref<80xi32, #tpu.memory_space<vmem>>) semaphore(%arg32 : memref<!tpu.dma_semaphore, #tpu.memory_space<semaphore_mem>>) {add = true}
    %dma_wait3A_315 = arith.constant 0 : i32
    %dma_wait3A_316 = arith.constant 0 : i32
    %dma_wait3A_317 = tpu.memref_slice %arg6[%dma_wait3A_315, %dma_wait3A_316] : memref<10000x128xf32, #tpu.memory_space<vmem_shared>> -> memref<10000x128xf32, #tpu.memory_space<vmem_shared>>
    tpu.wait_indirect_dma semaphore(%arg31 : memref<!tpu.dma_semaphore, #tpu.memory_space<semaphore_mem>>) src(%arg7 : memref<80x128xf32, #tpu.memory_space<vmem>>) dst(%dma_wait3A_317 : memref<10000x128xf32, #tpu.memory_space<vmem_shared>>)
    %dma_wait3A_318 = arith.constant 0 : i32
    %dma_wait3A_319 = tpu.memref_slice %arg3[%dma_wait3A_318] : memref<320000xi32, #tpu.memory_space<hbm>> -> memref<80xi32, #tpu.memory_space<hbm>>
    %dma_wait3A_320 = arith.constant 0 : i32
    %dma_wait3A_321 = tpu.memref_slice %arg3[%dma_wait3A_320] : memref<320000xi32, #tpu.memory_space<hbm>> -> memref<80xi32, #tpu.memory_space<hbm>>
    tpu.wait_dma2 semaphore(%arg39 : memref<!tpu.dma_semaphore, #tpu.memory_space<semaphore_mem>>) src(%dma_wait3A_321 : memref<80xi32, #tpu.memory_space<hbm>>) dst(%arg15 : memref<80xi32, #tpu.memory_space<vmem>>)
    %dma_wait3A_322 = arith.constant 0 : i32
    %dma_wait3A_323 = tpu.memref_slice %arg4[%dma_wait3A_322] : memref<320000xi32, #tpu.memory_space<hbm>> -> memref<80xi32, #tpu.memory_space<hbm>>
    %dma_wait3A_324 = arith.constant 0 : i32
    %dma_wait3A_325 = tpu.memref_slice %arg4[%dma_wait3A_324] : memref<320000xi32, #tpu.memory_space<hbm>> -> memref<80xi32, #tpu.memory_space<hbm>>
    tpu.wait_dma2 semaphore(%arg39 : memref<!tpu.dma_semaphore, #tpu.memory_space<semaphore_mem>>) src(%dma_wait3A_325 : memref<80xi32, #tpu.memory_space<hbm>>) dst(%arg23 : memref<80xi32, #tpu.memory_space<vmem>>)
    %dma_start3A_326 = arith.constant 0 : i32
    %dma_start3A_327 = arith.constant 0 : i32
    %dma_start3A_328 = tpu.memref_slice %arg2[%dma_start3A_326, %dma_start3A_327] : memref<10000x128xf32, #tpu.memory_space<hbm>> -> memref<10000x128xf32, #tpu.memory_space<hbm>>
    tpu.enqueue_indirect_dma source(%dma_start3A_328 : memref<10000x128xf32, #tpu.memory_space<hbm>>) target(%arg7 : memref<80x128xf32, #tpu.memory_space<vmem>>) offsets(%arg15 : memref<80xi32, #tpu.memory_space<vmem>>) semaphore(%arg27 : memref<!tpu.dma_semaphore, #tpu.memory_space<semaphore_mem>>)
    %dma_wait3A_329 = arith.constant 0 : i32
    %dma_wait3A_330 = arith.constant 0 : i32
    %dma_wait3A_331 = tpu.memref_slice %arg2[%dma_wait3A_329, %dma_wait3A_330] : memref<10000x128xf32, #tpu.memory_space<hbm>> -> memref<10000x128xf32, #tpu.memory_space<hbm>>
    tpu.wait_indirect_dma semaphore(%arg29 : memref<!tpu.dma_semaphore, #tpu.memory_space<semaphore_mem>>) src(%dma_wait3A_331 : memref<10000x128xf32, #tpu.memory_space<hbm>>) dst(%arg9 : memref<80x128xf32, #tpu.memory_space<vmem>>)
    %dma_start3A_332 = arith.constant 0 : i32
    %dma_start3A_333 = arith.constant 0 : i32
    %dma_start3A_334 = tpu.memref_slice %arg6[%dma_start3A_332, %dma_start3A_333] : memref<10000x128xf32, #tpu.memory_space<vmem_shared>> -> memref<10000x128xf32, #tpu.memory_space<vmem_shared>>
    tpu.enqueue_indirect_dma source(%arg9 : memref<80x128xf32, #tpu.memory_space<vmem>>) target(%dma_start3A_334 : memref<10000x128xf32, #tpu.memory_space<vmem_shared>>) offsets(%arg21 : memref<80xi32, #tpu.memory_space<vmem>>) semaphore(%arg33 : memref<!tpu.dma_semaphore, #tpu.memory_space<semaphore_mem>>) {add = true}
    %dma_wait3A_335 = arith.constant 0 : i32
    %dma_wait3A_336 = arith.constant 0 : i32
    %dma_wait3A_337 = tpu.memref_slice %arg2[%dma_wait3A_335, %dma_wait3A_336] : memref<10000x128xf32, #tpu.memory_space<hbm>> -> memref<10000x128xf32, #tpu.memory_space<hbm>>
    tpu.wait_indirect_dma semaphore(%arg30 : memref<!tpu.dma_semaphore, #tpu.memory_space<semaphore_mem>>) src(%dma_wait3A_337 : memref<10000x128xf32, #tpu.memory_space<hbm>>) dst(%arg10 : memref<80x128xf32, #tpu.memory_space<vmem>>)
    %dma_start3A_338 = arith.constant 0 : i32
    %dma_start3A_339 = arith.constant 0 : i32
    %dma_start3A_340 = tpu.memref_slice %arg6[%dma_start3A_338, %dma_start3A_339] : memref<10000x128xf32, #tpu.memory_space<vmem_shared>> -> memref<10000x128xf32, #tpu.memory_space<vmem_shared>>
    tpu.enqueue_indirect_dma source(%arg10 : memref<80x128xf32, #tpu.memory_space<vmem>>) target(%dma_start3A_340 : memref<10000x128xf32, #tpu.memory_space<vmem_shared>>) offsets(%arg22 : memref<80xi32, #tpu.memory_space<vmem>>) semaphore(%arg34 : memref<!tpu.dma_semaphore, #tpu.memory_space<semaphore_mem>>) {add = true}
    %dma_wait3A_341 = arith.constant 0 : i32
    %dma_wait3A_342 = arith.constant 0 : i32
    %dma_wait3A_343 = tpu.memref_slice %arg2[%dma_wait3A_341, %dma_wait3A_342] : memref<10000x128xf32, #tpu.memory_space<hbm>> -> memref<10000x128xf32, #tpu.memory_space<hbm>>
    tpu.wait_indirect_dma semaphore(%arg27 : memref<!tpu.dma_semaphore, #tpu.memory_space<semaphore_mem>>) src(%dma_wait3A_343 : memref<10000x128xf32, #tpu.memory_space<hbm>>) dst(%arg7 : memref<80x128xf32, #tpu.memory_space<vmem>>)
    %dma_start3A_344 = arith.constant 0 : i32
    %dma_start3A_345 = arith.constant 0 : i32
    %dma_start3A_346 = tpu.memref_slice %arg6[%dma_start3A_344, %dma_start3A_345] : memref<10000x128xf32, #tpu.memory_space<vmem_shared>> -> memref<10000x128xf32, #tpu.memory_space<vmem_shared>>
    tpu.enqueue_indirect_dma source(%arg7 : memref<80x128xf32, #tpu.memory_space<vmem>>) target(%dma_start3A_346 : memref<10000x128xf32, #tpu.memory_space<vmem_shared>>) offsets(%arg23 : memref<80xi32, #tpu.memory_space<vmem>>) semaphore(%arg31 : memref<!tpu.dma_semaphore, #tpu.memory_space<semaphore_mem>>) {add = true}
    %dma_wait3A_347 = arith.constant 0 : i32
    %dma_wait3A_348 = arith.constant 0 : i32
    %dma_wait3A_349 = tpu.memref_slice %arg6[%dma_wait3A_347, %dma_wait3A_348] : memref<10000x128xf32, #tpu.memory_space<vmem_shared>> -> memref<10000x128xf32, #tpu.memory_space<vmem_shared>>
    tpu.wait_indirect_dma semaphore(%arg31 : memref<!tpu.dma_semaphore, #tpu.memory_space<semaphore_mem>>) src(%arg7 : memref<80x128xf32, #tpu.memory_space<vmem>>) dst(%dma_wait3A_349 : memref<10000x128xf32, #tpu.memory_space<vmem_shared>>)
    %dma_wait3A_350 = arith.constant 0 : i32
    %dma_wait3A_351 = arith.constant 0 : i32
    %dma_wait3A_352 = tpu.memref_slice %arg6[%dma_wait3A_350, %dma_wait3A_351] : memref<10000x128xf32, #tpu.memory_space<vmem_shared>> -> memref<10000x128xf32, #tpu.memory_space<vmem_shared>>
    tpu.wait_indirect_dma semaphore(%arg32 : memref<!tpu.dma_semaphore, #tpu.memory_space<semaphore_mem>>) src(%arg7 : memref<80x128xf32, #tpu.memory_space<vmem>>) dst(%dma_wait3A_352 : memref<10000x128xf32, #tpu.memory_space<vmem_shared>>)
    %dma_wait3A_353 = arith.constant 0 : i32
    %dma_wait3A_354 = arith.constant 0 : i32
    %dma_wait3A_355 = tpu.memref_slice %arg6[%dma_wait3A_353, %dma_wait3A_354] : memref<10000x128xf32, #tpu.memory_space<vmem_shared>> -> memref<10000x128xf32, #tpu.memory_space<vmem_shared>>
    tpu.wait_indirect_dma semaphore(%arg33 : memref<!tpu.dma_semaphore, #tpu.memory_space<semaphore_mem>>) src(%arg7 : memref<80x128xf32, #tpu.memory_space<vmem>>) dst(%dma_wait3A_355 : memref<10000x128xf32, #tpu.memory_space<vmem_shared>>)
    %dma_wait3A_356 = arith.constant 0 : i32
    %dma_wait3A_357 = arith.constant 0 : i32
    %dma_wait3A_358 = tpu.memref_slice %arg6[%dma_wait3A_356, %dma_wait3A_357] : memref<10000x128xf32, #tpu.memory_space<vmem_shared>> -> memref<10000x128xf32, #tpu.memory_space<vmem_shared>>
    tpu.wait_indirect_dma semaphore(%arg34 : memref<!tpu.dma_semaphore, #tpu.memory_space<semaphore_mem>>) src(%arg7 : memref<80x128xf32, #tpu.memory_space<vmem>>) dst(%dma_wait3A_358 : memref<10000x128xf32, #tpu.memory_space<vmem_shared>>)
    %barrier3A_359 = arith.constant 0 : index
    tpu.barrier barrier_id(%barrier3A_359)
    %lt3A_360 = arith.constant 15 : i32
    %lt3A_361 = arith.cmpi slt, %arg1, %lt3A_360 : i32
    %convert_element_type3A_362 = arith.extui %lt3A_361 : i1 to i32
    %cond3A_363 = arith.constant 0 : i32
    %cond3A_364 = arith.cmpi ne, %convert_element_type3A_362, %cond3A_363 : i32
    scf.if %cond3A_364 {
      %mul3A_370 = arith.constant 632 : i32
      %mul3A_371 = arith.muli %arg1, %mul3A_370 : i32
      %mul3A_372 = arith.constant 632 : i32
      %mul3A_373 = arith.muli %arg1, %mul3A_372 : i32
      "tpu.region"() ({
        %run_scoped3A = tpu.sem_alloc : memref<!tpu.dma_semaphore, #tpu.memory_space<semaphore_mem>>
        %dma_start3A_374 = arith.constant 0 : i32
        %dma_start3A_375 = tpu.memref_slice %arg5[%arg0, %mul3A_373, %dma_start3A_374] : memref<2x10000x128xf32, #tpu.memory_space<hbm>> -> memref<1x632x128xf32, #tpu.memory_space<hbm>>
        %dma_start3A_376 = tpu.memref_squeeze %dma_start3A_375 : memref<1x632x128xf32, #tpu.memory_space<hbm>> -> memref<632x128xf32, #tpu.memory_space<hbm>>
        %dma_start3A_377 = arith.constant 0 : i32
        %dma_start3A_378 = tpu.memref_slice %arg6[%mul3A_371, %dma_start3A_377] : memref<10000x128xf32, #tpu.memory_space<vmem_shared>> -> memref<632x128xf32, #tpu.memory_space<vmem_shared>>
        tpu.enqueue_dma source(%dma_start3A_378 : memref<632x128xf32, #tpu.memory_space<vmem_shared>>) target(%dma_start3A_376 : memref<632x128xf32, #tpu.memory_space<hbm>>) target_semaphore(%run_scoped3A : memref<!tpu.dma_semaphore, #tpu.memory_space<semaphore_mem>>)
        %dma_wait3A_379 = arith.constant 0 : i32
        %dma_wait3A_380 = tpu.memref_slice %arg5[%arg0, %mul3A_373, %dma_wait3A_379] : memref<2x10000x128xf32, #tpu.memory_space<hbm>> -> memref<1x632x128xf32, #tpu.memory_space<hbm>>
        %dma_wait3A_381 = tpu.memref_squeeze %dma_wait3A_380 : memref<1x632x128xf32, #tpu.memory_space<hbm>> -> memref<632x128xf32, #tpu.memory_space<hbm>>
        %dma_wait3A_382 = arith.constant 0 : i32
        %dma_wait3A_383 = tpu.memref_slice %arg6[%mul3A_371, %dma_wait3A_382] : memref<10000x128xf32, #tpu.memory_space<vmem_shared>> -> memref<632x128xf32, #tpu.memory_space<vmem_shared>>
        tpu.wait_dma2 semaphore(%run_scoped3A : memref<!tpu.dma_semaphore, #tpu.memory_space<semaphore_mem>>) src(%dma_wait3A_383 : memref<632x128xf32, #tpu.memory_space<vmem_shared>>) dst(%dma_wait3A_381 : memref<632x128xf32, #tpu.memory_space<hbm>>)
        tpu.yield
      }) : () -> ()
    } else {
    }
    %eq3A_365 = arith.constant 15 : i32
    %eq3A_366 = arith.cmpi eq, %arg1, %eq3A_365 : i32
    %convert_element_type3A_367 = arith.extui %eq3A_366 : i1 to i32
    %cond3A_368 = arith.constant 0 : i32
    %cond3A_369 = arith.cmpi ne, %convert_element_type3A_367, %cond3A_368 : i32
    scf.if %cond3A_369 {
      "tpu.region"() ({
        %run_scoped3A = tpu.sem_alloc : memref<!tpu.dma_semaphore, #tpu.memory_space<semaphore_mem>>
        %dma_start3A_370 = arith.constant 9480 : i32
        %dma_start3A_371 = arith.constant 0 : i32
        %dma_start3A_372 = tpu.memref_slice %arg5[%arg0, %dma_start3A_370, %dma_start3A_371] : memref<2x10000x128xf32, #tpu.memory_space<hbm>> -> memref<1x520x128xf32, #tpu.memory_space<hbm>>
        %dma_start3A_373 = tpu.memref_squeeze %dma_start3A_372 : memref<1x520x128xf32, #tpu.memory_space<hbm>> -> memref<520x128xf32, #tpu.memory_space<hbm>>
        %dma_start3A_374 = arith.constant 9480 : i32
        %dma_start3A_375 = arith.constant 0 : i32
        %dma_start3A_376 = tpu.memref_slice %arg6[%dma_start3A_374, %dma_start3A_375] : memref<10000x128xf32, #tpu.memory_space<vmem_shared>> -> memref<520x128xf32, #tpu.memory_space<vmem_shared>>
        tpu.enqueue_dma source(%dma_start3A_376 : memref<520x128xf32, #tpu.memory_space<vmem_shared>>) target(%dma_start3A_373 : memref<520x128xf32, #tpu.memory_space<hbm>>) target_semaphore(%run_scoped3A : memref<!tpu.dma_semaphore, #tpu.memory_space<semaphore_mem>>)
        %dma_wait3A_377 = arith.constant 9480 : i32
        %dma_wait3A_378 = arith.constant 0 : i32
        %dma_wait3A_379 = tpu.memref_slice %arg5[%arg0, %dma_wait3A_377, %dma_wait3A_378] : memref<2x10000x128xf32, #tpu.memory_space<hbm>> -> memref<1x520x128xf32, #tpu.memory_space<hbm>>
        %dma_wait3A_380 = tpu.memref_squeeze %dma_wait3A_379 : memref<1x520x128xf32, #tpu.memory_space<hbm>> -> memref<520x128xf32, #tpu.memory_space<hbm>>
        %dma_wait3A_381 = arith.constant 9480 : i32
        %dma_wait3A_382 = arith.constant 0 : i32
        %dma_wait3A_383 = tpu.memref_slice %arg6[%dma_wait3A_381, %dma_wait3A_382] : memref<10000x128xf32, #tpu.memory_space<vmem_shared>> -> memref<520x128xf32, #tpu.memory_space<vmem_shared>>
        tpu.wait_dma2 semaphore(%run_scoped3A : memref<!tpu.dma_semaphore, #tpu.memory_space<semaphore_mem>>) src(%dma_wait3A_383 : memref<520x128xf32, #tpu.memory_space<vmem_shared>>) dst(%dma_wait3A_380 : memref<520x128xf32, #tpu.memory_space<hbm>>)
        tpu.yield
      }) : () -> ()
    } else {
    }
    return
  }
}

module attributes {stable_mosaic.version = 14 : i64} {
  func.func @_tc_mid(%arg0: i32, %arg1: memref<2x2000x128xf32, #tpu.memory_space<vmem>>, %arg2: memref<2000x128xf32, #tpu.memory_space<vmem>>, %arg3: memref<2x2000x16xf32, #tpu.memory_space<vmem>>, %arg4: memref<128x128xf32, #tpu.memory_space<vmem>>, %arg5: memref<1x128xf32, #tpu.memory_space<vmem>>, %arg6: memref<2000x128xf32, #tpu.memory_space<vmem>>) attributes {dimension_semantics = [#tpu.dimension_semantics<arbitrary>], iteration_bounds = array<i64: 5>, scalar_prefetch = 0 : i64, scratch_operands = 0 : i64, tpu.core_type = #tpu.core_type<tc>, window_params = [{transform_indices = @transform_0, window_bounds = array<i64: 2, 2000, 128>}, {transform_indices = @transform_1, window_bounds = array<i64: 2000, 128>}, {transform_indices = @transform_2, window_bounds = array<i64: 2, 2000, 16>}, {pipeline_mode = #tpu.pipeline_mode<synchronous>, transform_indices = @transform_3, window_bounds = array<i64: 128, 128>}, {pipeline_mode = #tpu.pipeline_mode<synchronous>, transform_indices = @transform_4, window_bounds = array<i64: 1, 128>}, {transform_indices = @transform_5, window_bounds = array<i64: 2000, 128>}]} {
    %get3A = arith.constant 0 : index
    %get3A_0 = arith.constant 0 : index
    %get3A_1 = arith.constant 0 : index
    %get3A_2 = vector.load %arg3[%get3A, %get3A_0, %get3A_1] : memref<2x2000x16xf32, #tpu.memory_space<vmem>>, vector<1x2000x1xf32>
    %get3A_3 = vector.shape_cast %get3A_2 : vector<1x2000x1xf32> to vector<2000x1xf32>
    %get3A_4 = arith.constant 1 : index
    %get3A_5 = arith.constant 0 : index
    %get3A_6 = arith.constant 0 : index
    %get3A_7 = vector.load %arg3[%get3A_4, %get3A_5, %get3A_6] : memref<2x2000x16xf32, #tpu.memory_space<vmem>>, vector<1x2000x1xf32>
    %get3A_8 = vector.shape_cast %get3A_7 : vector<1x2000x1xf32> to vector<2000x1xf32>
    %add3A = arith.addf %get3A_3, %get3A_8 : vector<2000x1xf32>
    %add3A_9 = arith.constant 1.000000e+00 : f32
    %add3A_10 = vector.broadcast %add3A_9 : f32 to vector<2000x1xf32>
    %add3A_11 = arith.addf %add3A, %add3A_10 : vector<2000x1xf32>
    %rsqrt3A = math.rsqrt %add3A_11 : vector<2000x1xf32>
    %get3A_12 = arith.constant 0 : index
    %get3A_13 = arith.constant 0 : index
    %get3A_14 = arith.constant 0 : index
    %get3A_15 = vector.load %arg1[%get3A_12, %get3A_13, %get3A_14] : memref<2x2000x128xf32, #tpu.memory_space<vmem>>, vector<1x2000x128xf32>
    %get3A_16 = vector.shape_cast %get3A_15 : vector<1x2000x128xf32> to vector<2000x128xf32>
    %get3A_17 = arith.constant 1 : index
    %get3A_18 = arith.constant 0 : index
    %get3A_19 = arith.constant 0 : index
    %get3A_20 = vector.load %arg1[%get3A_17, %get3A_18, %get3A_19] : memref<2x2000x128xf32, #tpu.memory_space<vmem>>, vector<1x2000x128xf32>
    %get3A_21 = vector.shape_cast %get3A_20 : vector<1x2000x128xf32> to vector<2000x128xf32>
    %add3A_22 = arith.addf %get3A_16, %get3A_21 : vector<2000x128xf32>
    %get3A_23 = arith.constant 0 : index
    %get3A_24 = arith.constant 0 : index
    %get3A_25 = vector.load %arg2[%get3A_23, %get3A_24] : memref<2000x128xf32, #tpu.memory_space<vmem>>, vector<2000x128xf32>
    %sub3A = arith.subf %add3A_22, %get3A_25 : vector<2000x128xf32>
    %mul3A = vector.broadcast %rsqrt3A : vector<2000x1xf32> to vector<2000x128xf32>
    %mul3A_26 = arith.mulf %mul3A, %sub3A : vector<2000x128xf32>
    %get3A_27 = arith.constant 0 : index
    %get3A_28 = arith.constant 0 : index
    %get3A_29 = vector.load %arg5[%get3A_27, %get3A_28] : memref<1x128xf32, #tpu.memory_space<vmem>>, vector<1x128xf32>
    %add3A_30 = vector.broadcast %get3A_29 : vector<1x128xf32> to vector<2000x128xf32>
    %add3A_31 = arith.addf %mul3A_26, %add3A_30 : vector<2000x128xf32>
    %max3A = arith.constant 0.000000e+00 : f32
    %max3A_32 = vector.broadcast %max3A : f32 to vector<2000x128xf32>
    %max3A_33 = arith.maximumf %add3A_31, %max3A_32 : vector<2000x128xf32>
    %get3A_34 = arith.constant 0 : index
    %get3A_35 = arith.constant 0 : index
    %get3A_36 = vector.load %arg4[%get3A_34, %get3A_35] : memref<128x128xf32, #tpu.memory_space<vmem>>, vector<128x128xf32>
    %dot_general3A = arith.constant dense<0.000000e+00> : vector<2000x128xf32>
    %dot_general3A_37 = tpu.matmul %max3A_33, %get3A_36, %dot_general3A {dimension_numbers = #tpu.dot_dimension_numbers<[1], [0], [0], [1], [0, 0, 1, 1], [], []>, transpose_lhs_hint = false} : vector<2000x128xf32>, vector<128x128xf32>, vector<2000x128xf32> -> vector<2000x128xf32>
    %mul3A_38 = vector.broadcast %rsqrt3A : vector<2000x1xf32> to vector<2000x128xf32>
    %mul3A_39 = arith.mulf %dot_general3A_37, %mul3A_38 : vector<2000x128xf32>
    %swap3A = arith.constant 0 : index
    %swap3A_40 = arith.constant 0 : index
    %swap3A_41 = vector.load %arg6[%swap3A, %swap3A_40] : memref<2000x128xf32, #tpu.memory_space<vmem>>, vector<2000x128xf32>
    tpu.vector_store %arg6[%swap3A, %swap3A_40], %mul3A_39 {strides = array<i32>} : memref<2000x128xf32, #tpu.memory_space<vmem>>, vector<2000x128xf32>,
    return
  }
  func.func @transform_0(%arg0: i32) -> (i32, i32, i32) {
    %c0_i32 = arith.constant 0 : i32
    %c0_i32_0 = arith.constant 0 : i32
    %c0_i32_1 = arith.constant 0 : i32
    return %c0_i32, %arg0, %c0_i32_0 : i32, i32, i32
  }
  func.func @transform_1(%arg0: i32) -> (i32, i32) {
    %c0_i32 = arith.constant 0 : i32
    %c0_i32_0 = arith.constant 0 : i32
    return %arg0, %c0_i32 : i32, i32
  }
  func.func @transform_2(%arg0: i32) -> (i32, i32, i32) {
    %c0_i32 = arith.constant 0 : i32
    %c0_i32_0 = arith.constant 0 : i32
    %c0_i32_1 = arith.constant 0 : i32
    return %c0_i32, %arg0, %c0_i32_0 : i32, i32, i32
  }
  func.func @transform_3(%arg0: i32) -> (i32, i32) {
    %c0_i32 = arith.constant 0 : i32
    %c0_i32_0 = arith.constant 0 : i32
    %c0_i32_1 = arith.constant 0 : i32
    return %c0_i32, %c0_i32_0 : i32, i32
  }
  func.func @transform_4(%arg0: i32) -> (i32, i32) {
    %c0_i32 = arith.constant 0 : i32
    %c0_i32_0 = arith.constant 0 : i32
    %c0_i32_1 = arith.constant 0 : i32
    return %c0_i32, %c0_i32_0 : i32, i32
  }
  func.func @transform_5(%arg0: i32) -> (i32, i32) {
    %c0_i32 = arith.constant 0 : i32
    %c0_i32_0 = arith.constant 0 : i32
    return %arg0, %c0_i32 : i32, i32
  }
}

module attributes {stable_mosaic.version = 14 : i64} {
  func.func @_tc_matmul1(%arg0: i32, %arg1: memref<2000x128xf32, #tpu.memory_space<vmem>>, %arg2: memref<128x128xf32, #tpu.memory_space<vmem>>, %arg3: memref<2x2000x16xf32, #tpu.memory_space<vmem>>, %arg4: memref<2000x128xf32, #tpu.memory_space<vmem>>) attributes {dimension_semantics = [#tpu.dimension_semantics<arbitrary>], iteration_bounds = array<i64: 5>, scalar_prefetch = 0 : i64, scratch_operands = 0 : i64, tpu.core_type = #tpu.core_type<tc>, window_params = [{transform_indices = @transform_0, window_bounds = array<i64: 2000, 128>}, {pipeline_mode = #tpu.pipeline_mode<synchronous>, transform_indices = @transform_1, window_bounds = array<i64: 128, 128>}, {transform_indices = @transform_2, window_bounds = array<i64: 2, 2000, 16>}, {transform_indices = @transform_3, window_bounds = array<i64: 2000, 128>}]} {
    %get3A = arith.constant 0 : index
    %get3A_0 = arith.constant 0 : index
    %get3A_1 = arith.constant 0 : index
    %get3A_2 = vector.load %arg3[%get3A, %get3A_0, %get3A_1] : memref<2x2000x16xf32, #tpu.memory_space<vmem>>, vector<1x2000x1xf32>
    %get3A_3 = vector.shape_cast %get3A_2 : vector<1x2000x1xf32> to vector<2000x1xf32>
    %get3A_4 = arith.constant 1 : index
    %get3A_5 = arith.constant 0 : index
    %get3A_6 = arith.constant 0 : index
    %get3A_7 = vector.load %arg3[%get3A_4, %get3A_5, %get3A_6] : memref<2x2000x16xf32, #tpu.memory_space<vmem>>, vector<1x2000x1xf32>
    %get3A_8 = vector.shape_cast %get3A_7 : vector<1x2000x1xf32> to vector<2000x1xf32>
    %add3A = arith.addf %get3A_3, %get3A_8 : vector<2000x1xf32>
    %add3A_9 = arith.constant 1.000000e+00 : f32
    %add3A_10 = vector.broadcast %add3A_9 : f32 to vector<2000x1xf32>
    %add3A_11 = arith.addf %add3A, %add3A_10 : vector<2000x1xf32>
    %rsqrt3A = math.rsqrt %add3A_11 : vector<2000x1xf32>
    %get3A_12 = arith.constant 0 : index
    %get3A_13 = arith.constant 0 : index
    %get3A_14 = vector.load %arg1[%get3A_12, %get3A_13] : memref<2000x128xf32, #tpu.memory_space<vmem>>, vector<2000x128xf32>
    %get3A_15 = arith.constant 0 : index
    %get3A_16 = arith.constant 0 : index
    %get3A_17 = vector.load %arg2[%get3A_15, %get3A_16] : memref<128x128xf32, #tpu.memory_space<vmem>>, vector<128x128xf32>
    %dot_general3A = arith.constant dense<0.000000e+00> : vector<2000x128xf32>
    %dot_general3A_18 = tpu.matmul %get3A_14, %get3A_17, %dot_general3A {dimension_numbers = #tpu.dot_dimension_numbers<[1], [0], [0], [1], [0, 0, 1, 1], [], []>, transpose_lhs_hint = false} : vector<2000x128xf32>, vector<128x128xf32>, vector<2000x128xf32> -> vector<2000x128xf32>
    %mul3A = vector.broadcast %rsqrt3A : vector<2000x1xf32> to vector<2000x128xf32>
    %mul3A_19 = arith.mulf %dot_general3A_18, %mul3A : vector<2000x128xf32>
    %swap3A = arith.constant 0 : index
    %swap3A_20 = arith.constant 0 : index
    %swap3A_21 = vector.load %arg4[%swap3A, %swap3A_20] : memref<2000x128xf32, #tpu.memory_space<vmem>>, vector<2000x128xf32>
    tpu.vector_store %arg4[%swap3A, %swap3A_20], %mul3A_19 {strides = array<i32>} : memref<2000x128xf32, #tpu.memory_space<vmem>>, vector<2000x128xf32>,
    return
  }
  func.func @transform_0(%arg0: i32) -> (i32, i32) {
    %c0_i32 = arith.constant 0 : i32
    %c0_i32_0 = arith.constant 0 : i32
    return %arg0, %c0_i32 : i32, i32
  }
  func.func @transform_1(%arg0: i32) -> (i32, i32) {
    %c0_i32 = arith.constant 0 : i32
    %c0_i32_0 = arith.constant 0 : i32
    %c0_i32_1 = arith.constant 0 : i32
    return %c0_i32, %c0_i32_0 : i32, i32
  }
  func.func @transform_2(%arg0: i32) -> (i32, i32, i32) {
    %c0_i32 = arith.constant 0 : i32
    %c0_i32_0 = arith.constant 0 : i32
    %c0_i32_1 = arith.constant 0 : i32
    return %c0_i32, %arg0, %c0_i32_0 : i32, i32, i32
  }
  func.func @transform_3(%arg0: i32) -> (i32, i32) {
    %c0_i32 = arith.constant 0 : i32
    %c0_i32_0 = arith.constant 0 : i32
    return %arg0, %c0_i32 : i32, i32
  }
}

module attributes {stable_mosaic.version = 14 : i64} {
  func.func @_tc_final(%arg0: i32, %arg1: memref<2x2000x128xf32, #tpu.memory_space<vmem>>, %arg2: memref<2000x128xf32, #tpu.memory_space<vmem>>, %arg3: memref<2x2000x16xf32, #tpu.memory_space<vmem>>, %arg4: memref<1x128xf32, #tpu.memory_space<vmem>>, %arg5: memref<2000x128xf32, #tpu.memory_space<vmem>>) attributes {dimension_semantics = [#tpu.dimension_semantics<arbitrary>], iteration_bounds = array<i64: 5>, scalar_prefetch = 0 : i64, scratch_operands = 0 : i64, tpu.core_type = #tpu.core_type<tc>, window_params = [{transform_indices = @transform_0, window_bounds = array<i64: 2, 2000, 128>}, {transform_indices = @transform_1, window_bounds = array<i64: 2000, 128>}, {transform_indices = @transform_2, window_bounds = array<i64: 2, 2000, 16>}, {pipeline_mode = #tpu.pipeline_mode<synchronous>, transform_indices = @transform_3, window_bounds = array<i64: 1, 128>}, {transform_indices = @transform_4, window_bounds = array<i64: 2000, 128>}]} {
    %get3A = arith.constant 0 : index
    %get3A_0 = arith.constant 0 : index
    %get3A_1 = arith.constant 0 : index
    %get3A_2 = vector.load %arg3[%get3A, %get3A_0, %get3A_1] : memref<2x2000x16xf32, #tpu.memory_space<vmem>>, vector<1x2000x1xf32>
    %get3A_3 = vector.shape_cast %get3A_2 : vector<1x2000x1xf32> to vector<2000x1xf32>
    %get3A_4 = arith.constant 1 : index
    %get3A_5 = arith.constant 0 : index
    %get3A_6 = arith.constant 0 : index
    %get3A_7 = vector.load %arg3[%get3A_4, %get3A_5, %get3A_6] : memref<2x2000x16xf32, #tpu.memory_space<vmem>>, vector<1x2000x1xf32>
    %get3A_8 = vector.shape_cast %get3A_7 : vector<1x2000x1xf32> to vector<2000x1xf32>
    %add3A = arith.addf %get3A_3, %get3A_8 : vector<2000x1xf32>
    %add3A_9 = arith.constant 1.000000e+00 : f32
    %add3A_10 = vector.broadcast %add3A_9 : f32 to vector<2000x1xf32>
    %add3A_11 = arith.addf %add3A, %add3A_10 : vector<2000x1xf32>
    %rsqrt3A = math.rsqrt %add3A_11 : vector<2000x1xf32>
    %get3A_12 = arith.constant 0 : index
    %get3A_13 = arith.constant 0 : index
    %get3A_14 = arith.constant 0 : index
    %get3A_15 = vector.load %arg1[%get3A_12, %get3A_13, %get3A_14] : memref<2x2000x128xf32, #tpu.memory_space<vmem>>, vector<1x2000x128xf32>
    %get3A_16 = vector.shape_cast %get3A_15 : vector<1x2000x128xf32> to vector<2000x128xf32>
    %get3A_17 = arith.constant 1 : index
    %get3A_18 = arith.constant 0 : index
    %get3A_19 = arith.constant 0 : index
    %get3A_20 = vector.load %arg1[%get3A_17, %get3A_18, %get3A_19] : memref<2x2000x128xf32, #tpu.memory_space<vmem>>, vector<1x2000x128xf32>
    %get3A_21 = vector.shape_cast %get3A_20 : vector<1x2000x128xf32> to vector<2000x128xf32>
    %add3A_22 = arith.addf %get3A_16, %get3A_21 : vector<2000x128xf32>
    %get3A_23 = arith.constant 0 : index
    %get3A_24 = arith.constant 0 : index
    %get3A_25 = vector.load %arg2[%get3A_23, %get3A_24] : memref<2000x128xf32, #tpu.memory_space<vmem>>, vector<2000x128xf32>
    %sub3A = arith.subf %add3A_22, %get3A_25 : vector<2000x128xf32>
    %mul3A = vector.broadcast %rsqrt3A : vector<2000x1xf32> to vector<2000x128xf32>
    %mul3A_26 = arith.mulf %mul3A, %sub3A : vector<2000x128xf32>
    %get3A_27 = arith.constant 0 : index
    %get3A_28 = arith.constant 0 : index
    %get3A_29 = vector.load %arg4[%get3A_27, %get3A_28] : memref<1x128xf32, #tpu.memory_space<vmem>>, vector<1x128xf32>
    %add3A_30 = vector.broadcast %get3A_29 : vector<1x128xf32> to vector<2000x128xf32>
    %add3A_31 = arith.addf %mul3A_26, %add3A_30 : vector<2000x128xf32>
    %swap3A = arith.constant 0 : index
    %swap3A_32 = arith.constant 0 : index
    %swap3A_33 = vector.load %arg5[%swap3A, %swap3A_32] : memref<2000x128xf32, #tpu.memory_space<vmem>>, vector<2000x128xf32>
    tpu.vector_store %arg5[%swap3A, %swap3A_32], %add3A_31 {strides = array<i32>} : memref<2000x128xf32, #tpu.memory_space<vmem>>, vector<2000x128xf32>,
    return
  }
  func.func @transform_0(%arg0: i32) -> (i32, i32, i32) {
    %c0_i32 = arith.constant 0 : i32
    %c0_i32_0 = arith.constant 0 : i32
    %c0_i32_1 = arith.constant 0 : i32
    return %c0_i32, %arg0, %c0_i32_0 : i32, i32, i32
  }
  func.func @transform_1(%arg0: i32) -> (i32, i32) {
    %c0_i32 = arith.constant 0 : i32
    %c0_i32_0 = arith.constant 0 : i32
    return %arg0, %c0_i32 : i32, i32
  }
  func.func @transform_2(%arg0: i32) -> (i32, i32, i32) {
    %c0_i32 = arith.constant 0 : i32
    %c0_i32_0 = arith.constant 0 : i32
    %c0_i32_1 = arith.constant 0 : i32
    return %c0_i32, %arg0, %c0_i32_0 : i32, i32, i32
  }
  func.func @transform_3(%arg0: i32) -> (i32, i32) {
    %c0_i32 = arith.constant 0 : i32
    %c0_i32_0 = arith.constant 0 : i32
    %c0_i32_1 = arith.constant 0 : i32
    return %c0_i32, %c0_i32_0 : i32, i32
  }
  func.func @transform_4(%arg0: i32) -> (i32, i32) {
    %c0_i32 = arith.constant 0 : i32
    %c0_i32_0 = arith.constant 0 : i32
    return %arg0, %c0_i32 : i32, i32
  }
}

</mosaic_0001>

<sc_bundles>
// kernel: kernel.11.cloned.1.call-start
scs
__scs_entry_jumppad:
0x0: {  	(pc) =	sbr.rel $0x88, $3  }
0x1: {  	(tag) =	ssettag $0x0;
	lr =	simm.s32 $0x1  }
0x2: {  	[smem:$0x3F9B] =	sst lr;
	_ =	strace $0xD0000000  }
0x3: {  	_ = 	snop  }
0x4: {  	_ = 	snop  }
0x5: {  	_ = 	snop  }
0x6: {  	_ = 	snop  }
0x7: {  	_ = 	snop  }
__scs_overlays_trampoline_lowered:
0x8: {  	[smem:$0x3FAA] =	sst s0  }
0x9: {  	[smem:$0x3FAB] =	sst s1  }
0xa: {  	[smem:$0x3FAC] =	sst s2  }
0xb: {  	[smem:$0x3FAD] =	sst s3  }
0xc: {  	[smem:$0x3FAE] =	sst s4  }
0xd: {  	[smem:$0x3FAF] =	sst s5  }
0xe: {  	[smem:$0x3FB0] =	sst s6  }
0xf: {  	[smem:$0x3FB1] =	sst s7  }
0x10: {  	[smem:$0x3FB2] =	sst s8  }
0x11: {  	[smem:$0x3FB3] =	sst s9;
	s0 =	simm.s32 @!p0 $0x0  }
0x12: {  	s1 =	sld [smem:$0x3F99];
	s0 =	simm.s32 @p0 $0x1  }
0x13: {  	[smem:$0x3FB4] =	sst s0;
	s0 =	simm.s32 @!p1 $0x0  }
0x14: {  	s2 =	sld [smem:$0x3F98];
	s0 =	simm.s32 @p1 $0x1  }
0x15: {  	[smem:$0x3FB5] =	sst s0;
	s0 =	simm.s32 @!p2 $0x0  }
0x16: {  	s3 =	sld [smem:$0x3FDB];
	s0 =	simm.s32 @p2 $0x1  }
0x17: {  	s4 =	simm.s32 $0x1BF5;
	[smem:$0x3FB7] =	sst s0  }
0x18: {  	s0 =	sld [smem:$0x3F9A];
	_ =	swait.ge [sflag:s4], $0x0  }
0x19: {  	s7 =	sld [smem:$0x3F9B]  }
0x1a: {  	s8 =	sadd.s32 $0xFFFFE003, lr  }
0x1b: {  	s9 =	sadd.s32 $0xFFFFFEF7, lr;
	s5 =	simm.s32 $0xFFFFFFFF;
	p2 =	slt.u32 s8, $0xFFFFF086  }
0x1c: {  	p1 =	slt.u32 s9, $0xF7A;
	s5 =	simm.s32 @!p2 $0x0  }
0x1d: {  	s5 =	simm.s32 @p1 $0x1;
	p0 =	seq.s32 s7, s2  }
0x1e: {  	s7 =	smul.u32 @!p0 $0xF7A, s2;
	p2 =	seq.s32 @!p0 s5, $0x0  }
0x1f: {  	s9 =	smul.u32 $0xF7A, s1;
	s8 =	simm.s32 @!p0 $0x1BF5;
	p2 =	por !p2, p0  }
0x20: {  	[sflag:s8] =	ssyncset.s32 @!p0 $0xFFFFF086;
	s6 =	sadd.s32 @!p0 s3, s7;
	s7 =	simm.s32 @!p0 $0x108  }
0x21: {  	s3 =	sadd.s32 s3, s9;
	s6 =	sadd.s32 @!p0 $0x88, s6;
	s7 =	simm.s32 @p2 $0x1082  }
0x22: {  	[simem:s7], [sflag:s8] =	dma.local @!p0 [hbm:s6], $0xF7A  }
0x23: {  	s9 =	sor.u32 $0xD0000000, s2;
	s6 =	simm.s32 $0x108;
	_ =	swait.ge @!p0 [sflag:s8], $0x0  }
0x24: {  	s3 =	sadd.s32 $0x88, s3;
	s6 =	simm.s32 @!p1 $0x1082;
	[sflag:s4] =	ssyncset.s32 $0xFFFFF086  }
0x25: {  	[simem:s6], [sflag:s4] =	dma.local [hbm:s3], $0xF7A  }
0x26: {  	[smem:$0x3F9B] =	sst s1;
	(tag) =	ssettag s2;
	_ =	strace s9  }
0x27: {  	s1 =	sld [smem:$0x3FAB]  }
0x28: {  	s2 =	sld [smem:$0x3FAC]  }
0x29: {  	s4 =	sld [smem:$0x3FAE]  }
0x2a: {  	p0 =	seq.s32 s5, $0x0;
	s5 =	sld [smem:$0x3FAF]  }
0x2b: {  	s6 =	sld [smem:$0x3FB0]  }
0x2c: {  	s7 =	sld [smem:$0x3FB1]  }
0x2d: {  	s3 =	simm.s32 $0x108;
	s8 =	sld [smem:$0x3FB2]  }
0x2e: {  	s3 =	simm.s32 @!p0 $0x1082;
	s9 =	sld [smem:$0x3FB3]  }
0x2f: {  	lr =	sadd.s32 s0, s3;
	s0 =	sld [smem:$0x3FAA]  }
0x30: {  	s3 =	sld [smem:$0x3FAD]  }
0x31: {  	[smem:$0x3FB6] =	sst s10  }
0x32: {  	s10 =	sld [smem:$0x3FB4];
	_ =	sdelay $0x3  }
0x33: {  	p0 =	seq.s32 s10, $0x1;
	s10 =	sld [smem:$0x3FB6];
	_ =	sdelay $0x3  }
0x34: {  	[smem:$0x3FB6] =	sst s10  }
0x35: {  	s10 =	sld [smem:$0x3FB5];
	_ =	sdelay $0x3  }
0x36: {  	p1 =	seq.s32 s10, $0x1;
	s10 =	sld [smem:$0x3FB6];
	_ =	sdelay $0x3  }
0x37: {  	[smem:$0x3FB6] =	sst s10  }
0x38: {  	s10 =	sld [smem:$0x3FB7]  }
0x39: {  	_ = 	snop;
	(pc) =	sbr.ind lr, $3  }
0x3a: {  	_ = 	snop  }
0x3b: {  	_ = 	snop  }
0x3c: {  	p2 =	seq.s32 s10, $0x1;
	s10 =	sld [smem:$0x3FB6]  }
0x3d: {  	_ =	shalt  }
0x3e: {  	_ =	shalt  }
0x3f: {  	_ =	shalt  }
0x40: {  	_ =	shalt  }
0x41: {  	_ =	shalt  }
0x42: {  	_ =	shalt  }
0x43: {  	_ =	shalt  }
0x44: {  	_ =	shalt  }
0x45: {  	_ =	shalt  }
0x46: {  	_ =	shalt  }
0x47: {  	_ =	shalt  }
0x48: {  	_ =	shalt  }
0x49: {  	_ =	shalt  }
0x4a: {  	_ =	shalt  }
0x4b: {  	_ =	shalt  }
0x4c: {  	_ =	shalt  }
0x4d: {  	_ =	shalt  }
0x4e: {  	_ =	shalt  }
0x4f: {  	_ =	shalt  }
0x50: {  	_ =	shalt  }
0x51: {  	_ =	shalt  }
0x52: {  	_ =	shalt  }
0x53: {  	_ =	shalt  }
0x54: {  	_ =	shalt  }
0x55: {  	_ =	shalt  }
0x56: {  	_ =	shalt  }
0x57: {  	_ =	shalt  }
0x58: {  	_ =	shalt  }
0x59: {  	_ =	shalt  }
0x5a: {  	_ =	shalt  }
0x5b: {  	_ =	shalt  }
0x5c: {  	_ =	shalt  }
0x5d: {  	_ =	shalt  }
0x5e: {  	_ =	shalt  }
0x5f: {  	_ =	shalt  }
0x60: {  	_ =	shalt  }
0x61: {  	_ =	shalt  }
0x62: {  	_ =	shalt  }
0x63: {  	_ =	shalt  }
0x64: {  	_ =	shalt  }
0x65: {  	_ =	shalt  }
0x66: {  	_ =	shalt  }
0x67: {  	_ =	shalt  }
0x68: {  	_ =	shalt  }
0x69: {  	_ =	shalt  }
0x6a: {  	_ =	shalt  }
0x6b: {  	_ =	shalt  }
0x6c: {  	_ =	shalt  }
0x6d: {  	_ =	shalt  }
0x6e: {  	_ =	shalt  }
0x6f: {  	_ =	shalt  }
0x70: {  	_ =	shalt  }
0x71: {  	_ =	shalt  }
0x72: {  	_ =	shalt  }
0x73: {  	_ =	shalt  }
0x74: {  	_ =	shalt  }
0x75: {  	_ =	shalt  }
0x76: {  	_ =	shalt  }
0x77: {  	_ =	shalt  }
0x78: {  	_ =	shalt  }
0x79: {  	_ =	shalt  }
0x7a: {  	_ =	shalt  }
0x7b: {  	_ =	shalt  }
0x7c: {  	_ =	shalt  }
0x7d: {  	_ =	shalt  }
0x7e: {  	_ =	shalt  }
0x7f: {  	_ =	shalt  }
0x80: {  	_ =	shalt  }
0x81: {  	_ =	shalt  }
0x82: {  	_ =	shalt  }
0x83: {  	_ =	shalt  }
0x84: {  	_ =	shalt  }
0x85: {  	_ =	shalt  }
0x86: {  	_ =	shalt  }
0x87: {  	_ =	shalt  }
.Lfunc_end0:
.L_simem_size_0:
called_computation.1_lowered:
.L_overlay_start_0:
0x88: {  	s2 =	sld [smem:$0x3FD9]  }
0x89: {  	s3 =	sld [smem:$0x3FFE];
	_ =	sdelay $0x1  }
0x8a: {  	s1 =	srdreg.scid  }
0x8b: {  	s0 =	sand.u32 $0x1, s1  }
0x8c: {  	s17 =	sshll.u32 s0, $0xA;
	s2 =	sadd.s32 s3, s2  }
0x8d: {  	s2 =	sadd.s32 s2, s17  }
0x8e: {  	[smem:$0x3FC2] =	sst s2  }
0x8f: {  	_ = 	snop  }
0x90: {  	s2 =	sld [smem:$0x3FD0];
	(tm) =	ssettm $0x1  }
0x91: {  	s18 =	sld [smem:$0x3FFB];
	_ =	sdelay $0x3  }
0x92: {  	_ =	strace s18  }
0x93: {  	s3 =	sld [smem:$0x3FFC];
	_ =	sdelay $0x3  }
0x94: {  	_ =	strace s3  }
0x95: {  	s3 =	sld [smem:$0x3FFD];
	_ =	sdelay $0x3  }
0x96: {  	_ =	strace s3  }
0x97: {  	_ =	strace $0x8FFFFFFF  }
0x98: {  	s19 =	sld [smem:$0x3FDB];
	_ =	sdelay $0x1  }
0x99: {  	s4 =	simm.s32 $_scs_section_size  }
0x9a: {  	s5 =	simm.s32 $_size__tile_overlayer_lowered;
	s6 =	simm.s32 $_tile_overlayer_lowered  }
0x9b: {  	s22 =	simm.s32 $0x1BFF;
	s21 =	sshll.u32 s6, $0x1;
	s3 =	sadd.s32 s4, s19  }
0x9c: {  	s7 =	simm.s32 $0x0;
	s20 =	sshll.u32 s5, $0x1;
	s5 =	sadd.s32 s21, s3  }
0x9d: {  	[timem:s7], [sflag:s22] =	dma.local [hbm:s5], s20  }
0x9e: {  	_ =	swait.ge [sflag:s22], s20  }
0x9f: {  	s4 =	ssub.s32 $0x0, s20;
	[sflag:s22] =	ssyncset.done $0x0  }
0xa0: {  	[sflag:s22] =	ssyncadd.s32 s4;
	_ =	sdelay $0x1  }
0xa1: {  	s23 =	simm.s32 $0x1B8B  }
0xa2: {  	_ =	swait.ge [sflag:s23], $0x1  }
0xa3: {  	[sflag:s23] =	ssyncset.done $0x0  }
0xa4: {  	s25 =	simm.s32 $0x1B8E;
	s24 =	sld [smem:$0x3FFE];
	[sflag:s23] =	ssyncadd.s32 $0xFFFFFFFF  }
0xa5: {  	s26 =	simm.s32 $execute0_lowered;
	[smem:$0x3FD2] =	sst s25  }
0xa6: {  	s5 =	sshll.u32 s26, $0x1;
	_ =	strace $0x80000049;
	[dreg:$0x1] =	wrdreg $0xFFFFFFFF  }
0xa7: {  	s28 =	simm.s32 $_size_execute0_lowered;
	s3 =	sadd.s32 s3, s5;
	[dreg:$0x0] =	wrdreg $0x0  }
0xa8: {  	s5 =	sshll.u32 s28, $0x1;
	[dreg:$0x2] =	wrdreg s3  }
0xa9: {  	[dreg:$0x3] =	wrdreg s5  }
0xaa: {  	[dreg:$0x4] =	wrdreg $0xC0  }
0xab: {  	_ =	task [dreg:s7], $0x5FFFF  }
0xac: {  	[dreg:$0x1] =	wrdreg $0xFFFFFFFF  }
0xad: {  	[dreg:$0x0] =	wrdreg $0x60  }
0xae: {  	[dreg:$0x2] =	wrdreg s2  }
0xaf: {  	[dreg:$0x3] =	wrdreg s24  }
0xb0: {  	[dreg:$0x4] =	wrdreg $0x0  }
0xb1: {  	[dreg:$0x5] =	wrdreg $0x9  }
0xb2: {  	_ =	task.clear_ibuf [dreg:s7], $0x6FFFF;
	_ =	strace $0x90000049  }
0xb3: {  	s29 =	simm.s32 $0x9;
	_ =	strace $0x8000004B  }
0xb4: {  	_ =	swait.ge [sflag:s29], $0x1  }
0xb5: {  	[sflag:s29] =	ssyncadd.s32 $0xFFFFFFFF  }
0xb6: {  	_ =	strace $0x9000004B  }
0xb7: {  	_ =	sfence  }
0xb8: {  	s30 =	sld [smem:$0x0];
	_ =	sdelay $0x2  }
0xb9: {  	s31 =	sshll.u32 s1, $0xD;
	s1 =	sshrl.u32 s1, $0x2  }
0xba: {  	s3 =	sand.u32 $0x4000, s31;
	s1 =	sadd.s32 s1, s30  }
0xbb: {  	s0 =	sor.u32 s3, s0;
	s1 =	sshll.u32 s1, $0x11  }
0xbc: {  	s0 =	sor.u32 s1, s0  }
0xbd: {  	s0 =	sadd.s32 $0x8F2B, s0  }
0xbe: {  	[sflag:s0] =	ssyncadd.remote.s32 $0x1  }
0xbf: {  	_ =	sfence.sel $0xFFFF  }
0xc0: {  	[dreg:$0x0] =	wrdreg $0xFFFFFFFF;
	(pc) =	sbr.abs _section_cstart, $3  }
0xc1: {  	[dreg:$0x1] =	wrdreg $0xFFFFFFFF  }
0xc2: {  	_ =	task.clear_ibuf [dreg:s7], $0x2FFFF;
	_ =	strace $0x9FFFFFFF  }
0xc3: {  	(tm) =	ssettm $0x7FFFFFFF  }
tec
execute0_lowered:
.L_overlay_start_1:
0x0: {  	(tag) =	ssettag $0x1  }
0x1: {  	s1 =	rddreg [dreg:$0x0]  }
0x2: {  	s0 =	rddreg [dreg:$0x1]  }
0x3: {  	s2 =	rddreg [dreg:$0x2];
	s3 =	simm.s32 $0x0;
	s4 =	srdreg.scid  }
0x4: {  	s13 =	stileid.u32;
	[smem:$0x7FF] =	sst s3;
	s7 =	sand.u32 $0x1, s4  }
0x5: {  	s29 =	sadd.s32 $0x2A00, s0;
	s18 =	sadd.s32 $0xC800, s0;
	s5 =	smul.u32 $0x4F000, s13  }
0x6: {  	s6 =	sadd.s32 $0x64800, s0;
	s9 =	smul.u32 $0x2780, s13;
	s4 =	sshll.u32 s7, $0x4  }
0x7: {  	_ =	strace $0x8000004A;
	s25 =	ssub.s32 $0x2, s7;
	s4 =	sor.u32 s13, s4  }
0x8: {  	[dreg:$0x12] =	wrdreg s18;
	s8 =	sshrl.u32 s25, $0x1;
	s4 =	smul.u32 $0x2710, s4  }
0x9: {  	s5 =	sshrl.u32 s5, $0x2;
	s26 =	sadd.s32 s1, s9;
	s0 =	ssub.s32 s25, s8  }
0xa: {  	s5 =	sadd.s32 s5, s2;
	[dreg:$0x14] =	wrdreg s26;
	s4 =	sshrl.u32 s4, $0x3  }
0xb: {  	[dreg:$0x13] =	wrdreg s5;
	s0 =	smax.u32 s0, $0x1;
	s28 =	sadd.s32 $0xA, s4  }
0xc: {  	[smem:$0x7FA] =	sst s0;
	s31 =	sadd.s32 s29, s28  }
0xd: {  	s3 =	sadd.s32 $0x14, s4;
	s5 =	sadd.s32 s18, s28;
	[dreg:$0x15] =	wrdreg s31  }
0xe: {  	s10 =	smul.u32 $0x2710, s13;
	s11 =	sadd.s32 s29, s3;
	[dreg:$0x16] =	wrdreg s5  }
0xf: {  	s8 =	sadd.s32 $0x28, s4;
	s12 =	sadd.s32 s18, s3;
	[dreg:$0x17] =	wrdreg s11  }
0x10: {  	s30 =	smul.u32 $0x27100, s7;
	s17 =	sadd.s32 s29, s8;
	[dreg:$0x18] =	wrdreg s12  }
0x11: {  	s8 =	sadd.s32 s18, s8;
	s11 =	sadd.s32 $0x1E, s4;
	[dreg:$0x1b] =	wrdreg s17  }
0x12: {  	s5 =	sadd.s32 s10, s30;
	[dreg:$0x1c] =	wrdreg s8;
	s14 =	sadd.s32 s29, s11  }
0x13: {  	s15 =	sadd.s32 s18, s11;
	s16 =	sadd.s32 $0x4B0, s5;
	s22 =	sadd.s32 $0x410, s5  }
0x14: {  	s26 =	sadd.s32 $0x3C0, s5;
	[dreg:$0x19] =	wrdreg s14;
	s9 =	sshrl.u32 s16, $0x3  }
0x15: {  	s3 =	sadd.s32 $0x370, s5;
	[dreg:$0x1a] =	wrdreg s15;
	s19 =	sadd.s32 s9, s18  }
0x16: {  	s24 =	sshrl.u32 s22, $0x3;
	s9 =	sadd.s32 s9, s29;
	[dreg:$0x4] =	wrdreg s19  }
0x17: {  	s14 =	sadd.s32 $0x460, s5;
	s25 =	sadd.s32 s24, s18;
	[dreg:$0x5] =	wrdreg s9  }
0x18: {  	s30 =	sshrl.u32 s26, $0x3;
	s28 =	sadd.s32 s24, s29;
	[dreg:$0x8] =	wrdreg s25  }
0x19: {  	s15 =	sshrl.u32 s3, $0x3;
	s31 =	sadd.s32 s30, s18;
	[dreg:$0x9] =	wrdreg s28  }
0x1a: {  	s22 =	sadd.s32 $0x2D0, s5;
	s12 =	sadd.s32 s30, s29;
	[dreg:$0xa] =	wrdreg s31  }
0x1b: {  	s26 =	sadd.s32 $0x32, s4;
	s16 =	sadd.s32 s15, s18;
	[dreg:$0xb] =	wrdreg s12  }
0x1c: {  	s20 =	sshrl.u32 s14, $0x3;
	s30 =	sadd.s32 s18, s26;
	[dreg:$0xc] =	wrdreg s16  }
0x1d: {  	s24 =	sshrl.u32 s22, $0x3;
	s22 =	sadd.s32 s18, s4;
	[dreg:$0x1e] =	wrdreg s30  }
0x1e: {  	s21 =	sadd.s32 s20, s18;
	[smem:$0x7F4] =	sst s22  }
0x1f: {  	s23 =	sadd.s32 s20, s29;
	[dreg:$0x6] =	wrdreg s21  }
0x20: {  	s7 =	smul.u32 $0x138800, s7;
	s19 =	sadd.s32 s15, s29;
	[dreg:$0x7] =	wrdreg s23  }
0x21: {  	s10 =	smul.u32 $0x13C00, s13;
	s25 =	sadd.s32 s24, s18;
	[dreg:$0xd] =	wrdreg s19  }
0x22: {  	s17 =	sadd.s32 $0x320, s5;
	s28 =	sadd.s32 s29, s26;
	[dreg:$0x10] =	wrdreg s25  }
0x23: {  	s11 =	sadd.s32 $0x46, s4;
	s3 =	sadd.s32 s24, s29;
	[dreg:$0x1d] =	wrdreg s28  }
0x24: {  	s14 =	sadd.s32 $0x4B0, s4;
	s12 =	sadd.s32 s29, s11;
	[dreg:$0x11] =	wrdreg s3  }
0x25: {  	s10 =	sadd.s32 s10, s7;
	s15 =	sadd.s32 s29, s14;
	[smem:$0x7EB] =	sst s12  }
0x26: {  	s20 =	sshrl.u32 s17, $0x3;
	s30 =	sadd.s32 $0x128400, s2;
	[smem:$0x7ED] =	sst s15  }
0x27: {  	s7 =	sshrl.u32 s7, $0x3;
	s21 =	sadd.s32 s20, s18;
	[smem:$0x7FC] =	sst s30  }
0x28: {  	s31 =	sshrl.u32 s10, $0x3;
	s23 =	sadd.s32 s20, s29;
	[dreg:$0xe] =	wrdreg s21  }
0x29: {  	s9 =	sadd.s32 $0x3C, s4;
	s8 =	sadd.s32 s6, s31;
	[dreg:$0xf] =	wrdreg s23  }
0x2a: {  	s16 =	sadd.s32 $0x4BA, s4;
	s10 =	sadd.s32 s29, s9;
	[dreg:$0x1f] =	wrdreg s8  }
0x2b: {  	s6 =	sadd.s32 s6, s7;
	s7 =	sadd.s32 s18, s9;
	[smem:$0x7E9] =	sst s10  }
0x2c: {  	s17 =	sadd.s32 s29, s16;
	[smem:$0x7EA] =	sst s7  }
0x2d: {  	s28 =	sadd.s32 $0x280, s5;
	[smem:$0x7EF] =	sst s17  }
0x2e: {  	s31 =	sadd.s32 $0x25080, s1;
	[smem:$0x7FB] =	sst s28  }
0x2f: {  	s19 =	sadd.s32 $0x4C4, s4;
	s7 =	sadd.s32 s18, s11;
	[smem:$0x7FD] =	sst s31  }
0x30: {  	s20 =	sadd.s32 s29, s19;
	[smem:$0x7EC] =	sst s7  }
0x31: {  	s21 =	sadd.s32 s29, s4;
	[smem:$0x7F1] =	sst s20  }
0x32: {  	s26 =	sadd.s32 $0x25080, s6;
	[smem:$0x7F3] =	sst s21  }
0x33: {  	s23 =	sadd.s32 $0x4CE, s4;
	s7 =	sadd.s32 s18, s14;
	[smem:$0x7F9] =	sst s26  }
0x34: {  	s4 =	sadd.s32 $0x4D8, s4;
	s24 =	sadd.s32 s29, s23;
	[smem:$0x7EE] =	sst s7  }
0x35: {  	s25 =	sadd.s32 s29, s4;
	[smem:$0x7F5] =	sst s24  }
0x36: {  	s4 =	sadd.s32 s18, s4;
	[smem:$0x7F7] =	sst s25  }
0x37: {  	s7 =	sadd.s32 s18, s16;
	[smem:$0x7F8] =	sst s4  }
0x38: {  	[smem:$0x7F0] =	sst s7;
	s7 =	sadd.s32 s18, s19  }
0x39: {  	p0 =	seq.s32 s13, $0xF;
	[smem:$0x7F2] =	sst s7;
	s7 =	sadd.s32 s18, s23  }
0x3a: {  	s0 =	simm.s32 $0x0;
	s14 =	simm.s32 $0x50;
	[smem:$0x7F6] =	sst s7  }
.LBB2_1:
0x3b: {  	s24 =	sld [smem:$0x7FC];
	_ =	sdelay $0x1  }
0x3c: {  	s25 =	sld [smem:$0x7FD]  }
0x3d: {  	[smem:$0x7E5] =	sst s0;
	s0 =	sshrl.u32 @p0 s24, $0x3  }
0x3e: {  	s24 =	simm.s32 @p0 $0x1FD1;
	[smem:$0x7E6] =	sst s0  }
0x3f: {  	[spmem:s0], [sflag:s24] =	dma.local @p0 [hbm:s25], $0x2080  }
0x40: {  	s24 =	stileid.u32  }
0x41: {  	s0 =	sshll.u32 @!p0 s24, $0x6;
	s25 =	rddreg [dreg:$0x13]  }
0x42: {  	[smem:$0x7E7] =	sst s0  }
0x43: {  	s24 =	sor.u32 @!p0 $0x1C11, s0;
	s0 =	sshrl.u32 @!p0 s25, $0x3;
	s25 =	rddreg [dreg:$0x14]  }
0x44: {  	[smem:$0x7E8] =	sst s0  }
0x45: {  	[spmem:s0], [sflag:s24] =	dma.local @!p0 [hbm:s25], $0x2780  }
0x46: {  	s24 =	sld [smem:$0x7F3];
	_ =	sdelay $0x1  }
0x47: {  	s8 =	simm.s32 $0x1D880;
	s4 =	simm.s32 $0x0;
	s17 =	sld [smem:$0x7F4]  }
0x48: {  	[tilespmem:s8], [sflag:$0x9] =	stream.linear.gather [hbm4b:s24+s4], $0x50, $0x38;
	[tilespmem:$0x1E080] =	vst v63  }
0x49: {  	s19 =	simm.s32 $0x1DC80;
	s20 =	rddreg [dreg:$0x15]  }
0x4a: {  	[tilespmem:s19], [sflag:$0x9] =	stream.linear.gather [hbm4b:s17+s4], $0x50, $0x38;
	[tilespmem:$0x1E080] =	vst v63  }
0x4b: {  	s30 =	simm.s32 $0x1D900;
	s21 =	rddreg [dreg:$0x16]  }
0x4c: {  	[tilespmem:s30], [sflag:$0xA] =	stream.linear.gather [hbm4b:s20+s4], $0x50, $0x38;
	[tilespmem:$0x1E080] =	vst v63  }
0x4d: {  	s31 =	simm.s32 $0x1DD00;
	s22 =	rddreg [dreg:$0x17]  }
0x4e: {  	[tilespmem:s31], [sflag:$0xA] =	stream.linear.gather [hbm4b:s21+s4], $0x50, $0x38;
	[tilespmem:$0x1E080] =	vst v63  }
0x4f: {  	s23 =	simm.s32 $0x1D980;
	s25 =	rddreg [dreg:$0x18]  }
0x50: {  	[tilespmem:s23], [sflag:$0xB] =	stream.linear.gather [hbm4b:s22+s4], $0x50, $0x38;
	[tilespmem:$0x1E080] =	vst v63  }
0x51: {  	s7 =	simm.s32 $0x1DD80;
	s26 =	rddreg [dreg:$0x19]  }
0x52: {  	[tilespmem:s7], [sflag:$0xB] =	stream.linear.gather [hbm4b:s25+s4], $0x50, $0x38;
	[tilespmem:$0x1E080] =	vst v63  }
0x53: {  	s28 =	simm.s32 $0x1DA00;
	s0 =	rddreg [dreg:$0x1a]  }
0x54: {  	[tilespmem:s28], [sflag:$0xC] =	stream.linear.gather [hbm4b:s26+s4], $0x50, $0x38;
	[tilespmem:$0x1E080] =	vst v63  }
0x55: {  	s10 =	simm.s32 $0x1DE00;
	s2 =	rddreg [dreg:$0x1b]  }
0x56: {  	[tilespmem:s10], [sflag:$0xC] =	stream.linear.gather [hbm4b:s0+s4], $0x50, $0x38;
	[tilespmem:$0x1E080] =	vst v63  }
0x57: {  	s3 =	simm.s32 $0x1DA80;
	s5 =	rddreg [dreg:$0x1c]  }
0x58: {  	[tilespmem:s3], [sflag:$0xD] =	stream.linear.gather [hbm4b:s2+s4], $0x50, $0x38;
	[tilespmem:$0x1E080] =	vst v63  }
0x59: {  	s9 =	simm.s32 $0x1DE80;
	s11 =	rddreg [dreg:$0x1d]  }
0x5a: {  	[tilespmem:s9], [sflag:$0xD] =	stream.linear.gather [hbm4b:s5+s4], $0x50, $0x38;
	[tilespmem:$0x1E080] =	vst v63  }
0x5b: {  	s12 =	simm.s32 $0x1DB00;
	s13 =	rddreg [dreg:$0x1e]  }
0x5c: {  	[tilespmem:s12], [sflag:$0xE] =	stream.linear.gather [hbm4b:s11+s4], $0x50, $0x38;
	[tilespmem:$0x1E080] =	vst v63  }
0x5d: {  	s15 =	simm.s32 $0x1DF00;
	s16 =	sld [smem:$0x7E9]  }
0x5e: {  	[tilespmem:s15], [sflag:$0xE] =	stream.linear.gather [hbm4b:s13+s4], $0x50, $0x38;
	[tilespmem:$0x1E080] =	vst v63  }
0x5f: {  	s17 =	simm.s32 $0x1DB80;
	s19 =	sld [smem:$0x7EA]  }
0x60: {  	[tilespmem:s17], [sflag:$0xF] =	stream.linear.gather [hbm4b:s16+s4], $0x50, $0x38;
	[tilespmem:$0x1E080] =	vst v63  }
0x61: {  	s20 =	simm.s32 $0x1DF80;
	s21 =	sld [smem:$0x7EB]  }
0x62: {  	[tilespmem:s20], [sflag:$0xF] =	stream.linear.gather [hbm4b:s19+s4], $0x50, $0x38;
	[tilespmem:$0x1E080] =	vst v63  }
0x63: {  	s25 =	simm.s32 $0x1DC00;
	s26 =	sld [smem:$0x7EC]  }
0x64: {  	[tilespmem:s25], [sflag:$0x10] =	stream.linear.gather [hbm4b:s21+s4], $0x50, $0x38;
	[tilespmem:$0x1E080] =	vst v63  }
0x65: {  	s28 =	simm.s32 $0x1E000;
	s0 =	simm.s32 $0x9  }
0x66: {  	[tilespmem:s28], [sflag:$0x10] =	stream.linear.gather [hbm4b:s26+s4], $0x50, $0x38;
	[tilespmem:$0x1E080] =	vst v63  }
0x67: {  	_ =	swait.ge [sflag:s0], $0x50  }
0x68: {  	[sflag:s0] =	ssyncset.done $0x0  }
0x69: {  	[sflag:s0] =	ssyncadd.s32 $0xFFFFFFB0  }
0x6a: {  	_ =	swait.ge [sflag:s0], $0x50  }
0x6b: {  	[sflag:s0] =	ssyncset.done $0x0  }
0x6c: {  	[sflag:s0] =	ssyncadd.s32 $0xFFFFFFB0  }
0x6d: {  	s5 =	simm.s32 $0xA;
	s13 =	simm.s32 $0x13880;
	s2 =	rddreg [dreg:$0x0]  }
0x6e: {  	[tilespmem:s13], [sflag:$0x1] =	stream.indirect.gather [hbm4b:s2+s14], $0x80, s8, s14, $0xb8;
	[tilespmem:$0x1E080] =	vst v63  }
0x6f: {  	_ =	swait.ge [sflag:s5], $0x50  }
0x70: {  	[sflag:s5] =	ssyncset.done $0x0  }
0x71: {  	[sflag:s5] =	ssyncadd.s32 $0xFFFFFFB0  }
0x72: {  	_ =	swait.ge [sflag:s5], $0x50  }
0x73: {  	[sflag:s5] =	ssyncset.done $0x0  }
0x74: {  	s24 =	simm.s32 @p0 $0x11;
	s15 =	simm.s32 $0x16080;
	[sflag:s5] =	ssyncadd.s32 $0xFFFFFFB0  }
0x75: {  	[tilespmem:s15], [sflag:$0x2] =	stream.indirect.gather [hbm4b:s2+s14], $0x80, s30, s14, $0xb8;
	[tilespmem:$0x1E080] =	vst v63  }
0x76: {  	_ =	swait.ge @p0 [sflag:s24], $0x2080  }
0x77: {  	[sflag:s24] =	ssyncset.done @p0 $0x0  }
0x78: {  	[sflag:s24] =	ssyncadd.s32 @p0 $0xFFFFDF80;
	s24 =	simm.s32 @!p0 $0x11  }
0x79: {  	_ =	swait.ge @!p0 [sflag:s24], $0x2780  }
0x7a: {  	[sflag:s24] =	ssyncset.done @!p0 $0x0  }
0x7b: {  	[sflag:s24] =	ssyncadd.s32 @!p0 $0xFFFFD880  }
0x7c: {  	s16 =	simm.s32 $0x1;
	[bflag:$0x0] =	sbarrier.arrive $0xFFFF  }
0x7d: {  	_ =	swait.ge [sflag:s16], $0x2800  }
0x7e: {  	[sflag:s16] =	ssyncset.done $0x0  }
0x7f: {  	[sflag:s16] =	ssyncadd.s32 $0xFFFFD800  }
0x80: {  	s21 =	simm.s32 $0x1DC80;
	s28 =	simm.s32 $0xB;
	s9 =	rddreg [dreg:$0x2]  }
0x81: {  	[spmem:s9] =	stream.indirect.scatter.add.f32 [tilespmem:s13], [sflag:$0x5], $0x80, s21, s14, $0xb8;
	[tilespmem:$0x1E080] =	vst v63  }
0x82: {  	_ =	swait.ge [sflag:s28], $0x50  }
0x83: {  	[sflag:s28] =	ssyncset.done $0x0  }
0x84: {  	[sflag:s28] =	ssyncadd.s32 $0xFFFFFFB0  }
0x85: {  	_ =	swait.ge [sflag:s28], $0x50  }
0x86: {  	s6 =	simm.s32 $0x1D980;
	[sflag:s28] =	ssyncset.done $0x0  }
0x87: {  	s11 =	simm.s32 $0x2;
	s17 =	simm.s32 $0x18880;
	[sflag:s28] =	ssyncadd.s32 $0xFFFFFFB0  }
0x88: {  	[tilespmem:s17], [sflag:$0x3] =	stream.indirect.gather [hbm4b:s2+s14], $0x80, s6, s14, $0xb8;
	[tilespmem:$0x1E080] =	vst v63  }
0x89: {  	_ =	swait.ge [sflag:s11], $0x2800  }
0x8a: {  	[sflag:s11] =	ssyncset.done $0x0  }
0x8b: {  	s12 =	simm.s32 $0xC;
	[sflag:s11] =	ssyncadd.s32 $0xFFFFD800  }
0x8c: {  	[spmem:s9] =	stream.indirect.scatter.add.f32 [tilespmem:s15], [sflag:$0x6], $0x80, s31, s14, $0xb8;
	[tilespmem:$0x1E080] =	vst v63  }
0x8d: {  	_ =	swait.ge [sflag:s12], $0x50  }
0x8e: {  	[sflag:s12] =	ssyncset.done $0x0  }
0x8f: {  	[sflag:s12] =	ssyncadd.s32 $0xFFFFFFB0  }
0x90: {  	_ =	swait.ge [sflag:s12], $0x50  }
0x91: {  	s1 =	simm.s32 $0x1DA00;
	[sflag:s12] =	ssyncset.done $0x0  }
0x92: {  	s19 =	simm.s32 $0x1B080;
	s20 =	simm.s32 $0x5;
	[sflag:s12] =	ssyncadd.s32 $0xFFFFFFB0  }
0x93: {  	[tilespmem:s19], [sflag:$0x4] =	stream.indirect.gather [hbm4b:s2+s14], $0x80, s1, s14, $0xb8;
	[tilespmem:$0x1E080] =	vst v63  }
0x94: {  	_ =	swait.ge [sflag:s20], $0x2800  }
0x95: {  	s26 =	sld [smem:$0x7FB];
	_ =	sdelay $0x2  }
0x96: {  	[sflag:s20] =	ssyncset.done $0x0;
	s1 =	sshrl.u32 s26, $0x3  }
0x97: {  	[sflag:s20] =	ssyncadd.s32 $0xFFFFD800;
	s6 =	sadd.s32 s29, s1  }
0x98: {  	[tilespmem:s8], [sflag:$0x9] =	stream.linear.gather [hbm4b:s6+s4], $0x50, $0x38;
	[tilespmem:$0x1E080] =	vst v63  }
0x99: {  	s24 =	sadd.s32 s18, s1;
	s1 =	simm.s32 $0xD  }
0x9a: {  	[tilespmem:s21], [sflag:$0x9] =	stream.linear.gather [hbm4b:s24+s4], $0x50, $0x38;
	[tilespmem:$0x1E080] =	vst v63  }
0x9b: {  	_ =	swait.ge [sflag:s1], $0x50  }
0x9c: {  	[sflag:s1] =	ssyncset.done $0x0  }
0x9d: {  	[sflag:s1] =	ssyncadd.s32 $0xFFFFFFB0  }
0x9e: {  	_ =	swait.ge [sflag:s1], $0x50  }
0x9f: {  	[sflag:s1] =	ssyncset.done $0x0  }
0xa0: {  	s22 =	simm.s32 $0x1DA80;
	s21 =	simm.s32 $0x3;
	[sflag:s1] =	ssyncadd.s32 $0xFFFFFFB0  }
0xa1: {  	[tilespmem:s13], [sflag:$0x1] =	stream.indirect.gather [hbm4b:s2+s14], $0x80, s22, s14, $0xb8;
	[tilespmem:$0x1E080] =	vst v63  }
0xa2: {  	_ =	swait.ge [sflag:s21], $0x2800  }
0xa3: {  	[sflag:s21] =	ssyncset.done $0x0  }
0xa4: {  	s22 =	simm.s32 $0x6;
	[sflag:s21] =	ssyncadd.s32 $0xFFFFD800  }
0xa5: {  	[spmem:s9] =	stream.indirect.scatter.add.f32 [tilespmem:s17], [sflag:$0x7], $0x80, s7, s14, $0xb8;
	[tilespmem:$0x1E080] =	vst v63  }
0xa6: {  	_ =	swait.ge [sflag:s22], $0x2800  }
0xa7: {  	s6 =	rddreg [dreg:$0x11];
	[sflag:s22] =	ssyncset.done $0x0  }
0xa8: {  	s18 =	rddreg [dreg:$0x10];
	[sflag:s22] =	ssyncadd.s32 $0xFFFFD800;
	s24 =	sadd.s32 $0x0, s6  }
0xa9: {  	[tilespmem:s30], [sflag:$0xA] =	stream.linear.gather [hbm4b:s24+s4], $0x50, $0x38;
	[tilespmem:$0x1E080] =	vst v63  }
0xaa: {  	s1 =	simm.s32 $0xE;
	s25 =	sadd.s32 $0x0, s18  }
0xab: {  	[tilespmem:s31], [sflag:$0xA] =	stream.linear.gather [hbm4b:s25+s4], $0x50, $0x38;
	[tilespmem:$0x1E080] =	vst v63  }
0xac: {  	_ =	swait.ge [sflag:s1], $0x50  }
0xad: {  	[sflag:s1] =	ssyncset.done $0x0  }
0xae: {  	[sflag:s1] =	ssyncadd.s32 $0xFFFFFFB0  }
0xaf: {  	_ =	swait.ge [sflag:s1], $0x50  }
0xb0: {  	[sflag:s1] =	ssyncset.done $0x0  }
0xb1: {  	s23 =	simm.s32 $0x1DB00;
	[sflag:s1] =	ssyncadd.s32 $0xFFFFFFB0  }
0xb2: {  	[tilespmem:s15], [sflag:$0x2] =	stream.indirect.gather [hbm4b:s2+s14], $0x80, s23, s14, $0xb8;
	[tilespmem:$0x1E080] =	vst v63  }
0xb3: {  	s23 =	simm.s32 $0x4  }
0xb4: {  	_ =	swait.ge [sflag:s23], $0x2800  }
0xb5: {  	[sflag:s23] =	ssyncset.done $0x0  }
0xb6: {  	s1 =	simm.s32 $0x7;
	[sflag:s23] =	ssyncadd.s32 $0xFFFFD800  }
0xb7: {  	[spmem:s9] =	stream.indirect.scatter.add.f32 [tilespmem:s19], [sflag:$0x8], $0x80, s10, s14, $0xb8;
	[tilespmem:$0x1E080] =	vst v63  }
0xb8: {  	_ =	swait.ge [sflag:s1], $0x2800  }
0xb9: {  	s3 =	simm.s32 $0x1D980;
	s6 =	rddreg [dreg:$0xf];
	[sflag:s1] =	ssyncset.done $0x0  }
0xba: {  	s18 =	rddreg [dreg:$0xe];
	[sflag:s1] =	ssyncadd.s32 $0xFFFFD800;
	s24 =	sadd.s32 $0x0, s6  }
0xbb: {  	[tilespmem:s3], [sflag:$0xB] =	stream.linear.gather [hbm4b:s24+s4], $0x50, $0x38;
	[tilespmem:$0x1E080] =	vst v63  }
0xbc: {  	s31 =	sadd.s32 $0x0, s18;
	s3 =	simm.s32 $0xF  }
0xbd: {  	[tilespmem:s7], [sflag:$0xB] =	stream.linear.gather [hbm4b:s31+s4], $0x50, $0x38;
	[tilespmem:$0x1E080] =	vst v63  }
0xbe: {  	_ =	swait.ge [sflag:s3], $0x50  }
0xbf: {  	[sflag:s3] =	ssyncset.done $0x0  }
0xc0: {  	[sflag:s3] =	ssyncadd.s32 $0xFFFFFFB0  }
0xc1: {  	_ =	swait.ge [sflag:s3], $0x50  }
0xc2: {  	[sflag:s3] =	ssyncset.done $0x0  }
0xc3: {  	s6 =	simm.s32 $0x1DB80;
	[sflag:s3] =	ssyncadd.s32 $0xFFFFFFB0  }
0xc4: {  	[tilespmem:s17], [sflag:$0x3] =	stream.indirect.gather [hbm4b:s2+s14], $0x80, s6, s14, $0xb8;
	[tilespmem:$0x1E080] =	vst v63  }
0xc5: {  	_ =	swait.ge [sflag:s16], $0x2800  }
0xc6: {  	[sflag:s16] =	ssyncset.done $0x0  }
0xc7: {  	s7 =	simm.s32 $0x8;
	s6 =	simm.s32 $0x1DE80;
	[sflag:s16] =	ssyncadd.s32 $0xFFFFD800  }
0xc8: {  	[spmem:s9] =	stream.indirect.scatter.add.f32 [tilespmem:s13], [sflag:$0x5], $0x80, s6, s14, $0xb8;
	[tilespmem:$0x1E080] =	vst v63  }
0xc9: {  	_ =	swait.ge [sflag:s7], $0x2800  }
0xca: {  	s3 =	simm.s32 $0x1DA00;
	s18 =	rddreg [dreg:$0xd];
	[sflag:s7] =	ssyncset.done $0x0  }
0xcb: {  	s25 =	rddreg [dreg:$0xc];
	[sflag:s7] =	ssyncadd.s32 $0xFFFFD800;
	s24 =	sadd.s32 $0x0, s18  }
0xcc: {  	[tilespmem:s3], [sflag:$0xC] =	stream.linear.gather [hbm4b:s24+s4], $0x50, $0x38;
	[tilespmem:$0x1E080] =	vst v63  }
0xcd: {  	s3 =	sadd.s32 $0x0, s25;
	s24 =	simm.s32 $0x10  }
0xce: {  	[tilespmem:s10], [sflag:$0xC] =	stream.linear.gather [hbm4b:s3+s4], $0x50, $0x38;
	[tilespmem:$0x1E080] =	vst v63  }
0xcf: {  	_ =	swait.ge [sflag:s24], $0x50  }
0xd0: {  	[sflag:s24] =	ssyncset.done $0x0  }
0xd1: {  	[sflag:s24] =	ssyncadd.s32 $0xFFFFFFB0  }
0xd2: {  	_ =	swait.ge [sflag:s24], $0x50  }
0xd3: {  	[sflag:s24] =	ssyncset.done $0x0  }
0xd4: {  	s10 =	simm.s32 $0x1DC00;
	[sflag:s24] =	ssyncadd.s32 $0xFFFFFFB0  }
0xd5: {  	[tilespmem:s19], [sflag:$0x4] =	stream.indirect.gather [hbm4b:s2+s14], $0x80, s10, s14, $0xb8;
	[tilespmem:$0x1E080] =	vst v63  }
0xd6: {  	_ =	swait.ge [sflag:s11], $0x2800  }
0xd7: {  	[sflag:s11] =	ssyncset.done $0x0  }
0xd8: {  	s3 =	simm.s32 $0x1DF00;
	[sflag:s11] =	ssyncadd.s32 $0xFFFFD800  }
0xd9: {  	[spmem:s9] =	stream.indirect.scatter.add.f32 [tilespmem:s15], [sflag:$0x6], $0x80, s3, s14, $0xb8;
	[tilespmem:$0x1E080] =	vst v63  }
0xda: {  	_ =	swait.ge [sflag:s20], $0x2800  }
0xdb: {  	s24 =	rddreg [dreg:$0xb]  }
0xdc: {  	[sflag:s20] =	ssyncset.done $0x0;
	s25 =	rddreg [dreg:$0xa]  }
0xdd: {  	[sflag:s20] =	ssyncadd.s32 $0xFFFFD800;
	s24 =	sadd.s32 $0x0, s24;
	s20 =	simm.s32 $0x1DA80  }
0xde: {  	[tilespmem:s20], [sflag:$0xD] =	stream.linear.gather [hbm4b:s24+s4], $0x50, $0x38;
	[tilespmem:$0x1E080] =	vst v63  }
0xdf: {  	s25 =	sadd.s32 $0x0, s25  }
0xe0: {  	[tilespmem:s6], [sflag:$0xD] =	stream.linear.gather [hbm4b:s25+s4], $0x50, $0x38;
	[tilespmem:$0x1E080] =	vst v63  }
0xe1: {  	_ =	swait.ge [sflag:s0], $0x50  }
0xe2: {  	[sflag:s0] =	ssyncset.done $0x0  }
0xe3: {  	[sflag:s0] =	ssyncadd.s32 $0xFFFFFFB0  }
0xe4: {  	_ =	swait.ge [sflag:s0], $0x50  }
0xe5: {  	[sflag:s0] =	ssyncset.done $0x0  }
0xe6: {  	[sflag:s0] =	ssyncadd.s32 $0xFFFFFFB0  }
0xe7: {  	[tilespmem:s13], [sflag:$0x1] =	stream.indirect.gather [hbm4b:s2+s14], $0x80, s8, s14, $0xb8;
	[tilespmem:$0x1E080] =	vst v63  }
0xe8: {  	_ =	swait.ge [sflag:s21], $0x2800  }
0xe9: {  	[sflag:s21] =	ssyncset.done $0x0  }
0xea: {  	s8 =	simm.s32 $0x1DF80;
	[sflag:s21] =	ssyncadd.s32 $0xFFFFD800  }
0xeb: {  	[spmem:s9] =	stream.indirect.scatter.add.f32 [tilespmem:s17], [sflag:$0x7], $0x80, s8, s14, $0xb8;
	[tilespmem:$0x1E080] =	vst v63  }
0xec: {  	_ =	swait.ge [sflag:s22], $0x2800  }
0xed: {  	s20 =	rddreg [dreg:$0x9]  }
0xee: {  	[sflag:s22] =	ssyncset.done $0x0;
	s21 =	rddreg [dreg:$0x8]  }
0xef: {  	[sflag:s22] =	ssyncadd.s32 $0xFFFFD800;
	s24 =	sadd.s32 $0x0, s20;
	s22 =	simm.s32 $0x1DB00  }
0xf0: {  	[tilespmem:s22], [sflag:$0xE] =	stream.linear.gather [hbm4b:s24+s4], $0x50, $0x38;
	[tilespmem:$0x1E080] =	vst v63  }
0xf1: {  	s6 =	sadd.s32 $0x0, s21  }
0xf2: {  	[tilespmem:s3], [sflag:$0xE] =	stream.linear.gather [hbm4b:s6+s4], $0x50, $0x38;
	[tilespmem:$0x1E080] =	vst v63  }
0xf3: {  	_ =	swait.ge [sflag:s5], $0x50  }
0xf4: {  	[sflag:s5] =	ssyncset.done $0x0  }
0xf5: {  	[sflag:s5] =	ssyncadd.s32 $0xFFFFFFB0  }
0xf6: {  	_ =	swait.ge [sflag:s5], $0x50  }
0xf7: {  	[sflag:s5] =	ssyncset.done $0x0  }
0xf8: {  	[sflag:s5] =	ssyncadd.s32 $0xFFFFFFB0  }
0xf9: {  	[tilespmem:s15], [sflag:$0x2] =	stream.indirect.gather [hbm4b:s2+s14], $0x80, s30, s14, $0xb8;
	[tilespmem:$0x1E080] =	vst v63  }
0xfa: {  	_ =	swait.ge [sflag:s23], $0x2800  }
0xfb: {  	[sflag:s23] =	ssyncset.done $0x0  }
0xfc: {  	s20 =	simm.s32 $0x1E000;
	[sflag:s23] =	ssyncadd.s32 $0xFFFFD800  }
0xfd: {  	[spmem:s9] =	stream.indirect.scatter.add.f32 [tilespmem:s19], [sflag:$0x8], $0x80, s20, s14, $0xb8;
	[tilespmem:$0x1E080] =	vst v63  }
0xfe: {  	_ =	swait.ge [sflag:s1], $0x2800  }
0xff: {  	s31 =	simm.s32 $0x1DB80;
	s21 =	rddreg [dreg:$0x7];
	[sflag:s1] =	ssyncset.done $0x0  }
0x100: {  	s22 =	rddreg [dreg:$0x6];
	[sflag:s1] =	ssyncadd.s32 $0xFFFFD800;
	s24 =	sadd.s32 $0x0, s21  }
0x101: {  	[tilespmem:s31], [sflag:$0xF] =	stream.linear.gather [hbm4b:s24+s4], $0x50, $0x38;
	[tilespmem:$0x1E080] =	vst v63  }
0x102: {  	s23 =	sadd.s32 $0x0, s22  }
0x103: {  	[tilespmem:s8], [sflag:$0xF] =	stream.linear.gather [hbm4b:s23+s4], $0x50, $0x38;
	[tilespmem:$0x1E080] =	vst v63  }
0x104: {  	_ =	swait.ge [sflag:s28], $0x50  }
0x105: {  	[sflag:s28] =	ssyncset.done $0x0  }
0x106: {  	[sflag:s28] =	ssyncadd.s32 $0xFFFFFFB0  }
0x107: {  	_ =	swait.ge [sflag:s28], $0x50  }
0x108: {  	[sflag:s28] =	ssyncset.done $0x0  }
0x109: {  	s24 =	simm.s32 $0x1D980;
	[sflag:s28] =	ssyncadd.s32 $0xFFFFFFB0  }
0x10a: {  	[tilespmem:s17], [sflag:$0x3] =	stream.indirect.gather [hbm4b:s2+s14], $0x80, s24, s14, $0xb8;
	[tilespmem:$0x1E080] =	vst v63  }
0x10b: {  	_ =	swait.ge [sflag:s16], $0x2800  }
0x10c: {  	[sflag:s16] =	ssyncset.done $0x0  }
0x10d: {  	s25 =	simm.s32 $0x1DC80;
	[sflag:s16] =	ssyncadd.s32 $0xFFFFD800  }
0x10e: {  	[spmem:s9] =	stream.indirect.scatter.add.f32 [tilespmem:s13], [sflag:$0x5], $0x80, s25, s14, $0xb8;
	[tilespmem:$0x1E080] =	vst v63  }
0x10f: {  	_ =	swait.ge [sflag:s7], $0x2800  }
0x110: {  	s28 =	rddreg [dreg:$0x5];
	[sflag:s7] =	ssyncset.done $0x0  }
0x111: {  	s30 =	rddreg [dreg:$0x4];
	[sflag:s7] =	ssyncadd.s32 $0xFFFFD800;
	s24 =	sadd.s32 $0x0, s28  }
0x112: {  	[tilespmem:s10], [sflag:$0x10] =	stream.linear.gather [hbm4b:s24+s4], $0x50, $0x38;
	[tilespmem:$0x1E080] =	vst v63  }
0x113: {  	s31 =	sadd.s32 $0x0, s30  }
0x114: {  	[tilespmem:s20], [sflag:$0x10] =	stream.linear.gather [hbm4b:s31+s4], $0x50, $0x38;
	[tilespmem:$0x1E080] =	vst v63  }
0x115: {  	_ =	swait.ge [sflag:s12], $0x50  }
0x116: {  	[sflag:s12] =	ssyncset.done $0x0  }
0x117: {  	[sflag:s12] =	ssyncadd.s32 $0xFFFFFFB0  }
0x118: {  	_ =	swait.ge [sflag:s12], $0x50  }
0x119: {  	[sflag:s12] =	ssyncset.done $0x0  }
0x11a: {  	s18 =	simm.s32 $0x1DA00;
	[sflag:s12] =	ssyncadd.s32 $0xFFFFFFB0  }
0x11b: {  	[tilespmem:s19], [sflag:$0x4] =	stream.indirect.gather [hbm4b:s2+s14], $0x80, s18, s14, $0xb8;
	[tilespmem:$0x1E080] =	vst v63  }
0x11c: {  	_ =	swait.ge [sflag:s11], $0x2800  }
0x11d: {  	[sflag:s11] =	ssyncset.done $0x0  }
0x11e: {  	s25 =	sadd.s32 $0x280, s26;
	s24 =	simm.s32 $0x50;
	[sflag:s11] =	ssyncadd.s32 $0xFFFFD800  }
.LBB2_2:
0x11f: {  	s13 =	simm.s32 $0x1DD00  }
0x120: {  	s15 =	simm.s32 $0x16080;
	s3 =	rddreg [dreg:$0x2];
	s20 =	simm.s32 $0x5  }
0x121: {  	[spmem:s3] =	stream.indirect.scatter.add.f32 [tilespmem:s15], [sflag:$0x6], $0x80, s13, s14, $0xb8;
	[tilespmem:$0x1E080] =	vst v63  }
0x122: {  	s28 =	sshrl.u32 s25, $0x3;
	s30 =	smov.u32 s29;
	_ =	swait.ge [sflag:s20], $0x2800  }
0x123: {  	s7 =	simm.s32 $0x1D880;
	s4 =	simm.s32 $0x0;
	[sflag:s20] =	ssyncset.done $0x0  }
0x124: {  	s29 =	sadd.s32 s29, s28;
	s0 =	rddreg [dreg:$0x12];
	[sflag:s20] =	ssyncadd.s32 $0xFFFFD800  }
0x125: {  	[tilespmem:s7], [sflag:$0x9] =	stream.linear.gather [hbm4b:s29+s4], $0x50, $0x38;
	[tilespmem:$0x1E080] =	vst v63  }
0x126: {  	s9 =	simm.s32 $0x1DC80;
	s10 =	simm.s32 $0xD;
	s28 =	sadd.s32 s0, s28  }
0x127: {  	[tilespmem:s9], [sflag:$0x9] =	stream.linear.gather [hbm4b:s28+s4], $0x50, $0x38;
	[tilespmem:$0x1E080] =	vst v63  }
0x128: {  	_ =	swait.ge [sflag:s10], $0x50  }
0x129: {  	[sflag:s10] =	ssyncset.done $0x0  }
0x12a: {  	[sflag:s10] =	ssyncadd.s32 $0xFFFFFFB0  }
0x12b: {  	_ =	swait.ge [sflag:s10], $0x50  }
0x12c: {  	[sflag:s10] =	ssyncset.done $0x0  }
0x12d: {  	s8 =	simm.s32 $0x1DA80;
	[sflag:s10] =	ssyncadd.s32 $0xFFFFFFB0  }
0x12e: {  	s6 =	simm.s32 $0x13880;
	s21 =	simm.s32 $0x3;
	s2 =	rddreg [dreg:$0x0]  }
0x12f: {  	[tilespmem:s6], [sflag:$0x1] =	stream.indirect.gather [hbm4b:s2+s14], $0x80, s8, s14, $0xb8;
	[tilespmem:$0x1E080] =	vst v63  }
0x130: {  	_ =	swait.ge [sflag:s21], $0x2800  }
0x131: {  	s5 =	simm.s32 $0x1DD80;
	[sflag:s21] =	ssyncset.done $0x0  }
0x132: {  	s17 =	simm.s32 $0x18880;
	s22 =	simm.s32 $0x6;
	[sflag:s21] =	ssyncadd.s32 $0xFFFFD800  }
0x133: {  	[spmem:s3] =	stream.indirect.scatter.add.f32 [tilespmem:s17], [sflag:$0x7], $0x80, s5, s14, $0xb8;
	[tilespmem:$0x1E080] =	vst v63  }
0x134: {  	s26 =	smov.u32 s24;
	_ =	swait.ge [sflag:s22], $0x2800  }
0x135: {  	s31 =	simm.s32 $0x1D900;
	s11 =	rddreg [dreg:$0x11];
	[sflag:s22] =	ssyncset.done $0x0  }
0x136: {  	s29 =	rddreg [dreg:$0x10];
	[sflag:s22] =	ssyncadd.s32 $0xFFFFD800;
	s28 =	sadd.s32 s26, s11  }
0x137: {  	[tilespmem:s31], [sflag:$0xA] =	stream.linear.gather [hbm4b:s28+s4], $0x50, $0x38;
	[tilespmem:$0x1E080] =	vst v63  }
0x138: {  	s16 =	simm.s32 $0xE;
	s12 =	sadd.s32 s26, s29  }
0x139: {  	[tilespmem:s13], [sflag:$0xA] =	stream.linear.gather [hbm4b:s12+s4], $0x50, $0x38;
	[tilespmem:$0x1E080] =	vst v63  }
0x13a: {  	_ =	swait.ge [sflag:s16], $0x50  }
0x13b: {  	[sflag:s16] =	ssyncset.done $0x0  }
0x13c: {  	[sflag:s16] =	ssyncadd.s32 $0xFFFFFFB0  }
0x13d: {  	_ =	swait.ge [sflag:s16], $0x50  }
0x13e: {  	[sflag:s16] =	ssyncset.done $0x0  }
0x13f: {  	s23 =	simm.s32 $0x4;
	s11 =	simm.s32 $0x1DB00;
	[sflag:s16] =	ssyncadd.s32 $0xFFFFFFB0  }
0x140: {  	[tilespmem:s15], [sflag:$0x2] =	stream.indirect.gather [hbm4b:s2+s14], $0x80, s11, s14, $0xb8;
	[tilespmem:$0x1E080] =	vst v63  }
0x141: {  	_ =	swait.ge [sflag:s23], $0x2800  }
0x142: {  	s19 =	simm.s32 $0x1B080;
	[sflag:s23] =	ssyncset.done $0x0  }
0x143: {  	s1 =	simm.s32 $0x7;
	s0 =	simm.s32 $0x1DE00;
	[sflag:s23] =	ssyncadd.s32 $0xFFFFD800  }
0x144: {  	[spmem:s3] =	stream.indirect.scatter.add.f32 [tilespmem:s19], [sflag:$0x8], $0x80, s0, s14, $0xb8;
	[tilespmem:$0x1E080] =	vst v63  }
0x145: {  	_ =	swait.ge [sflag:s1], $0x2800  }
0x146: {  	s13 =	simm.s32 $0x1D980;
	s18 =	rddreg [dreg:$0xf];
	[sflag:s1] =	ssyncset.done $0x0  }
0x147: {  	s29 =	rddreg [dreg:$0xe];
	[sflag:s1] =	ssyncadd.s32 $0xFFFFD800;
	s28 =	sadd.s32 s26, s18  }
0x148: {  	[tilespmem:s13], [sflag:$0xB] =	stream.linear.gather [hbm4b:s28+s4], $0x50, $0x38;
	[tilespmem:$0x1E080] =	vst v63  }
0x149: {  	s10 =	simm.s32 $0xF;
	s9 =	sadd.s32 s26, s29  }
0x14a: {  	[tilespmem:s5], [sflag:$0xB] =	stream.linear.gather [hbm4b:s9+s4], $0x50, $0x38;
	[tilespmem:$0x1E080] =	vst v63  }
0x14b: {  	_ =	swait.ge [sflag:s10], $0x50  }
0x14c: {  	[sflag:s10] =	ssyncset.done $0x0  }
0x14d: {  	[sflag:s10] =	ssyncadd.s32 $0xFFFFFFB0  }
0x14e: {  	_ =	swait.ge [sflag:s10], $0x50  }
0x14f: {  	[sflag:s10] =	ssyncset.done $0x0  }
0x150: {  	s16 =	simm.s32 $0x1;
	s5 =	simm.s32 $0x1DB80;
	[sflag:s10] =	ssyncadd.s32 $0xFFFFFFB0  }
0x151: {  	[tilespmem:s17], [sflag:$0x3] =	stream.indirect.gather [hbm4b:s2+s14], $0x80, s5, s14, $0xb8;
	[tilespmem:$0x1E080] =	vst v63  }
0x152: {  	_ =	swait.ge [sflag:s16], $0x2800  }
0x153: {  	[sflag:s16] =	ssyncset.done $0x0  }
0x154: {  	s9 =	simm.s32 $0x8;
	s10 =	simm.s32 $0x1DE80;
	[sflag:s16] =	ssyncadd.s32 $0xFFFFD800  }
0x155: {  	[spmem:s3] =	stream.indirect.scatter.add.f32 [tilespmem:s6], [sflag:$0x5], $0x80, s10, s14, $0xb8;
	[tilespmem:$0x1E080] =	vst v63  }
0x156: {  	_ =	swait.ge [sflag:s9], $0x2800  }
0x157: {  	s12 =	rddreg [dreg:$0xd]  }
0x158: {  	[sflag:s9] =	ssyncset.done $0x0;
	s29 =	rddreg [dreg:$0xc]  }
0x159: {  	[sflag:s9] =	ssyncadd.s32 $0xFFFFD800;
	s28 =	sadd.s32 s26, s12;
	s12 =	simm.s32 $0x1DA00  }
0x15a: {  	[tilespmem:s12], [sflag:$0xC] =	stream.linear.gather [hbm4b:s28+s4], $0x50, $0x38;
	[tilespmem:$0x1E080] =	vst v63  }
0x15b: {  	s18 =	sadd.s32 s26, s29;
	s28 =	simm.s32 $0x10  }
0x15c: {  	[tilespmem:s0], [sflag:$0xC] =	stream.linear.gather [hbm4b:s18+s4], $0x50, $0x38;
	[tilespmem:$0x1E080] =	vst v63  }
0x15d: {  	_ =	swait.ge [sflag:s28], $0x50  }
0x15e: {  	[sflag:s28] =	ssyncset.done $0x0  }
0x15f: {  	[sflag:s28] =	ssyncadd.s32 $0xFFFFFFB0  }
0x160: {  	_ =	swait.ge [sflag:s28], $0x50  }
0x161: {  	[sflag:s28] =	ssyncset.done $0x0  }
0x162: {  	s12 =	simm.s32 $0x1DC00;
	s18 =	simm.s32 $0x2;
	[sflag:s28] =	ssyncadd.s32 $0xFFFFFFB0  }
0x163: {  	[tilespmem:s19], [sflag:$0x4] =	stream.indirect.gather [hbm4b:s2+s14], $0x80, s12, s14, $0xb8;
	[tilespmem:$0x1E080] =	vst v63  }
0x164: {  	_ =	swait.ge [sflag:s18], $0x2800  }
0x165: {  	[sflag:s18] =	ssyncset.done $0x0  }
0x166: {  	s0 =	simm.s32 $0x1DF00;
	[sflag:s18] =	ssyncadd.s32 $0xFFFFD800  }
0x167: {  	[spmem:s3] =	stream.indirect.scatter.add.f32 [tilespmem:s15], [sflag:$0x6], $0x80, s0, s14, $0xb8;
	[tilespmem:$0x1E080] =	vst v63  }
0x168: {  	_ =	swait.ge [sflag:s20], $0x2800  }
0x169: {  	s28 =	rddreg [dreg:$0xb];
	[sflag:s20] =	ssyncset.done $0x0  }
0x16a: {  	s29 =	rddreg [dreg:$0xa];
	[sflag:s20] =	ssyncadd.s32 $0xFFFFD800;
	s28 =	sadd.s32 s26, s28  }
0x16b: {  	[tilespmem:s8], [sflag:$0xD] =	stream.linear.gather [hbm4b:s28+s4], $0x50, $0x38;
	[tilespmem:$0x1E080] =	vst v63  }
0x16c: {  	s20 =	simm.s32 $0x9;
	s8 =	sadd.s32 s26, s29  }
0x16d: {  	[tilespmem:s10], [sflag:$0xD] =	stream.linear.gather [hbm4b:s8+s4], $0x50, $0x38;
	[tilespmem:$0x1E080] =	vst v63  }
0x16e: {  	_ =	swait.ge [sflag:s20], $0x50  }
0x16f: {  	[sflag:s20] =	ssyncset.done $0x0  }
0x170: {  	[sflag:s20] =	ssyncadd.s32 $0xFFFFFFB0  }
0x171: {  	_ =	swait.ge [sflag:s20], $0x50  }
0x172: {  	[sflag:s20] =	ssyncset.done $0x0  }
0x173: {  	[sflag:s20] =	ssyncadd.s32 $0xFFFFFFB0  }
0x174: {  	[tilespmem:s6], [sflag:$0x1] =	stream.indirect.gather [hbm4b:s2+s14], $0x80, s7, s14, $0xb8;
	[tilespmem:$0x1E080] =	vst v63  }
0x175: {  	_ =	swait.ge [sflag:s21], $0x2800  }
0x176: {  	[sflag:s21] =	ssyncset.done $0x0  }
0x177: {  	s7 =	simm.s32 $0x1DF80;
	[sflag:s21] =	ssyncadd.s32 $0xFFFFD800  }
0x178: {  	[spmem:s3] =	stream.indirect.scatter.add.f32 [tilespmem:s17], [sflag:$0x7], $0x80, s7, s14, $0xb8;
	[tilespmem:$0x1E080] =	vst v63  }
0x179: {  	_ =	swait.ge [sflag:s22], $0x2800  }
0x17a: {  	s21 =	rddreg [dreg:$0x9];
	[sflag:s22] =	ssyncset.done $0x0  }
0x17b: {  	s29 =	rddreg [dreg:$0x8];
	[sflag:s22] =	ssyncadd.s32 $0xFFFFD800;
	s28 =	sadd.s32 s26, s21  }
0x17c: {  	[tilespmem:s11], [sflag:$0xE] =	stream.linear.gather [hbm4b:s28+s4], $0x50, $0x38;
	[tilespmem:$0x1E080] =	vst v63  }
0x17d: {  	s22 =	sadd.s32 s26, s29;
	s11 =	simm.s32 $0xA  }
0x17e: {  	[tilespmem:s0], [sflag:$0xE] =	stream.linear.gather [hbm4b:s22+s4], $0x50, $0x38;
	[tilespmem:$0x1E080] =	vst v63  }
0x17f: {  	_ =	swait.ge [sflag:s11], $0x50  }
0x180: {  	[sflag:s11] =	ssyncset.done $0x0  }
0x181: {  	[sflag:s11] =	ssyncadd.s32 $0xFFFFFFB0  }
0x182: {  	_ =	swait.ge [sflag:s11], $0x50  }
0x183: {  	[sflag:s11] =	ssyncset.done $0x0  }
0x184: {  	[sflag:s11] =	ssyncadd.s32 $0xFFFFFFB0  }
0x185: {  	[tilespmem:s15], [sflag:$0x2] =	stream.indirect.gather [hbm4b:s2+s14], $0x80, s31, s14, $0xb8;
	[tilespmem:$0x1E080] =	vst v63  }
0x186: {  	_ =	swait.ge [sflag:s23], $0x2800  }
0x187: {  	[sflag:s23] =	ssyncset.done $0x0  }
0x188: {  	s0 =	simm.s32 $0x1E000;
	[sflag:s23] =	ssyncadd.s32 $0xFFFFD800  }
0x189: {  	[spmem:s3] =	stream.indirect.scatter.add.f32 [tilespmem:s19], [sflag:$0x8], $0x80, s0, s14, $0xb8;
	[tilespmem:$0x1E080] =	vst v63  }
0x18a: {  	_ =	swait.ge [sflag:s1], $0x2800  }
0x18b: {  	s15 =	rddreg [dreg:$0x7];
	[sflag:s1] =	ssyncset.done $0x0  }
0x18c: {  	s29 =	rddreg [dreg:$0x6];
	[sflag:s1] =	ssyncadd.s32 $0xFFFFD800;
	s28 =	sadd.s32 s26, s15  }
0x18d: {  	[tilespmem:s5], [sflag:$0xF] =	stream.linear.gather [hbm4b:s28+s4], $0x50, $0x38;
	[tilespmem:$0x1E080] =	vst v63  }
0x18e: {  	s21 =	simm.s32 $0xB;
	s20 =	sadd.s32 s26, s29  }
0x18f: {  	[tilespmem:s7], [sflag:$0xF] =	stream.linear.gather [hbm4b:s20+s4], $0x50, $0x38;
	[tilespmem:$0x1E080] =	vst v63  }
0x190: {  	_ =	swait.ge [sflag:s21], $0x50  }
0x191: {  	[sflag:s21] =	ssyncset.done $0x0  }
0x192: {  	[sflag:s21] =	ssyncadd.s32 $0xFFFFFFB0  }
0x193: {  	_ =	swait.ge [sflag:s21], $0x50  }
0x194: {  	[sflag:s21] =	ssyncset.done $0x0  }
0x195: {  	[sflag:s21] =	ssyncadd.s32 $0xFFFFFFB0  }
0x196: {  	[tilespmem:s17], [sflag:$0x3] =	stream.indirect.gather [hbm4b:s2+s14], $0x80, s13, s14, $0xb8;
	[tilespmem:$0x1E080] =	vst v63  }
0x197: {  	_ =	swait.ge [sflag:s16], $0x2800  }
0x198: {  	[sflag:s16] =	ssyncset.done $0x0  }
0x199: {  	s22 =	simm.s32 $0x1DC80;
	[sflag:s16] =	ssyncadd.s32 $0xFFFFD800  }
0x19a: {  	[spmem:s3] =	stream.indirect.scatter.add.f32 [tilespmem:s6], [sflag:$0x5], $0x80, s22, s14, $0xb8;
	[tilespmem:$0x1E080] =	vst v63  }
0x19b: {  	_ =	swait.ge [sflag:s9], $0x2800  }
0x19c: {  	s23 =	rddreg [dreg:$0x5];
	[sflag:s9] =	ssyncset.done $0x0  }
0x19d: {  	s29 =	rddreg [dreg:$0x4];
	[sflag:s9] =	ssyncadd.s32 $0xFFFFD800;
	s28 =	sadd.s32 s26, s23  }
0x19e: {  	[tilespmem:s12], [sflag:$0x10] =	stream.linear.gather [hbm4b:s28+s4], $0x50, $0x38;
	[tilespmem:$0x1E080] =	vst v63  }
0x19f: {  	s26 =	sadd.s32 s26, s29;
	s28 =	simm.s32 $0xC  }
0x1a0: {  	[tilespmem:s0], [sflag:$0x10] =	stream.linear.gather [hbm4b:s26+s4], $0x50, $0x38;
	[tilespmem:$0x1E080] =	vst v63  }
0x1a1: {  	_ =	swait.ge [sflag:s28], $0x50  }
0x1a2: {  	[sflag:s28] =	ssyncset.done $0x0  }
0x1a3: {  	[sflag:s28] =	ssyncadd.s32 $0xFFFFFFB0  }
0x1a4: {  	p1 =	sne.s32 s24, $0x410;
	s24 =	sadd.s32 $0x50, s24;
	_ =	swait.ge [sflag:s28], $0x50  }
0x1a5: {  	s25 =	sadd.s32 $0x280, s25;
	s29 =	smov.u32 s30;
	[sflag:s28] =	ssyncset.done $0x0  }
.Ltmp0:
0x1a6: {  	s30 =	simm.s32 $0x1DA00;
	[sflag:s28] =	ssyncadd.s32 $0xFFFFFFB0;
	(pc) =	sbr.rel @p1 .LBB2_2-.Ltmp0, $4  }
0x1a7: {  	[tilespmem:s19], [sflag:$0x4] =	stream.indirect.gather [hbm4b:s2+s14], $0x80, s30, s14, $0xb8;
	[tilespmem:$0x1E080] =	vst v63  }
0x1a8: {  	s8 =	simm.s32 $0x1DB00;
	s10 =	simm.s32 $0x1DF00;
	_ =	swait.ge [sflag:s18], $0x2800  }
0x1a9: {  	s11 =	simm.s32 $0x1DB80;
	s31 =	simm.s32 $0x1DC00;
	[sflag:s18] =	ssyncset.done $0x0  }
0x1aa: {  	s15 =	simm.s32 $0x1DF80;
	s12 =	simm.s32 $0x1E000;
	[sflag:s18] =	ssyncadd.s32 $0xFFFFD800  }
0x1ab: {  	s0 =	simm.s32 $0x1DD00  }
0x1ac: {  	s9 =	simm.s32 $0x16080;
	s3 =	rddreg [dreg:$0x2];
	s19 =	simm.s32 $0x5  }
0x1ad: {  	[spmem:s3] =	stream.indirect.scatter.add.f32 [tilespmem:s9], [sflag:$0x6], $0x80, s0, s14, $0xb8;
	[tilespmem:$0x1E080] =	vst v63  }
0x1ae: {  	_ =	swait.ge [sflag:s19], $0x2800  }
0x1af: {  	s24 =	sld [smem:$0x7ED]  }
0x1b0: {  	s7 =	simm.s32 $0x1D880;
	[sflag:s19] =	ssyncset.done $0x0  }
0x1b1: {  	s0 =	simm.s32 $0x0;
	s22 =	sld [smem:$0x7EE];
	[sflag:s19] =	ssyncadd.s32 $0xFFFFD800  }
0x1b2: {  	[tilespmem:s7], [sflag:$0x9] =	stream.linear.gather [hbm4b:s24+s0], $0x50, $0x38;
	[tilespmem:$0x1E080] =	vst v63  }
0x1b3: {  	s2 =	simm.s32 $0x1DC80;
	s20 =	simm.s32 $0xD  }
0x1b4: {  	[tilespmem:s2], [sflag:$0x9] =	stream.linear.gather [hbm4b:s22+s0], $0x50, $0x38;
	[tilespmem:$0x1E080] =	vst v63  }
0x1b5: {  	_ =	swait.ge [sflag:s20], $0x50  }
0x1b6: {  	[sflag:s20] =	ssyncset.done $0x0  }
0x1b7: {  	[sflag:s20] =	ssyncadd.s32 $0xFFFFFFB0  }
0x1b8: {  	_ =	swait.ge [sflag:s20], $0x50  }
0x1b9: {  	[sflag:s20] =	ssyncset.done $0x0  }
0x1ba: {  	s26 =	simm.s32 $0x1DA80;
	[sflag:s20] =	ssyncadd.s32 $0xFFFFFFB0  }
0x1bb: {  	s6 =	simm.s32 $0x13880;
	s21 =	simm.s32 $0x3;
	s2 =	rddreg [dreg:$0x0]  }
0x1bc: {  	[tilespmem:s6], [sflag:$0x1] =	stream.indirect.gather [hbm4b:s2+s14], $0x80, s26, s14, $0xb8;
	[tilespmem:$0x1E080] =	vst v63  }
0x1bd: {  	_ =	swait.ge [sflag:s21], $0x2800  }
0x1be: {  	s28 =	simm.s32 $0x1DD80;
	[sflag:s21] =	ssyncset.done $0x0  }
0x1bf: {  	s16 =	simm.s32 $0x18880;
	s22 =	simm.s32 $0x6;
	[sflag:s21] =	ssyncadd.s32 $0xFFFFD800  }
0x1c0: {  	[spmem:s3] =	stream.indirect.scatter.add.f32 [tilespmem:s16], [sflag:$0x7], $0x80, s28, s14, $0xb8;
	[tilespmem:$0x1E080] =	vst v63  }
0x1c1: {  	_ =	swait.ge [sflag:s22], $0x2800  }
0x1c2: {  	s23 =	sld [smem:$0x7EF]  }
0x1c3: {  	[sflag:s22] =	ssyncset.done $0x0  }
0x1c4: {  	s25 =	simm.s32 $0x1D900;
	s30 =	sld [smem:$0x7F0];
	[sflag:s22] =	ssyncadd.s32 $0xFFFFD800  }
0x1c5: {  	[tilespmem:s25], [sflag:$0xA] =	stream.linear.gather [hbm4b:s23+s0], $0x50, $0x38;
	[tilespmem:$0x1E080] =	vst v63  }
0x1c6: {  	s1 =	simm.s32 $0x1DD00;
	s5 =	simm.s32 $0xE  }
0x1c7: {  	[tilespmem:s1], [sflag:$0xA] =	stream.linear.gather [hbm4b:s30+s0], $0x50, $0x38;
	[tilespmem:$0x1E080] =	vst v63  }
0x1c8: {  	_ =	swait.ge [sflag:s5], $0x50  }
0x1c9: {  	[sflag:s5] =	ssyncset.done $0x0  }
0x1ca: {  	[sflag:s5] =	ssyncadd.s32 $0xFFFFFFB0  }
0x1cb: {  	_ =	swait.ge [sflag:s5], $0x50  }
0x1cc: {  	[sflag:s5] =	ssyncset.done $0x0  }
0x1cd: {  	s23 =	simm.s32 $0x4;
	[sflag:s5] =	ssyncadd.s32 $0xFFFFFFB0  }
0x1ce: {  	[tilespmem:s9], [sflag:$0x2] =	stream.indirect.gather [hbm4b:s2+s14], $0x80, s8, s14, $0xb8;
	[tilespmem:$0x1E080] =	vst v63  }
0x1cf: {  	_ =	swait.ge [sflag:s23], $0x2800  }
0x1d0: {  	s18 =	simm.s32 $0x1B080;
	[sflag:s23] =	ssyncset.done $0x0  }
0x1d1: {  	s4 =	simm.s32 $0x7;
	s30 =	simm.s32 $0x1DE00;
	[sflag:s23] =	ssyncadd.s32 $0xFFFFD800  }
0x1d2: {  	[spmem:s3] =	stream.indirect.scatter.add.f32 [tilespmem:s18], [sflag:$0x8], $0x80, s30, s14, $0xb8;
	[tilespmem:$0x1E080] =	vst v63  }
0x1d3: {  	_ =	swait.ge [sflag:s4], $0x2800  }
0x1d4: {  	s1 =	sld [smem:$0x7F1]  }
0x1d5: {  	[sflag:s4] =	ssyncset.done $0x0  }
0x1d6: {  	s13 =	simm.s32 $0x1D980;
	s5 =	sld [smem:$0x7F2];
	[sflag:s4] =	ssyncadd.s32 $0xFFFFD800  }
0x1d7: {  	[tilespmem:s13], [sflag:$0xB] =	stream.linear.gather [hbm4b:s1+s0], $0x50, $0x38;
	[tilespmem:$0x1E080] =	vst v63  }
0x1d8: {  	s8 =	simm.s32 $0xF  }
0x1d9: {  	[tilespmem:s28], [sflag:$0xB] =	stream.linear.gather [hbm4b:s5+s0], $0x50, $0x38;
	[tilespmem:$0x1E080] =	vst v63  }
0x1da: {  	_ =	swait.ge [sflag:s8], $0x50  }
0x1db: {  	[sflag:s8] =	ssyncset.done $0x0  }
0x1dc: {  	[sflag:s8] =	ssyncadd.s32 $0xFFFFFFB0  }
0x1dd: {  	_ =	swait.ge [sflag:s8], $0x50  }
0x1de: {  	[sflag:s8] =	ssyncset.done $0x0  }
0x1df: {  	[sflag:s8] =	ssyncadd.s32 $0xFFFFFFB0  }
0x1e0: {  	[tilespmem:s16], [sflag:$0x3] =	stream.indirect.gather [hbm4b:s2+s14], $0x80, s11, s14, $0xb8;
	[tilespmem:$0x1E080] =	vst v63  }
0x1e1: {  	s11 =	simm.s32 $0x1  }
0x1e2: {  	_ =	swait.ge [sflag:s11], $0x2800  }
0x1e3: {  	[sflag:s11] =	ssyncset.done $0x0  }
0x1e4: {  	s1 =	simm.s32 $0x8;
	s8 =	simm.s32 $0x1DE80;
	[sflag:s11] =	ssyncadd.s32 $0xFFFFD800  }
0x1e5: {  	[spmem:s3] =	stream.indirect.scatter.add.f32 [tilespmem:s6], [sflag:$0x5], $0x80, s8, s14, $0xb8;
	[tilespmem:$0x1E080] =	vst v63  }
0x1e6: {  	_ =	swait.ge [sflag:s1], $0x2800  }
0x1e7: {  	s17 =	sld [smem:$0x7F5]  }
0x1e8: {  	[sflag:s1] =	ssyncset.done $0x0  }
0x1e9: {  	s5 =	simm.s32 $0x1DA00;
	[sflag:s1] =	ssyncadd.s32 $0xFFFFD800  }
0x1ea: {  	[tilespmem:s5], [sflag:$0xC] =	stream.linear.gather [hbm4b:s17+s0], $0x50, $0x38;
	[tilespmem:$0x1E080] =	vst v63  }
0x1eb: {  	s17 =	sld [smem:$0x7F6];
	_ =	sdelay $0x2  }
0x1ec: {  	[tilespmem:s30], [sflag:$0xC] =	stream.linear.gather [hbm4b:s17+s0], $0x50, $0x38;
	[tilespmem:$0x1E080] =	vst v63  }
0x1ed: {  	s17 =	simm.s32 $0x10  }
0x1ee: {  	_ =	swait.ge [sflag:s17], $0x50  }
0x1ef: {  	[sflag:s17] =	ssyncset.done $0x0  }
0x1f0: {  	[sflag:s17] =	ssyncadd.s32 $0xFFFFFFB0  }
0x1f1: {  	_ =	swait.ge [sflag:s17], $0x50  }
0x1f2: {  	[sflag:s17] =	ssyncset.done $0x0  }
0x1f3: {  	[sflag:s17] =	ssyncadd.s32 $0xFFFFFFB0;
	s17 =	simm.s32 $0x2  }
0x1f4: {  	[tilespmem:s18], [sflag:$0x4] =	stream.indirect.gather [hbm4b:s2+s14], $0x80, s31, s14, $0xb8;
	[tilespmem:$0x1E080] =	vst v63  }
0x1f5: {  	_ =	swait.ge [sflag:s17], $0x2800  }
0x1f6: {  	[sflag:s17] =	ssyncset.done $0x0  }
0x1f7: {  	[sflag:s17] =	ssyncadd.s32 $0xFFFFD800  }
0x1f8: {  	[spmem:s3] =	stream.indirect.scatter.add.f32 [tilespmem:s9], [sflag:$0x6], $0x80, s10, s14, $0xb8;
	[tilespmem:$0x1E080] =	vst v63  }
0x1f9: {  	_ =	swait.ge [sflag:s19], $0x2800  }
0x1fa: {  	s10 =	sld [smem:$0x7F7]  }
0x1fb: {  	[sflag:s19] =	ssyncset.done $0x0  }
0x1fc: {  	s31 =	sld [smem:$0x7F8];
	[sflag:s19] =	ssyncadd.s32 $0xFFFFD800  }
0x1fd: {  	[tilespmem:s26], [sflag:$0xD] =	stream.linear.gather [hbm4b:s10+s0], $0x50, $0x38;
	[tilespmem:$0x1E080] =	vst v63  }
0x1fe: {  	_ = 	snop  }
0x1ff: {  	[tilespmem:s8], [sflag:$0xD] =	stream.linear.gather [hbm4b:s31+s0], $0x50, $0x38;
	[tilespmem:$0x1E080] =	vst v63  }
0x200: {  	s0 =	simm.s32 $0x9  }
0x201: {  	_ =	swait.ge [sflag:s0], $0x50  }
0x202: {  	[sflag:s0] =	ssyncset.done $0x0  }
0x203: {  	[sflag:s0] =	ssyncadd.s32 $0xFFFFFFB0  }
0x204: {  	_ =	swait.ge [sflag:s0], $0x50  }
0x205: {  	[sflag:s0] =	ssyncset.done $0x0  }
0x206: {  	[sflag:s0] =	ssyncadd.s32 $0xFFFFFFB0  }
0x207: {  	[tilespmem:s6], [sflag:$0x1] =	stream.indirect.gather [hbm4b:s2+s14], $0x80, s7, s14, $0xb8;
	[tilespmem:$0x1E080] =	vst v63  }
0x208: {  	_ =	swait.ge [sflag:s21], $0x2800  }
0x209: {  	[sflag:s21] =	ssyncset.done $0x0  }
0x20a: {  	[sflag:s21] =	ssyncadd.s32 $0xFFFFD800  }
0x20b: {  	[spmem:s3] =	stream.indirect.scatter.add.f32 [tilespmem:s16], [sflag:$0x7], $0x80, s15, s14, $0xb8;
	[tilespmem:$0x1E080] =	vst v63  }
0x20c: {  	_ =	swait.ge [sflag:s22], $0x2800  }
0x20d: {  	[sflag:s22] =	ssyncset.done $0x0  }
0x20e: {  	s10 =	simm.s32 $0xA;
	[sflag:s22] =	ssyncadd.s32 $0xFFFFD800  }
0x20f: {  	_ =	swait.ge [sflag:s10], $0x50  }
0x210: {  	[sflag:s10] =	ssyncset.done $0x0  }
0x211: {  	[sflag:s10] =	ssyncadd.s32 $0xFFFFFFB0  }
0x212: {  	_ =	swait.ge [sflag:s10], $0x50  }
0x213: {  	[sflag:s10] =	ssyncset.done $0x0  }
0x214: {  	[sflag:s10] =	ssyncadd.s32 $0xFFFFFFB0  }
0x215: {  	[tilespmem:s9], [sflag:$0x2] =	stream.indirect.gather [hbm4b:s2+s14], $0x80, s25, s14, $0xb8;
	[tilespmem:$0x1E080] =	vst v63  }
0x216: {  	_ =	swait.ge [sflag:s23], $0x2800  }
0x217: {  	[sflag:s23] =	ssyncset.done $0x0  }
0x218: {  	[sflag:s23] =	ssyncadd.s32 $0xFFFFD800  }
0x219: {  	[spmem:s3] =	stream.indirect.scatter.add.f32 [tilespmem:s18], [sflag:$0x8], $0x80, s12, s14, $0xb8;
	[tilespmem:$0x1E080] =	vst v63  }
0x21a: {  	_ =	swait.ge [sflag:s4], $0x2800  }
0x21b: {  	[sflag:s4] =	ssyncset.done $0x0  }
0x21c: {  	s12 =	simm.s32 $0xB;
	[sflag:s4] =	ssyncadd.s32 $0xFFFFD800  }
0x21d: {  	_ =	swait.ge [sflag:s12], $0x50  }
0x21e: {  	[sflag:s12] =	ssyncset.done $0x0  }
0x21f: {  	[sflag:s12] =	ssyncadd.s32 $0xFFFFFFB0  }
0x220: {  	_ =	swait.ge [sflag:s12], $0x50  }
0x221: {  	[sflag:s12] =	ssyncset.done $0x0  }
0x222: {  	[sflag:s12] =	ssyncadd.s32 $0xFFFFFFB0  }
0x223: {  	[tilespmem:s16], [sflag:$0x3] =	stream.indirect.gather [hbm4b:s2+s14], $0x80, s13, s14, $0xb8;
	[tilespmem:$0x1E080] =	vst v63  }
0x224: {  	_ =	swait.ge [sflag:s11], $0x2800  }
0x225: {  	[sflag:s11] =	ssyncset.done $0x0  }
0x226: {  	s15 =	simm.s32 $0x1DC80;
	[sflag:s11] =	ssyncadd.s32 $0xFFFFD800  }
0x227: {  	[spmem:s3] =	stream.indirect.scatter.add.f32 [tilespmem:s6], [sflag:$0x5], $0x80, s15, s14, $0xb8;
	[tilespmem:$0x1E080] =	vst v63  }
0x228: {  	_ =	swait.ge [sflag:s1], $0x2800  }
0x229: {  	[sflag:s1] =	ssyncset.done $0x0  }
0x22a: {  	s24 =	simm.s32 $0xC;
	[sflag:s1] =	ssyncadd.s32 $0xFFFFD800  }
0x22b: {  	_ =	swait.ge [sflag:s24], $0x50  }
0x22c: {  	[sflag:s24] =	ssyncset.done $0x0  }
0x22d: {  	[sflag:s24] =	ssyncadd.s32 $0xFFFFFFB0  }
0x22e: {  	_ =	swait.ge [sflag:s24], $0x50  }
0x22f: {  	[sflag:s24] =	ssyncset.done $0x0  }
0x230: {  	[sflag:s24] =	ssyncadd.s32 $0xFFFFFFB0  }
0x231: {  	[tilespmem:s18], [sflag:$0x4] =	stream.indirect.gather [hbm4b:s2+s14], $0x80, s5, s14, $0xb8;
	[tilespmem:$0x1E080] =	vst v63  }
0x232: {  	_ =	swait.ge [sflag:s17], $0x2800  }
0x233: {  	[sflag:s17] =	ssyncset.done $0x0  }
0x234: {  	s25 =	simm.s32 $0x1DD00;
	[sflag:s17] =	ssyncadd.s32 $0xFFFFD800  }
0x235: {  	[spmem:s3] =	stream.indirect.scatter.add.f32 [tilespmem:s9], [sflag:$0x6], $0x80, s25, s14, $0xb8;
	[tilespmem:$0x1E080] =	vst v63  }
0x236: {  	_ =	swait.ge [sflag:s19], $0x2800  }
0x237: {  	[sflag:s19] =	ssyncset.done $0x0  }
0x238: {  	[sflag:s19] =	ssyncadd.s32 $0xFFFFD800  }
0x239: {  	_ =	swait.ge [sflag:s20], $0x50  }
0x23a: {  	[sflag:s20] =	ssyncset.done $0x0  }
0x23b: {  	[sflag:s20] =	ssyncadd.s32 $0xFFFFFFB0  }
0x23c: {  	_ =	swait.ge [sflag:s20], $0x50  }
0x23d: {  	[sflag:s20] =	ssyncset.done $0x0  }
0x23e: {  	[sflag:s20] =	ssyncadd.s32 $0xFFFFFFB0  }
0x23f: {  	[tilespmem:s6], [sflag:$0x1] =	stream.indirect.gather [hbm4b:s2+s14], $0x80, s26, s14, $0xb8;
	[tilespmem:$0x1E080] =	vst v63  }
0x240: {  	_ =	swait.ge [sflag:s21], $0x2800  }
0x241: {  	[sflag:s21] =	ssyncset.done $0x0  }
0x242: {  	[sflag:s21] =	ssyncadd.s32 $0xFFFFD800  }
0x243: {  	[spmem:s3] =	stream.indirect.scatter.add.f32 [tilespmem:s16], [sflag:$0x7], $0x80, s28, s14, $0xb8;
	[tilespmem:$0x1E080] =	vst v63  }
0x244: {  	_ =	swait.ge [sflag:s23], $0x2800  }
0x245: {  	[sflag:s23] =	ssyncset.done $0x0  }
0x246: {  	[sflag:s23] =	ssyncadd.s32 $0xFFFFD800  }
0x247: {  	[spmem:s3] =	stream.indirect.scatter.add.f32 [tilespmem:s18], [sflag:$0x8], $0x80, s30, s14, $0xb8;
	[tilespmem:$0x1E080] =	vst v63  }
0x248: {  	_ =	swait.ge [sflag:s11], $0x2800  }
0x249: {  	[sflag:s11] =	ssyncset.done $0x0  }
0x24a: {  	[sflag:s11] =	ssyncadd.s32 $0xFFFFD800  }
0x24b: {  	[spmem:s3] =	stream.indirect.scatter.add.f32 [tilespmem:s6], [sflag:$0x5], $0x80, s8, s14, $0xb8;
	[tilespmem:$0x1E080] =	vst v63  }
0x24c: {  	_ =	swait.ge [sflag:s19], $0x2800  }
0x24d: {  	[sflag:s19] =	ssyncset.done $0x0  }
0x24e: {  	[sflag:s19] =	ssyncadd.s32 $0xFFFFD800  }
0x24f: {  	_ =	swait.ge [sflag:s22], $0x2800  }
0x250: {  	[sflag:s22] =	ssyncset.done $0x0  }
0x251: {  	[sflag:s22] =	ssyncadd.s32 $0xFFFFD800  }
0x252: {  	_ =	swait.ge [sflag:s4], $0x2800  }
0x253: {  	[sflag:s4] =	ssyncset.done $0x0  }
0x254: {  	[sflag:s4] =	ssyncadd.s32 $0xFFFFD800  }
0x255: {  	_ =	swait.ge [sflag:s1], $0x2800  }
0x256: {  	[sflag:s1] =	ssyncset.done $0x0  }
0x257: {  	[sflag:s1] =	ssyncadd.s32 $0xFFFFD800  }
0x258: {  	[bflag:$0x0] =	sbarrier.arrive $0xFFFF  }
0x259: {  	s25 =	sld [smem:$0x7F9]  }
0x25a: {  	s0 =	sld [smem:$0x7E6];
	_ =	sdelay $0x1  }
0x25b: {  	s24 =	simm.s32 @p0 $0x1FD2  }
0x25c: {  	[hbm:s25], [sflag:s24] =	dma.local @p0 [spmem:s0], $0x2080  }
0x25d: {  	s24 =	simm.s32 @p0 $0x12  }
0x25e: {  	_ =	swait.ge @p0 [sflag:s24], $0x2080  }
0x25f: {  	s0 =	sld [smem:$0x7E7];
	_ =	sdelay $0x1  }
0x260: {  	[sflag:s24] =	ssyncset.done @p0 $0x0  }
0x261: {  	[sflag:s24] =	ssyncadd.s32 @p0 $0xFFFFDF80;
	s24 =	sor.u32 @!p0 $0x1C12, s0;
	s0 =	sld [smem:$0x7E8]  }
0x262: {  	_ = 	snop  }
0x263: {  	s25 =	rddreg [dreg:$0x1f]  }
0x264: {  	[hbm:s25], [sflag:s24] =	dma.local @!p0 [spmem:s0], $0x2780  }
0x265: {  	s24 =	simm.s32 @!p0 $0x12  }
0x266: {  	_ =	swait.ge @!p0 [sflag:s24], $0x2780  }
0x267: {  	s30 =	sld [smem:$0x7E5]  }
0x268: {  	s31 =	sld [smem:$0x7FA];
	_ =	sdelay $0x1  }
0x269: {  	s0 =	sadd.s32 $0x1, s30  }
0x26a: {  	p1 =	sne.s32 s0, s31  }
.Ltmp1:
0x26b: {  	_ = 	snop;
	(pc) =	sbr.rel @p1 .LBB2_1-.Ltmp1, $3  }
0x26c: {  	_ =	sdelay $0x1  }
0x26d: {  	[sflag:s24] =	ssyncset.done @!p0 $0x0  }
0x26e: {  	s18 =	rddreg [dreg:$0x12];
	[sflag:s24] =	ssyncadd.s32 @!p0 $0xFFFFD880  }
0x26f: {  	_ =	sfence.sel $0x180000  }
0x270: {  	[bflag:$0x0] =	sbarrier.arrive $0xFFFF  }
0x271: {  	_ =	strace $0x9000004A  }
0x272: {  	s0 =	stileid.u32;
	[bflag:$0x2] =	sbarrier.arrive $0xFFFF  }
0x273: {  	p0 =	sne.s32 s0, $0x0;
	s0 =	rddreg [dreg:$0x3]  }
0x274: {  	s0 =	sadd.s32 @!p0 $0x100000, s0  }
0x275: {  	[sflag:s0] =	ssyncadd.tile.s32 @!p0 $0x1;
	_ =	shalt  }
.Lfunc_end2:
_tile_overlayer_lowered:
.L_overlay_start_2:
0x276: {  	(tag) =	ssettag $0x2  }
0x277: {  	s0 =	rddreg [dreg:$0x0];
	s2 =	stileid.u32  }
0x278: {  	s1 =	rddreg [dreg:$0x1];
	p0 =	sne.s32 s2, $0x0  }
0x279: {  	s3 =	rddreg [dreg:$0x2];
	[bflag:$0x3] =	sbarrier.arrive $0xFFFF;
	s2 =	simm.s32 @!p0 $0x1C12  }
0x27a: {  	[timem:s3], [sflag:s2] =	dma.local @!p0 [hbm:s0], s1  }
0x27b: {  	s0 =	simm.s32 @!p0 $0x12  }
0x27c: {  	_ =	swait.ge @!p0 [sflag:s0], s1  }
0x27d: {  	s1 =	ssub.s32 @!p0 $0x0, s1;
	[sflag:s0] =	ssyncset.done @!p0 $0x0  }
0x27e: {  	[sflag:s0] =	ssyncadd.s32 @!p0 s1  }
0x27f: {  	[bflag:$0x3] =	sbarrier.arrive $0xFFFF  }
0x280: {  	_ =	shalt  }

// kernel: kernel.14.cloned.1.call-start
scs
__scs_entry_jumppad:
0x0: {  	(pc) =	sbr.rel $0x88, $3  }
0x1: {  	(tag) =	ssettag $0x0;
	lr =	simm.s32 $0x1  }
0x2: {  	[smem:$0x3F9B] =	sst lr;
	_ =	strace $0xD0000000  }
0x3: {  	_ = 	snop  }
0x4: {  	_ = 	snop  }
0x5: {  	_ = 	snop  }
0x6: {  	_ = 	snop  }
0x7: {  	_ = 	snop  }
__scs_overlays_trampoline_lowered:
0x8: {  	[smem:$0x3FAA] =	sst s0  }
0x9: {  	[smem:$0x3FAB] =	sst s1  }
0xa: {  	[smem:$0x3FAC] =	sst s2  }
0xb: {  	[smem:$0x3FAD] =	sst s3  }
0xc: {  	[smem:$0x3FAE] =	sst s4  }
0xd: {  	[smem:$0x3FAF] =	sst s5  }
0xe: {  	[smem:$0x3FB0] =	sst s6  }
0xf: {  	[smem:$0x3FB1] =	sst s7  }
0x10: {  	[smem:$0x3FB2] =	sst s8  }
0x11: {  	[smem:$0x3FB3] =	sst s9;
	s0 =	simm.s32 @!p0 $0x0  }
0x12: {  	s1 =	sld [smem:$0x3F99];
	s0 =	simm.s32 @p0 $0x1  }
0x13: {  	[smem:$0x3FB4] =	sst s0;
	s0 =	simm.s32 @!p1 $0x0  }
0x14: {  	s2 =	sld [smem:$0x3F98];
	s0 =	simm.s32 @p1 $0x1  }
0x15: {  	[smem:$0x3FB5] =	sst s0;
	s0 =	simm.s32 @!p2 $0x0  }
0x16: {  	s3 =	sld [smem:$0x3FDB];
	s0 =	simm.s32 @p2 $0x1  }
0x17: {  	s4 =	simm.s32 $0x1BF5;
	[smem:$0x3FB7] =	sst s0  }
0x18: {  	s0 =	sld [smem:$0x3F9A];
	_ =	swait.ge [sflag:s4], $0x0  }
0x19: {  	s7 =	sld [smem:$0x3F9B]  }
0x1a: {  	s8 =	sadd.s32 $0xFFFFE003, lr  }
0x1b: {  	s9 =	sadd.s32 $0xFFFFFEF7, lr;
	s5 =	simm.s32 $0xFFFFFFFF;
	p2 =	slt.u32 s8, $0xFFFFF086  }
0x1c: {  	p1 =	slt.u32 s9, $0xF7A;
	s5 =	simm.s32 @!p2 $0x0  }
0x1d: {  	s5 =	simm.s32 @p1 $0x1;
	p0 =	seq.s32 s7, s2  }
0x1e: {  	s7 =	smul.u32 @!p0 $0xF7A, s2;
	p2 =	seq.s32 @!p0 s5, $0x0  }
0x1f: {  	s9 =	smul.u32 $0xF7A, s1;
	s8 =	simm.s32 @!p0 $0x1BF5;
	p2 =	por !p2, p0  }
0x20: {  	[sflag:s8] =	ssyncset.s32 @!p0 $0xFFFFF086;
	s6 =	sadd.s32 @!p0 s3, s7;
	s7 =	simm.s32 @!p0 $0x108  }
0x21: {  	s3 =	sadd.s32 s3, s9;
	s6 =	sadd.s32 @!p0 $0x88, s6;
	s7 =	simm.s32 @p2 $0x1082  }
0x22: {  	[simem:s7], [sflag:s8] =	dma.local @!p0 [hbm:s6], $0xF7A  }
0x23: {  	s9 =	sor.u32 $0xD0000000, s2;
	s6 =	simm.s32 $0x108;
	_ =	swait.ge @!p0 [sflag:s8], $0x0  }
0x24: {  	s3 =	sadd.s32 $0x88, s3;
	s6 =	simm.s32 @!p1 $0x1082;
	[sflag:s4] =	ssyncset.s32 $0xFFFFF086  }
0x25: {  	[simem:s6], [sflag:s4] =	dma.local [hbm:s3], $0xF7A  }
0x26: {  	[smem:$0x3F9B] =	sst s1;
	(tag) =	ssettag s2;
	_ =	strace s9  }
0x27: {  	s1 =	sld [smem:$0x3FAB]  }
0x28: {  	s2 =	sld [smem:$0x3FAC]  }
0x29: {  	s4 =	sld [smem:$0x3FAE]  }
0x2a: {  	p0 =	seq.s32 s5, $0x0;
	s5 =	sld [smem:$0x3FAF]  }
0x2b: {  	s6 =	sld [smem:$0x3FB0]  }
0x2c: {  	s7 =	sld [smem:$0x3FB1]  }
0x2d: {  	s3 =	simm.s32 $0x108;
	s8 =	sld [smem:$0x3FB2]  }
0x2e: {  	s3 =	simm.s32 @!p0 $0x1082;
	s9 =	sld [smem:$0x3FB3]  }
0x2f: {  	lr =	sadd.s32 s0, s3;
	s0 =	sld [smem:$0x3FAA]  }
0x30: {  	s3 =	sld [smem:$0x3FAD]  }
0x31: {  	[smem:$0x3FB6] =	sst s10  }
0x32: {  	s10 =	sld [smem:$0x3FB4];
	_ =	sdelay $0x3  }
0x33: {  	p0 =	seq.s32 s10, $0x1;
	s10 =	sld [smem:$0x3FB6];
	_ =	sdelay $0x3  }
0x34: {  	[smem:$0x3FB6] =	sst s10  }
0x35: {  	s10 =	sld [smem:$0x3FB5];
	_ =	sdelay $0x3  }
0x36: {  	p1 =	seq.s32 s10, $0x1;
	s10 =	sld [smem:$0x3FB6];
	_ =	sdelay $0x3  }
0x37: {  	[smem:$0x3FB6] =	sst s10  }
0x38: {  	s10 =	sld [smem:$0x3FB7]  }
0x39: {  	_ = 	snop;
	(pc) =	sbr.ind lr, $3  }
0x3a: {  	_ = 	snop  }
0x3b: {  	_ = 	snop  }
0x3c: {  	p2 =	seq.s32 s10, $0x1;
	s10 =	sld [smem:$0x3FB6]  }
0x3d: {  	_ =	shalt  }
0x3e: {  	_ =	shalt  }
0x3f: {  	_ =	shalt  }
0x40: {  	_ =	shalt  }
0x41: {  	_ =	shalt  }
0x42: {  	_ =	shalt  }
0x43: {  	_ =	shalt  }
0x44: {  	_ =	shalt  }
0x45: {  	_ =	shalt  }
0x46: {  	_ =	shalt  }
0x47: {  	_ =	shalt  }
0x48: {  	_ =	shalt  }
0x49: {  	_ =	shalt  }
0x4a: {  	_ =	shalt  }
0x4b: {  	_ =	shalt  }
0x4c: {  	_ =	shalt  }
0x4d: {  	_ =	shalt  }
0x4e: {  	_ =	shalt  }
0x4f: {  	_ =	shalt  }
0x50: {  	_ =	shalt  }
0x51: {  	_ =	shalt  }
0x52: {  	_ =	shalt  }
0x53: {  	_ =	shalt  }
0x54: {  	_ =	shalt  }
0x55: {  	_ =	shalt  }
0x56: {  	_ =	shalt  }
0x57: {  	_ =	shalt  }
0x58: {  	_ =	shalt  }
0x59: {  	_ =	shalt  }
0x5a: {  	_ =	shalt  }
0x5b: {  	_ =	shalt  }
0x5c: {  	_ =	shalt  }
0x5d: {  	_ =	shalt  }
0x5e: {  	_ =	shalt  }
0x5f: {  	_ =	shalt  }
0x60: {  	_ =	shalt  }
0x61: {  	_ =	shalt  }
0x62: {  	_ =	shalt  }
0x63: {  	_ =	shalt  }
0x64: {  	_ =	shalt  }
0x65: {  	_ =	shalt  }
0x66: {  	_ =	shalt  }
0x67: {  	_ =	shalt  }
0x68: {  	_ =	shalt  }
0x69: {  	_ =	shalt  }
0x6a: {  	_ =	shalt  }
0x6b: {  	_ =	shalt  }
0x6c: {  	_ =	shalt  }
0x6d: {  	_ =	shalt  }
0x6e: {  	_ =	shalt  }
0x6f: {  	_ =	shalt  }
0x70: {  	_ =	shalt  }
0x71: {  	_ =	shalt  }
0x72: {  	_ =	shalt  }
0x73: {  	_ =	shalt  }
0x74: {  	_ =	shalt  }
0x75: {  	_ =	shalt  }
0x76: {  	_ =	shalt  }
0x77: {  	_ =	shalt  }
0x78: {  	_ =	shalt  }
0x79: {  	_ =	shalt  }
0x7a: {  	_ =	shalt  }
0x7b: {  	_ =	shalt  }
0x7c: {  	_ =	shalt  }
0x7d: {  	_ =	shalt  }
0x7e: {  	_ =	shalt  }
0x7f: {  	_ =	shalt  }
0x80: {  	_ =	shalt  }
0x81: {  	_ =	shalt  }
0x82: {  	_ =	shalt  }
0x83: {  	_ =	shalt  }
0x84: {  	_ =	shalt  }
0x85: {  	_ =	shalt  }
0x86: {  	_ =	shalt  }
0x87: {  	_ =	shalt  }
.Lfunc_end0:
.L_simem_size_0:
called_computation.2_lowered:
.L_overlay_start_0:
0x88: {  	s2 =	sld [smem:$0x3FD9]  }
0x89: {  	s3 =	sld [smem:$0x3FFE];
	_ =	sdelay $0x1  }
0x8a: {  	s1 =	srdreg.scid  }
0x8b: {  	s0 =	sand.u32 $0x1, s1  }
0x8c: {  	s17 =	sshll.u32 s0, $0xA;
	s2 =	sadd.s32 s3, s2  }
0x8d: {  	s2 =	sadd.s32 s2, s17  }
0x8e: {  	[smem:$0x3FC2] =	sst s2  }
0x8f: {  	_ = 	snop  }
0x90: {  	s2 =	sld [smem:$0x3FD0];
	(tm) =	ssettm $0x1  }
0x91: {  	s18 =	sld [smem:$0x3FFB];
	_ =	sdelay $0x3  }
0x92: {  	_ =	strace s18  }
0x93: {  	s3 =	sld [smem:$0x3FFC];
	_ =	sdelay $0x3  }
0x94: {  	_ =	strace s3  }
0x95: {  	s3 =	sld [smem:$0x3FFD];
	_ =	sdelay $0x3  }
0x96: {  	_ =	strace s3  }
0x97: {  	_ =	strace $0x8FFFFFFF  }
0x98: {  	s19 =	sld [smem:$0x3FDB];
	_ =	sdelay $0x1  }
0x99: {  	s4 =	simm.s32 $_scs_section_size  }
0x9a: {  	s5 =	simm.s32 $_size__tile_overlayer_lowered;
	s6 =	simm.s32 $_tile_overlayer_lowered  }
0x9b: {  	s22 =	simm.s32 $0x1BFF;
	s21 =	sshll.u32 s6, $0x1;
	s3 =	sadd.s32 s4, s19  }
0x9c: {  	s7 =	simm.s32 $0x0;
	s20 =	sshll.u32 s5, $0x1;
	s5 =	sadd.s32 s21, s3  }
0x9d: {  	[timem:s7], [sflag:s22] =	dma.local [hbm:s5], s20  }
0x9e: {  	_ =	swait.ge [sflag:s22], s20  }
0x9f: {  	s4 =	ssub.s32 $0x0, s20;
	[sflag:s22] =	ssyncset.done $0x0  }
0xa0: {  	[sflag:s22] =	ssyncadd.s32 s4;
	_ =	sdelay $0x1  }
0xa1: {  	s23 =	simm.s32 $0x1B8B  }
0xa2: {  	_ =	swait.ge [sflag:s23], $0x1  }
0xa3: {  	[sflag:s23] =	ssyncset.done $0x0  }
0xa4: {  	s25 =	simm.s32 $0x1B8E;
	s24 =	sld [smem:$0x3FFE];
	[sflag:s23] =	ssyncadd.s32 $0xFFFFFFFF  }
0xa5: {  	s26 =	simm.s32 $execute0_lowered;
	[smem:$0x3FD2] =	sst s25  }
0xa6: {  	s5 =	sshll.u32 s26, $0x1;
	_ =	strace $0x8000004C;
	[dreg:$0x1] =	wrdreg $0xFFFFFFFF  }
0xa7: {  	s28 =	simm.s32 $_size_execute0_lowered;
	s3 =	sadd.s32 s3, s5;
	[dreg:$0x0] =	wrdreg $0x0  }
0xa8: {  	s5 =	sshll.u32 s28, $0x1;
	[dreg:$0x2] =	wrdreg s3  }
0xa9: {  	[dreg:$0x3] =	wrdreg s5  }
0xaa: {  	[dreg:$0x4] =	wrdreg $0xC0  }
0xab: {  	_ =	task [dreg:s7], $0x5FFFF  }
0xac: {  	[dreg:$0x1] =	wrdreg $0xFFFFFFFF  }
0xad: {  	[dreg:$0x0] =	wrdreg $0x60  }
0xae: {  	[dreg:$0x2] =	wrdreg s2  }
0xaf: {  	[dreg:$0x3] =	wrdreg s24  }
0xb0: {  	[dreg:$0x4] =	wrdreg $0x0  }
0xb1: {  	[dreg:$0x5] =	wrdreg $0x9  }
0xb2: {  	_ =	task.clear_ibuf [dreg:s7], $0x6FFFF;
	_ =	strace $0x9000004C  }
0xb3: {  	s29 =	simm.s32 $0x9;
	_ =	strace $0x8000004E  }
0xb4: {  	_ =	swait.ge [sflag:s29], $0x1  }
0xb5: {  	[sflag:s29] =	ssyncadd.s32 $0xFFFFFFFF  }
0xb6: {  	_ =	strace $0x9000004E  }
0xb7: {  	_ =	sfence  }
0xb8: {  	s30 =	sld [smem:$0x0];
	_ =	sdelay $0x2  }
0xb9: {  	s31 =	sshll.u32 s1, $0xD;
	s1 =	sshrl.u32 s1, $0x2  }
0xba: {  	s3 =	sand.u32 $0x4000, s31;
	s1 =	sadd.s32 s1, s30  }
0xbb: {  	s0 =	sor.u32 s3, s0;
	s1 =	sshll.u32 s1, $0x11  }
0xbc: {  	s0 =	sor.u32 s1, s0  }
0xbd: {  	s0 =	sadd.s32 $0x8F2B, s0  }
0xbe: {  	[sflag:s0] =	ssyncadd.remote.s32 $0x1  }
0xbf: {  	_ =	sfence.sel $0xFFFF  }
0xc0: {  	[dreg:$0x0] =	wrdreg $0xFFFFFFFF;
	(pc) =	sbr.abs _section_cstart, $3  }
0xc1: {  	[dreg:$0x1] =	wrdreg $0xFFFFFFFF  }
0xc2: {  	_ =	task.clear_ibuf [dreg:s7], $0x2FFFF;
	_ =	strace $0x9FFFFFFF  }
0xc3: {  	(tm) =	ssettm $0x7FFFFFFF  }
tec
execute0_lowered:
.L_overlay_start_1:
0x0: {  	(tag) =	ssettag $0x1  }
0x1: {  	s1 =	rddreg [dreg:$0x0]  }
0x2: {  	s0 =	rddreg [dreg:$0x1]  }
0x3: {  	s2 =	rddreg [dreg:$0x2];
	s3 =	simm.s32 $0x0;
	s4 =	srdreg.scid  }
0x4: {  	s13 =	stileid.u32;
	[smem:$0x7FF] =	sst s3;
	s7 =	sand.u32 $0x1, s4  }
0x5: {  	s29 =	sadd.s32 $0x2A00, s0;
	s18 =	sadd.s32 $0xC800, s0;
	s5 =	smul.u32 $0x4F000, s13  }
0x6: {  	s6 =	sadd.s32 $0x64800, s0;
	s9 =	smul.u32 $0x2780, s13;
	s4 =	sshll.u32 s7, $0x4  }
0x7: {  	_ =	strace $0x8000004D;
	s25 =	ssub.s32 $0x2, s7;
	s4 =	sor.u32 s13, s4  }
0x8: {  	[dreg:$0x12] =	wrdreg s18;
	s8 =	sshrl.u32 s25, $0x1;
	s4 =	smul.u32 $0x2710, s4  }
0x9: {  	s5 =	sshrl.u32 s5, $0x2;
	s26 =	sadd.s32 s1, s9;
	s0 =	ssub.s32 s25, s8  }
0xa: {  	s5 =	sadd.s32 s5, s2;
	[dreg:$0x14] =	wrdreg s26;
	s4 =	sshrl.u32 s4, $0x3  }
0xb: {  	[dreg:$0x13] =	wrdreg s5;
	s0 =	smax.u32 s0, $0x1;
	s28 =	sadd.s32 $0xA, s4  }
0xc: {  	[smem:$0x7FA] =	sst s0;
	s31 =	sadd.s32 s29, s28  }
0xd: {  	s3 =	sadd.s32 $0x14, s4;
	s5 =	sadd.s32 s18, s28;
	[dreg:$0x15] =	wrdreg s31  }
0xe: {  	s10 =	smul.u32 $0x2710, s13;
	s11 =	sadd.s32 s29, s3;
	[dreg:$0x16] =	wrdreg s5  }
0xf: {  	s8 =	sadd.s32 $0x28, s4;
	s12 =	sadd.s32 s18, s3;
	[dreg:$0x17] =	wrdreg s11  }
0x10: {  	s30 =	smul.u32 $0x27100, s7;
	s17 =	sadd.s32 s29, s8;
	[dreg:$0x18] =	wrdreg s12  }
0x11: {  	s8 =	sadd.s32 s18, s8;
	s11 =	sadd.s32 $0x1E, s4;
	[dreg:$0x1b] =	wrdreg s17  }
0x12: {  	s5 =	sadd.s32 s10, s30;
	[dreg:$0x1c] =	wrdreg s8;
	s14 =	sadd.s32 s29, s11  }
0x13: {  	s15 =	sadd.s32 s18, s11;
	s16 =	sadd.s32 $0x4B0, s5;
	s22 =	sadd.s32 $0x410, s5  }
0x14: {  	s26 =	sadd.s32 $0x3C0, s5;
	[dreg:$0x19] =	wrdreg s14;
	s9 =	sshrl.u32 s16, $0x3  }
0x15: {  	s3 =	sadd.s32 $0x370, s5;
	[dreg:$0x1a] =	wrdreg s15;
	s19 =	sadd.s32 s9, s18  }
0x16: {  	s24 =	sshrl.u32 s22, $0x3;
	s9 =	sadd.s32 s9, s29;
	[dreg:$0x4] =	wrdreg s19  }
0x17: {  	s14 =	sadd.s32 $0x460, s5;
	s25 =	sadd.s32 s24, s18;
	[dreg:$0x5] =	wrdreg s9  }
0x18: {  	s30 =	sshrl.u32 s26, $0x3;
	s28 =	sadd.s32 s24, s29;
	[dreg:$0x8] =	wrdreg s25  }
0x19: {  	s15 =	sshrl.u32 s3, $0x3;
	s31 =	sadd.s32 s30, s18;
	[dreg:$0x9] =	wrdreg s28  }
0x1a: {  	s22 =	sadd.s32 $0x2D0, s5;
	s12 =	sadd.s32 s30, s29;
	[dreg:$0xa] =	wrdreg s31  }
0x1b: {  	s26 =	sadd.s32 $0x32, s4;
	s16 =	sadd.s32 s15, s18;
	[dreg:$0xb] =	wrdreg s12  }
0x1c: {  	s20 =	sshrl.u32 s14, $0x3;
	s30 =	sadd.s32 s18, s26;
	[dreg:$0xc] =	wrdreg s16  }
0x1d: {  	s24 =	sshrl.u32 s22, $0x3;
	s22 =	sadd.s32 s18, s4;
	[dreg:$0x1e] =	wrdreg s30  }
0x1e: {  	s21 =	sadd.s32 s20, s18;
	[smem:$0x7F4] =	sst s22  }
0x1f: {  	s23 =	sadd.s32 s20, s29;
	[dreg:$0x6] =	wrdreg s21  }
0x20: {  	s7 =	smul.u32 $0x138800, s7;
	s19 =	sadd.s32 s15, s29;
	[dreg:$0x7] =	wrdreg s23  }
0x21: {  	s10 =	smul.u32 $0x13C00, s13;
	s25 =	sadd.s32 s24, s18;
	[dreg:$0xd] =	wrdreg s19  }
0x22: {  	s17 =	sadd.s32 $0x320, s5;
	s28 =	sadd.s32 s29, s26;
	[dreg:$0x10] =	wrdreg s25  }
0x23: {  	s11 =	sadd.s32 $0x46, s4;
	s3 =	sadd.s32 s24, s29;
	[dreg:$0x1d] =	wrdreg s28  }
0x24: {  	s14 =	sadd.s32 $0x4B0, s4;
	s12 =	sadd.s32 s29, s11;
	[dreg:$0x11] =	wrdreg s3  }
0x25: {  	s10 =	sadd.s32 s10, s7;
	s15 =	sadd.s32 s29, s14;
	[smem:$0x7EB] =	sst s12  }
0x26: {  	s20 =	sshrl.u32 s17, $0x3;
	s30 =	sadd.s32 $0x128400, s2;
	[smem:$0x7ED] =	sst s15  }
0x27: {  	s7 =	sshrl.u32 s7, $0x3;
	s21 =	sadd.s32 s20, s18;
	[smem:$0x7FC] =	sst s30  }
0x28: {  	s31 =	sshrl.u32 s10, $0x3;
	s23 =	sadd.s32 s20, s29;
	[dreg:$0xe] =	wrdreg s21  }
0x29: {  	s9 =	sadd.s32 $0x3C, s4;
	s8 =	sadd.s32 s6, s31;
	[dreg:$0xf] =	wrdreg s23  }
0x2a: {  	s16 =	sadd.s32 $0x4BA, s4;
	s10 =	sadd.s32 s29, s9;
	[dreg:$0x1f] =	wrdreg s8  }
0x2b: {  	s6 =	sadd.s32 s6, s7;
	s7 =	sadd.s32 s18, s9;
	[smem:$0x7E9] =	sst s10  }
0x2c: {  	s17 =	sadd.s32 s29, s16;
	[smem:$0x7EA] =	sst s7  }
0x2d: {  	s28 =	sadd.s32 $0x280, s5;
	[smem:$0x7EF] =	sst s17  }
0x2e: {  	s31 =	sadd.s32 $0x25080, s1;
	[smem:$0x7FB] =	sst s28  }
0x2f: {  	s19 =	sadd.s32 $0x4C4, s4;
	s7 =	sadd.s32 s18, s11;
	[smem:$0x7FD] =	sst s31  }
0x30: {  	s20 =	sadd.s32 s29, s19;
	[smem:$0x7EC] =	sst s7  }
0x31: {  	s21 =	sadd.s32 s29, s4;
	[smem:$0x7F1] =	sst s20  }
0x32: {  	s26 =	sadd.s32 $0x25080, s6;
	[smem:$0x7F3] =	sst s21  }
0x33: {  	s23 =	sadd.s32 $0x4CE, s4;
	s7 =	sadd.s32 s18, s14;
	[smem:$0x7F9] =	sst s26  }
0x34: {  	s4 =	sadd.s32 $0x4D8, s4;
	s24 =	sadd.s32 s29, s23;
	[smem:$0x7EE] =	sst s7  }
0x35: {  	s25 =	sadd.s32 s29, s4;
	[smem:$0x7F5] =	sst s24  }
0x36: {  	s4 =	sadd.s32 s18, s4;
	[smem:$0x7F7] =	sst s25  }
0x37: {  	s7 =	sadd.s32 s18, s16;
	[smem:$0x7F8] =	sst s4  }
0x38: {  	[smem:$0x7F0] =	sst s7;
	s7 =	sadd.s32 s18, s19  }
0x39: {  	p0 =	seq.s32 s13, $0xF;
	[smem:$0x7F2] =	sst s7;
	s7 =	sadd.s32 s18, s23  }
0x3a: {  	s0 =	simm.s32 $0x0;
	s14 =	simm.s32 $0x50;
	[smem:$0x7F6] =	sst s7  }
.LBB2_1:
0x3b: {  	s24 =	sld [smem:$0x7FC];
	_ =	sdelay $0x1  }
0x3c: {  	s25 =	sld [smem:$0x7FD]  }
0x3d: {  	[smem:$0x7E5] =	sst s0;
	s0 =	sshrl.u32 @p0 s24, $0x3  }
0x3e: {  	s24 =	simm.s32 @p0 $0x1FD1;
	[smem:$0x7E6] =	sst s0  }
0x3f: {  	[spmem:s0], [sflag:s24] =	dma.local @p0 [hbm:s25], $0x2080  }
0x40: {  	s24 =	stileid.u32  }
0x41: {  	s0 =	sshll.u32 @!p0 s24, $0x6;
	s25 =	rddreg [dreg:$0x13]  }
0x42: {  	[smem:$0x7E7] =	sst s0  }
0x43: {  	s24 =	sor.u32 @!p0 $0x1C11, s0;
	s0 =	sshrl.u32 @!p0 s25, $0x3;
	s25 =	rddreg [dreg:$0x14]  }
0x44: {  	[smem:$0x7E8] =	sst s0  }
0x45: {  	[spmem:s0], [sflag:s24] =	dma.local @!p0 [hbm:s25], $0x2780  }
0x46: {  	s24 =	sld [smem:$0x7F3];
	_ =	sdelay $0x1  }
0x47: {  	s8 =	simm.s32 $0x1D880;
	s4 =	simm.s32 $0x0;
	s17 =	sld [smem:$0x7F4]  }
0x48: {  	[tilespmem:s8], [sflag:$0x9] =	stream.linear.gather [hbm4b:s24+s4], $0x50, $0x38;
	[tilespmem:$0x1E080] =	vst v63  }
0x49: {  	s19 =	simm.s32 $0x1DC80;
	s20 =	rddreg [dreg:$0x15]  }
0x4a: {  	[tilespmem:s19], [sflag:$0x9] =	stream.linear.gather [hbm4b:s17+s4], $0x50, $0x38;
	[tilespmem:$0x1E080] =	vst v63  }
0x4b: {  	s30 =	simm.s32 $0x1D900;
	s21 =	rddreg [dreg:$0x16]  }
0x4c: {  	[tilespmem:s30], [sflag:$0xA] =	stream.linear.gather [hbm4b:s20+s4], $0x50, $0x38;
	[tilespmem:$0x1E080] =	vst v63  }
0x4d: {  	s31 =	simm.s32 $0x1DD00;
	s22 =	rddreg [dreg:$0x17]  }
0x4e: {  	[tilespmem:s31], [sflag:$0xA] =	stream.linear.gather [hbm4b:s21+s4], $0x50, $0x38;
	[tilespmem:$0x1E080] =	vst v63  }
0x4f: {  	s23 =	simm.s32 $0x1D980;
	s25 =	rddreg [dreg:$0x18]  }
0x50: {  	[tilespmem:s23], [sflag:$0xB] =	stream.linear.gather [hbm4b:s22+s4], $0x50, $0x38;
	[tilespmem:$0x1E080] =	vst v63  }
0x51: {  	s7 =	simm.s32 $0x1DD80;
	s26 =	rddreg [dreg:$0x19]  }
0x52: {  	[tilespmem:s7], [sflag:$0xB] =	stream.linear.gather [hbm4b:s25+s4], $0x50, $0x38;
	[tilespmem:$0x1E080] =	vst v63  }
0x53: {  	s28 =	simm.s32 $0x1DA00;
	s0 =	rddreg [dreg:$0x1a]  }
0x54: {  	[tilespmem:s28], [sflag:$0xC] =	stream.linear.gather [hbm4b:s26+s4], $0x50, $0x38;
	[tilespmem:$0x1E080] =	vst v63  }
0x55: {  	s10 =	simm.s32 $0x1DE00;
	s2 =	rddreg [dreg:$0x1b]  }
0x56: {  	[tilespmem:s10], [sflag:$0xC] =	stream.linear.gather [hbm4b:s0+s4], $0x50, $0x38;
	[tilespmem:$0x1E080] =	vst v63  }
0x57: {  	s3 =	simm.s32 $0x1DA80;
	s5 =	rddreg [dreg:$0x1c]  }
0x58: {  	[tilespmem:s3], [sflag:$0xD] =	stream.linear.gather [hbm4b:s2+s4], $0x50, $0x38;
	[tilespmem:$0x1E080] =	vst v63  }
0x59: {  	s9 =	simm.s32 $0x1DE80;
	s11 =	rddreg [dreg:$0x1d]  }
0x5a: {  	[tilespmem:s9], [sflag:$0xD] =	stream.linear.gather [hbm4b:s5+s4], $0x50, $0x38;
	[tilespmem:$0x1E080] =	vst v63  }
0x5b: {  	s12 =	simm.s32 $0x1DB00;
	s13 =	rddreg [dreg:$0x1e]  }
0x5c: {  	[tilespmem:s12], [sflag:$0xE] =	stream.linear.gather [hbm4b:s11+s4], $0x50, $0x38;
	[tilespmem:$0x1E080] =	vst v63  }
0x5d: {  	s15 =	simm.s32 $0x1DF00;
	s16 =	sld [smem:$0x7E9]  }
0x5e: {  	[tilespmem:s15], [sflag:$0xE] =	stream.linear.gather [hbm4b:s13+s4], $0x50, $0x38;
	[tilespmem:$0x1E080] =	vst v63  }
0x5f: {  	s17 =	simm.s32 $0x1DB80;
	s19 =	sld [smem:$0x7EA]  }
0x60: {  	[tilespmem:s17], [sflag:$0xF] =	stream.linear.gather [hbm4b:s16+s4], $0x50, $0x38;
	[tilespmem:$0x1E080] =	vst v63  }
0x61: {  	s20 =	simm.s32 $0x1DF80;
	s21 =	sld [smem:$0x7EB]  }
0x62: {  	[tilespmem:s20], [sflag:$0xF] =	stream.linear.gather [hbm4b:s19+s4], $0x50, $0x38;
	[tilespmem:$0x1E080] =	vst v63  }
0x63: {  	s25 =	simm.s32 $0x1DC00;
	s26 =	sld [smem:$0x7EC]  }
0x64: {  	[tilespmem:s25], [sflag:$0x10] =	stream.linear.gather [hbm4b:s21+s4], $0x50, $0x38;
	[tilespmem:$0x1E080] =	vst v63  }
0x65: {  	s28 =	simm.s32 $0x1E000;
	s0 =	simm.s32 $0x9  }
0x66: {  	[tilespmem:s28], [sflag:$0x10] =	stream.linear.gather [hbm4b:s26+s4], $0x50, $0x38;
	[tilespmem:$0x1E080] =	vst v63  }
0x67: {  	_ =	swait.ge [sflag:s0], $0x50  }
0x68: {  	[sflag:s0] =	ssyncset.done $0x0  }
0x69: {  	[sflag:s0] =	ssyncadd.s32 $0xFFFFFFB0  }
0x6a: {  	_ =	swait.ge [sflag:s0], $0x50  }
0x6b: {  	[sflag:s0] =	ssyncset.done $0x0  }
0x6c: {  	[sflag:s0] =	ssyncadd.s32 $0xFFFFFFB0  }
0x6d: {  	s5 =	simm.s32 $0xA;
	s13 =	simm.s32 $0x13880;
	s2 =	rddreg [dreg:$0x0]  }
0x6e: {  	[tilespmem:s13], [sflag:$0x1] =	stream.indirect.gather [hbm4b:s2+s14], $0x80, s8, s14, $0xb8;
	[tilespmem:$0x1E080] =	vst v63  }
0x6f: {  	_ =	swait.ge [sflag:s5], $0x50  }
0x70: {  	[sflag:s5] =	ssyncset.done $0x0  }
0x71: {  	[sflag:s5] =	ssyncadd.s32 $0xFFFFFFB0  }
0x72: {  	_ =	swait.ge [sflag:s5], $0x50  }
0x73: {  	[sflag:s5] =	ssyncset.done $0x0  }
0x74: {  	s24 =	simm.s32 @p0 $0x11;
	s15 =	simm.s32 $0x16080;
	[sflag:s5] =	ssyncadd.s32 $0xFFFFFFB0  }
0x75: {  	[tilespmem:s15], [sflag:$0x2] =	stream.indirect.gather [hbm4b:s2+s14], $0x80, s30, s14, $0xb8;
	[tilespmem:$0x1E080] =	vst v63  }
0x76: {  	_ =	swait.ge @p0 [sflag:s24], $0x2080  }
0x77: {  	[sflag:s24] =	ssyncset.done @p0 $0x0  }
0x78: {  	[sflag:s24] =	ssyncadd.s32 @p0 $0xFFFFDF80;
	s24 =	simm.s32 @!p0 $0x11  }
0x79: {  	_ =	swait.ge @!p0 [sflag:s24], $0x2780  }
0x7a: {  	[sflag:s24] =	ssyncset.done @!p0 $0x0  }
0x7b: {  	[sflag:s24] =	ssyncadd.s32 @!p0 $0xFFFFD880  }
0x7c: {  	s16 =	simm.s32 $0x1;
	[bflag:$0x0] =	sbarrier.arrive $0xFFFF  }
0x7d: {  	_ =	swait.ge [sflag:s16], $0x2800  }
0x7e: {  	[sflag:s16] =	ssyncset.done $0x0  }
0x7f: {  	[sflag:s16] =	ssyncadd.s32 $0xFFFFD800  }
0x80: {  	s21 =	simm.s32 $0x1DC80;
	s28 =	simm.s32 $0xB;
	s9 =	rddreg [dreg:$0x2]  }
0x81: {  	[spmem:s9] =	stream.indirect.scatter.add.f32 [tilespmem:s13], [sflag:$0x5], $0x80, s21, s14, $0xb8;
	[tilespmem:$0x1E080] =	vst v63  }
0x82: {  	_ =	swait.ge [sflag:s28], $0x50  }
0x83: {  	[sflag:s28] =	ssyncset.done $0x0  }
0x84: {  	[sflag:s28] =	ssyncadd.s32 $0xFFFFFFB0  }
0x85: {  	_ =	swait.ge [sflag:s28], $0x50  }
0x86: {  	s6 =	simm.s32 $0x1D980;
	[sflag:s28] =	ssyncset.done $0x0  }
0x87: {  	s11 =	simm.s32 $0x2;
	s17 =	simm.s32 $0x18880;
	[sflag:s28] =	ssyncadd.s32 $0xFFFFFFB0  }
0x88: {  	[tilespmem:s17], [sflag:$0x3] =	stream.indirect.gather [hbm4b:s2+s14], $0x80, s6, s14, $0xb8;
	[tilespmem:$0x1E080] =	vst v63  }
0x89: {  	_ =	swait.ge [sflag:s11], $0x2800  }
0x8a: {  	[sflag:s11] =	ssyncset.done $0x0  }
0x8b: {  	s12 =	simm.s32 $0xC;
	[sflag:s11] =	ssyncadd.s32 $0xFFFFD800  }
0x8c: {  	[spmem:s9] =	stream.indirect.scatter.add.f32 [tilespmem:s15], [sflag:$0x6], $0x80, s31, s14, $0xb8;
	[tilespmem:$0x1E080] =	vst v63  }
0x8d: {  	_ =	swait.ge [sflag:s12], $0x50  }
0x8e: {  	[sflag:s12] =	ssyncset.done $0x0  }
0x8f: {  	[sflag:s12] =	ssyncadd.s32 $0xFFFFFFB0  }
0x90: {  	_ =	swait.ge [sflag:s12], $0x50  }
0x91: {  	s1 =	simm.s32 $0x1DA00;
	[sflag:s12] =	ssyncset.done $0x0  }
0x92: {  	s19 =	simm.s32 $0x1B080;
	s20 =	simm.s32 $0x5;
	[sflag:s12] =	ssyncadd.s32 $0xFFFFFFB0  }
0x93: {  	[tilespmem:s19], [sflag:$0x4] =	stream.indirect.gather [hbm4b:s2+s14], $0x80, s1, s14, $0xb8;
	[tilespmem:$0x1E080] =	vst v63  }
0x94: {  	_ =	swait.ge [sflag:s20], $0x2800  }
0x95: {  	s26 =	sld [smem:$0x7FB];
	_ =	sdelay $0x2  }
0x96: {  	[sflag:s20] =	ssyncset.done $0x0;
	s1 =	sshrl.u32 s26, $0x3  }
0x97: {  	[sflag:s20] =	ssyncadd.s32 $0xFFFFD800;
	s6 =	sadd.s32 s29, s1  }
0x98: {  	[tilespmem:s8], [sflag:$0x9] =	stream.linear.gather [hbm4b:s6+s4], $0x50, $0x38;
	[tilespmem:$0x1E080] =	vst v63  }
0x99: {  	s24 =	sadd.s32 s18, s1;
	s1 =	simm.s32 $0xD  }
0x9a: {  	[tilespmem:s21], [sflag:$0x9] =	stream.linear.gather [hbm4b:s24+s4], $0x50, $0x38;
	[tilespmem:$0x1E080] =	vst v63  }
0x9b: {  	_ =	swait.ge [sflag:s1], $0x50  }
0x9c: {  	[sflag:s1] =	ssyncset.done $0x0  }
0x9d: {  	[sflag:s1] =	ssyncadd.s32 $0xFFFFFFB0  }
0x9e: {  	_ =	swait.ge [sflag:s1], $0x50  }
0x9f: {  	[sflag:s1] =	ssyncset.done $0x0  }
0xa0: {  	s22 =	simm.s32 $0x1DA80;
	s21 =	simm.s32 $0x3;
	[sflag:s1] =	ssyncadd.s32 $0xFFFFFFB0  }
0xa1: {  	[tilespmem:s13], [sflag:$0x1] =	stream.indirect.gather [hbm4b:s2+s14], $0x80, s22, s14, $0xb8;
	[tilespmem:$0x1E080] =	vst v63  }
0xa2: {  	_ =	swait.ge [sflag:s21], $0x2800  }
0xa3: {  	[sflag:s21] =	ssyncset.done $0x0  }
0xa4: {  	s22 =	simm.s32 $0x6;
	[sflag:s21] =	ssyncadd.s32 $0xFFFFD800  }
0xa5: {  	[spmem:s9] =	stream.indirect.scatter.add.f32 [tilespmem:s17], [sflag:$0x7], $0x80, s7, s14, $0xb8;
	[tilespmem:$0x1E080] =	vst v63  }
0xa6: {  	_ =	swait.ge [sflag:s22], $0x2800  }
0xa7: {  	s6 =	rddreg [dreg:$0x11];
	[sflag:s22] =	ssyncset.done $0x0  }
0xa8: {  	s18 =	rddreg [dreg:$0x10];
	[sflag:s22] =	ssyncadd.s32 $0xFFFFD800;
	s24 =	sadd.s32 $0x0, s6  }
0xa9: {  	[tilespmem:s30], [sflag:$0xA] =	stream.linear.gather [hbm4b:s24+s4], $0x50, $0x38;
	[tilespmem:$0x1E080] =	vst v63  }
0xaa: {  	s1 =	simm.s32 $0xE;
	s25 =	sadd.s32 $0x0, s18  }
0xab: {  	[tilespmem:s31], [sflag:$0xA] =	stream.linear.gather [hbm4b:s25+s4], $0x50, $0x38;
	[tilespmem:$0x1E080] =	vst v63  }
0xac: {  	_ =	swait.ge [sflag:s1], $0x50  }
0xad: {  	[sflag:s1] =	ssyncset.done $0x0  }
0xae: {  	[sflag:s1] =	ssyncadd.s32 $0xFFFFFFB0  }
0xaf: {  	_ =	swait.ge [sflag:s1], $0x50  }
0xb0: {  	[sflag:s1] =	ssyncset.done $0x0  }
0xb1: {  	s23 =	simm.s32 $0x1DB00;
	[sflag:s1] =	ssyncadd.s32 $0xFFFFFFB0  }
0xb2: {  	[tilespmem:s15], [sflag:$0x2] =	stream.indirect.gather [hbm4b:s2+s14], $0x80, s23, s14, $0xb8;
	[tilespmem:$0x1E080] =	vst v63  }
0xb3: {  	s23 =	simm.s32 $0x4  }
0xb4: {  	_ =	swait.ge [sflag:s23], $0x2800  }
0xb5: {  	[sflag:s23] =	ssyncset.done $0x0  }
0xb6: {  	s1 =	simm.s32 $0x7;
	[sflag:s23] =	ssyncadd.s32 $0xFFFFD800  }
0xb7: {  	[spmem:s9] =	stream.indirect.scatter.add.f32 [tilespmem:s19], [sflag:$0x8], $0x80, s10, s14, $0xb8;
	[tilespmem:$0x1E080] =	vst v63  }
0xb8: {  	_ =	swait.ge [sflag:s1], $0x2800  }
0xb9: {  	s3 =	simm.s32 $0x1D980;
	s6 =	rddreg [dreg:$0xf];
	[sflag:s1] =	ssyncset.done $0x0  }
0xba: {  	s18 =	rddreg [dreg:$0xe];
	[sflag:s1] =	ssyncadd.s32 $0xFFFFD800;
	s24 =	sadd.s32 $0x0, s6  }
0xbb: {  	[tilespmem:s3], [sflag:$0xB] =	stream.linear.gather [hbm4b:s24+s4], $0x50, $0x38;
	[tilespmem:$0x1E080] =	vst v63  }
0xbc: {  	s31 =	sadd.s32 $0x0, s18;
	s3 =	simm.s32 $0xF  }
0xbd: {  	[tilespmem:s7], [sflag:$0xB] =	stream.linear.gather [hbm4b:s31+s4], $0x50, $0x38;
	[tilespmem:$0x1E080] =	vst v63  }
0xbe: {  	_ =	swait.ge [sflag:s3], $0x50  }
0xbf: {  	[sflag:s3] =	ssyncset.done $0x0  }
0xc0: {  	[sflag:s3] =	ssyncadd.s32 $0xFFFFFFB0  }
0xc1: {  	_ =	swait.ge [sflag:s3], $0x50  }
0xc2: {  	[sflag:s3] =	ssyncset.done $0x0  }
0xc3: {  	s6 =	simm.s32 $0x1DB80;
	[sflag:s3] =	ssyncadd.s32 $0xFFFFFFB0  }
0xc4: {  	[tilespmem:s17], [sflag:$0x3] =	stream.indirect.gather [hbm4b:s2+s14], $0x80, s6, s14, $0xb8;
	[tilespmem:$0x1E080] =	vst v63  }
0xc5: {  	_ =	swait.ge [sflag:s16], $0x2800  }
0xc6: {  	[sflag:s16] =	ssyncset.done $0x0  }
0xc7: {  	s7 =	simm.s32 $0x8;
	s6 =	simm.s32 $0x1DE80;
	[sflag:s16] =	ssyncadd.s32 $0xFFFFD800  }
0xc8: {  	[spmem:s9] =	stream.indirect.scatter.add.f32 [tilespmem:s13], [sflag:$0x5], $0x80, s6, s14, $0xb8;
	[tilespmem:$0x1E080] =	vst v63  }
0xc9: {  	_ =	swait.ge [sflag:s7], $0x2800  }
0xca: {  	s3 =	simm.s32 $0x1DA00;
	s18 =	rddreg [dreg:$0xd];
	[sflag:s7] =	ssyncset.done $0x0  }
0xcb: {  	s25 =	rddreg [dreg:$0xc];
	[sflag:s7] =	ssyncadd.s32 $0xFFFFD800;
	s24 =	sadd.s32 $0x0, s18  }
0xcc: {  	[tilespmem:s3], [sflag:$0xC] =	stream.linear.gather [hbm4b:s24+s4], $0x50, $0x38;
	[tilespmem:$0x1E080] =	vst v63  }
0xcd: {  	s3 =	sadd.s32 $0x0, s25;
	s24 =	simm.s32 $0x10  }
0xce: {  	[tilespmem:s10], [sflag:$0xC] =	stream.linear.gather [hbm4b:s3+s4], $0x50, $0x38;
	[tilespmem:$0x1E080] =	vst v63  }
0xcf: {  	_ =	swait.ge [sflag:s24], $0x50  }
0xd0: {  	[sflag:s24] =	ssyncset.done $0x0  }
0xd1: {  	[sflag:s24] =	ssyncadd.s32 $0xFFFFFFB0  }
0xd2: {  	_ =	swait.ge [sflag:s24], $0x50  }
0xd3: {  	[sflag:s24] =	ssyncset.done $0x0  }
0xd4: {  	s10 =	simm.s32 $0x1DC00;
	[sflag:s24] =	ssyncadd.s32 $0xFFFFFFB0  }
0xd5: {  	[tilespmem:s19], [sflag:$0x4] =	stream.indirect.gather [hbm4b:s2+s14], $0x80, s10, s14, $0xb8;
	[tilespmem:$0x1E080] =	vst v63  }
0xd6: {  	_ =	swait.ge [sflag:s11], $0x2800  }
0xd7: {  	[sflag:s11] =	ssyncset.done $0x0  }
0xd8: {  	s3 =	simm.s32 $0x1DF00;
	[sflag:s11] =	ssyncadd.s32 $0xFFFFD800  }
0xd9: {  	[spmem:s9] =	stream.indirect.scatter.add.f32 [tilespmem:s15], [sflag:$0x6], $0x80, s3, s14, $0xb8;
	[tilespmem:$0x1E080] =	vst v63  }
0xda: {  	_ =	swait.ge [sflag:s20], $0x2800  }
0xdb: {  	s24 =	rddreg [dreg:$0xb]  }
0xdc: {  	[sflag:s20] =	ssyncset.done $0x0;
	s25 =	rddreg [dreg:$0xa]  }
0xdd: {  	[sflag:s20] =	ssyncadd.s32 $0xFFFFD800;
	s24 =	sadd.s32 $0x0, s24;
	s20 =	simm.s32 $0x1DA80  }
0xde: {  	[tilespmem:s20], [sflag:$0xD] =	stream.linear.gather [hbm4b:s24+s4], $0x50, $0x38;
	[tilespmem:$0x1E080] =	vst v63  }
0xdf: {  	s25 =	sadd.s32 $0x0, s25  }
0xe0: {  	[tilespmem:s6], [sflag:$0xD] =	stream.linear.gather [hbm4b:s25+s4], $0x50, $0x38;
	[tilespmem:$0x1E080] =	vst v63  }
0xe1: {  	_ =	swait.ge [sflag:s0], $0x50  }
0xe2: {  	[sflag:s0] =	ssyncset.done $0x0  }
0xe3: {  	[sflag:s0] =	ssyncadd.s32 $0xFFFFFFB0  }
0xe4: {  	_ =	swait.ge [sflag:s0], $0x50  }
0xe5: {  	[sflag:s0] =	ssyncset.done $0x0  }
0xe6: {  	[sflag:s0] =	ssyncadd.s32 $0xFFFFFFB0  }
0xe7: {  	[tilespmem:s13], [sflag:$0x1] =	stream.indirect.gather [hbm4b:s2+s14], $0x80, s8, s14, $0xb8;
	[tilespmem:$0x1E080] =	vst v63  }
0xe8: {  	_ =	swait.ge [sflag:s21], $0x2800  }
0xe9: {  	[sflag:s21] =	ssyncset.done $0x0  }
0xea: {  	s8 =	simm.s32 $0x1DF80;
	[sflag:s21] =	ssyncadd.s32 $0xFFFFD800  }
0xeb: {  	[spmem:s9] =	stream.indirect.scatter.add.f32 [tilespmem:s17], [sflag:$0x7], $0x80, s8, s14, $0xb8;
	[tilespmem:$0x1E080] =	vst v63  }
0xec: {  	_ =	swait.ge [sflag:s22], $0x2800  }
0xed: {  	s20 =	rddreg [dreg:$0x9]  }
0xee: {  	[sflag:s22] =	ssyncset.done $0x0;
	s21 =	rddreg [dreg:$0x8]  }
0xef: {  	[sflag:s22] =	ssyncadd.s32 $0xFFFFD800;
	s24 =	sadd.s32 $0x0, s20;
	s22 =	simm.s32 $0x1DB00  }
0xf0: {  	[tilespmem:s22], [sflag:$0xE] =	stream.linear.gather [hbm4b:s24+s4], $0x50, $0x38;
	[tilespmem:$0x1E080] =	vst v63  }
0xf1: {  	s6 =	sadd.s32 $0x0, s21  }
0xf2: {  	[tilespmem:s3], [sflag:$0xE] =	stream.linear.gather [hbm4b:s6+s4], $0x50, $0x38;
	[tilespmem:$0x1E080] =	vst v63  }
0xf3: {  	_ =	swait.ge [sflag:s5], $0x50  }
0xf4: {  	[sflag:s5] =	ssyncset.done $0x0  }
0xf5: {  	[sflag:s5] =	ssyncadd.s32 $0xFFFFFFB0  }
0xf6: {  	_ =	swait.ge [sflag:s5], $0x50  }
0xf7: {  	[sflag:s5] =	ssyncset.done $0x0  }
0xf8: {  	[sflag:s5] =	ssyncadd.s32 $0xFFFFFFB0  }
0xf9: {  	[tilespmem:s15], [sflag:$0x2] =	stream.indirect.gather [hbm4b:s2+s14], $0x80, s30, s14, $0xb8;
	[tilespmem:$0x1E080] =	vst v63  }
0xfa: {  	_ =	swait.ge [sflag:s23], $0x2800  }
0xfb: {  	[sflag:s23] =	ssyncset.done $0x0  }
0xfc: {  	s20 =	simm.s32 $0x1E000;
	[sflag:s23] =	ssyncadd.s32 $0xFFFFD800  }
0xfd: {  	[spmem:s9] =	stream.indirect.scatter.add.f32 [tilespmem:s19], [sflag:$0x8], $0x80, s20, s14, $0xb8;
	[tilespmem:$0x1E080] =	vst v63  }
0xfe: {  	_ =	swait.ge [sflag:s1], $0x2800  }
0xff: {  	s31 =	simm.s32 $0x1DB80;
	s21 =	rddreg [dreg:$0x7];
	[sflag:s1] =	ssyncset.done $0x0  }
0x100: {  	s22 =	rddreg [dreg:$0x6];
	[sflag:s1] =	ssyncadd.s32 $0xFFFFD800;
	s24 =	sadd.s32 $0x0, s21  }
0x101: {  	[tilespmem:s31], [sflag:$0xF] =	stream.linear.gather [hbm4b:s24+s4], $0x50, $0x38;
	[tilespmem:$0x1E080] =	vst v63  }
0x102: {  	s23 =	sadd.s32 $0x0, s22  }
0x103: {  	[tilespmem:s8], [sflag:$0xF] =	stream.linear.gather [hbm4b:s23+s4], $0x50, $0x38;
	[tilespmem:$0x1E080] =	vst v63  }
0x104: {  	_ =	swait.ge [sflag:s28], $0x50  }
0x105: {  	[sflag:s28] =	ssyncset.done $0x0  }
0x106: {  	[sflag:s28] =	ssyncadd.s32 $0xFFFFFFB0  }
0x107: {  	_ =	swait.ge [sflag:s28], $0x50  }
0x108: {  	[sflag:s28] =	ssyncset.done $0x0  }
0x109: {  	s24 =	simm.s32 $0x1D980;
	[sflag:s28] =	ssyncadd.s32 $0xFFFFFFB0  }
0x10a: {  	[tilespmem:s17], [sflag:$0x3] =	stream.indirect.gather [hbm4b:s2+s14], $0x80, s24, s14, $0xb8;
	[tilespmem:$0x1E080] =	vst v63  }
0x10b: {  	_ =	swait.ge [sflag:s16], $0x2800  }
0x10c: {  	[sflag:s16] =	ssyncset.done $0x0  }
0x10d: {  	s25 =	simm.s32 $0x1DC80;
	[sflag:s16] =	ssyncadd.s32 $0xFFFFD800  }
0x10e: {  	[spmem:s9] =	stream.indirect.scatter.add.f32 [tilespmem:s13], [sflag:$0x5], $0x80, s25, s14, $0xb8;
	[tilespmem:$0x1E080] =	vst v63  }
0x10f: {  	_ =	swait.ge [sflag:s7], $0x2800  }
0x110: {  	s28 =	rddreg [dreg:$0x5];
	[sflag:s7] =	ssyncset.done $0x0  }
0x111: {  	s30 =	rddreg [dreg:$0x4];
	[sflag:s7] =	ssyncadd.s32 $0xFFFFD800;
	s24 =	sadd.s32 $0x0, s28  }
0x112: {  	[tilespmem:s10], [sflag:$0x10] =	stream.linear.gather [hbm4b:s24+s4], $0x50, $0x38;
	[tilespmem:$0x1E080] =	vst v63  }
0x113: {  	s31 =	sadd.s32 $0x0, s30  }
0x114: {  	[tilespmem:s20], [sflag:$0x10] =	stream.linear.gather [hbm4b:s31+s4], $0x50, $0x38;
	[tilespmem:$0x1E080] =	vst v63  }
0x115: {  	_ =	swait.ge [sflag:s12], $0x50  }
0x116: {  	[sflag:s12] =	ssyncset.done $0x0  }
0x117: {  	[sflag:s12] =	ssyncadd.s32 $0xFFFFFFB0  }
0x118: {  	_ =	swait.ge [sflag:s12], $0x50  }
0x119: {  	[sflag:s12] =	ssyncset.done $0x0  }
0x11a: {  	s18 =	simm.s32 $0x1DA00;
	[sflag:s12] =	ssyncadd.s32 $0xFFFFFFB0  }
0x11b: {  	[tilespmem:s19], [sflag:$0x4] =	stream.indirect.gather [hbm4b:s2+s14], $0x80, s18, s14, $0xb8;
	[tilespmem:$0x1E080] =	vst v63  }
0x11c: {  	_ =	swait.ge [sflag:s11], $0x2800  }
0x11d: {  	[sflag:s11] =	ssyncset.done $0x0  }
0x11e: {  	s25 =	sadd.s32 $0x280, s26;
	s24 =	simm.s32 $0x50;
	[sflag:s11] =	ssyncadd.s32 $0xFFFFD800  }
.LBB2_2:
0x11f: {  	s13 =	simm.s32 $0x1DD00  }
0x120: {  	s15 =	simm.s32 $0x16080;
	s3 =	rddreg [dreg:$0x2];
	s20 =	simm.s32 $0x5  }
0x121: {  	[spmem:s3] =	stream.indirect.scatter.add.f32 [tilespmem:s15], [sflag:$0x6], $0x80, s13, s14, $0xb8;
	[tilespmem:$0x1E080] =	vst v63  }
0x122: {  	s28 =	sshrl.u32 s25, $0x3;
	s30 =	smov.u32 s29;
	_ =	swait.ge [sflag:s20], $0x2800  }
0x123: {  	s7 =	simm.s32 $0x1D880;
	s4 =	simm.s32 $0x0;
	[sflag:s20] =	ssyncset.done $0x0  }
0x124: {  	s29 =	sadd.s32 s29, s28;
	s0 =	rddreg [dreg:$0x12];
	[sflag:s20] =	ssyncadd.s32 $0xFFFFD800  }
0x125: {  	[tilespmem:s7], [sflag:$0x9] =	stream.linear.gather [hbm4b:s29+s4], $0x50, $0x38;
	[tilespmem:$0x1E080] =	vst v63  }
0x126: {  	s9 =	simm.s32 $0x1DC80;
	s10 =	simm.s32 $0xD;
	s28 =	sadd.s32 s0, s28  }
0x127: {  	[tilespmem:s9], [sflag:$0x9] =	stream.linear.gather [hbm4b:s28+s4], $0x50, $0x38;
	[tilespmem:$0x1E080] =	vst v63  }
0x128: {  	_ =	swait.ge [sflag:s10], $0x50  }
0x129: {  	[sflag:s10] =	ssyncset.done $0x0  }
0x12a: {  	[sflag:s10] =	ssyncadd.s32 $0xFFFFFFB0  }
0x12b: {  	_ =	swait.ge [sflag:s10], $0x50  }
0x12c: {  	[sflag:s10] =	ssyncset.done $0x0  }
0x12d: {  	s8 =	simm.s32 $0x1DA80;
	[sflag:s10] =	ssyncadd.s32 $0xFFFFFFB0  }
0x12e: {  	s6 =	simm.s32 $0x13880;
	s21 =	simm.s32 $0x3;
	s2 =	rddreg [dreg:$0x0]  }
0x12f: {  	[tilespmem:s6], [sflag:$0x1] =	stream.indirect.gather [hbm4b:s2+s14], $0x80, s8, s14, $0xb8;
	[tilespmem:$0x1E080] =	vst v63  }
0x130: {  	_ =	swait.ge [sflag:s21], $0x2800  }
0x131: {  	s5 =	simm.s32 $0x1DD80;
	[sflag:s21] =	ssyncset.done $0x0  }
0x132: {  	s17 =	simm.s32 $0x18880;
	s22 =	simm.s32 $0x6;
	[sflag:s21] =	ssyncadd.s32 $0xFFFFD800  }
0x133: {  	[spmem:s3] =	stream.indirect.scatter.add.f32 [tilespmem:s17], [sflag:$0x7], $0x80, s5, s14, $0xb8;
	[tilespmem:$0x1E080] =	vst v63  }
0x134: {  	s26 =	smov.u32 s24;
	_ =	swait.ge [sflag:s22], $0x2800  }
0x135: {  	s31 =	simm.s32 $0x1D900;
	s11 =	rddreg [dreg:$0x11];
	[sflag:s22] =	ssyncset.done $0x0  }
0x136: {  	s29 =	rddreg [dreg:$0x10];
	[sflag:s22] =	ssyncadd.s32 $0xFFFFD800;
	s28 =	sadd.s32 s26, s11  }
0x137: {  	[tilespmem:s31], [sflag:$0xA] =	stream.linear.gather [hbm4b:s28+s4], $0x50, $0x38;
	[tilespmem:$0x1E080] =	vst v63  }
0x138: {  	s16 =	simm.s32 $0xE;
	s12 =	sadd.s32 s26, s29  }
0x139: {  	[tilespmem:s13], [sflag:$0xA] =	stream.linear.gather [hbm4b:s12+s4], $0x50, $0x38;
	[tilespmem:$0x1E080] =	vst v63  }
0x13a: {  	_ =	swait.ge [sflag:s16], $0x50  }
0x13b: {  	[sflag:s16] =	ssyncset.done $0x0  }
0x13c: {  	[sflag:s16] =	ssyncadd.s32 $0xFFFFFFB0  }
0x13d: {  	_ =	swait.ge [sflag:s16], $0x50  }
0x13e: {  	[sflag:s16] =	ssyncset.done $0x0  }
0x13f: {  	s23 =	simm.s32 $0x4;
	s11 =	simm.s32 $0x1DB00;
	[sflag:s16] =	ssyncadd.s32 $0xFFFFFFB0  }
0x140: {  	[tilespmem:s15], [sflag:$0x2] =	stream.indirect.gather [hbm4b:s2+s14], $0x80, s11, s14, $0xb8;
	[tilespmem:$0x1E080] =	vst v63  }
0x141: {  	_ =	swait.ge [sflag:s23], $0x2800  }
0x142: {  	s19 =	simm.s32 $0x1B080;
	[sflag:s23] =	ssyncset.done $0x0  }
0x143: {  	s1 =	simm.s32 $0x7;
	s0 =	simm.s32 $0x1DE00;
	[sflag:s23] =	ssyncadd.s32 $0xFFFFD800  }
0x144: {  	[spmem:s3] =	stream.indirect.scatter.add.f32 [tilespmem:s19], [sflag:$0x8], $0x80, s0, s14, $0xb8;
	[tilespmem:$0x1E080] =	vst v63  }
0x145: {  	_ =	swait.ge [sflag:s1], $0x2800  }
0x146: {  	s13 =	simm.s32 $0x1D980;
	s18 =	rddreg [dreg:$0xf];
	[sflag:s1] =	ssyncset.done $0x0  }
0x147: {  	s29 =	rddreg [dreg:$0xe];
	[sflag:s1] =	ssyncadd.s32 $0xFFFFD800;
	s28 =	sadd.s32 s26, s18  }
0x148: {  	[tilespmem:s13], [sflag:$0xB] =	stream.linear.gather [hbm4b:s28+s4], $0x50, $0x38;
	[tilespmem:$0x1E080] =	vst v63  }
0x149: {  	s10 =	simm.s32 $0xF;
	s9 =	sadd.s32 s26, s29  }
0x14a: {  	[tilespmem:s5], [sflag:$0xB] =	stream.linear.gather [hbm4b:s9+s4], $0x50, $0x38;
	[tilespmem:$0x1E080] =	vst v63  }
0x14b: {  	_ =	swait.ge [sflag:s10], $0x50  }
0x14c: {  	[sflag:s10] =	ssyncset.done $0x0  }
0x14d: {  	[sflag:s10] =	ssyncadd.s32 $0xFFFFFFB0  }
0x14e: {  	_ =	swait.ge [sflag:s10], $0x50  }
0x14f: {  	[sflag:s10] =	ssyncset.done $0x0  }
0x150: {  	s16 =	simm.s32 $0x1;
	s5 =	simm.s32 $0x1DB80;
	[sflag:s10] =	ssyncadd.s32 $0xFFFFFFB0  }
0x151: {  	[tilespmem:s17], [sflag:$0x3] =	stream.indirect.gather [hbm4b:s2+s14], $0x80, s5, s14, $0xb8;
	[tilespmem:$0x1E080] =	vst v63  }
0x152: {  	_ =	swait.ge [sflag:s16], $0x2800  }
0x153: {  	[sflag:s16] =	ssyncset.done $0x0  }
0x154: {  	s9 =	simm.s32 $0x8;
	s10 =	simm.s32 $0x1DE80;
	[sflag:s16] =	ssyncadd.s32 $0xFFFFD800  }
0x155: {  	[spmem:s3] =	stream.indirect.scatter.add.f32 [tilespmem:s6], [sflag:$0x5], $0x80, s10, s14, $0xb8;
	[tilespmem:$0x1E080] =	vst v63  }
0x156: {  	_ =	swait.ge [sflag:s9], $0x2800  }
0x157: {  	s12 =	rddreg [dreg:$0xd]  }
0x158: {  	[sflag:s9] =	ssyncset.done $0x0;
	s29 =	rddreg [dreg:$0xc]  }
0x159: {  	[sflag:s9] =	ssyncadd.s32 $0xFFFFD800;
	s28 =	sadd.s32 s26, s12;
	s12 =	simm.s32 $0x1DA00  }
0x15a: {  	[tilespmem:s12], [sflag:$0xC] =	stream.linear.gather [hbm4b:s28+s4], $0x50, $0x38;
	[tilespmem:$0x1E080] =	vst v63  }
0x15b: {  	s18 =	sadd.s32 s26, s29;
	s28 =	simm.s32 $0x10  }
0x15c: {  	[tilespmem:s0], [sflag:$0xC] =	stream.linear.gather [hbm4b:s18+s4], $0x50, $0x38;
	[tilespmem:$0x1E080] =	vst v63  }
0x15d: {  	_ =	swait.ge [sflag:s28], $0x50  }
0x15e: {  	[sflag:s28] =	ssyncset.done $0x0  }
0x15f: {  	[sflag:s28] =	ssyncadd.s32 $0xFFFFFFB0  }
0x160: {  	_ =	swait.ge [sflag:s28], $0x50  }
0x161: {  	[sflag:s28] =	ssyncset.done $0x0  }
0x162: {  	s12 =	simm.s32 $0x1DC00;
	s18 =	simm.s32 $0x2;
	[sflag:s28] =	ssyncadd.s32 $0xFFFFFFB0  }
0x163: {  	[tilespmem:s19], [sflag:$0x4] =	stream.indirect.gather [hbm4b:s2+s14], $0x80, s12, s14, $0xb8;
	[tilespmem:$0x1E080] =	vst v63  }
0x164: {  	_ =	swait.ge [sflag:s18], $0x2800  }
0x165: {  	[sflag:s18] =	ssyncset.done $0x0  }
0x166: {  	s0 =	simm.s32 $0x1DF00;
	[sflag:s18] =	ssyncadd.s32 $0xFFFFD800  }
0x167: {  	[spmem:s3] =	stream.indirect.scatter.add.f32 [tilespmem:s15], [sflag:$0x6], $0x80, s0, s14, $0xb8;
	[tilespmem:$0x1E080] =	vst v63  }
0x168: {  	_ =	swait.ge [sflag:s20], $0x2800  }
0x169: {  	s28 =	rddreg [dreg:$0xb];
	[sflag:s20] =	ssyncset.done $0x0  }
0x16a: {  	s29 =	rddreg [dreg:$0xa];
	[sflag:s20] =	ssyncadd.s32 $0xFFFFD800;
	s28 =	sadd.s32 s26, s28  }
0x16b: {  	[tilespmem:s8], [sflag:$0xD] =	stream.linear.gather [hbm4b:s28+s4], $0x50, $0x38;
	[tilespmem:$0x1E080] =	vst v63  }
0x16c: {  	s20 =	simm.s32 $0x9;
	s8 =	sadd.s32 s26, s29  }
0x16d: {  	[tilespmem:s10], [sflag:$0xD] =	stream.linear.gather [hbm4b:s8+s4], $0x50, $0x38;
	[tilespmem:$0x1E080] =	vst v63  }
0x16e: {  	_ =	swait.ge [sflag:s20], $0x50  }
0x16f: {  	[sflag:s20] =	ssyncset.done $0x0  }
0x170: {  	[sflag:s20] =	ssyncadd.s32 $0xFFFFFFB0  }
0x171: {  	_ =	swait.ge [sflag:s20], $0x50  }
0x172: {  	[sflag:s20] =	ssyncset.done $0x0  }
0x173: {  	[sflag:s20] =	ssyncadd.s32 $0xFFFFFFB0  }
0x174: {  	[tilespmem:s6], [sflag:$0x1] =	stream.indirect.gather [hbm4b:s2+s14], $0x80, s7, s14, $0xb8;
	[tilespmem:$0x1E080] =	vst v63  }
0x175: {  	_ =	swait.ge [sflag:s21], $0x2800  }
0x176: {  	[sflag:s21] =	ssyncset.done $0x0  }
0x177: {  	s7 =	simm.s32 $0x1DF80;
	[sflag:s21] =	ssyncadd.s32 $0xFFFFD800  }
0x178: {  	[spmem:s3] =	stream.indirect.scatter.add.f32 [tilespmem:s17], [sflag:$0x7], $0x80, s7, s14, $0xb8;
	[tilespmem:$0x1E080] =	vst v63  }
0x179: {  	_ =	swait.ge [sflag:s22], $0x2800  }
0x17a: {  	s21 =	rddreg [dreg:$0x9];
	[sflag:s22] =	ssyncset.done $0x0  }
0x17b: {  	s29 =	rddreg [dreg:$0x8];
	[sflag:s22] =	ssyncadd.s32 $0xFFFFD800;
	s28 =	sadd.s32 s26, s21  }
0x17c: {  	[tilespmem:s11], [sflag:$0xE] =	stream.linear.gather [hbm4b:s28+s4], $0x50, $0x38;
	[tilespmem:$0x1E080] =	vst v63  }
0x17d: {  	s22 =	sadd.s32 s26, s29;
	s11 =	simm.s32 $0xA  }
0x17e: {  	[tilespmem:s0], [sflag:$0xE] =	stream.linear.gather [hbm4b:s22+s4], $0x50, $0x38;
	[tilespmem:$0x1E080] =	vst v63  }
0x17f: {  	_ =	swait.ge [sflag:s11], $0x50  }
0x180: {  	[sflag:s11] =	ssyncset.done $0x0  }
0x181: {  	[sflag:s11] =	ssyncadd.s32 $0xFFFFFFB0  }
0x182: {  	_ =	swait.ge [sflag:s11], $0x50  }
0x183: {  	[sflag:s11] =	ssyncset.done $0x0  }
0x184: {  	[sflag:s11] =	ssyncadd.s32 $0xFFFFFFB0  }
0x185: {  	[tilespmem:s15], [sflag:$0x2] =	stream.indirect.gather [hbm4b:s2+s14], $0x80, s31, s14, $0xb8;
	[tilespmem:$0x1E080] =	vst v63  }
0x186: {  	_ =	swait.ge [sflag:s23], $0x2800  }
0x187: {  	[sflag:s23] =	ssyncset.done $0x0  }
0x188: {  	s0 =	simm.s32 $0x1E000;
	[sflag:s23] =	ssyncadd.s32 $0xFFFFD800  }
0x189: {  	[spmem:s3] =	stream.indirect.scatter.add.f32 [tilespmem:s19], [sflag:$0x8], $0x80, s0, s14, $0xb8;
	[tilespmem:$0x1E080] =	vst v63  }
0x18a: {  	_ =	swait.ge [sflag:s1], $0x2800  }
0x18b: {  	s15 =	rddreg [dreg:$0x7];
	[sflag:s1] =	ssyncset.done $0x0  }
0x18c: {  	s29 =	rddreg [dreg:$0x6];
	[sflag:s1] =	ssyncadd.s32 $0xFFFFD800;
	s28 =	sadd.s32 s26, s15  }
0x18d: {  	[tilespmem:s5], [sflag:$0xF] =	stream.linear.gather [hbm4b:s28+s4], $0x50, $0x38;
	[tilespmem:$0x1E080] =	vst v63  }
0x18e: {  	s21 =	simm.s32 $0xB;
	s20 =	sadd.s32 s26, s29  }
0x18f: {  	[tilespmem:s7], [sflag:$0xF] =	stream.linear.gather [hbm4b:s20+s4], $0x50, $0x38;
	[tilespmem:$0x1E080] =	vst v63  }
0x190: {  	_ =	swait.ge [sflag:s21], $0x50  }
0x191: {  	[sflag:s21] =	ssyncset.done $0x0  }
0x192: {  	[sflag:s21] =	ssyncadd.s32 $0xFFFFFFB0  }
0x193: {  	_ =	swait.ge [sflag:s21], $0x50  }
0x194: {  	[sflag:s21] =	ssyncset.done $0x0  }
0x195: {  	[sflag:s21] =	ssyncadd.s32 $0xFFFFFFB0  }
0x196: {  	[tilespmem:s17], [sflag:$0x3] =	stream.indirect.gather [hbm4b:s2+s14], $0x80, s13, s14, $0xb8;
	[tilespmem:$0x1E080] =	vst v63  }
0x197: {  	_ =	swait.ge [sflag:s16], $0x2800  }
0x198: {  	[sflag:s16] =	ssyncset.done $0x0  }
0x199: {  	s22 =	simm.s32 $0x1DC80;
	[sflag:s16] =	ssyncadd.s32 $0xFFFFD800  }
0x19a: {  	[spmem:s3] =	stream.indirect.scatter.add.f32 [tilespmem:s6], [sflag:$0x5], $0x80, s22, s14, $0xb8;
	[tilespmem:$0x1E080] =	vst v63  }
0x19b: {  	_ =	swait.ge [sflag:s9], $0x2800  }
0x19c: {  	s23 =	rddreg [dreg:$0x5];
	[sflag:s9] =	ssyncset.done $0x0  }
0x19d: {  	s29 =	rddreg [dreg:$0x4];
	[sflag:s9] =	ssyncadd.s32 $0xFFFFD800;
	s28 =	sadd.s32 s26, s23  }
0x19e: {  	[tilespmem:s12], [sflag:$0x10] =	stream.linear.gather [hbm4b:s28+s4], $0x50, $0x38;
	[tilespmem:$0x1E080] =	vst v63  }
0x19f: {  	s26 =	sadd.s32 s26, s29;
	s28 =	simm.s32 $0xC  }
0x1a0: {  	[tilespmem:s0], [sflag:$0x10] =	stream.linear.gather [hbm4b:s26+s4], $0x50, $0x38;
	[tilespmem:$0x1E080] =	vst v63  }
0x1a1: {  	_ =	swait.ge [sflag:s28], $0x50  }
0x1a2: {  	[sflag:s28] =	ssyncset.done $0x0  }
0x1a3: {  	[sflag:s28] =	ssyncadd.s32 $0xFFFFFFB0  }
0x1a4: {  	p1 =	sne.s32 s24, $0x410;
	s24 =	sadd.s32 $0x50, s24;
	_ =	swait.ge [sflag:s28], $0x50  }
0x1a5: {  	s25 =	sadd.s32 $0x280, s25;
	s29 =	smov.u32 s30;
	[sflag:s28] =	ssyncset.done $0x0  }
.Ltmp0:
0x1a6: {  	s30 =	simm.s32 $0x1DA00;
	[sflag:s28] =	ssyncadd.s32 $0xFFFFFFB0;
	(pc) =	sbr.rel @p1 .LBB2_2-.Ltmp0, $4  }
0x1a7: {  	[tilespmem:s19], [sflag:$0x4] =	stream.indirect.gather [hbm4b:s2+s14], $0x80, s30, s14, $0xb8;
	[tilespmem:$0x1E080] =	vst v63  }
0x1a8: {  	s8 =	simm.s32 $0x1DB00;
	s10 =	simm.s32 $0x1DF00;
	_ =	swait.ge [sflag:s18], $0x2800  }
0x1a9: {  	s11 =	simm.s32 $0x1DB80;
	s31 =	simm.s32 $0x1DC00;
	[sflag:s18] =	ssyncset.done $0x0  }
0x1aa: {  	s15 =	simm.s32 $0x1DF80;
	s12 =	simm.s32 $0x1E000;
	[sflag:s18] =	ssyncadd.s32 $0xFFFFD800  }
0x1ab: {  	s0 =	simm.s32 $0x1DD00  }
0x1ac: {  	s9 =	simm.s32 $0x16080;
	s3 =	rddreg [dreg:$0x2];
	s19 =	simm.s32 $0x5  }
0x1ad: {  	[spmem:s3] =	stream.indirect.scatter.add.f32 [tilespmem:s9], [sflag:$0x6], $0x80, s0, s14, $0xb8;
	[tilespmem:$0x1E080] =	vst v63  }
0x1ae: {  	_ =	swait.ge [sflag:s19], $0x2800  }
0x1af: {  	s24 =	sld [smem:$0x7ED]  }
0x1b0: {  	s7 =	simm.s32 $0x1D880;
	[sflag:s19] =	ssyncset.done $0x0  }
0x1b1: {  	s0 =	simm.s32 $0x0;
	s22 =	sld [smem:$0x7EE];
	[sflag:s19] =	ssyncadd.s32 $0xFFFFD800  }
0x1b2: {  	[tilespmem:s7], [sflag:$0x9] =	stream.linear.gather [hbm4b:s24+s0], $0x50, $0x38;
	[tilespmem:$0x1E080] =	vst v63  }
0x1b3: {  	s2 =	simm.s32 $0x1DC80;
	s20 =	simm.s32 $0xD  }
0x1b4: {  	[tilespmem:s2], [sflag:$0x9] =	stream.linear.gather [hbm4b:s22+s0], $0x50, $0x38;
	[tilespmem:$0x1E080] =	vst v63  }
0x1b5: {  	_ =	swait.ge [sflag:s20], $0x50  }
0x1b6: {  	[sflag:s20] =	ssyncset.done $0x0  }
0x1b7: {  	[sflag:s20] =	ssyncadd.s32 $0xFFFFFFB0  }
0x1b8: {  	_ =	swait.ge [sflag:s20], $0x50  }
0x1b9: {  	[sflag:s20] =	ssyncset.done $0x0  }
0x1ba: {  	s26 =	simm.s32 $0x1DA80;
	[sflag:s20] =	ssyncadd.s32 $0xFFFFFFB0  }
0x1bb: {  	s6 =	simm.s32 $0x13880;
	s21 =	simm.s32 $0x3;
	s2 =	rddreg [dreg:$0x0]  }
0x1bc: {  	[tilespmem:s6], [sflag:$0x1] =	stream.indirect.gather [hbm4b:s2+s14], $0x80, s26, s14, $0xb8;
	[tilespmem:$0x1E080] =	vst v63  }
0x1bd: {  	_ =	swait.ge [sflag:s21], $0x2800  }
0x1be: {  	s28 =	simm.s32 $0x1DD80;
	[sflag:s21] =	ssyncset.done $0x0  }
0x1bf: {  	s16 =	simm.s32 $0x18880;
	s22 =	simm.s32 $0x6;
	[sflag:s21] =	ssyncadd.s32 $0xFFFFD800  }
0x1c0: {  	[spmem:s3] =	stream.indirect.scatter.add.f32 [tilespmem:s16], [sflag:$0x7], $0x80, s28, s14, $0xb8;
	[tilespmem:$0x1E080] =	vst v63  }
0x1c1: {  	_ =	swait.ge [sflag:s22], $0x2800  }
0x1c2: {  	s23 =	sld [smem:$0x7EF]  }
0x1c3: {  	[sflag:s22] =	ssyncset.done $0x0  }
0x1c4: {  	s25 =	simm.s32 $0x1D900;
	s30 =	sld [smem:$0x7F0];
	[sflag:s22] =	ssyncadd.s32 $0xFFFFD800  }
0x1c5: {  	[tilespmem:s25], [sflag:$0xA] =	stream.linear.gather [hbm4b:s23+s0], $0x50, $0x38;
	[tilespmem:$0x1E080] =	vst v63  }
0x1c6: {  	s1 =	simm.s32 $0x1DD00;
	s5 =	simm.s32 $0xE  }
0x1c7: {  	[tilespmem:s1], [sflag:$0xA] =	stream.linear.gather [hbm4b:s30+s0], $0x50, $0x38;
	[tilespmem:$0x1E080] =	vst v63  }
0x1c8: {  	_ =	swait.ge [sflag:s5], $0x50  }
0x1c9: {  	[sflag:s5] =	ssyncset.done $0x0  }
0x1ca: {  	[sflag:s5] =	ssyncadd.s32 $0xFFFFFFB0  }
0x1cb: {  	_ =	swait.ge [sflag:s5], $0x50  }
0x1cc: {  	[sflag:s5] =	ssyncset.done $0x0  }
0x1cd: {  	s23 =	simm.s32 $0x4;
	[sflag:s5] =	ssyncadd.s32 $0xFFFFFFB0  }
0x1ce: {  	[tilespmem:s9], [sflag:$0x2] =	stream.indirect.gather [hbm4b:s2+s14], $0x80, s8, s14, $0xb8;
	[tilespmem:$0x1E080] =	vst v63  }
0x1cf: {  	_ =	swait.ge [sflag:s23], $0x2800  }
0x1d0: {  	s18 =	simm.s32 $0x1B080;
	[sflag:s23] =	ssyncset.done $0x0  }
0x1d1: {  	s4 =	simm.s32 $0x7;
	s30 =	simm.s32 $0x1DE00;
	[sflag:s23] =	ssyncadd.s32 $0xFFFFD800  }
0x1d2: {  	[spmem:s3] =	stream.indirect.scatter.add.f32 [tilespmem:s18], [sflag:$0x8], $0x80, s30, s14, $0xb8;
	[tilespmem:$0x1E080] =	vst v63  }
0x1d3: {  	_ =	swait.ge [sflag:s4], $0x2800  }
0x1d4: {  	s1 =	sld [smem:$0x7F1]  }
0x1d5: {  	[sflag:s4] =	ssyncset.done $0x0  }
0x1d6: {  	s13 =	simm.s32 $0x1D980;
	s5 =	sld [smem:$0x7F2];
	[sflag:s4] =	ssyncadd.s32 $0xFFFFD800  }
0x1d7: {  	[tilespmem:s13], [sflag:$0xB] =	stream.linear.gather [hbm4b:s1+s0], $0x50, $0x38;
	[tilespmem:$0x1E080] =	vst v63  }
0x1d8: {  	s8 =	simm.s32 $0xF  }
0x1d9: {  	[tilespmem:s28], [sflag:$0xB] =	stream.linear.gather [hbm4b:s5+s0], $0x50, $0x38;
	[tilespmem:$0x1E080] =	vst v63  }
0x1da: {  	_ =	swait.ge [sflag:s8], $0x50  }
0x1db: {  	[sflag:s8] =	ssyncset.done $0x0  }
0x1dc: {  	[sflag:s8] =	ssyncadd.s32 $0xFFFFFFB0  }
0x1dd: {  	_ =	swait.ge [sflag:s8], $0x50  }
0x1de: {  	[sflag:s8] =	ssyncset.done $0x0  }
0x1df: {  	[sflag:s8] =	ssyncadd.s32 $0xFFFFFFB0  }
0x1e0: {  	[tilespmem:s16], [sflag:$0x3] =	stream.indirect.gather [hbm4b:s2+s14], $0x80, s11, s14, $0xb8;
	[tilespmem:$0x1E080] =	vst v63  }
0x1e1: {  	s11 =	simm.s32 $0x1  }
0x1e2: {  	_ =	swait.ge [sflag:s11], $0x2800  }
0x1e3: {  	[sflag:s11] =	ssyncset.done $0x0  }
0x1e4: {  	s1 =	simm.s32 $0x8;
	s8 =	simm.s32 $0x1DE80;
	[sflag:s11] =	ssyncadd.s32 $0xFFFFD800  }
0x1e5: {  	[spmem:s3] =	stream.indirect.scatter.add.f32 [tilespmem:s6], [sflag:$0x5], $0x80, s8, s14, $0xb8;
	[tilespmem:$0x1E080] =	vst v63  }
0x1e6: {  	_ =	swait.ge [sflag:s1], $0x2800  }
0x1e7: {  	s17 =	sld [smem:$0x7F5]  }
0x1e8: {  	[sflag:s1] =	ssyncset.done $0x0  }
0x1e9: {  	s5 =	simm.s32 $0x1DA00;
	[sflag:s1] =	ssyncadd.s32 $0xFFFFD800  }
0x1ea: {  	[tilespmem:s5], [sflag:$0xC] =	stream.linear.gather [hbm4b:s17+s0], $0x50, $0x38;
	[tilespmem:$0x1E080] =	vst v63  }
0x1eb: {  	s17 =	sld [smem:$0x7F6];
	_ =	sdelay $0x2  }
0x1ec: {  	[tilespmem:s30], [sflag:$0xC] =	stream.linear.gather [hbm4b:s17+s0], $0x50, $0x38;
	[tilespmem:$0x1E080] =	vst v63  }
0x1ed: {  	s17 =	simm.s32 $0x10  }
0x1ee: {  	_ =	swait.ge [sflag:s17], $0x50  }
0x1ef: {  	[sflag:s17] =	ssyncset.done $0x0  }
0x1f0: {  	[sflag:s17] =	ssyncadd.s32 $0xFFFFFFB0  }
0x1f1: {  	_ =	swait.ge [sflag:s17], $0x50  }
0x1f2: {  	[sflag:s17] =	ssyncset.done $0x0  }
0x1f3: {  	[sflag:s17] =	ssyncadd.s32 $0xFFFFFFB0;
	s17 =	simm.s32 $0x2  }
0x1f4: {  	[tilespmem:s18], [sflag:$0x4] =	stream.indirect.gather [hbm4b:s2+s14], $0x80, s31, s14, $0xb8;
	[tilespmem:$0x1E080] =	vst v63  }
0x1f5: {  	_ =	swait.ge [sflag:s17], $0x2800  }
0x1f6: {  	[sflag:s17] =	ssyncset.done $0x0  }
0x1f7: {  	[sflag:s17] =	ssyncadd.s32 $0xFFFFD800  }
0x1f8: {  	[spmem:s3] =	stream.indirect.scatter.add.f32 [tilespmem:s9], [sflag:$0x6], $0x80, s10, s14, $0xb8;
	[tilespmem:$0x1E080] =	vst v63  }
0x1f9: {  	_ =	swait.ge [sflag:s19], $0x2800  }
0x1fa: {  	s10 =	sld [smem:$0x7F7]  }
0x1fb: {  	[sflag:s19] =	ssyncset.done $0x0  }
0x1fc: {  	s31 =	sld [smem:$0x7F8];
	[sflag:s19] =	ssyncadd.s32 $0xFFFFD800  }
0x1fd: {  	[tilespmem:s26], [sflag:$0xD] =	stream.linear.gather [hbm4b:s10+s0], $0x50, $0x38;
	[tilespmem:$0x1E080] =	vst v63  }
0x1fe: {  	_ = 	snop  }
0x1ff: {  	[tilespmem:s8], [sflag:$0xD] =	stream.linear.gather [hbm4b:s31+s0], $0x50, $0x38;
	[tilespmem:$0x1E080] =	vst v63  }
0x200: {  	s0 =	simm.s32 $0x9  }
0x201: {  	_ =	swait.ge [sflag:s0], $0x50  }
0x202: {  	[sflag:s0] =	ssyncset.done $0x0  }
0x203: {  	[sflag:s0] =	ssyncadd.s32 $0xFFFFFFB0  }
0x204: {  	_ =	swait.ge [sflag:s0], $0x50  }
0x205: {  	[sflag:s0] =	ssyncset.done $0x0  }
0x206: {  	[sflag:s0] =	ssyncadd.s32 $0xFFFFFFB0  }
0x207: {  	[tilespmem:s6], [sflag:$0x1] =	stream.indirect.gather [hbm4b:s2+s14], $0x80, s7, s14, $0xb8;
	[tilespmem:$0x1E080] =	vst v63  }
0x208: {  	_ =	swait.ge [sflag:s21], $0x2800  }
0x209: {  	[sflag:s21] =	ssyncset.done $0x0  }
0x20a: {  	[sflag:s21] =	ssyncadd.s32 $0xFFFFD800  }
0x20b: {  	[spmem:s3] =	stream.indirect.scatter.add.f32 [tilespmem:s16], [sflag:$0x7], $0x80, s15, s14, $0xb8;
	[tilespmem:$0x1E080] =	vst v63  }
0x20c: {  	_ =	swait.ge [sflag:s22], $0x2800  }
0x20d: {  	[sflag:s22] =	ssyncset.done $0x0  }
0x20e: {  	s10 =	simm.s32 $0xA;
	[sflag:s22] =	ssyncadd.s32 $0xFFFFD800  }
0x20f: {  	_ =	swait.ge [sflag:s10], $0x50  }
0x210: {  	[sflag:s10] =	ssyncset.done $0x0  }
0x211: {  	[sflag:s10] =	ssyncadd.s32 $0xFFFFFFB0  }
0x212: {  	_ =	swait.ge [sflag:s10], $0x50  }
0x213: {  	[sflag:s10] =	ssyncset.done $0x0  }
0x214: {  	[sflag:s10] =	ssyncadd.s32 $0xFFFFFFB0  }
0x215: {  	[tilespmem:s9], [sflag:$0x2] =	stream.indirect.gather [hbm4b:s2+s14], $0x80, s25, s14, $0xb8;
	[tilespmem:$0x1E080] =	vst v63  }
0x216: {  	_ =	swait.ge [sflag:s23], $0x2800  }
0x217: {  	[sflag:s23] =	ssyncset.done $0x0  }
0x218: {  	[sflag:s23] =	ssyncadd.s32 $0xFFFFD800  }
0x219: {  	[spmem:s3] =	stream.indirect.scatter.add.f32 [tilespmem:s18], [sflag:$0x8], $0x80, s12, s14, $0xb8;
	[tilespmem:$0x1E080] =	vst v63  }
0x21a: {  	_ =	swait.ge [sflag:s4], $0x2800  }
0x21b: {  	[sflag:s4] =	ssyncset.done $0x0  }
0x21c: {  	s12 =	simm.s32 $0xB;
	[sflag:s4] =	ssyncadd.s32 $0xFFFFD800  }
0x21d: {  	_ =	swait.ge [sflag:s12], $0x50  }
0x21e: {  	[sflag:s12] =	ssyncset.done $0x0  }
0x21f: {  	[sflag:s12] =	ssyncadd.s32 $0xFFFFFFB0  }
0x220: {  	_ =	swait.ge [sflag:s12], $0x50  }
0x221: {  	[sflag:s12] =	ssyncset.done $0x0  }
0x222: {  	[sflag:s12] =	ssyncadd.s32 $0xFFFFFFB0  }
0x223: {  	[tilespmem:s16], [sflag:$0x3] =	stream.indirect.gather [hbm4b:s2+s14], $0x80, s13, s14, $0xb8;
	[tilespmem:$0x1E080] =	vst v63  }
0x224: {  	_ =	swait.ge [sflag:s11], $0x2800  }
0x225: {  	[sflag:s11] =	ssyncset.done $0x0  }
0x226: {  	s15 =	simm.s32 $0x1DC80;
	[sflag:s11] =	ssyncadd.s32 $0xFFFFD800  }
0x227: {  	[spmem:s3] =	stream.indirect.scatter.add.f32 [tilespmem:s6], [sflag:$0x5], $0x80, s15, s14, $0xb8;
	[tilespmem:$0x1E080] =	vst v63  }
0x228: {  	_ =	swait.ge [sflag:s1], $0x2800  }
0x229: {  	[sflag:s1] =	ssyncset.done $0x0  }
0x22a: {  	s24 =	simm.s32 $0xC;
	[sflag:s1] =	ssyncadd.s32 $0xFFFFD800  }
0x22b: {  	_ =	swait.ge [sflag:s24], $0x50  }
0x22c: {  	[sflag:s24] =	ssyncset.done $0x0  }
0x22d: {  	[sflag:s24] =	ssyncadd.s32 $0xFFFFFFB0  }
0x22e: {  	_ =	swait.ge [sflag:s24], $0x50  }
0x22f: {  	[sflag:s24] =	ssyncset.done $0x0  }
0x230: {  	[sflag:s24] =	ssyncadd.s32 $0xFFFFFFB0  }
0x231: {  	[tilespmem:s18], [sflag:$0x4] =	stream.indirect.gather [hbm4b:s2+s14], $0x80, s5, s14, $0xb8;
	[tilespmem:$0x1E080] =	vst v63  }
0x232: {  	_ =	swait.ge [sflag:s17], $0x2800  }
0x233: {  	[sflag:s17] =	ssyncset.done $0x0  }
0x234: {  	s25 =	simm.s32 $0x1DD00;
	[sflag:s17] =	ssyncadd.s32 $0xFFFFD800  }
0x235: {  	[spmem:s3] =	stream.indirect.scatter.add.f32 [tilespmem:s9], [sflag:$0x6], $0x80, s25, s14, $0xb8;
	[tilespmem:$0x1E080] =	vst v63  }
0x236: {  	_ =	swait.ge [sflag:s19], $0x2800  }
0x237: {  	[sflag:s19] =	ssyncset.done $0x0  }
0x238: {  	[sflag:s19] =	ssyncadd.s32 $0xFFFFD800  }
0x239: {  	_ =	swait.ge [sflag:s20], $0x50  }
0x23a: {  	[sflag:s20] =	ssyncset.done $0x0  }
0x23b: {  	[sflag:s20] =	ssyncadd.s32 $0xFFFFFFB0  }
0x23c: {  	_ =	swait.ge [sflag:s20], $0x50  }
0x23d: {  	[sflag:s20] =	ssyncset.done $0x0  }
0x23e: {  	[sflag:s20] =	ssyncadd.s32 $0xFFFFFFB0  }
0x23f: {  	[tilespmem:s6], [sflag:$0x1] =	stream.indirect.gather [hbm4b:s2+s14], $0x80, s26, s14, $0xb8;
	[tilespmem:$0x1E080] =	vst v63  }
0x240: {  	_ =	swait.ge [sflag:s21], $0x2800  }
0x241: {  	[sflag:s21] =	ssyncset.done $0x0  }
0x242: {  	[sflag:s21] =	ssyncadd.s32 $0xFFFFD800  }
0x243: {  	[spmem:s3] =	stream.indirect.scatter.add.f32 [tilespmem:s16], [sflag:$0x7], $0x80, s28, s14, $0xb8;
	[tilespmem:$0x1E080] =	vst v63  }
0x244: {  	_ =	swait.ge [sflag:s23], $0x2800  }
0x245: {  	[sflag:s23] =	ssyncset.done $0x0  }
0x246: {  	[sflag:s23] =	ssyncadd.s32 $0xFFFFD800  }
0x247: {  	[spmem:s3] =	stream.indirect.scatter.add.f32 [tilespmem:s18], [sflag:$0x8], $0x80, s30, s14, $0xb8;
	[tilespmem:$0x1E080] =	vst v63  }
0x248: {  	_ =	swait.ge [sflag:s11], $0x2800  }
0x249: {  	[sflag:s11] =	ssyncset.done $0x0  }
0x24a: {  	[sflag:s11] =	ssyncadd.s32 $0xFFFFD800  }
0x24b: {  	[spmem:s3] =	stream.indirect.scatter.add.f32 [tilespmem:s6], [sflag:$0x5], $0x80, s8, s14, $0xb8;
	[tilespmem:$0x1E080] =	vst v63  }
0x24c: {  	_ =	swait.ge [sflag:s19], $0x2800  }
0x24d: {  	[sflag:s19] =	ssyncset.done $0x0  }
0x24e: {  	[sflag:s19] =	ssyncadd.s32 $0xFFFFD800  }
0x24f: {  	_ =	swait.ge [sflag:s22], $0x2800  }
0x250: {  	[sflag:s22] =	ssyncset.done $0x0  }
0x251: {  	[sflag:s22] =	ssyncadd.s32 $0xFFFFD800  }
0x252: {  	_ =	swait.ge [sflag:s4], $0x2800  }
0x253: {  	[sflag:s4] =	ssyncset.done $0x0  }
0x254: {  	[sflag:s4] =	ssyncadd.s32 $0xFFFFD800  }
0x255: {  	_ =	swait.ge [sflag:s1], $0x2800  }
0x256: {  	[sflag:s1] =	ssyncset.done $0x0  }
0x257: {  	[sflag:s1] =	ssyncadd.s32 $0xFFFFD800  }
0x258: {  	[bflag:$0x0] =	sbarrier.arrive $0xFFFF  }
0x259: {  	s25 =	sld [smem:$0x7F9]  }
0x25a: {  	s0 =	sld [smem:$0x7E6];
	_ =	sdelay $0x1  }
0x25b: {  	s24 =	simm.s32 @p0 $0x1FD2  }
0x25c: {  	[hbm:s25], [sflag:s24] =	dma.local @p0 [spmem:s0], $0x2080  }
0x25d: {  	s24 =	simm.s32 @p0 $0x12  }
0x25e: {  	_ =	swait.ge @p0 [sflag:s24], $0x2080  }
0x25f: {  	s0 =	sld [smem:$0x7E7];
	_ =	sdelay $0x1  }
0x260: {  	[sflag:s24] =	ssyncset.done @p0 $0x0  }
0x261: {  	[sflag:s24] =	ssyncadd.s32 @p0 $0xFFFFDF80;
	s24 =	sor.u32 @!p0 $0x1C12, s0;
	s0 =	sld [smem:$0x7E8]  }
0x262: {  	_ = 	snop  }
0x263: {  	s25 =	rddreg [dreg:$0x1f]  }
0x264: {  	[hbm:s25], [sflag:s24] =	dma.local @!p0 [spmem:s0], $0x2780  }
0x265: {  	s24 =	simm.s32 @!p0 $0x12  }
0x266: {  	_ =	swait.ge @!p0 [sflag:s24], $0x2780  }
0x267: {  	s30 =	sld [smem:$0x7E5]  }
0x268: {  	s31 =	sld [smem:$0x7FA];
	_ =	sdelay $0x1  }
0x269: {  	s0 =	sadd.s32 $0x1, s30  }
0x26a: {  	p1 =	sne.s32 s0, s31  }
.Ltmp1:
0x26b: {  	_ = 	snop;
	(pc) =	sbr.rel @p1 .LBB2_1-.Ltmp1, $3  }
0x26c: {  	_ =	sdelay $0x1  }
0x26d: {  	[sflag:s24] =	ssyncset.done @!p0 $0x0  }
0x26e: {  	s18 =	rddreg [dreg:$0x12];
	[sflag:s24] =	ssyncadd.s32 @!p0 $0xFFFFD880  }
0x26f: {  	_ =	sfence.sel $0x180000  }
0x270: {  	[bflag:$0x0] =	sbarrier.arrive $0xFFFF  }
0x271: {  	_ =	strace $0x9000004D  }
0x272: {  	s0 =	stileid.u32;
	[bflag:$0x2] =	sbarrier.arrive $0xFFFF  }
0x273: {  	p0 =	sne.s32 s0, $0x0;
	s0 =	rddreg [dreg:$0x3]  }
0x274: {  	s0 =	sadd.s32 @!p0 $0x100000, s0  }
0x275: {  	[sflag:s0] =	ssyncadd.tile.s32 @!p0 $0x1;
	_ =	shalt  }
.Lfunc_end2:
_tile_overlayer_lowered:
.L_overlay_start_2:
0x276: {  	(tag) =	ssettag $0x2  }
0x277: {  	s0 =	rddreg [dreg:$0x0];
	s2 =	stileid.u32  }
0x278: {  	s1 =	rddreg [dreg:$0x1];
	p0 =	sne.s32 s2, $0x0  }
0x279: {  	s3 =	rddreg [dreg:$0x2];
	[bflag:$0x3] =	sbarrier.arrive $0xFFFF;
	s2 =	simm.s32 @!p0 $0x1C12  }
0x27a: {  	[timem:s3], [sflag:s2] =	dma.local @!p0 [hbm:s0], s1  }
0x27b: {  	s0 =	simm.s32 @!p0 $0x12  }
0x27c: {  	_ =	swait.ge @!p0 [sflag:s0], s1  }
0x27d: {  	s1 =	ssub.s32 @!p0 $0x0, s1;
	[sflag:s0] =	ssyncset.done @!p0 $0x0  }
0x27e: {  	[sflag:s0] =	ssyncadd.s32 @!p0 s1  }
0x27f: {  	[bflag:$0x3] =	sbarrier.arrive $0xFFFF  }
0x280: {  	_ =	shalt  }

// kernel: kernel.8.cloned.1.call-start
scs
__scs_entry_jumppad:
0x0: {  	(pc) =	sbr.rel $0x88, $3  }
0x1: {  	(tag) =	ssettag $0x0;
	lr =	simm.s32 $0x1  }
0x2: {  	[smem:$0x3F9B] =	sst lr;
	_ =	strace $0xD0000000  }
0x3: {  	_ = 	snop  }
0x4: {  	_ = 	snop  }
0x5: {  	_ = 	snop  }
0x6: {  	_ = 	snop  }
0x7: {  	_ = 	snop  }
__scs_overlays_trampoline_lowered:
0x8: {  	[smem:$0x3FAA] =	sst s0  }
0x9: {  	[smem:$0x3FAB] =	sst s1  }
0xa: {  	[smem:$0x3FAC] =	sst s2  }
0xb: {  	[smem:$0x3FAD] =	sst s3  }
0xc: {  	[smem:$0x3FAE] =	sst s4  }
0xd: {  	[smem:$0x3FAF] =	sst s5  }
0xe: {  	[smem:$0x3FB0] =	sst s6  }
0xf: {  	[smem:$0x3FB1] =	sst s7  }
0x10: {  	[smem:$0x3FB2] =	sst s8  }
0x11: {  	[smem:$0x3FB3] =	sst s9;
	s0 =	simm.s32 @!p0 $0x0  }
0x12: {  	s1 =	sld [smem:$0x3F99];
	s0 =	simm.s32 @p0 $0x1  }
0x13: {  	[smem:$0x3FB4] =	sst s0;
	s0 =	simm.s32 @!p1 $0x0  }
0x14: {  	s2 =	sld [smem:$0x3F98];
	s0 =	simm.s32 @p1 $0x1  }
0x15: {  	[smem:$0x3FB5] =	sst s0;
	s0 =	simm.s32 @!p2 $0x0  }
0x16: {  	s3 =	sld [smem:$0x3FDB];
	s0 =	simm.s32 @p2 $0x1  }
0x17: {  	s4 =	simm.s32 $0x1BF5;
	[smem:$0x3FB7] =	sst s0  }
0x18: {  	s0 =	sld [smem:$0x3F9A];
	_ =	swait.ge [sflag:s4], $0x0  }
0x19: {  	s7 =	sld [smem:$0x3F9B]  }
0x1a: {  	s8 =	sadd.s32 $0xFFFFE003, lr  }
0x1b: {  	s9 =	sadd.s32 $0xFFFFFEF7, lr;
	s5 =	simm.s32 $0xFFFFFFFF;
	p2 =	slt.u32 s8, $0xFFFFF086  }
0x1c: {  	p1 =	slt.u32 s9, $0xF7A;
	s5 =	simm.s32 @!p2 $0x0  }
0x1d: {  	s5 =	simm.s32 @p1 $0x1;
	p0 =	seq.s32 s7, s2  }
0x1e: {  	s7 =	smul.u32 @!p0 $0xF7A, s2;
	p2 =	seq.s32 @!p0 s5, $0x0  }
0x1f: {  	s9 =	smul.u32 $0xF7A, s1;
	s8 =	simm.s32 @!p0 $0x1BF5;
	p2 =	por !p2, p0  }
0x20: {  	[sflag:s8] =	ssyncset.s32 @!p0 $0xFFFFF086;
	s6 =	sadd.s32 @!p0 s3, s7;
	s7 =	simm.s32 @!p0 $0x108  }
0x21: {  	s3 =	sadd.s32 s3, s9;
	s6 =	sadd.s32 @!p0 $0x88, s6;
	s7 =	simm.s32 @p2 $0x1082  }
0x22: {  	[simem:s7], [sflag:s8] =	dma.local @!p0 [hbm:s6], $0xF7A  }
0x23: {  	s9 =	sor.u32 $0xD0000000, s2;
	s6 =	simm.s32 $0x108;
	_ =	swait.ge @!p0 [sflag:s8], $0x0  }
0x24: {  	s3 =	sadd.s32 $0x88, s3;
	s6 =	simm.s32 @!p1 $0x1082;
	[sflag:s4] =	ssyncset.s32 $0xFFFFF086  }
0x25: {  	[simem:s6], [sflag:s4] =	dma.local [hbm:s3], $0xF7A  }
0x26: {  	[smem:$0x3F9B] =	sst s1;
	(tag) =	ssettag s2;
	_ =	strace s9  }
0x27: {  	s1 =	sld [smem:$0x3FAB]  }
0x28: {  	s2 =	sld [smem:$0x3FAC]  }
0x29: {  	s4 =	sld [smem:$0x3FAE]  }
0x2a: {  	p0 =	seq.s32 s5, $0x0;
	s5 =	sld [smem:$0x3FAF]  }
0x2b: {  	s6 =	sld [smem:$0x3FB0]  }
0x2c: {  	s7 =	sld [smem:$0x3FB1]  }
0x2d: {  	s3 =	simm.s32 $0x108;
	s8 =	sld [smem:$0x3FB2]  }
0x2e: {  	s3 =	simm.s32 @!p0 $0x1082;
	s9 =	sld [smem:$0x3FB3]  }
0x2f: {  	lr =	sadd.s32 s0, s3;
	s0 =	sld [smem:$0x3FAA]  }
0x30: {  	s3 =	sld [smem:$0x3FAD]  }
0x31: {  	[smem:$0x3FB6] =	sst s10  }
0x32: {  	s10 =	sld [smem:$0x3FB4];
	_ =	sdelay $0x3  }
0x33: {  	p0 =	seq.s32 s10, $0x1;
	s10 =	sld [smem:$0x3FB6];
	_ =	sdelay $0x3  }
0x34: {  	[smem:$0x3FB6] =	sst s10  }
0x35: {  	s10 =	sld [smem:$0x3FB5];
	_ =	sdelay $0x3  }
0x36: {  	p1 =	seq.s32 s10, $0x1;
	s10 =	sld [smem:$0x3FB6];
	_ =	sdelay $0x3  }
0x37: {  	[smem:$0x3FB6] =	sst s10  }
0x38: {  	s10 =	sld [smem:$0x3FB7]  }
0x39: {  	_ = 	snop;
	(pc) =	sbr.ind lr, $3  }
0x3a: {  	_ = 	snop  }
0x3b: {  	_ = 	snop  }
0x3c: {  	p2 =	seq.s32 s10, $0x1;
	s10 =	sld [smem:$0x3FB6]  }
0x3d: {  	_ =	shalt  }
0x3e: {  	_ =	shalt  }
0x3f: {  	_ =	shalt  }
0x40: {  	_ =	shalt  }
0x41: {  	_ =	shalt  }
0x42: {  	_ =	shalt  }
0x43: {  	_ =	shalt  }
0x44: {  	_ =	shalt  }
0x45: {  	_ =	shalt  }
0x46: {  	_ =	shalt  }
0x47: {  	_ =	shalt  }
0x48: {  	_ =	shalt  }
0x49: {  	_ =	shalt  }
0x4a: {  	_ =	shalt  }
0x4b: {  	_ =	shalt  }
0x4c: {  	_ =	shalt  }
0x4d: {  	_ =	shalt  }
0x4e: {  	_ =	shalt  }
0x4f: {  	_ =	shalt  }
0x50: {  	_ =	shalt  }
0x51: {  	_ =	shalt  }
0x52: {  	_ =	shalt  }
0x53: {  	_ =	shalt  }
0x54: {  	_ =	shalt  }
0x55: {  	_ =	shalt  }
0x56: {  	_ =	shalt  }
0x57: {  	_ =	shalt  }
0x58: {  	_ =	shalt  }
0x59: {  	_ =	shalt  }
0x5a: {  	_ =	shalt  }
0x5b: {  	_ =	shalt  }
0x5c: {  	_ =	shalt  }
0x5d: {  	_ =	shalt  }
0x5e: {  	_ =	shalt  }
0x5f: {  	_ =	shalt  }
0x60: {  	_ =	shalt  }
0x61: {  	_ =	shalt  }
0x62: {  	_ =	shalt  }
0x63: {  	_ =	shalt  }
0x64: {  	_ =	shalt  }
0x65: {  	_ =	shalt  }
0x66: {  	_ =	shalt  }
0x67: {  	_ =	shalt  }
0x68: {  	_ =	shalt  }
0x69: {  	_ =	shalt  }
0x6a: {  	_ =	shalt  }
0x6b: {  	_ =	shalt  }
0x6c: {  	_ =	shalt  }
0x6d: {  	_ =	shalt  }
0x6e: {  	_ =	shalt  }
0x6f: {  	_ =	shalt  }
0x70: {  	_ =	shalt  }
0x71: {  	_ =	shalt  }
0x72: {  	_ =	shalt  }
0x73: {  	_ =	shalt  }
0x74: {  	_ =	shalt  }
0x75: {  	_ =	shalt  }
0x76: {  	_ =	shalt  }
0x77: {  	_ =	shalt  }
0x78: {  	_ =	shalt  }
0x79: {  	_ =	shalt  }
0x7a: {  	_ =	shalt  }
0x7b: {  	_ =	shalt  }
0x7c: {  	_ =	shalt  }
0x7d: {  	_ =	shalt  }
0x7e: {  	_ =	shalt  }
0x7f: {  	_ =	shalt  }
0x80: {  	_ =	shalt  }
0x81: {  	_ =	shalt  }
0x82: {  	_ =	shalt  }
0x83: {  	_ =	shalt  }
0x84: {  	_ =	shalt  }
0x85: {  	_ =	shalt  }
0x86: {  	_ =	shalt  }
0x87: {  	_ =	shalt  }
.Lfunc_end0:
.L_simem_size_0:
called_computation_lowered:
.L_overlay_start_0:
0x88: {  	s2 =	sld [smem:$0x3FD9]  }
0x89: {  	s3 =	sld [smem:$0x3FFE];
	_ =	sdelay $0x1  }
0x8a: {  	s1 =	srdreg.scid  }
0x8b: {  	s0 =	sand.u32 $0x1, s1  }
0x8c: {  	s17 =	sshll.u32 s0, $0xA;
	s2 =	sadd.s32 s3, s2  }
0x8d: {  	s2 =	sadd.s32 s2, s17  }
0x8e: {  	[smem:$0x3FC2] =	sst s2  }
0x8f: {  	_ = 	snop  }
0x90: {  	s2 =	sld [smem:$0x3FD0];
	(tm) =	ssettm $0x1  }
0x91: {  	s18 =	sld [smem:$0x3FFB];
	_ =	sdelay $0x3  }
0x92: {  	_ =	strace s18  }
0x93: {  	s3 =	sld [smem:$0x3FFC];
	_ =	sdelay $0x3  }
0x94: {  	_ =	strace s3  }
0x95: {  	s3 =	sld [smem:$0x3FFD];
	_ =	sdelay $0x3  }
0x96: {  	_ =	strace s3  }
0x97: {  	_ =	strace $0x8FFFFFFF  }
0x98: {  	s19 =	sld [smem:$0x3FDB];
	_ =	sdelay $0x1  }
0x99: {  	s4 =	simm.s32 $_scs_section_size  }
0x9a: {  	s5 =	simm.s32 $_size__tile_overlayer_lowered;
	s6 =	simm.s32 $_tile_overlayer_lowered  }
0x9b: {  	s22 =	simm.s32 $0x1BFF;
	s21 =	sshll.u32 s6, $0x1;
	s3 =	sadd.s32 s4, s19  }
0x9c: {  	s7 =	simm.s32 $0x0;
	s20 =	sshll.u32 s5, $0x1;
	s5 =	sadd.s32 s21, s3  }
0x9d: {  	[timem:s7], [sflag:s22] =	dma.local [hbm:s5], s20  }
0x9e: {  	_ =	swait.ge [sflag:s22], s20  }
0x9f: {  	s4 =	ssub.s32 $0x0, s20;
	[sflag:s22] =	ssyncset.done $0x0  }
0xa0: {  	[sflag:s22] =	ssyncadd.s32 s4;
	_ =	sdelay $0x1  }
0xa1: {  	s23 =	simm.s32 $0x1B8B  }
0xa2: {  	_ =	swait.ge [sflag:s23], $0x1  }
0xa3: {  	[sflag:s23] =	ssyncset.done $0x0  }
0xa4: {  	s25 =	simm.s32 $0x1B8E;
	s24 =	sld [smem:$0x3FFE];
	[sflag:s23] =	ssyncadd.s32 $0xFFFFFFFF  }
0xa5: {  	s26 =	simm.s32 $execute0_lowered;
	[smem:$0x3FD2] =	sst s25  }
0xa6: {  	s5 =	sshll.u32 s26, $0x1;
	_ =	strace $0x80000046;
	[dreg:$0x1] =	wrdreg $0xFFFFFFFF  }
0xa7: {  	s28 =	simm.s32 $_size_execute0_lowered;
	s3 =	sadd.s32 s3, s5;
	[dreg:$0x0] =	wrdreg $0x0  }
0xa8: {  	s5 =	sshll.u32 s28, $0x1;
	[dreg:$0x2] =	wrdreg s3  }
0xa9: {  	[dreg:$0x3] =	wrdreg s5  }
0xaa: {  	[dreg:$0x4] =	wrdreg $0xC0  }
0xab: {  	_ =	task [dreg:s7], $0x5FFFF  }
0xac: {  	[dreg:$0x1] =	wrdreg $0xFFFFFFFF  }
0xad: {  	[dreg:$0x0] =	wrdreg $0x60  }
0xae: {  	[dreg:$0x2] =	wrdreg s2  }
0xaf: {  	[dreg:$0x3] =	wrdreg s24  }
0xb0: {  	[dreg:$0x4] =	wrdreg $0x0  }
0xb1: {  	[dreg:$0x5] =	wrdreg $0x9  }
0xb2: {  	_ =	task.clear_ibuf [dreg:s7], $0x6FFFF;
	_ =	strace $0x90000046  }
0xb3: {  	s29 =	simm.s32 $0x9;
	_ =	strace $0x80000048  }
0xb4: {  	_ =	swait.ge [sflag:s29], $0x1  }
0xb5: {  	[sflag:s29] =	ssyncadd.s32 $0xFFFFFFFF  }
0xb6: {  	_ =	strace $0x90000048  }
0xb7: {  	_ =	sfence  }
0xb8: {  	s30 =	sld [smem:$0x0];
	_ =	sdelay $0x2  }
0xb9: {  	s31 =	sshll.u32 s1, $0xD;
	s1 =	sshrl.u32 s1, $0x2  }
0xba: {  	s3 =	sand.u32 $0x4000, s31;
	s1 =	sadd.s32 s1, s30  }
0xbb: {  	s0 =	sor.u32 s3, s0;
	s1 =	sshll.u32 s1, $0x11  }
0xbc: {  	s0 =	sor.u32 s1, s0  }
0xbd: {  	s0 =	sadd.s32 $0x8F2B, s0  }
0xbe: {  	[sflag:s0] =	ssyncadd.remote.s32 $0x1  }
0xbf: {  	_ =	sfence.sel $0xFFFF  }
0xc0: {  	[dreg:$0x0] =	wrdreg $0xFFFFFFFF;
	(pc) =	sbr.abs _section_cstart, $3  }
0xc1: {  	[dreg:$0x1] =	wrdreg $0xFFFFFFFF  }
0xc2: {  	_ =	task.clear_ibuf [dreg:s7], $0x2FFFF;
	_ =	strace $0x9FFFFFFF  }
0xc3: {  	(tm) =	ssettm $0x7FFFFFFF  }
tec
execute0_lowered:
.L_overlay_start_1:
0x0: {  	(tag) =	ssettag $0x1  }
0x1: {  	s4 =	rddreg [dreg:$0x0]  }
0x2: {  	s5 =	rddreg [dreg:$0x1]  }
0x3: {  	s1 =	rddreg [dreg:$0x2]  }
0x4: {  	s0 =	rddreg [dreg:$0x3];
	s3 =	simm.s32 $0x0  }
0x5: {  	s6 =	srdreg.scid;
	s2 =	stileid.u32;
	s13 =	simm.s32 $0x16310  }
0x6: {  	s14 =	simm.s32 $0x1;
	s15 =	simm.s32 $0x0;
	[smem:$0x7FF] =	sst s3  }
0x7: {  	s6 =	sand.u32 $0x1, s6;
	s7 =	smul.u32 $0x4F000, s2;
	s8 =	sadd.s32 $0x16600, s5  }
0x8: {  	s11 =	sshll.u32 s2, $0xB;
	s12 =	smul.u32 $0x13C00, s2;
	p0 =	seq.s32 s2, $0xF  }
0x9: {  	_ =	strace $0x80000047;
	s26 =	ssub.s32 $0x2, s6;
	s9 =	smul.u32 $0x138800, s6  }
0xa: {  	s28 =	sshll.u32 s6, $0xF;
	s4 =	sadd.s32 s4, s11;
	s6 =	sadd.s32 $0x128400, s1  }
0xb: {  	s11 =	simm.s32 $0x2;
	s10 =	sshrl.u32 s26, $0x1;
	s4 =	sadd.s32 s28, s4  }
0xc: {  	s29 =	sshrl.u32 s7, $0x2;
	s10 =	ssub.s32 s26, s10;
	s30 =	sadd.s32 s12, s9  }
0xd: {  	s5 =	sadd.s32 s29, s1;
	s9 =	sshrl.u32 s9, $0x3;
	s31 =	sshrl.u32 s30, $0x3  }
0xe: {  	s12 =	simm.s32 $0x50;
	s7 =	sadd.s32 s8, s31;
	s8 =	sadd.s32 s8, s9  }
0xf: {  	v0 =	vimm.f32 $0.0e+00;
	v1 =	vimm.f32 $1.000000000e+00;
	s9 =	smax.u32 s10, $0x1;
	s10 =	simm.s32 $0x18B10;
	s8 =	sadd.s32 $0x25080, s8  }
.LBB2_1:
0x10: {  	s16 =	simm.s32 $0x0  }
.LBB2_2:
0x11: {  	p1 =	sne.s32 s16, $0x4EE00  }
.Ltmp0:
0x12: {  	_ = 	snop;
	(pc) =	sbr.rel @p1 .LBB2_2-.Ltmp0, $3  }
0x13: {  	_ =	sdelay $0x1  }
0x14: {  	s17 =	sshra.s32 s16, $0x2  }
0x15: {  	s16 =	sadd.s32 $0x200, s16;
	[tilespmem:s17+$0x2710] =	vst v0  }
0x16: {  	s16 =	simm.s32 $0x200;
	s17 =	simm.s32 $0x0  }
.LBB2_4:
0x17: {  	p1 =	sne.s32 s16, $0x9E00;
	[tilespmem:s17+$0x16310] =	vst v1;
	s17 =	smov.u32 s16;
	s16 =	sadd.s32 $0x200, s16  }
.Ltmp1:
0x18: {  	(pc) =	sbr.rel @p1 .LBB2_4-.Ltmp1, $2  }
0x19: {  	_ =	sdelay $0x2  }
0x1a: {  	s17 =	sshra.s32 s17, $0x2  }
0x1b: {  	[tilespmem:s17+$0x16310] =	vst v1  }
0x1c: {  	[tilespmem:s10], [sflag:$0x2] =	stream.linear.gather [hbm4b:s4+s3], $0x3E80, $0x38;
	[tilespmem:$0x1CB10] =	vst v63  }
0x1d: {  	_ =	swait.ge [sflag:s11], $0x3E80  }
0x1e: {  	[sflag:s11] =	ssyncset.done $0x0  }
0x1f: {  	s16 =	simm.s32 @p0 $0x2710;
	[sflag:s11] =	ssyncadd.s32 $0xFFFFC180  }
0x20: {  	[spmem:s6] =	stream.linear.scatter @p0 [tilespmem:s16], [sflag:$0x2], $0x10400, $0x38;
	[tilespmem:$0x1CB10] =	vst v63  }
0x21: {  	s16 =	simm.s32 @p0 $0x2  }
0x22: {  	_ =	swait.ge @p0 [sflag:s16], $0x10400  }
0x23: {  	[sflag:s16] =	ssyncset.done @p0 $0x0  }
0x24: {  	[sflag:s16] =	ssyncadd.s32 @p0 $0xFFFEFC00;
	s16 =	simm.s32 @!p0 $0x2710  }
0x25: {  	[spmem:s5] =	stream.linear.scatter @!p0 [tilespmem:s16], [sflag:$0x2], $0x13C00, $0x38;
	[tilespmem:$0x1CB10] =	vst v63  }
0x26: {  	s16 =	simm.s32 @!p0 $0x2  }
0x27: {  	_ =	swait.ge @!p0 [sflag:s16], $0x13C00  }
0x28: {  	[sflag:s16] =	ssyncset.done @!p0 $0x0  }
0x29: {  	p1 =	por $0x1, $0x1;
	[sflag:s16] =	ssyncadd.s32 @!p0 $0xFFFEC400  }
0x2a: {  	s17 =	simm.s32 @!p1 $0x1;
	[bflag:$0x0] =	sbarrier.arrive $0xFFFF  }
0x2b: {  	_ =	swait.ge @!p1 [sflag:s17], $0x500  }
0x2c: {  	s18 =	simm.s32 $0x18B10;
	[sflag:s17] =	ssyncset.done @!p1 $0x0  }
0x2d: {  	s16 =	simm.s32 $0x1;
	[sflag:s17] =	ssyncadd.s32 @!p1 $0xFFFFFB00;
	s17 =	simm.s32 $0x18B90  }
.LBB2_6:
0x2e: {  	[spmem:s1] =	stream.indirect.scatter.add.f32 [tilespmem:s13], [sflag:$0x1], $0x10, s18, s12, $0xb8;
	[tilespmem:$0x1CB10] =	vst v63  }
0x2f: {  	p1 =	slt.u32 s16, $0x8;
	s16 =	sadd.s32 $0x1, s16  }
0x30: {  	p2 =	sne.s32 s16, $0x7D  }
.Ltmp2:
0x31: {  	(pc) =	sbr.rel @p2 .LBB2_6-.Ltmp2, $4  }
0x32: {  	s18 =	smov.u32 s17;
	s19 =	simm.s32 @!p1 $0x1  }
0x33: {  	_ =	swait.ge @!p1 [sflag:s19], $0x500  }
0x34: {  	[sflag:s19] =	ssyncset.done @!p1 $0x0  }
0x35: {  	s17 =	sadd.s32 $0x80, s17;
	[sflag:s19] =	ssyncadd.s32 @!p1 $0xFFFFFB00  }
0x36: {  	[spmem:s1] =	stream.indirect.scatter.add.f32 [tilespmem:s13], [sflag:$0x1], $0x10, s18, s12, $0xb8;
	[tilespmem:$0x1CB10] =	vst v63  }
0x37: {  	_ =	swait.ge [sflag:s14], $0x500  }
0x38: {  	[sflag:s14] =	ssyncset.done $0x0  }
0x39: {  	[sflag:s14] =	ssyncadd.s32 $0xFFFFFB00  }
0x3a: {  	_ =	swait.ge [sflag:s14], $0x500  }
0x3b: {  	[sflag:s14] =	ssyncset.done $0x0  }
0x3c: {  	[sflag:s14] =	ssyncadd.s32 $0xFFFFFB00  }
0x3d: {  	_ =	swait.ge [sflag:s14], $0x500  }
0x3e: {  	[sflag:s14] =	ssyncset.done $0x0  }
0x3f: {  	[sflag:s14] =	ssyncadd.s32 $0xFFFFFB00  }
0x40: {  	_ =	swait.ge [sflag:s14], $0x500  }
0x41: {  	[sflag:s14] =	ssyncset.done $0x0  }
0x42: {  	[sflag:s14] =	ssyncadd.s32 $0xFFFFFB00  }
0x43: {  	_ =	swait.ge [sflag:s14], $0x500  }
0x44: {  	[sflag:s14] =	ssyncset.done $0x0  }
0x45: {  	[sflag:s14] =	ssyncadd.s32 $0xFFFFFB00  }
0x46: {  	_ =	swait.ge [sflag:s14], $0x500  }
0x47: {  	[sflag:s14] =	ssyncset.done $0x0  }
0x48: {  	[sflag:s14] =	ssyncadd.s32 $0xFFFFFB00  }
0x49: {  	_ =	swait.ge [sflag:s14], $0x500  }
0x4a: {  	[sflag:s14] =	ssyncset.done $0x0  }
0x4b: {  	[sflag:s14] =	ssyncadd.s32 $0xFFFFFB00  }
0x4c: {  	_ =	swait.ge [sflag:s14], $0x500  }
0x4d: {  	[sflag:s14] =	ssyncset.done $0x0  }
0x4e: {  	[sflag:s14] =	ssyncadd.s32 $0xFFFFFB00  }
0x4f: {  	s16 =	sshrl.u32 @p0 s6, $0x3;
	s17 =	simm.s32 @p0 $0x1FC2;
	[bflag:$0x0] =	sbarrier.arrive $0xFFFF  }
0x50: {  	[hbm:s8], [sflag:s17] =	dma.local @p0 [spmem:s16], $0x2080  }
0x51: {  	s16 =	simm.s32 @p0 $0x2  }
0x52: {  	s15 =	sadd.s32 $0x1, s15;
	_ =	swait.ge @p0 [sflag:s16], $0x2080  }
0x53: {  	p1 =	sne.s32 s15, s9;
	s17 =	sshll.u32 @!p0 s2, $0x6;
	[sflag:s16] =	ssyncset.done @p0 $0x0  }
0x54: {  	[sflag:s16] =	ssyncadd.s32 @p0 $0xFFFFDF80;
	s16 =	sor.u32 @!p0 $0x1C02, s17;
	s17 =	sshrl.u32 @!p0 s5, $0x3  }
0x55: {  	[hbm:s7], [sflag:s16] =	dma.local @!p0 [spmem:s17], $0x2780  }
.Ltmp3:
0x56: {  	_ = 	snop;
	(pc) =	sbr.rel @p1 .LBB2_1-.Ltmp3, $4  }
0x57: {  	s16 =	simm.s32 @!p0 $0x2  }
0x58: {  	_ =	swait.ge @!p0 [sflag:s16], $0x2780  }
0x59: {  	[sflag:s16] =	ssyncset.done @!p0 $0x0  }
0x5a: {  	[sflag:s16] =	ssyncadd.s32 @!p0 $0xFFFFD880  }
0x5b: {  	_ =	sfence.sel $0x180000  }
0x5c: {  	[bflag:$0x0] =	sbarrier.arrive $0xFFFF  }
0x5d: {  	p0 =	sne.s32 s2, $0x0;
	_ =	strace $0x90000047  }
0x5e: {  	s0 =	sadd.s32 @!p0 $0x100000, s0;
	[bflag:$0x2] =	sbarrier.arrive $0xFFFF  }
0x5f: {  	[sflag:s0] =	ssyncadd.tile.s32 @!p0 $0x1;
	_ =	shalt  }
.Lfunc_end2:
_tile_overlayer_lowered:
.L_overlay_start_2:
0x60: {  	(tag) =	ssettag $0x2  }
0x61: {  	s0 =	rddreg [dreg:$0x0];
	s2 =	stileid.u32  }
0x62: {  	s1 =	rddreg [dreg:$0x1];
	p0 =	sne.s32 s2, $0x0  }
0x63: {  	s3 =	rddreg [dreg:$0x2];
	[bflag:$0x3] =	sbarrier.arrive $0xFFFF;
	s2 =	simm.s32 @!p0 $0x1C02  }
0x64: {  	[timem:s3], [sflag:s2] =	dma.local @!p0 [hbm:s0], s1  }
0x65: {  	s0 =	simm.s32 @!p0 $0x2  }
0x66: {  	_ =	swait.ge @!p0 [sflag:s0], s1  }
0x67: {  	s1 =	ssub.s32 @!p0 $0x0, s1;
	[sflag:s0] =	ssyncset.done @!p0 $0x0  }
0x68: {  	[sflag:s0] =	ssyncadd.s32 @!p0 s1  }
0x69: {  	[bflag:$0x3] =	sbarrier.arrive $0xFFFF  }
0x6a: {  	_ =	shalt  }

</sc_bundles>
